<compile_context>
chip_gen: v7x
topology: tpu7x:2x2x1
jax: 0.10.2.dev20260603
libtpu: 0.0.44.dev20260713+nightly
codegen_flags: <defaults>
</compile_context>

<pallas_src>
import functools

import jax
import jax.numpy as jnp
from jax import lax
from jax.experimental import pallas as pl
from jax.experimental.pallas import tpu as pltpu
from jax.experimental.pallas import tpu_sc as plsc

ROWS = 128
COLS = 32768
LANES = 16
GROUP = 4 * LANES
SC_ROWS = 32
TC_ROWS = ROWS - SC_ROWS
TC_BLOCK = 8
NEG_BIG = float("-inf")
POS_BIG = float("inf")


def _insert_max4(m, v):
    m1, m2, m3, m4 = m
    n1 = jnp.maximum(m1, v)
    t = jnp.minimum(m1, v)
    n2 = jnp.maximum(m2, t)
    t = jnp.minimum(m2, t)
    n3 = jnp.maximum(m3, t)
    t = jnp.minimum(m3, t)
    n4 = jnp.maximum(m4, t)
    return (n1, n2, n3, n4)


def _insert_min4(m, v):
    m1, m2, m3, m4 = m
    n1 = jnp.minimum(m1, v)
    t = jnp.maximum(m1, v)
    n2 = jnp.minimum(m2, t)
    t = jnp.maximum(m2, t)
    n3 = jnp.minimum(m3, t)
    t = jnp.maximum(m3, t)
    n4 = jnp.minimum(m4, t)
    return (n1, n2, n3, n4)


def _insert_max2(m, v):
    m1, m2 = m
    n1 = jnp.maximum(m1, v)
    t = jnp.minimum(m1, v)
    n2 = jnp.maximum(m2, t)
    return (n1, n2)


def _insert_min2(m, v):
    m1, m2 = m
    n1 = jnp.minimum(m1, v)
    t = jnp.maximum(m1, v)
    n2 = jnp.minimum(m2, t)
    return (n1, n2)


def _sort4(a, b, c, d):
    a1 = jnp.maximum(a, b)
    a2 = jnp.minimum(a, b)
    b1 = jnp.maximum(c, d)
    b2 = jnp.minimum(c, d)
    w1 = jnp.maximum(a1, b1)
    t1 = jnp.minimum(a1, b1)
    w4 = jnp.minimum(a2, b2)
    t2 = jnp.maximum(a2, b2)
    w2 = jnp.maximum(t1, t2)
    w3 = jnp.minimum(t1, t2)
    return w1, w2, w3, w4


def _tiered_step(carry, w1, w2, w3, w4):
    (m1, m2, m3, m4, p1, p2, q1, r1,
     u1, u2, u3, u4, s1, s2, e1, f1) = carry
    (m1, m2, m3, m4) = _insert_max4((m1, m2, m3, m4), w1)
    (p1, p2) = _insert_max2((p1, p2), w2)
    q1 = jnp.maximum(q1, w3)
    r1 = jnp.maximum(r1, w4)
    (u1, u2, u3, u4) = _insert_min4((u1, u2, u3, u4), w4)
    (s1, s2) = _insert_min2((s1, s2), w3)
    e1 = jnp.minimum(e1, w2)
    f1 = jnp.minimum(f1, w1)
    return (m1, m2, m3, m4, p1, p2, q1, r1,
            u1, u2, u3, u4, s1, s2, e1, f1)



def _make_sc_kernel():
    info = plsc.get_sparse_core_info()
    nc, ns = info.num_cores, info.num_subcores
    nw = nc * ns
    assert SC_ROWS <= nw
    n_chunks = 2
    chunk = COLS // n_chunks
    n_iters = chunk // GROUP
    mesh = plsc.VectorSubcoreMesh(core_axis_name="c", subcore_axis_name="s")

    @functools.partial(
        pl.kernel,
        mesh=mesh,
        out_type=jax.ShapeDtypeStruct((SC_ROWS, LANES), jnp.float32),
        scratch_types=[
            pltpu.VMEM((chunk,), jnp.float32),
            pltpu.VMEM((chunk,), jnp.float32),
            pltpu.VMEM((LANES,), jnp.float32),
            pltpu.SemaphoreType.DMA,
            pltpu.SemaphoreType.DMA,
        ],
        compiler_params=pltpu.CompilerParams(needs_layout_passes=False),
    )
    def topk_sc(x_hbm, out_hbm, buf0, buf1, outv, sem0, sem1):
        wid = lax.axis_index("s") * nc + lax.axis_index("c")
        iota = lax.iota(jnp.int32, LANES)
        bufs = (buf0, buf1)
        sems = (sem0, sem1)

        @pl.when(wid < SC_ROWS)
        def _():
            row = wid
            handle = pltpu.async_copy(
                x_hbm.at[row, pl.ds(0, chunk)], bufs[0], sems[0])
            neg = jnp.full((LANES,), NEG_BIG, jnp.float32)
            pos = jnp.full((LANES,), POS_BIG, jnp.float32)
            carry = (neg,) * 8 + (pos,) * 8
            for ch in range(n_chunks):
                cur = bufs[ch % 2]
                if ch + 1 < n_chunks:
                    nxt_handle = pltpu.async_copy(
                        x_hbm.at[row, pl.ds((ch + 1) * chunk, chunk)],
                        bufs[(ch + 1) % 2],
                        sems[(ch + 1) % 2],
                    )
                handle.wait()

                def body(i, carry, cur=cur):
                    base = i * GROUP
                    a = cur[pl.ds(base, LANES)]
                    b = cur[pl.ds(base + LANES, LANES)]
                    c = cur[pl.ds(base + 2 * LANES, LANES)]
                    d = cur[pl.ds(base + 3 * LANES, LANES)]
                    w1, w2, w3, w4 = _sort4(a, b, c, d)
                    return _tiered_step(carry, w1, w2, w3, w4)

                carry = lax.fori_loop(0, n_iters, body, carry, unroll=4)
                if ch + 1 < n_chunks:
                    handle = nxt_handle

            max_c = carry[0:8]
            min_c = carry[8:16]
            hi_s = [jnp.sort(v) for v in max_c]
            lo_s = [jnp.sort(v) for v in min_c]

            l1 = l2 = l3 = l4 = jnp.full((LANES,), NEG_BIG, jnp.float32)
            s1 = s2 = s3 = s4 = jnp.full((LANES,), POS_BIG, jnp.float32)
            for j in range(8):
                for t in range(4):
                    v = jnp.full((LANES,), hi_s[j][15 - t], jnp.float32)
                    (l1, l2, l3, l4) = _insert_max4((l1, l2, l3, l4), v)
                    w = jnp.full((LANES,), lo_s[j][t], jnp.float32)
                    (s1, s2, s3, s4) = _insert_min4((s1, s2, s3, s4), w)

            res = jnp.where(iota == 0, l1, jnp.float32(0.0))
            res = jnp.where(iota == 1, l2, res)
            res = jnp.where(iota == 2, l3, res)
            res = jnp.where(iota == 3, l4, res)
            res = jnp.where(iota == 4, s1, res)
            res = jnp.where(iota == 5, s2, res)
            res = jnp.where(iota == 6, s3, res)
            res = jnp.where(iota == 7, s4, res)
            outv[...] = res
            pltpu.sync_copy(outv, out_hbm.at[row])

    return topk_sc



def _merge_top4(a, b):
    return tuple(jnp.maximum(a[i], b[3 - i]) for i in range(4))


def _merge_bot4(a, b):
    return tuple(jnp.minimum(a[i], b[3 - i]) for i in range(4))


def _resort4_desc(w):
    a = jnp.maximum(w[0], w[2])
    c = jnp.minimum(w[0], w[2])
    b = jnp.maximum(w[1], w[3])
    d = jnp.minimum(w[1], w[3])
    return (jnp.maximum(a, b), jnp.minimum(a, b),
            jnp.maximum(c, d), jnp.minimum(c, d))


def _resort4_asc(w):
    a = jnp.minimum(w[0], w[2])
    c = jnp.maximum(w[0], w[2])
    b = jnp.minimum(w[1], w[3])
    d = jnp.maximum(w[1], w[3])
    return (jnp.minimum(a, b), jnp.maximum(a, b),
            jnp.minimum(c, d), jnp.maximum(c, d))


def _tc_body(x_ref, o_ref):
    neg = jnp.full((TC_BLOCK, 128), NEG_BIG, jnp.float32)
    pos = jnp.full((TC_BLOCK, 128), POS_BIG, jnp.float32)
    init = (neg,) * 8 + (pos,) * 8
    sa, sb = init, init
    for g in range(COLS // (8 * 128)):
        base = g * (8 * 128)
        va = [x_ref[:, base + s * 128 : base + (s + 1) * 128] for s in range(4)]
        vb = [x_ref[:, base + (s + 4) * 128 : base + (s + 5) * 128] for s in range(4)]
        sa = _tiered_step(sa, *_sort4(*va))
        sb = _tiered_step(sb, *_sort4(*vb))

    def set_top(f):
        m = f[0:4]
        o = _sort4(f[4], f[5], f[6], f[7])
        return _resort4_desc(_merge_top4(m, o))

    def set_bot(f):
        u = f[8:12]
        o = _sort4(f[12], f[13], f[14], f[15])
        return _resort4_asc(_merge_bot4(u, o[::-1]))

    hi = _resort4_desc(_merge_top4(set_top(sa), set_top(sb)))
    lo = _resort4_asc(_merge_bot4(set_bot(sa), set_bot(sb)))

    for s in (64, 32, 16, 8, 4, 2, 1):
        rh = tuple(pltpu.roll(v, s, 1) for v in hi)
        hi = _resort4_desc(_merge_top4(hi, rh))
        rl = tuple(pltpu.roll(v, s, 1) for v in lo)
        lo = _resort4_asc(_merge_bot4(lo, rl))

    lane = lax.broadcasted_iota(jnp.int32, (TC_BLOCK, 128), 1)
    res = jnp.zeros((TC_BLOCK, 128), jnp.float32)
    for k in range(4):
        res = jnp.where(lane == k, hi[k], res)
        res = jnp.where(lane == 4 + k, lo[k], res)
    o_ref[...] = res


def _make_tc_kernel():
    grid = (TC_ROWS // TC_BLOCK,)
    return pl.pallas_call(
        _tc_body,
        grid=grid,
        in_specs=[
            pl.BlockSpec(
                (TC_BLOCK, COLS),
                lambda i: (i + SC_ROWS // TC_BLOCK, 0),
            )
        ],
        out_specs=pl.BlockSpec((TC_BLOCK, 128), lambda i: (i, 0)),
        out_shape=jax.ShapeDtypeStruct((TC_ROWS, 128), jnp.float32),
        compiler_params=pltpu.CompilerParams(
            dimension_semantics=("parallel",)),
    )


_topk_sc = _make_sc_kernel()
_topk_tc = _make_tc_kernel()


@jax.jit
def kernel(x):
    tc_res = _topk_tc(x)
    sc_res = _topk_sc(x)
    largest = jnp.concatenate([sc_res[:, 0:4], tc_res[:, 0:4]], axis=0)
    smallest = jnp.concatenate([sc_res[:, 4:8], tc_res[:, 4:8]], axis=0)
    return (largest, smallest)

# --- scband reference (transcript-rebuilt; emitter-appended) ---
"""Pipeline reference for scband-my-model-86174223827710 (READ-ONLY COPY).

The authoritative reference and input builder live on the scoring server;
editing this copy changes nothing except your own understanding.
"""

import jax, jax.numpy as jnp
import numpy as np

def setup_inputs(seed: int = 0) -> dict:
    key = jax.random.key(seed)
    x = jax.random.normal(key, (128, 32768), dtype=jnp.float32)
    return {"x": x}

def reference(x):
    # torch.topk(x, 4) -> largest 4 values along last dim
    topk_largest_vals, topk_largest_idx = jax.lax.top_k(x, 4)
    # torch.topk(x, 4, largest=False) -> smallest 4 values along last dim
    neg_vals, neg_idx = jax.lax.top_k(-x, 4)
    topk_smallest_vals = -neg_vals
    return (topk_largest_vals, topk_smallest_vals)

if __name__ == "__main__":
    import jax
    _d = setup_inputs()
    print(jax.jit(kernel)(*tuple(_d.values())))

</pallas_src>

<mosaic_0001>
#map = affine_map<(d0, d1) -> (0, 0)>
module attributes {stable_mosaic.version = 14 : i64} {
  func.func @topk_sc(%arg0: i32, %arg1: i32, %arg2: memref<128x32768xf32, #tpu.memory_space<hbm>>, %arg3: memref<32x16xf32, #tpu.memory_space<hbm>>, %arg4: memref<16384xf32, #tpu.memory_space<vmem>>, %arg5: memref<16384xf32, #tpu.memory_space<vmem>>, %arg6: memref<16xf32, #tpu.memory_space<vmem>>, %arg7: memref<!tpu.dma_semaphore, #tpu.memory_space<semaphore_mem>>, %arg8: memref<!tpu.dma_semaphore, #tpu.memory_space<semaphore_mem>>) attributes {dimension_semantics = [#tpu.dimension_semantics<core_parallel>, #tpu.dimension_semantics<subcore_parallel>], iteration_bounds = array<i64: 2, 16>, scalar_prefetch = 0 : i64, scratch_operands = 5 : i64, tpu.core_type = #tpu.core_type<sc_vector_subcore>, window_params = [{transform_indices = #map}, {transform_indices = #map}]} {
    %mul3A = arith.constant 2 : i32
    %mul3A_0 = arith.muli %arg1, %mul3A : i32
    %add3A = arith.addi %mul3A_0, %arg0 : i32
    %iota3A = tpu.iota {dimensions = array<i32: 0>} : vector<16xi32>
    %lt3A = arith.constant 32 : i32
    %lt3A_1 = arith.cmpi slt, %add3A, %lt3A : i32
    %convert_element_type3A = arith.extui %lt3A_1 : i1 to i32
    %cond3A = arith.constant 0 : i32
    %cond3A_2 = arith.cmpi ne, %convert_element_type3A, %cond3A : i32
    scf.if %cond3A_2 {
      %dma_start3A = arith.constant 0 : i32
      %dma_start3A_3 = tpu.memref_slice %arg2[%add3A, %dma_start3A] : memref<128x32768xf32, #tpu.memory_space<hbm>> -> memref<1x16384xf32, #tpu.memory_space<hbm>>
      %dma_start3A_4 = tpu.memref_squeeze %dma_start3A_3 : memref<1x16384xf32, #tpu.memory_space<hbm>> -> memref<16384xf32, #tpu.memory_space<hbm>>
      %dma_start3A_5 = arith.constant 0 : i32
      %dma_start3A_6 = tpu.memref_slice %arg2[%add3A, %dma_start3A_5] : memref<128x32768xf32, #tpu.memory_space<hbm>> -> memref<1x16384xf32, #tpu.memory_space<hbm>>
      %dma_start3A_7 = tpu.memref_squeeze %dma_start3A_6 : memref<1x16384xf32, #tpu.memory_space<hbm>> -> memref<16384xf32, #tpu.memory_space<hbm>>
      tpu.enqueue_dma source(%dma_start3A_7 : memref<16384xf32, #tpu.memory_space<hbm>>) target(%arg4 : memref<16384xf32, #tpu.memory_space<vmem>>) target_semaphore(%arg7 : memref<!tpu.dma_semaphore, #tpu.memory_space<semaphore_mem>>)
      %broadcast_in_dim3A = arith.constant 0xFF800000 : f32
      %broadcast_in_dim3A_8 = vector.broadcast %broadcast_in_dim3A : f32 to vector<16xf32>
      %broadcast_in_dim3A_9 = arith.constant 0x7F800000 : f32
      %broadcast_in_dim3A_10 = vector.broadcast %broadcast_in_dim3A_9 : f32 to vector<16xf32>
      %dma_start3A_11 = arith.constant 16384 : i32
      %dma_start3A_12 = tpu.memref_slice %arg2[%add3A, %dma_start3A_11] : memref<128x32768xf32, #tpu.memory_space<hbm>> -> memref<1x16384xf32, #tpu.memory_space<hbm>>
      %dma_start3A_13 = tpu.memref_squeeze %dma_start3A_12 : memref<1x16384xf32, #tpu.memory_space<hbm>> -> memref<16384xf32, #tpu.memory_space<hbm>>
      %dma_start3A_14 = arith.constant 16384 : i32
      %dma_start3A_15 = tpu.memref_slice %arg2[%add3A, %dma_start3A_14] : memref<128x32768xf32, #tpu.memory_space<hbm>> -> memref<1x16384xf32, #tpu.memory_space<hbm>>
      %dma_start3A_16 = tpu.memref_squeeze %dma_start3A_15 : memref<1x16384xf32, #tpu.memory_space<hbm>> -> memref<16384xf32, #tpu.memory_space<hbm>>
      tpu.enqueue_dma source(%dma_start3A_16 : memref<16384xf32, #tpu.memory_space<hbm>>) target(%arg5 : memref<16384xf32, #tpu.memory_space<vmem>>) target_semaphore(%arg8 : memref<!tpu.dma_semaphore, #tpu.memory_space<semaphore_mem>>)
      %dma_wait3A = arith.constant 0 : i32
      %dma_wait3A_17 = tpu.memref_slice %arg2[%add3A, %dma_wait3A] : memref<128x32768xf32, #tpu.memory_space<hbm>> -> memref<1x16384xf32, #tpu.memory_space<hbm>>
      %dma_wait3A_18 = tpu.memref_squeeze %dma_wait3A_17 : memref<1x16384xf32, #tpu.memory_space<hbm>> -> memref<16384xf32, #tpu.memory_space<hbm>>
      %dma_wait3A_19 = arith.constant 0 : i32
      %dma_wait3A_20 = tpu.memref_slice %arg2[%add3A, %dma_wait3A_19] : memref<128x32768xf32, #tpu.memory_space<hbm>> -> memref<1x16384xf32, #tpu.memory_space<hbm>>
      %dma_wait3A_21 = tpu.memref_squeeze %dma_wait3A_20 : memref<1x16384xf32, #tpu.memory_space<hbm>> -> memref<16384xf32, #tpu.memory_space<hbm>>
      tpu.wait_dma2 semaphore(%arg7 : memref<!tpu.dma_semaphore, #tpu.memory_space<semaphore_mem>>) src(%dma_wait3A_21 : memref<16384xf32, #tpu.memory_space<hbm>>) dst(%arg4 : memref<16384xf32, #tpu.memory_space<vmem>>)
      %scan3A = arith.constant 0 : i32
      %scan3A_22 = arith.constant 256 : i32
      %scan3A_23 = arith.addi %scan3A, %scan3A_22 : i32
      %scan3A_24 = arith.constant 4 : i32
      %scan3A_25:16 = scf.for %scan3A_774 = %scan3A to %scan3A_23 step %scan3A_24 iter_args(%scan3A_775 = %broadcast_in_dim3A_8, %scan3A_776 = %broadcast_in_dim3A_8, %scan3A_777 = %broadcast_in_dim3A_8, %scan3A_778 = %broadcast_in_dim3A_8, %scan3A_779 = %broadcast_in_dim3A_8, %scan3A_780 = %broadcast_in_dim3A_8, %scan3A_781 = %broadcast_in_dim3A_8, %scan3A_782 = %broadcast_in_dim3A_8, %scan3A_783 = %broadcast_in_dim3A_10, %scan3A_784 = %broadcast_in_dim3A_10, %scan3A_785 = %broadcast_in_dim3A_10, %scan3A_786 = %broadcast_in_dim3A_10, %scan3A_787 = %broadcast_in_dim3A_10, %scan3A_788 = %broadcast_in_dim3A_10, %scan3A_789 = %broadcast_in_dim3A_10, %scan3A_790 = %broadcast_in_dim3A_10) -> (vector<16xf32>, vector<16xf32>, vector<16xf32>, vector<16xf32>, vector<16xf32>, vector<16xf32>, vector<16xf32>, vector<16xf32>, vector<16xf32>, vector<16xf32>, vector<16xf32>, vector<16xf32>, vector<16xf32>, vector<16xf32>, vector<16xf32>, vector<16xf32>)  : i32 {
        %mul3A_791 = arith.constant 64 : i32
        %mul3A_792 = arith.muli %scan3A_774, %mul3A_791 : i32
        %get3A = arith.index_cast %mul3A_792 : i32 to index
        %get3A_793 = tpu.vector_load %arg4[%get3A] {strides = array<i32>} : memref<16384xf32, #tpu.memory_space<vmem>>, vector<16xf32>,
        %add3A_794 = arith.constant 16 : i32
        %add3A_795 = arith.addi %mul3A_792, %add3A_794 : i32
        %get3A_796 = arith.index_cast %add3A_795 : i32 to index
        %get3A_797 = tpu.vector_load %arg4[%get3A_796] {strides = array<i32>} : memref<16384xf32, #tpu.memory_space<vmem>>, vector<16xf32>,
        %add3A_798 = arith.constant 32 : i32
        %add3A_799 = arith.addi %mul3A_792, %add3A_798 : i32
        %get3A_800 = arith.index_cast %add3A_799 : i32 to index
        %get3A_801 = tpu.vector_load %arg4[%get3A_800] {strides = array<i32>} : memref<16384xf32, #tpu.memory_space<vmem>>, vector<16xf32>,
        %add3A_802 = arith.constant 48 : i32
        %add3A_803 = arith.addi %mul3A_792, %add3A_802 : i32
        %get3A_804 = arith.index_cast %add3A_803 : i32 to index
        %get3A_805 = tpu.vector_load %arg4[%get3A_804] {strides = array<i32>} : memref<16384xf32, #tpu.memory_space<vmem>>, vector<16xf32>,
        %max3A_806 = arith.maximumf %get3A_793, %get3A_797 : vector<16xf32>
        %min3A_807 = arith.minimumf %get3A_793, %get3A_797 : vector<16xf32>
        %max3A_808 = arith.maximumf %get3A_801, %get3A_805 : vector<16xf32>
        %min3A_809 = arith.minimumf %get3A_801, %get3A_805 : vector<16xf32>
        %max3A_810 = arith.maximumf %max3A_806, %max3A_808 : vector<16xf32>
        %min3A_811 = arith.minimumf %max3A_806, %max3A_808 : vector<16xf32>
        %min3A_812 = arith.minimumf %min3A_807, %min3A_809 : vector<16xf32>
        %max3A_813 = arith.maximumf %min3A_807, %min3A_809 : vector<16xf32>
        %max3A_814 = arith.maximumf %min3A_811, %max3A_813 : vector<16xf32>
        %min3A_815 = arith.minimumf %min3A_811, %max3A_813 : vector<16xf32>
        %max3A_816 = arith.maximumf %scan3A_775, %max3A_810 : vector<16xf32>
        %min3A_817 = arith.minimumf %scan3A_775, %max3A_810 : vector<16xf32>
        %max3A_818 = arith.maximumf %scan3A_776, %min3A_817 : vector<16xf32>
        %min3A_819 = arith.minimumf %scan3A_776, %min3A_817 : vector<16xf32>
        %max3A_820 = arith.maximumf %scan3A_777, %min3A_819 : vector<16xf32>
        %min3A_821 = arith.minimumf %scan3A_777, %min3A_819 : vector<16xf32>
        %max3A_822 = arith.maximumf %scan3A_778, %min3A_821 : vector<16xf32>
        %max3A_823 = arith.maximumf %scan3A_779, %max3A_814 : vector<16xf32>
        %min3A_824 = arith.minimumf %scan3A_779, %max3A_814 : vector<16xf32>
        %max3A_825 = arith.maximumf %scan3A_780, %min3A_824 : vector<16xf32>
        %max3A_826 = arith.maximumf %scan3A_781, %min3A_815 : vector<16xf32>
        %max3A_827 = arith.maximumf %scan3A_782, %min3A_812 : vector<16xf32>
        %min3A_828 = arith.minimumf %scan3A_783, %min3A_812 : vector<16xf32>
        %max3A_829 = arith.maximumf %scan3A_783, %min3A_812 : vector<16xf32>
        %min3A_830 = arith.minimumf %scan3A_784, %max3A_829 : vector<16xf32>
        %max3A_831 = arith.maximumf %scan3A_784, %max3A_829 : vector<16xf32>
        %min3A_832 = arith.minimumf %scan3A_785, %max3A_831 : vector<16xf32>
        %max3A_833 = arith.maximumf %scan3A_785, %max3A_831 : vector<16xf32>
        %min3A_834 = arith.minimumf %scan3A_786, %max3A_833 : vector<16xf32>
        %min3A_835 = arith.minimumf %scan3A_787, %min3A_815 : vector<16xf32>
        %max3A_836 = arith.maximumf %scan3A_787, %min3A_815 : vector<16xf32>
        %min3A_837 = arith.minimumf %scan3A_788, %max3A_836 : vector<16xf32>
        %min3A_838 = arith.minimumf %scan3A_789, %max3A_814 : vector<16xf32>
        %min3A_839 = arith.minimumf %scan3A_790, %max3A_810 : vector<16xf32>
        %scan3A_840 = arith.constant 1 : i32
        %scan3A_841 = arith.addi %scan3A_774, %scan3A_840 : i32
        %mul3A_842 = arith.constant 64 : i32
        %mul3A_843 = arith.muli %scan3A_841, %mul3A_842 : i32
        %get3A_844 = arith.index_cast %mul3A_843 : i32 to index
        %get3A_845 = tpu.vector_load %arg4[%get3A_844] {strides = array<i32>} : memref<16384xf32, #tpu.memory_space<vmem>>, vector<16xf32>,
        %add3A_846 = arith.constant 16 : i32
        %add3A_847 = arith.addi %mul3A_843, %add3A_846 : i32
        %get3A_848 = arith.index_cast %add3A_847 : i32 to index
        %get3A_849 = tpu.vector_load %arg4[%get3A_848] {strides = array<i32>} : memref<16384xf32, #tpu.memory_space<vmem>>, vector<16xf32>,
        %add3A_850 = arith.constant 32 : i32
        %add3A_851 = arith.addi %mul3A_843, %add3A_850 : i32
        %get3A_852 = arith.index_cast %add3A_851 : i32 to index
        %get3A_853 = tpu.vector_load %arg4[%get3A_852] {strides = array<i32>} : memref<16384xf32, #tpu.memory_space<vmem>>, vector<16xf32>,
        %add3A_854 = arith.constant 48 : i32
        %add3A_855 = arith.addi %mul3A_843, %add3A_854 : i32
        %get3A_856 = arith.index_cast %add3A_855 : i32 to index
        %get3A_857 = tpu.vector_load %arg4[%get3A_856] {strides = array<i32>} : memref<16384xf32, #tpu.memory_space<vmem>>, vector<16xf32>,
        %max3A_858 = arith.maximumf %get3A_845, %get3A_849 : vector<16xf32>
        %min3A_859 = arith.minimumf %get3A_845, %get3A_849 : vector<16xf32>
        %max3A_860 = arith.maximumf %get3A_853, %get3A_857 : vector<16xf32>
        %min3A_861 = arith.minimumf %get3A_853, %get3A_857 : vector<16xf32>
        %max3A_862 = arith.maximumf %max3A_858, %max3A_860 : vector<16xf32>
        %min3A_863 = arith.minimumf %max3A_858, %max3A_860 : vector<16xf32>
        %min3A_864 = arith.minimumf %min3A_859, %min3A_861 : vector<16xf32>
        %max3A_865 = arith.maximumf %min3A_859, %min3A_861 : vector<16xf32>
        %max3A_866 = arith.maximumf %min3A_863, %max3A_865 : vector<16xf32>
        %min3A_867 = arith.minimumf %min3A_863, %max3A_865 : vector<16xf32>
        %max3A_868 = arith.maximumf %max3A_816, %max3A_862 : vector<16xf32>
        %min3A_869 = arith.minimumf %max3A_816, %max3A_862 : vector<16xf32>
        %max3A_870 = arith.maximumf %max3A_818, %min3A_869 : vector<16xf32>
        %min3A_871 = arith.minimumf %max3A_818, %min3A_869 : vector<16xf32>
        %max3A_872 = arith.maximumf %max3A_820, %min3A_871 : vector<16xf32>
        %min3A_873 = arith.minimumf %max3A_820, %min3A_871 : vector<16xf32>
        %max3A_874 = arith.maximumf %max3A_822, %min3A_873 : vector<16xf32>
        %max3A_875 = arith.maximumf %max3A_823, %max3A_866 : vector<16xf32>
        %min3A_876 = arith.minimumf %max3A_823, %max3A_866 : vector<16xf32>
        %max3A_877 = arith.maximumf %max3A_825, %min3A_876 : vector<16xf32>
        %max3A_878 = arith.maximumf %max3A_826, %min3A_867 : vector<16xf32>
        %max3A_879 = arith.maximumf %max3A_827, %min3A_864 : vector<16xf32>
        %min3A_880 = arith.minimumf %min3A_828, %min3A_864 : vector<16xf32>
        %max3A_881 = arith.maximumf %min3A_828, %min3A_864 : vector<16xf32>
        %min3A_882 = arith.minimumf %min3A_830, %max3A_881 : vector<16xf32>
        %max3A_883 = arith.maximumf %min3A_830, %max3A_881 : vector<16xf32>
        %min3A_884 = arith.minimumf %min3A_832, %max3A_883 : vector<16xf32>
        %max3A_885 = arith.maximumf %min3A_832, %max3A_883 : vector<16xf32>
        %min3A_886 = arith.minimumf %min3A_834, %max3A_885 : vector<16xf32>
        %min3A_887 = arith.minimumf %min3A_835, %min3A_867 : vector<16xf32>
        %max3A_888 = arith.maximumf %min3A_835, %min3A_867 : vector<16xf32>
        %min3A_889 = arith.minimumf %min3A_837, %max3A_888 : vector<16xf32>
        %min3A_890 = arith.minimumf %min3A_838, %max3A_866 : vector<16xf32>
        %min3A_891 = arith.minimumf %min3A_839, %max3A_862 : vector<16xf32>
        %scan3A_892 = arith.constant 2 : i32
        %scan3A_893 = arith.addi %scan3A_774, %scan3A_892 : i32
        %mul3A_894 = arith.constant 64 : i32
        %mul3A_895 = arith.muli %scan3A_893, %mul3A_894 : i32
        %get3A_896 = arith.index_cast %mul3A_895 : i32 to index
        %get3A_897 = tpu.vector_load %arg4[%get3A_896] {strides = array<i32>} : memref<16384xf32, #tpu.memory_space<vmem>>, vector<16xf32>,
        %add3A_898 = arith.constant 16 : i32
        %add3A_899 = arith.addi %mul3A_895, %add3A_898 : i32
        %get3A_900 = arith.index_cast %add3A_899 : i32 to index
        %get3A_901 = tpu.vector_load %arg4[%get3A_900] {strides = array<i32>} : memref<16384xf32, #tpu.memory_space<vmem>>, vector<16xf32>,
        %add3A_902 = arith.constant 32 : i32
        %add3A_903 = arith.addi %mul3A_895, %add3A_902 : i32
        %get3A_904 = arith.index_cast %add3A_903 : i32 to index
        %get3A_905 = tpu.vector_load %arg4[%get3A_904] {strides = array<i32>} : memref<16384xf32, #tpu.memory_space<vmem>>, vector<16xf32>,
        %add3A_906 = arith.constant 48 : i32
        %add3A_907 = arith.addi %mul3A_895, %add3A_906 : i32
        %get3A_908 = arith.index_cast %add3A_907 : i32 to index
        %get3A_909 = tpu.vector_load %arg4[%get3A_908] {strides = array<i32>} : memref<16384xf32, #tpu.memory_space<vmem>>, vector<16xf32>,
        %max3A_910 = arith.maximumf %get3A_897, %get3A_901 : vector<16xf32>
        %min3A_911 = arith.minimumf %get3A_897, %get3A_901 : vector<16xf32>
        %max3A_912 = arith.maximumf %get3A_905, %get3A_909 : vector<16xf32>
        %min3A_913 = arith.minimumf %get3A_905, %get3A_909 : vector<16xf32>
        %max3A_914 = arith.maximumf %max3A_910, %max3A_912 : vector<16xf32>
        %min3A_915 = arith.minimumf %max3A_910, %max3A_912 : vector<16xf32>
        %min3A_916 = arith.minimumf %min3A_911, %min3A_913 : vector<16xf32>
        %max3A_917 = arith.maximumf %min3A_911, %min3A_913 : vector<16xf32>
        %max3A_918 = arith.maximumf %min3A_915, %max3A_917 : vector<16xf32>
        %min3A_919 = arith.minimumf %min3A_915, %max3A_917 : vector<16xf32>
        %max3A_920 = arith.maximumf %max3A_868, %max3A_914 : vector<16xf32>
        %min3A_921 = arith.minimumf %max3A_868, %max3A_914 : vector<16xf32>
        %max3A_922 = arith.maximumf %max3A_870, %min3A_921 : vector<16xf32>
        %min3A_923 = arith.minimumf %max3A_870, %min3A_921 : vector<16xf32>
        %max3A_924 = arith.maximumf %max3A_872, %min3A_923 : vector<16xf32>
        %min3A_925 = arith.minimumf %max3A_872, %min3A_923 : vector<16xf32>
        %max3A_926 = arith.maximumf %max3A_874, %min3A_925 : vector<16xf32>
        %max3A_927 = arith.maximumf %max3A_875, %max3A_918 : vector<16xf32>
        %min3A_928 = arith.minimumf %max3A_875, %max3A_918 : vector<16xf32>
        %max3A_929 = arith.maximumf %max3A_877, %min3A_928 : vector<16xf32>
        %max3A_930 = arith.maximumf %max3A_878, %min3A_919 : vector<16xf32>
        %max3A_931 = arith.maximumf %max3A_879, %min3A_916 : vector<16xf32>
        %min3A_932 = arith.minimumf %min3A_880, %min3A_916 : vector<16xf32>
        %max3A_933 = arith.maximumf %min3A_880, %min3A_916 : vector<16xf32>
        %min3A_934 = arith.minimumf %min3A_882, %max3A_933 : vector<16xf32>
        %max3A_935 = arith.maximumf %min3A_882, %max3A_933 : vector<16xf32>
        %min3A_936 = arith.minimumf %min3A_884, %max3A_935 : vector<16xf32>
        %max3A_937 = arith.maximumf %min3A_884, %max3A_935 : vector<16xf32>
        %min3A_938 = arith.minimumf %min3A_886, %max3A_937 : vector<16xf32>
        %min3A_939 = arith.minimumf %min3A_887, %min3A_919 : vector<16xf32>
        %max3A_940 = arith.maximumf %min3A_887, %min3A_919 : vector<16xf32>
        %min3A_941 = arith.minimumf %min3A_889, %max3A_940 : vector<16xf32>
        %min3A_942 = arith.minimumf %min3A_890, %max3A_918 : vector<16xf32>
        %min3A_943 = arith.minimumf %min3A_891, %max3A_914 : vector<16xf32>
        %scan3A_944 = arith.constant 3 : i32
        %scan3A_945 = arith.addi %scan3A_774, %scan3A_944 : i32
        %mul3A_946 = arith.constant 64 : i32
        %mul3A_947 = arith.muli %scan3A_945, %mul3A_946 : i32
        %get3A_948 = arith.index_cast %mul3A_947 : i32 to index
        %get3A_949 = tpu.vector_load %arg4[%get3A_948] {strides = array<i32>} : memref<16384xf32, #tpu.memory_space<vmem>>, vector<16xf32>,
        %add3A_950 = arith.constant 16 : i32
        %add3A_951 = arith.addi %mul3A_947, %add3A_950 : i32
        %get3A_952 = arith.index_cast %add3A_951 : i32 to index
        %get3A_953 = tpu.vector_load %arg4[%get3A_952] {strides = array<i32>} : memref<16384xf32, #tpu.memory_space<vmem>>, vector<16xf32>,
        %add3A_954 = arith.constant 32 : i32
        %add3A_955 = arith.addi %mul3A_947, %add3A_954 : i32
        %get3A_956 = arith.index_cast %add3A_955 : i32 to index
        %get3A_957 = tpu.vector_load %arg4[%get3A_956] {strides = array<i32>} : memref<16384xf32, #tpu.memory_space<vmem>>, vector<16xf32>,
        %add3A_958 = arith.constant 48 : i32
        %add3A_959 = arith.addi %mul3A_947, %add3A_958 : i32
        %get3A_960 = arith.index_cast %add3A_959 : i32 to index
        %get3A_961 = tpu.vector_load %arg4[%get3A_960] {strides = array<i32>} : memref<16384xf32, #tpu.memory_space<vmem>>, vector<16xf32>,
        %max3A_962 = arith.maximumf %get3A_949, %get3A_953 : vector<16xf32>
        %min3A_963 = arith.minimumf %get3A_949, %get3A_953 : vector<16xf32>
        %max3A_964 = arith.maximumf %get3A_957, %get3A_961 : vector<16xf32>
        %min3A_965 = arith.minimumf %get3A_957, %get3A_961 : vector<16xf32>
        %max3A_966 = arith.maximumf %max3A_962, %max3A_964 : vector<16xf32>
        %min3A_967 = arith.minimumf %max3A_962, %max3A_964 : vector<16xf32>
        %min3A_968 = arith.minimumf %min3A_963, %min3A_965 : vector<16xf32>
        %max3A_969 = arith.maximumf %min3A_963, %min3A_965 : vector<16xf32>
        %max3A_970 = arith.maximumf %min3A_967, %max3A_969 : vector<16xf32>
        %min3A_971 = arith.minimumf %min3A_967, %max3A_969 : vector<16xf32>
        %max3A_972 = arith.maximumf %max3A_920, %max3A_966 : vector<16xf32>
        %min3A_973 = arith.minimumf %max3A_920, %max3A_966 : vector<16xf32>
        %max3A_974 = arith.maximumf %max3A_922, %min3A_973 : vector<16xf32>
        %min3A_975 = arith.minimumf %max3A_922, %min3A_973 : vector<16xf32>
        %max3A_976 = arith.maximumf %max3A_924, %min3A_975 : vector<16xf32>
        %min3A_977 = arith.minimumf %max3A_924, %min3A_975 : vector<16xf32>
        %max3A_978 = arith.maximumf %max3A_926, %min3A_977 : vector<16xf32>
        %max3A_979 = arith.maximumf %max3A_927, %max3A_970 : vector<16xf32>
        %min3A_980 = arith.minimumf %max3A_927, %max3A_970 : vector<16xf32>
        %max3A_981 = arith.maximumf %max3A_929, %min3A_980 : vector<16xf32>
        %max3A_982 = arith.maximumf %max3A_930, %min3A_971 : vector<16xf32>
        %max3A_983 = arith.maximumf %max3A_931, %min3A_968 : vector<16xf32>
        %min3A_984 = arith.minimumf %min3A_932, %min3A_968 : vector<16xf32>
        %max3A_985 = arith.maximumf %min3A_932, %min3A_968 : vector<16xf32>
        %min3A_986 = arith.minimumf %min3A_934, %max3A_985 : vector<16xf32>
        %max3A_987 = arith.maximumf %min3A_934, %max3A_985 : vector<16xf32>
        %min3A_988 = arith.minimumf %min3A_936, %max3A_987 : vector<16xf32>
        %max3A_989 = arith.maximumf %min3A_936, %max3A_987 : vector<16xf32>
        %min3A_990 = arith.minimumf %min3A_938, %max3A_989 : vector<16xf32>
        %min3A_991 = arith.minimumf %min3A_939, %min3A_971 : vector<16xf32>
        %max3A_992 = arith.maximumf %min3A_939, %min3A_971 : vector<16xf32>
        %min3A_993 = arith.minimumf %min3A_941, %max3A_992 : vector<16xf32>
        %min3A_994 = arith.minimumf %min3A_942, %max3A_970 : vector<16xf32>
        %min3A_995 = arith.minimumf %min3A_943, %max3A_966 : vector<16xf32>
        scf.yield %max3A_972, %max3A_974, %max3A_976, %max3A_978, %max3A_979, %max3A_981, %max3A_982, %max3A_983, %min3A_984, %min3A_986, %min3A_988, %min3A_990, %min3A_991, %min3A_993, %min3A_994, %min3A_995 : vector<16xf32>, vector<16xf32>, vector<16xf32>, vector<16xf32>, vector<16xf32>, vector<16xf32>, vector<16xf32>, vector<16xf32>, vector<16xf32>, vector<16xf32>, vector<16xf32>, vector<16xf32>, vector<16xf32>, vector<16xf32>, vector<16xf32>, vector<16xf32>
      }
      %scan3A_26 = arith.constant 256 : i32
      %dma_wait3A_27 = arith.constant 16384 : i32
      %dma_wait3A_28 = tpu.memref_slice %arg2[%add3A, %dma_wait3A_27] : memref<128x32768xf32, #tpu.memory_space<hbm>> -> memref<1x16384xf32, #tpu.memory_space<hbm>>
      %dma_wait3A_29 = tpu.memref_squeeze %dma_wait3A_28 : memref<1x16384xf32, #tpu.memory_space<hbm>> -> memref<16384xf32, #tpu.memory_space<hbm>>
      %dma_wait3A_30 = arith.constant 16384 : i32
      %dma_wait3A_31 = tpu.memref_slice %arg2[%add3A, %dma_wait3A_30] : memref<128x32768xf32, #tpu.memory_space<hbm>> -> memref<1x16384xf32, #tpu.memory_space<hbm>>
      %dma_wait3A_32 = tpu.memref_squeeze %dma_wait3A_31 : memref<1x16384xf32, #tpu.memory_space<hbm>> -> memref<16384xf32, #tpu.memory_space<hbm>>
      tpu.wait_dma2 semaphore(%arg8 : memref<!tpu.dma_semaphore, #tpu.memory_space<semaphore_mem>>) src(%dma_wait3A_32 : memref<16384xf32, #tpu.memory_space<hbm>>) dst(%arg5 : memref<16384xf32, #tpu.memory_space<vmem>>)
      %scan3A_33 = arith.constant 0 : i32
      %scan3A_34 = arith.constant 256 : i32
      %scan3A_35 = arith.addi %scan3A_33, %scan3A_34 : i32
      %scan3A_36 = arith.constant 4 : i32
      %scan3A_37:16 = scf.for %scan3A_774 = %scan3A_33 to %scan3A_35 step %scan3A_36 iter_args(%scan3A_775 = %scan3A_25#0, %scan3A_776 = %scan3A_25#1, %scan3A_777 = %scan3A_25#2, %scan3A_778 = %scan3A_25#3, %scan3A_779 = %scan3A_25#4, %scan3A_780 = %scan3A_25#5, %scan3A_781 = %scan3A_25#6, %scan3A_782 = %scan3A_25#7, %scan3A_783 = %scan3A_25#8, %scan3A_784 = %scan3A_25#9, %scan3A_785 = %scan3A_25#10, %scan3A_786 = %scan3A_25#11, %scan3A_787 = %scan3A_25#12, %scan3A_788 = %scan3A_25#13, %scan3A_789 = %scan3A_25#14, %scan3A_790 = %scan3A_25#15) -> (vector<16xf32>, vector<16xf32>, vector<16xf32>, vector<16xf32>, vector<16xf32>, vector<16xf32>, vector<16xf32>, vector<16xf32>, vector<16xf32>, vector<16xf32>, vector<16xf32>, vector<16xf32>, vector<16xf32>, vector<16xf32>, vector<16xf32>, vector<16xf32>)  : i32 {
        %mul3A_791 = arith.constant 64 : i32
        %mul3A_792 = arith.muli %scan3A_774, %mul3A_791 : i32
        %get3A = arith.index_cast %mul3A_792 : i32 to index
        %get3A_793 = tpu.vector_load %arg5[%get3A] {strides = array<i32>} : memref<16384xf32, #tpu.memory_space<vmem>>, vector<16xf32>,
        %add3A_794 = arith.constant 16 : i32
        %add3A_795 = arith.addi %mul3A_792, %add3A_794 : i32
        %get3A_796 = arith.index_cast %add3A_795 : i32 to index
        %get3A_797 = tpu.vector_load %arg5[%get3A_796] {strides = array<i32>} : memref<16384xf32, #tpu.memory_space<vmem>>, vector<16xf32>,
        %add3A_798 = arith.constant 32 : i32
        %add3A_799 = arith.addi %mul3A_792, %add3A_798 : i32
        %get3A_800 = arith.index_cast %add3A_799 : i32 to index
        %get3A_801 = tpu.vector_load %arg5[%get3A_800] {strides = array<i32>} : memref<16384xf32, #tpu.memory_space<vmem>>, vector<16xf32>,
        %add3A_802 = arith.constant 48 : i32
        %add3A_803 = arith.addi %mul3A_792, %add3A_802 : i32
        %get3A_804 = arith.index_cast %add3A_803 : i32 to index
        %get3A_805 = tpu.vector_load %arg5[%get3A_804] {strides = array<i32>} : memref<16384xf32, #tpu.memory_space<vmem>>, vector<16xf32>,
        %max3A_806 = arith.maximumf %get3A_793, %get3A_797 : vector<16xf32>
        %min3A_807 = arith.minimumf %get3A_793, %get3A_797 : vector<16xf32>
        %max3A_808 = arith.maximumf %get3A_801, %get3A_805 : vector<16xf32>
        %min3A_809 = arith.minimumf %get3A_801, %get3A_805 : vector<16xf32>
        %max3A_810 = arith.maximumf %max3A_806, %max3A_808 : vector<16xf32>
        %min3A_811 = arith.minimumf %max3A_806, %max3A_808 : vector<16xf32>
        %min3A_812 = arith.minimumf %min3A_807, %min3A_809 : vector<16xf32>
        %max3A_813 = arith.maximumf %min3A_807, %min3A_809 : vector<16xf32>
        %max3A_814 = arith.maximumf %min3A_811, %max3A_813 : vector<16xf32>
        %min3A_815 = arith.minimumf %min3A_811, %max3A_813 : vector<16xf32>
        %max3A_816 = arith.maximumf %scan3A_775, %max3A_810 : vector<16xf32>
        %min3A_817 = arith.minimumf %scan3A_775, %max3A_810 : vector<16xf32>
        %max3A_818 = arith.maximumf %scan3A_776, %min3A_817 : vector<16xf32>
        %min3A_819 = arith.minimumf %scan3A_776, %min3A_817 : vector<16xf32>
        %max3A_820 = arith.maximumf %scan3A_777, %min3A_819 : vector<16xf32>
        %min3A_821 = arith.minimumf %scan3A_777, %min3A_819 : vector<16xf32>
        %max3A_822 = arith.maximumf %scan3A_778, %min3A_821 : vector<16xf32>
        %max3A_823 = arith.maximumf %scan3A_779, %max3A_814 : vector<16xf32>
        %min3A_824 = arith.minimumf %scan3A_779, %max3A_814 : vector<16xf32>
        %max3A_825 = arith.maximumf %scan3A_780, %min3A_824 : vector<16xf32>
        %max3A_826 = arith.maximumf %scan3A_781, %min3A_815 : vector<16xf32>
        %max3A_827 = arith.maximumf %scan3A_782, %min3A_812 : vector<16xf32>
        %min3A_828 = arith.minimumf %scan3A_783, %min3A_812 : vector<16xf32>
        %max3A_829 = arith.maximumf %scan3A_783, %min3A_812 : vector<16xf32>
        %min3A_830 = arith.minimumf %scan3A_784, %max3A_829 : vector<16xf32>
        %max3A_831 = arith.maximumf %scan3A_784, %max3A_829 : vector<16xf32>
        %min3A_832 = arith.minimumf %scan3A_785, %max3A_831 : vector<16xf32>
        %max3A_833 = arith.maximumf %scan3A_785, %max3A_831 : vector<16xf32>
        %min3A_834 = arith.minimumf %scan3A_786, %max3A_833 : vector<16xf32>
        %min3A_835 = arith.minimumf %scan3A_787, %min3A_815 : vector<16xf32>
        %max3A_836 = arith.maximumf %scan3A_787, %min3A_815 : vector<16xf32>
        %min3A_837 = arith.minimumf %scan3A_788, %max3A_836 : vector<16xf32>
        %min3A_838 = arith.minimumf %scan3A_789, %max3A_814 : vector<16xf32>
        %min3A_839 = arith.minimumf %scan3A_790, %max3A_810 : vector<16xf32>
        %scan3A_840 = arith.constant 1 : i32
        %scan3A_841 = arith.addi %scan3A_774, %scan3A_840 : i32
        %mul3A_842 = arith.constant 64 : i32
        %mul3A_843 = arith.muli %scan3A_841, %mul3A_842 : i32
        %get3A_844 = arith.index_cast %mul3A_843 : i32 to index
        %get3A_845 = tpu.vector_load %arg5[%get3A_844] {strides = array<i32>} : memref<16384xf32, #tpu.memory_space<vmem>>, vector<16xf32>,
        %add3A_846 = arith.constant 16 : i32
        %add3A_847 = arith.addi %mul3A_843, %add3A_846 : i32
        %get3A_848 = arith.index_cast %add3A_847 : i32 to index
        %get3A_849 = tpu.vector_load %arg5[%get3A_848] {strides = array<i32>} : memref<16384xf32, #tpu.memory_space<vmem>>, vector<16xf32>,
        %add3A_850 = arith.constant 32 : i32
        %add3A_851 = arith.addi %mul3A_843, %add3A_850 : i32
        %get3A_852 = arith.index_cast %add3A_851 : i32 to index
        %get3A_853 = tpu.vector_load %arg5[%get3A_852] {strides = array<i32>} : memref<16384xf32, #tpu.memory_space<vmem>>, vector<16xf32>,
        %add3A_854 = arith.constant 48 : i32
        %add3A_855 = arith.addi %mul3A_843, %add3A_854 : i32
        %get3A_856 = arith.index_cast %add3A_855 : i32 to index
        %get3A_857 = tpu.vector_load %arg5[%get3A_856] {strides = array<i32>} : memref<16384xf32, #tpu.memory_space<vmem>>, vector<16xf32>,
        %max3A_858 = arith.maximumf %get3A_845, %get3A_849 : vector<16xf32>
        %min3A_859 = arith.minimumf %get3A_845, %get3A_849 : vector<16xf32>
        %max3A_860 = arith.maximumf %get3A_853, %get3A_857 : vector<16xf32>
        %min3A_861 = arith.minimumf %get3A_853, %get3A_857 : vector<16xf32>
        %max3A_862 = arith.maximumf %max3A_858, %max3A_860 : vector<16xf32>
        %min3A_863 = arith.minimumf %max3A_858, %max3A_860 : vector<16xf32>
        %min3A_864 = arith.minimumf %min3A_859, %min3A_861 : vector<16xf32>
        %max3A_865 = arith.maximumf %min3A_859, %min3A_861 : vector<16xf32>
        %max3A_866 = arith.maximumf %min3A_863, %max3A_865 : vector<16xf32>
        %min3A_867 = arith.minimumf %min3A_863, %max3A_865 : vector<16xf32>
        %max3A_868 = arith.maximumf %max3A_816, %max3A_862 : vector<16xf32>
        %min3A_869 = arith.minimumf %max3A_816, %max3A_862 : vector<16xf32>
        %max3A_870 = arith.maximumf %max3A_818, %min3A_869 : vector<16xf32>
        %min3A_871 = arith.minimumf %max3A_818, %min3A_869 : vector<16xf32>
        %max3A_872 = arith.maximumf %max3A_820, %min3A_871 : vector<16xf32>
        %min3A_873 = arith.minimumf %max3A_820, %min3A_871 : vector<16xf32>
        %max3A_874 = arith.maximumf %max3A_822, %min3A_873 : vector<16xf32>
        %max3A_875 = arith.maximumf %max3A_823, %max3A_866 : vector<16xf32>
        %min3A_876 = arith.minimumf %max3A_823, %max3A_866 : vector<16xf32>
        %max3A_877 = arith.maximumf %max3A_825, %min3A_876 : vector<16xf32>
        %max3A_878 = arith.maximumf %max3A_826, %min3A_867 : vector<16xf32>
        %max3A_879 = arith.maximumf %max3A_827, %min3A_864 : vector<16xf32>
        %min3A_880 = arith.minimumf %min3A_828, %min3A_864 : vector<16xf32>
        %max3A_881 = arith.maximumf %min3A_828, %min3A_864 : vector<16xf32>
        %min3A_882 = arith.minimumf %min3A_830, %max3A_881 : vector<16xf32>
        %max3A_883 = arith.maximumf %min3A_830, %max3A_881 : vector<16xf32>
        %min3A_884 = arith.minimumf %min3A_832, %max3A_883 : vector<16xf32>
        %max3A_885 = arith.maximumf %min3A_832, %max3A_883 : vector<16xf32>
        %min3A_886 = arith.minimumf %min3A_834, %max3A_885 : vector<16xf32>
        %min3A_887 = arith.minimumf %min3A_835, %min3A_867 : vector<16xf32>
        %max3A_888 = arith.maximumf %min3A_835, %min3A_867 : vector<16xf32>
        %min3A_889 = arith.minimumf %min3A_837, %max3A_888 : vector<16xf32>
        %min3A_890 = arith.minimumf %min3A_838, %max3A_866 : vector<16xf32>
        %min3A_891 = arith.minimumf %min3A_839, %max3A_862 : vector<16xf32>
        %scan3A_892 = arith.constant 2 : i32
        %scan3A_893 = arith.addi %scan3A_774, %scan3A_892 : i32
        %mul3A_894 = arith.constant 64 : i32
        %mul3A_895 = arith.muli %scan3A_893, %mul3A_894 : i32
        %get3A_896 = arith.index_cast %mul3A_895 : i32 to index
        %get3A_897 = tpu.vector_load %arg5[%get3A_896] {strides = array<i32>} : memref<16384xf32, #tpu.memory_space<vmem>>, vector<16xf32>,
        %add3A_898 = arith.constant 16 : i32
        %add3A_899 = arith.addi %mul3A_895, %add3A_898 : i32
        %get3A_900 = arith.index_cast %add3A_899 : i32 to index
        %get3A_901 = tpu.vector_load %arg5[%get3A_900] {strides = array<i32>} : memref<16384xf32, #tpu.memory_space<vmem>>, vector<16xf32>,
        %add3A_902 = arith.constant 32 : i32
        %add3A_903 = arith.addi %mul3A_895, %add3A_902 : i32
        %get3A_904 = arith.index_cast %add3A_903 : i32 to index
        %get3A_905 = tpu.vector_load %arg5[%get3A_904] {strides = array<i32>} : memref<16384xf32, #tpu.memory_space<vmem>>, vector<16xf32>,
        %add3A_906 = arith.constant 48 : i32
        %add3A_907 = arith.addi %mul3A_895, %add3A_906 : i32
        %get3A_908 = arith.index_cast %add3A_907 : i32 to index
        %get3A_909 = tpu.vector_load %arg5[%get3A_908] {strides = array<i32>} : memref<16384xf32, #tpu.memory_space<vmem>>, vector<16xf32>,
        %max3A_910 = arith.maximumf %get3A_897, %get3A_901 : vector<16xf32>
        %min3A_911 = arith.minimumf %get3A_897, %get3A_901 : vector<16xf32>
        %max3A_912 = arith.maximumf %get3A_905, %get3A_909 : vector<16xf32>
        %min3A_913 = arith.minimumf %get3A_905, %get3A_909 : vector<16xf32>
        %max3A_914 = arith.maximumf %max3A_910, %max3A_912 : vector<16xf32>
        %min3A_915 = arith.minimumf %max3A_910, %max3A_912 : vector<16xf32>
        %min3A_916 = arith.minimumf %min3A_911, %min3A_913 : vector<16xf32>
        %max3A_917 = arith.maximumf %min3A_911, %min3A_913 : vector<16xf32>
        %max3A_918 = arith.maximumf %min3A_915, %max3A_917 : vector<16xf32>
        %min3A_919 = arith.minimumf %min3A_915, %max3A_917 : vector<16xf32>
        %max3A_920 = arith.maximumf %max3A_868, %max3A_914 : vector<16xf32>
        %min3A_921 = arith.minimumf %max3A_868, %max3A_914 : vector<16xf32>
        %max3A_922 = arith.maximumf %max3A_870, %min3A_921 : vector<16xf32>
        %min3A_923 = arith.minimumf %max3A_870, %min3A_921 : vector<16xf32>
        %max3A_924 = arith.maximumf %max3A_872, %min3A_923 : vector<16xf32>
        %min3A_925 = arith.minimumf %max3A_872, %min3A_923 : vector<16xf32>
        %max3A_926 = arith.maximumf %max3A_874, %min3A_925 : vector<16xf32>
        %max3A_927 = arith.maximumf %max3A_875, %max3A_918 : vector<16xf32>
        %min3A_928 = arith.minimumf %max3A_875, %max3A_918 : vector<16xf32>
        %max3A_929 = arith.maximumf %max3A_877, %min3A_928 : vector<16xf32>
        %max3A_930 = arith.maximumf %max3A_878, %min3A_919 : vector<16xf32>
        %max3A_931 = arith.maximumf %max3A_879, %min3A_916 : vector<16xf32>
        %min3A_932 = arith.minimumf %min3A_880, %min3A_916 : vector<16xf32>
        %max3A_933 = arith.maximumf %min3A_880, %min3A_916 : vector<16xf32>
        %min3A_934 = arith.minimumf %min3A_882, %max3A_933 : vector<16xf32>
        %max3A_935 = arith.maximumf %min3A_882, %max3A_933 : vector<16xf32>
        %min3A_936 = arith.minimumf %min3A_884, %max3A_935 : vector<16xf32>
        %max3A_937 = arith.maximumf %min3A_884, %max3A_935 : vector<16xf32>
        %min3A_938 = arith.minimumf %min3A_886, %max3A_937 : vector<16xf32>
        %min3A_939 = arith.minimumf %min3A_887, %min3A_919 : vector<16xf32>
        %max3A_940 = arith.maximumf %min3A_887, %min3A_919 : vector<16xf32>
        %min3A_941 = arith.minimumf %min3A_889, %max3A_940 : vector<16xf32>
        %min3A_942 = arith.minimumf %min3A_890, %max3A_918 : vector<16xf32>
        %min3A_943 = arith.minimumf %min3A_891, %max3A_914 : vector<16xf32>
        %scan3A_944 = arith.constant 3 : i32
        %scan3A_945 = arith.addi %scan3A_774, %scan3A_944 : i32
        %mul3A_946 = arith.constant 64 : i32
        %mul3A_947 = arith.muli %scan3A_945, %mul3A_946 : i32
        %get3A_948 = arith.index_cast %mul3A_947 : i32 to index
        %get3A_949 = tpu.vector_load %arg5[%get3A_948] {strides = array<i32>} : memref<16384xf32, #tpu.memory_space<vmem>>, vector<16xf32>,
        %add3A_950 = arith.constant 16 : i32
        %add3A_951 = arith.addi %mul3A_947, %add3A_950 : i32
        %get3A_952 = arith.index_cast %add3A_951 : i32 to index
        %get3A_953 = tpu.vector_load %arg5[%get3A_952] {strides = array<i32>} : memref<16384xf32, #tpu.memory_space<vmem>>, vector<16xf32>,
        %add3A_954 = arith.constant 32 : i32
        %add3A_955 = arith.addi %mul3A_947, %add3A_954 : i32
        %get3A_956 = arith.index_cast %add3A_955 : i32 to index
        %get3A_957 = tpu.vector_load %arg5[%get3A_956] {strides = array<i32>} : memref<16384xf32, #tpu.memory_space<vmem>>, vector<16xf32>,
        %add3A_958 = arith.constant 48 : i32
        %add3A_959 = arith.addi %mul3A_947, %add3A_958 : i32
        %get3A_960 = arith.index_cast %add3A_959 : i32 to index
        %get3A_961 = tpu.vector_load %arg5[%get3A_960] {strides = array<i32>} : memref<16384xf32, #tpu.memory_space<vmem>>, vector<16xf32>,
        %max3A_962 = arith.maximumf %get3A_949, %get3A_953 : vector<16xf32>
        %min3A_963 = arith.minimumf %get3A_949, %get3A_953 : vector<16xf32>
        %max3A_964 = arith.maximumf %get3A_957, %get3A_961 : vector<16xf32>
        %min3A_965 = arith.minimumf %get3A_957, %get3A_961 : vector<16xf32>
        %max3A_966 = arith.maximumf %max3A_962, %max3A_964 : vector<16xf32>
        %min3A_967 = arith.minimumf %max3A_962, %max3A_964 : vector<16xf32>
        %min3A_968 = arith.minimumf %min3A_963, %min3A_965 : vector<16xf32>
        %max3A_969 = arith.maximumf %min3A_963, %min3A_965 : vector<16xf32>
        %max3A_970 = arith.maximumf %min3A_967, %max3A_969 : vector<16xf32>
        %min3A_971 = arith.minimumf %min3A_967, %max3A_969 : vector<16xf32>
        %max3A_972 = arith.maximumf %max3A_920, %max3A_966 : vector<16xf32>
        %min3A_973 = arith.minimumf %max3A_920, %max3A_966 : vector<16xf32>
        %max3A_974 = arith.maximumf %max3A_922, %min3A_973 : vector<16xf32>
        %min3A_975 = arith.minimumf %max3A_922, %min3A_973 : vector<16xf32>
        %max3A_976 = arith.maximumf %max3A_924, %min3A_975 : vector<16xf32>
        %min3A_977 = arith.minimumf %max3A_924, %min3A_975 : vector<16xf32>
        %max3A_978 = arith.maximumf %max3A_926, %min3A_977 : vector<16xf32>
        %max3A_979 = arith.maximumf %max3A_927, %max3A_970 : vector<16xf32>
        %min3A_980 = arith.minimumf %max3A_927, %max3A_970 : vector<16xf32>
        %max3A_981 = arith.maximumf %max3A_929, %min3A_980 : vector<16xf32>
        %max3A_982 = arith.maximumf %max3A_930, %min3A_971 : vector<16xf32>
        %max3A_983 = arith.maximumf %max3A_931, %min3A_968 : vector<16xf32>
        %min3A_984 = arith.minimumf %min3A_932, %min3A_968 : vector<16xf32>
        %max3A_985 = arith.maximumf %min3A_932, %min3A_968 : vector<16xf32>
        %min3A_986 = arith.minimumf %min3A_934, %max3A_985 : vector<16xf32>
        %max3A_987 = arith.maximumf %min3A_934, %max3A_985 : vector<16xf32>
        %min3A_988 = arith.minimumf %min3A_936, %max3A_987 : vector<16xf32>
        %max3A_989 = arith.maximumf %min3A_936, %max3A_987 : vector<16xf32>
        %min3A_990 = arith.minimumf %min3A_938, %max3A_989 : vector<16xf32>
        %min3A_991 = arith.minimumf %min3A_939, %min3A_971 : vector<16xf32>
        %max3A_992 = arith.maximumf %min3A_939, %min3A_971 : vector<16xf32>
        %min3A_993 = arith.minimumf %min3A_941, %max3A_992 : vector<16xf32>
        %min3A_994 = arith.minimumf %min3A_942, %max3A_970 : vector<16xf32>
        %min3A_995 = arith.minimumf %min3A_943, %max3A_966 : vector<16xf32>
        scf.yield %max3A_972, %max3A_974, %max3A_976, %max3A_978, %max3A_979, %max3A_981, %max3A_982, %max3A_983, %min3A_984, %min3A_986, %min3A_988, %min3A_990, %min3A_991, %min3A_993, %min3A_994, %min3A_995 : vector<16xf32>, vector<16xf32>, vector<16xf32>, vector<16xf32>, vector<16xf32>, vector<16xf32>, vector<16xf32>, vector<16xf32>, vector<16xf32>, vector<16xf32>, vector<16xf32>, vector<16xf32>, vector<16xf32>, vector<16xf32>, vector<16xf32>, vector<16xf32>
      }
      %scan3A_38 = arith.constant 256 : i32
      %sort3A = arith.constant dense<true> : vector<16xi1>
      %sort3A_39, %sort3A_40, %sort3A_41 = tpu.sort %scan3A_37#0, %scan3A_37#0 masked %sort3A : (vector<16xf32>, vector<16xf32>, vector<16xi1>) -> (vector<16xi1>, vector<16xf32>, vector<16xf32>)
      %sort3A_42 = arith.constant dense<true> : vector<16xi1>
      %sort3A_43, %sort3A_44, %sort3A_45 = tpu.sort %scan3A_37#1, %scan3A_37#1 masked %sort3A_42 : (vector<16xf32>, vector<16xf32>, vector<16xi1>) -> (vector<16xi1>, vector<16xf32>, vector<16xf32>)
      %sort3A_46 = arith.constant dense<true> : vector<16xi1>
      %sort3A_47, %sort3A_48, %sort3A_49 = tpu.sort %scan3A_37#2, %scan3A_37#2 masked %sort3A_46 : (vector<16xf32>, vector<16xf32>, vector<16xi1>) -> (vector<16xi1>, vector<16xf32>, vector<16xf32>)
      %sort3A_50 = arith.constant dense<true> : vector<16xi1>
      %sort3A_51, %sort3A_52, %sort3A_53 = tpu.sort %scan3A_37#3, %scan3A_37#3 masked %sort3A_50 : (vector<16xf32>, vector<16xf32>, vector<16xi1>) -> (vector<16xi1>, vector<16xf32>, vector<16xf32>)
      %sort3A_54 = arith.constant dense<true> : vector<16xi1>
      %sort3A_55, %sort3A_56, %sort3A_57 = tpu.sort %scan3A_37#4, %scan3A_37#4 masked %sort3A_54 : (vector<16xf32>, vector<16xf32>, vector<16xi1>) -> (vector<16xi1>, vector<16xf32>, vector<16xf32>)
      %sort3A_58 = arith.constant dense<true> : vector<16xi1>
      %sort3A_59, %sort3A_60, %sort3A_61 = tpu.sort %scan3A_37#5, %scan3A_37#5 masked %sort3A_58 : (vector<16xf32>, vector<16xf32>, vector<16xi1>) -> (vector<16xi1>, vector<16xf32>, vector<16xf32>)
      %sort3A_62 = arith.constant dense<true> : vector<16xi1>
      %sort3A_63, %sort3A_64, %sort3A_65 = tpu.sort %scan3A_37#6, %scan3A_37#6 masked %sort3A_62 : (vector<16xf32>, vector<16xf32>, vector<16xi1>) -> (vector<16xi1>, vector<16xf32>, vector<16xf32>)
      %sort3A_66 = arith.constant dense<true> : vector<16xi1>
      %sort3A_67, %sort3A_68, %sort3A_69 = tpu.sort %scan3A_37#7, %scan3A_37#7 masked %sort3A_66 : (vector<16xf32>, vector<16xf32>, vector<16xi1>) -> (vector<16xi1>, vector<16xf32>, vector<16xf32>)
      %sort3A_70 = arith.constant dense<true> : vector<16xi1>
      %sort3A_71, %sort3A_72, %sort3A_73 = tpu.sort %scan3A_37#8, %scan3A_37#8 masked %sort3A_70 : (vector<16xf32>, vector<16xf32>, vector<16xi1>) -> (vector<16xi1>, vector<16xf32>, vector<16xf32>)
      %sort3A_74 = arith.constant dense<true> : vector<16xi1>
      %sort3A_75, %sort3A_76, %sort3A_77 = tpu.sort %scan3A_37#9, %scan3A_37#9 masked %sort3A_74 : (vector<16xf32>, vector<16xf32>, vector<16xi1>) -> (vector<16xi1>, vector<16xf32>, vector<16xf32>)
      %sort3A_78 = arith.constant dense<true> : vector<16xi1>
      %sort3A_79, %sort3A_80, %sort3A_81 = tpu.sort %scan3A_37#10, %scan3A_37#10 masked %sort3A_78 : (vector<16xf32>, vector<16xf32>, vector<16xi1>) -> (vector<16xi1>, vector<16xf32>, vector<16xf32>)
      %sort3A_82 = arith.constant dense<true> : vector<16xi1>
      %sort3A_83, %sort3A_84, %sort3A_85 = tpu.sort %scan3A_37#11, %scan3A_37#11 masked %sort3A_82 : (vector<16xf32>, vector<16xf32>, vector<16xi1>) -> (vector<16xi1>, vector<16xf32>, vector<16xf32>)
      %sort3A_86 = arith.constant dense<true> : vector<16xi1>
      %sort3A_87, %sort3A_88, %sort3A_89 = tpu.sort %scan3A_37#12, %scan3A_37#12 masked %sort3A_86 : (vector<16xf32>, vector<16xf32>, vector<16xi1>) -> (vector<16xi1>, vector<16xf32>, vector<16xf32>)
      %sort3A_90 = arith.constant dense<true> : vector<16xi1>
      %sort3A_91, %sort3A_92, %sort3A_93 = tpu.sort %scan3A_37#13, %scan3A_37#13 masked %sort3A_90 : (vector<16xf32>, vector<16xf32>, vector<16xi1>) -> (vector<16xi1>, vector<16xf32>, vector<16xf32>)
      %sort3A_94 = arith.constant dense<true> : vector<16xi1>
      %sort3A_95, %sort3A_96, %sort3A_97 = tpu.sort %scan3A_37#14, %scan3A_37#14 masked %sort3A_94 : (vector<16xf32>, vector<16xf32>, vector<16xi1>) -> (vector<16xi1>, vector<16xf32>, vector<16xf32>)
      %sort3A_98 = arith.constant dense<true> : vector<16xi1>
      %sort3A_99, %sort3A_100, %sort3A_101 = tpu.sort %scan3A_37#15, %scan3A_37#15 masked %sort3A_98 : (vector<16xf32>, vector<16xf32>, vector<16xi1>) -> (vector<16xi1>, vector<16xf32>, vector<16xf32>)
      %broadcast_in_dim3A_102 = arith.constant 0xFF800000 : f32
      %broadcast_in_dim3A_103 = vector.broadcast %broadcast_in_dim3A_102 : f32 to vector<16xf32>
      %broadcast_in_dim3A_104 = arith.constant 0x7F800000 : f32
      %broadcast_in_dim3A_105 = vector.broadcast %broadcast_in_dim3A_104 : f32 to vector<16xf32>
      %slice3A = vector.extract_strided_slice %sort3A_40 {offsets = [15], sizes = [1], strides = [1]} : vector<16xf32> to vector<1xf32>
      %squeeze3A = vector.extract %slice3A[0] : f32 from vector<1xf32>
      %broadcast_in_dim3A_106 = vector.broadcast %squeeze3A : f32 to vector<16xf32>
      %max3A = arith.maximumf %broadcast_in_dim3A_103, %broadcast_in_dim3A_106 : vector<16xf32>
      %min3A = arith.minimumf %broadcast_in_dim3A_103, %broadcast_in_dim3A_106 : vector<16xf32>
      %max3A_107 = arith.maximumf %broadcast_in_dim3A_103, %min3A : vector<16xf32>
      %min3A_108 = arith.minimumf %broadcast_in_dim3A_103, %min3A : vector<16xf32>
      %max3A_109 = arith.maximumf %broadcast_in_dim3A_103, %min3A_108 : vector<16xf32>
      %min3A_110 = arith.minimumf %broadcast_in_dim3A_103, %min3A_108 : vector<16xf32>
      %max3A_111 = arith.maximumf %broadcast_in_dim3A_103, %min3A_110 : vector<16xf32>
      %slice3A_112 = vector.extract_strided_slice %sort3A_72 {offsets = [0], sizes = [1], strides = [1]} : vector<16xf32> to vector<1xf32>
      %squeeze3A_113 = vector.extract %slice3A_112[0] : f32 from vector<1xf32>
      %broadcast_in_dim3A_114 = vector.broadcast %squeeze3A_113 : f32 to vector<16xf32>
      %min3A_115 = arith.minimumf %broadcast_in_dim3A_105, %broadcast_in_dim3A_114 : vector<16xf32>
      %max3A_116 = arith.maximumf %broadcast_in_dim3A_105, %broadcast_in_dim3A_114 : vector<16xf32>
      %min3A_117 = arith.minimumf %broadcast_in_dim3A_105, %max3A_116 : vector<16xf32>
      %max3A_118 = arith.maximumf %broadcast_in_dim3A_105, %max3A_116 : vector<16xf32>
      %min3A_119 = arith.minimumf %broadcast_in_dim3A_105, %max3A_118 : vector<16xf32>
      %max3A_120 = arith.maximumf %broadcast_in_dim3A_105, %max3A_118 : vector<16xf32>
      %min3A_121 = arith.minimumf %broadcast_in_dim3A_105, %max3A_120 : vector<16xf32>
      %slice3A_122 = vector.extract_strided_slice %sort3A_40 {offsets = [14], sizes = [1], strides = [1]} : vector<16xf32> to vector<1xf32>
      %squeeze3A_123 = vector.extract %slice3A_122[0] : f32 from vector<1xf32>
      %broadcast_in_dim3A_124 = vector.broadcast %squeeze3A_123 : f32 to vector<16xf32>
      %max3A_125 = arith.maximumf %max3A, %broadcast_in_dim3A_124 : vector<16xf32>
      %min3A_126 = arith.minimumf %max3A, %broadcast_in_dim3A_124 : vector<16xf32>
      %max3A_127 = arith.maximumf %max3A_107, %min3A_126 : vector<16xf32>
      %min3A_128 = arith.minimumf %max3A_107, %min3A_126 : vector<16xf32>
      %max3A_129 = arith.maximumf %max3A_109, %min3A_128 : vector<16xf32>
      %min3A_130 = arith.minimumf %max3A_109, %min3A_128 : vector<16xf32>
      %max3A_131 = arith.maximumf %max3A_111, %min3A_130 : vector<16xf32>
      %slice3A_132 = vector.extract_strided_slice %sort3A_72 {offsets = [1], sizes = [1], strides = [1]} : vector<16xf32> to vector<1xf32>
      %squeeze3A_133 = vector.extract %slice3A_132[0] : f32 from vector<1xf32>
      %broadcast_in_dim3A_134 = vector.broadcast %squeeze3A_133 : f32 to vector<16xf32>
      %min3A_135 = arith.minimumf %min3A_115, %broadcast_in_dim3A_134 : vector<16xf32>
      %max3A_136 = arith.maximumf %min3A_115, %broadcast_in_dim3A_134 : vector<16xf32>
      %min3A_137 = arith.minimumf %min3A_117, %max3A_136 : vector<16xf32>
      %max3A_138 = arith.maximumf %min3A_117, %max3A_136 : vector<16xf32>
      %min3A_139 = arith.minimumf %min3A_119, %max3A_138 : vector<16xf32>
      %max3A_140 = arith.maximumf %min3A_119, %max3A_138 : vector<16xf32>
      %min3A_141 = arith.minimumf %min3A_121, %max3A_140 : vector<16xf32>
      %slice3A_142 = vector.extract_strided_slice %sort3A_40 {offsets = [13], sizes = [1], strides = [1]} : vector<16xf32> to vector<1xf32>
      %squeeze3A_143 = vector.extract %slice3A_142[0] : f32 from vector<1xf32>
      %broadcast_in_dim3A_144 = vector.broadcast %squeeze3A_143 : f32 to vector<16xf32>
      %max3A_145 = arith.maximumf %max3A_125, %broadcast_in_dim3A_144 : vector<16xf32>
      %min3A_146 = arith.minimumf %max3A_125, %broadcast_in_dim3A_144 : vector<16xf32>
      %max3A_147 = arith.maximumf %max3A_127, %min3A_146 : vector<16xf32>
      %min3A_148 = arith.minimumf %max3A_127, %min3A_146 : vector<16xf32>
      %max3A_149 = arith.maximumf %max3A_129, %min3A_148 : vector<16xf32>
      %min3A_150 = arith.minimumf %max3A_129, %min3A_148 : vector<16xf32>
      %max3A_151 = arith.maximumf %max3A_131, %min3A_150 : vector<16xf32>
      %slice3A_152 = vector.extract_strided_slice %sort3A_72 {offsets = [2], sizes = [1], strides = [1]} : vector<16xf32> to vector<1xf32>
      %squeeze3A_153 = vector.extract %slice3A_152[0] : f32 from vector<1xf32>
      %broadcast_in_dim3A_154 = vector.broadcast %squeeze3A_153 : f32 to vector<16xf32>
      %min3A_155 = arith.minimumf %min3A_135, %broadcast_in_dim3A_154 : vector<16xf32>
      %max3A_156 = arith.maximumf %min3A_135, %broadcast_in_dim3A_154 : vector<16xf32>
      %min3A_157 = arith.minimumf %min3A_137, %max3A_156 : vector<16xf32>
      %max3A_158 = arith.maximumf %min3A_137, %max3A_156 : vector<16xf32>
      %min3A_159 = arith.minimumf %min3A_139, %max3A_158 : vector<16xf32>
      %max3A_160 = arith.maximumf %min3A_139, %max3A_158 : vector<16xf32>
      %min3A_161 = arith.minimumf %min3A_141, %max3A_160 : vector<16xf32>
      %slice3A_162 = vector.extract_strided_slice %sort3A_40 {offsets = [12], sizes = [1], strides = [1]} : vector<16xf32> to vector<1xf32>
      %squeeze3A_163 = vector.extract %slice3A_162[0] : f32 from vector<1xf32>
      %broadcast_in_dim3A_164 = vector.broadcast %squeeze3A_163 : f32 to vector<16xf32>
      %max3A_165 = arith.maximumf %max3A_145, %broadcast_in_dim3A_164 : vector<16xf32>
      %min3A_166 = arith.minimumf %max3A_145, %broadcast_in_dim3A_164 : vector<16xf32>
      %max3A_167 = arith.maximumf %max3A_147, %min3A_166 : vector<16xf32>
      %min3A_168 = arith.minimumf %max3A_147, %min3A_166 : vector<16xf32>
      %max3A_169 = arith.maximumf %max3A_149, %min3A_168 : vector<16xf32>
      %min3A_170 = arith.minimumf %max3A_149, %min3A_168 : vector<16xf32>
      %max3A_171 = arith.maximumf %max3A_151, %min3A_170 : vector<16xf32>
      %slice3A_172 = vector.extract_strided_slice %sort3A_72 {offsets = [3], sizes = [1], strides = [1]} : vector<16xf32> to vector<1xf32>
      %squeeze3A_173 = vector.extract %slice3A_172[0] : f32 from vector<1xf32>
      %broadcast_in_dim3A_174 = vector.broadcast %squeeze3A_173 : f32 to vector<16xf32>
      %min3A_175 = arith.minimumf %min3A_155, %broadcast_in_dim3A_174 : vector<16xf32>
      %max3A_176 = arith.maximumf %min3A_155, %broadcast_in_dim3A_174 : vector<16xf32>
      %min3A_177 = arith.minimumf %min3A_157, %max3A_176 : vector<16xf32>
      %max3A_178 = arith.maximumf %min3A_157, %max3A_176 : vector<16xf32>
      %min3A_179 = arith.minimumf %min3A_159, %max3A_178 : vector<16xf32>
      %max3A_180 = arith.maximumf %min3A_159, %max3A_178 : vector<16xf32>
      %min3A_181 = arith.minimumf %min3A_161, %max3A_180 : vector<16xf32>
      %slice3A_182 = vector.extract_strided_slice %sort3A_44 {offsets = [15], sizes = [1], strides = [1]} : vector<16xf32> to vector<1xf32>
      %squeeze3A_183 = vector.extract %slice3A_182[0] : f32 from vector<1xf32>
      %broadcast_in_dim3A_184 = vector.broadcast %squeeze3A_183 : f32 to vector<16xf32>
      %max3A_185 = arith.maximumf %max3A_165, %broadcast_in_dim3A_184 : vector<16xf32>
      %min3A_186 = arith.minimumf %max3A_165, %broadcast_in_dim3A_184 : vector<16xf32>
      %max3A_187 = arith.maximumf %max3A_167, %min3A_186 : vector<16xf32>
      %min3A_188 = arith.minimumf %max3A_167, %min3A_186 : vector<16xf32>
      %max3A_189 = arith.maximumf %max3A_169, %min3A_188 : vector<16xf32>
      %min3A_190 = arith.minimumf %max3A_169, %min3A_188 : vector<16xf32>
      %max3A_191 = arith.maximumf %max3A_171, %min3A_190 : vector<16xf32>
      %slice3A_192 = vector.extract_strided_slice %sort3A_76 {offsets = [0], sizes = [1], strides = [1]} : vector<16xf32> to vector<1xf32>
      %squeeze3A_193 = vector.extract %slice3A_192[0] : f32 from vector<1xf32>
      %broadcast_in_dim3A_194 = vector.broadcast %squeeze3A_193 : f32 to vector<16xf32>
      %min3A_195 = arith.minimumf %min3A_175, %broadcast_in_dim3A_194 : vector<16xf32>
      %max3A_196 = arith.maximumf %min3A_175, %broadcast_in_dim3A_194 : vector<16xf32>
      %min3A_197 = arith.minimumf %min3A_177, %max3A_196 : vector<16xf32>
      %max3A_198 = arith.maximumf %min3A_177, %max3A_196 : vector<16xf32>
      %min3A_199 = arith.minimumf %min3A_179, %max3A_198 : vector<16xf32>
      %max3A_200 = arith.maximumf %min3A_179, %max3A_198 : vector<16xf32>
      %min3A_201 = arith.minimumf %min3A_181, %max3A_200 : vector<16xf32>
      %slice3A_202 = vector.extract_strided_slice %sort3A_44 {offsets = [14], sizes = [1], strides = [1]} : vector<16xf32> to vector<1xf32>
      %squeeze3A_203 = vector.extract %slice3A_202[0] : f32 from vector<1xf32>
      %broadcast_in_dim3A_204 = vector.broadcast %squeeze3A_203 : f32 to vector<16xf32>
      %max3A_205 = arith.maximumf %max3A_185, %broadcast_in_dim3A_204 : vector<16xf32>
      %min3A_206 = arith.minimumf %max3A_185, %broadcast_in_dim3A_204 : vector<16xf32>
      %max3A_207 = arith.maximumf %max3A_187, %min3A_206 : vector<16xf32>
      %min3A_208 = arith.minimumf %max3A_187, %min3A_206 : vector<16xf32>
      %max3A_209 = arith.maximumf %max3A_189, %min3A_208 : vector<16xf32>
      %min3A_210 = arith.minimumf %max3A_189, %min3A_208 : vector<16xf32>
      %max3A_211 = arith.maximumf %max3A_191, %min3A_210 : vector<16xf32>
      %slice3A_212 = vector.extract_strided_slice %sort3A_76 {offsets = [1], sizes = [1], strides = [1]} : vector<16xf32> to vector<1xf32>
      %squeeze3A_213 = vector.extract %slice3A_212[0] : f32 from vector<1xf32>
      %broadcast_in_dim3A_214 = vector.broadcast %squeeze3A_213 : f32 to vector<16xf32>
      %min3A_215 = arith.minimumf %min3A_195, %broadcast_in_dim3A_214 : vector<16xf32>
      %max3A_216 = arith.maximumf %min3A_195, %broadcast_in_dim3A_214 : vector<16xf32>
      %min3A_217 = arith.minimumf %min3A_197, %max3A_216 : vector<16xf32>
      %max3A_218 = arith.maximumf %min3A_197, %max3A_216 : vector<16xf32>
      %min3A_219 = arith.minimumf %min3A_199, %max3A_218 : vector<16xf32>
      %max3A_220 = arith.maximumf %min3A_199, %max3A_218 : vector<16xf32>
      %min3A_221 = arith.minimumf %min3A_201, %max3A_220 : vector<16xf32>
      %slice3A_222 = vector.extract_strided_slice %sort3A_44 {offsets = [13], sizes = [1], strides = [1]} : vector<16xf32> to vector<1xf32>
      %squeeze3A_223 = vector.extract %slice3A_222[0] : f32 from vector<1xf32>
      %broadcast_in_dim3A_224 = vector.broadcast %squeeze3A_223 : f32 to vector<16xf32>
      %max3A_225 = arith.maximumf %max3A_205, %broadcast_in_dim3A_224 : vector<16xf32>
      %min3A_226 = arith.minimumf %max3A_205, %broadcast_in_dim3A_224 : vector<16xf32>
      %max3A_227 = arith.maximumf %max3A_207, %min3A_226 : vector<16xf32>
      %min3A_228 = arith.minimumf %max3A_207, %min3A_226 : vector<16xf32>
      %max3A_229 = arith.maximumf %max3A_209, %min3A_228 : vector<16xf32>
      %min3A_230 = arith.minimumf %max3A_209, %min3A_228 : vector<16xf32>
      %max3A_231 = arith.maximumf %max3A_211, %min3A_230 : vector<16xf32>
      %slice3A_232 = vector.extract_strided_slice %sort3A_76 {offsets = [2], sizes = [1], strides = [1]} : vector<16xf32> to vector<1xf32>
      %squeeze3A_233 = vector.extract %slice3A_232[0] : f32 from vector<1xf32>
      %broadcast_in_dim3A_234 = vector.broadcast %squeeze3A_233 : f32 to vector<16xf32>
      %min3A_235 = arith.minimumf %min3A_215, %broadcast_in_dim3A_234 : vector<16xf32>
      %max3A_236 = arith.maximumf %min3A_215, %broadcast_in_dim3A_234 : vector<16xf32>
      %min3A_237 = arith.minimumf %min3A_217, %max3A_236 : vector<16xf32>
      %max3A_238 = arith.maximumf %min3A_217, %max3A_236 : vector<16xf32>
      %min3A_239 = arith.minimumf %min3A_219, %max3A_238 : vector<16xf32>
      %max3A_240 = arith.maximumf %min3A_219, %max3A_238 : vector<16xf32>
      %min3A_241 = arith.minimumf %min3A_221, %max3A_240 : vector<16xf32>
      %slice3A_242 = vector.extract_strided_slice %sort3A_44 {offsets = [12], sizes = [1], strides = [1]} : vector<16xf32> to vector<1xf32>
      %squeeze3A_243 = vector.extract %slice3A_242[0] : f32 from vector<1xf32>
      %broadcast_in_dim3A_244 = vector.broadcast %squeeze3A_243 : f32 to vector<16xf32>
      %max3A_245 = arith.maximumf %max3A_225, %broadcast_in_dim3A_244 : vector<16xf32>
      %min3A_246 = arith.minimumf %max3A_225, %broadcast_in_dim3A_244 : vector<16xf32>
      %max3A_247 = arith.maximumf %max3A_227, %min3A_246 : vector<16xf32>
      %min3A_248 = arith.minimumf %max3A_227, %min3A_246 : vector<16xf32>
      %max3A_249 = arith.maximumf %max3A_229, %min3A_248 : vector<16xf32>
      %min3A_250 = arith.minimumf %max3A_229, %min3A_248 : vector<16xf32>
      %max3A_251 = arith.maximumf %max3A_231, %min3A_250 : vector<16xf32>
      %slice3A_252 = vector.extract_strided_slice %sort3A_76 {offsets = [3], sizes = [1], strides = [1]} : vector<16xf32> to vector<1xf32>
      %squeeze3A_253 = vector.extract %slice3A_252[0] : f32 from vector<1xf32>
      %broadcast_in_dim3A_254 = vector.broadcast %squeeze3A_253 : f32 to vector<16xf32>
      %min3A_255 = arith.minimumf %min3A_235, %broadcast_in_dim3A_254 : vector<16xf32>
      %max3A_256 = arith.maximumf %min3A_235, %broadcast_in_dim3A_254 : vector<16xf32>
      %min3A_257 = arith.minimumf %min3A_237, %max3A_256 : vector<16xf32>
      %max3A_258 = arith.maximumf %min3A_237, %max3A_256 : vector<16xf32>
      %min3A_259 = arith.minimumf %min3A_239, %max3A_258 : vector<16xf32>
      %max3A_260 = arith.maximumf %min3A_239, %max3A_258 : vector<16xf32>
      %min3A_261 = arith.minimumf %min3A_241, %max3A_260 : vector<16xf32>
      %slice3A_262 = vector.extract_strided_slice %sort3A_48 {offsets = [15], sizes = [1], strides = [1]} : vector<16xf32> to vector<1xf32>
      %squeeze3A_263 = vector.extract %slice3A_262[0] : f32 from vector<1xf32>
      %broadcast_in_dim3A_264 = vector.broadcast %squeeze3A_263 : f32 to vector<16xf32>
      %max3A_265 = arith.maximumf %max3A_245, %broadcast_in_dim3A_264 : vector<16xf32>
      %min3A_266 = arith.minimumf %max3A_245, %broadcast_in_dim3A_264 : vector<16xf32>
      %max3A_267 = arith.maximumf %max3A_247, %min3A_266 : vector<16xf32>
      %min3A_268 = arith.minimumf %max3A_247, %min3A_266 : vector<16xf32>
      %max3A_269 = arith.maximumf %max3A_249, %min3A_268 : vector<16xf32>
      %min3A_270 = arith.minimumf %max3A_249, %min3A_268 : vector<16xf32>
      %max3A_271 = arith.maximumf %max3A_251, %min3A_270 : vector<16xf32>
      %slice3A_272 = vector.extract_strided_slice %sort3A_80 {offsets = [0], sizes = [1], strides = [1]} : vector<16xf32> to vector<1xf32>
      %squeeze3A_273 = vector.extract %slice3A_272[0] : f32 from vector<1xf32>
      %broadcast_in_dim3A_274 = vector.broadcast %squeeze3A_273 : f32 to vector<16xf32>
      %min3A_275 = arith.minimumf %min3A_255, %broadcast_in_dim3A_274 : vector<16xf32>
      %max3A_276 = arith.maximumf %min3A_255, %broadcast_in_dim3A_274 : vector<16xf32>
      %min3A_277 = arith.minimumf %min3A_257, %max3A_276 : vector<16xf32>
      %max3A_278 = arith.maximumf %min3A_257, %max3A_276 : vector<16xf32>
      %min3A_279 = arith.minimumf %min3A_259, %max3A_278 : vector<16xf32>
      %max3A_280 = arith.maximumf %min3A_259, %max3A_278 : vector<16xf32>
      %min3A_281 = arith.minimumf %min3A_261, %max3A_280 : vector<16xf32>
      %slice3A_282 = vector.extract_strided_slice %sort3A_48 {offsets = [14], sizes = [1], strides = [1]} : vector<16xf32> to vector<1xf32>
      %squeeze3A_283 = vector.extract %slice3A_282[0] : f32 from vector<1xf32>
      %broadcast_in_dim3A_284 = vector.broadcast %squeeze3A_283 : f32 to vector<16xf32>
      %max3A_285 = arith.maximumf %max3A_265, %broadcast_in_dim3A_284 : vector<16xf32>
      %min3A_286 = arith.minimumf %max3A_265, %broadcast_in_dim3A_284 : vector<16xf32>
      %max3A_287 = arith.maximumf %max3A_267, %min3A_286 : vector<16xf32>
      %min3A_288 = arith.minimumf %max3A_267, %min3A_286 : vector<16xf32>
      %max3A_289 = arith.maximumf %max3A_269, %min3A_288 : vector<16xf32>
      %min3A_290 = arith.minimumf %max3A_269, %min3A_288 : vector<16xf32>
      %max3A_291 = arith.maximumf %max3A_271, %min3A_290 : vector<16xf32>
      %slice3A_292 = vector.extract_strided_slice %sort3A_80 {offsets = [1], sizes = [1], strides = [1]} : vector<16xf32> to vector<1xf32>
      %squeeze3A_293 = vector.extract %slice3A_292[0] : f32 from vector<1xf32>
      %broadcast_in_dim3A_294 = vector.broadcast %squeeze3A_293 : f32 to vector<16xf32>
      %min3A_295 = arith.minimumf %min3A_275, %broadcast_in_dim3A_294 : vector<16xf32>
      %max3A_296 = arith.maximumf %min3A_275, %broadcast_in_dim3A_294 : vector<16xf32>
      %min3A_297 = arith.minimumf %min3A_277, %max3A_296 : vector<16xf32>
      %max3A_298 = arith.maximumf %min3A_277, %max3A_296 : vector<16xf32>
      %min3A_299 = arith.minimumf %min3A_279, %max3A_298 : vector<16xf32>
      %max3A_300 = arith.maximumf %min3A_279, %max3A_298 : vector<16xf32>
      %min3A_301 = arith.minimumf %min3A_281, %max3A_300 : vector<16xf32>
      %slice3A_302 = vector.extract_strided_slice %sort3A_48 {offsets = [13], sizes = [1], strides = [1]} : vector<16xf32> to vector<1xf32>
      %squeeze3A_303 = vector.extract %slice3A_302[0] : f32 from vector<1xf32>
      %broadcast_in_dim3A_304 = vector.broadcast %squeeze3A_303 : f32 to vector<16xf32>
      %max3A_305 = arith.maximumf %max3A_285, %broadcast_in_dim3A_304 : vector<16xf32>
      %min3A_306 = arith.minimumf %max3A_285, %broadcast_in_dim3A_304 : vector<16xf32>
      %max3A_307 = arith.maximumf %max3A_287, %min3A_306 : vector<16xf32>
      %min3A_308 = arith.minimumf %max3A_287, %min3A_306 : vector<16xf32>
      %max3A_309 = arith.maximumf %max3A_289, %min3A_308 : vector<16xf32>
      %min3A_310 = arith.minimumf %max3A_289, %min3A_308 : vector<16xf32>
      %max3A_311 = arith.maximumf %max3A_291, %min3A_310 : vector<16xf32>
      %slice3A_312 = vector.extract_strided_slice %sort3A_80 {offsets = [2], sizes = [1], strides = [1]} : vector<16xf32> to vector<1xf32>
      %squeeze3A_313 = vector.extract %slice3A_312[0] : f32 from vector<1xf32>
      %broadcast_in_dim3A_314 = vector.broadcast %squeeze3A_313 : f32 to vector<16xf32>
      %min3A_315 = arith.minimumf %min3A_295, %broadcast_in_dim3A_314 : vector<16xf32>
      %max3A_316 = arith.maximumf %min3A_295, %broadcast_in_dim3A_314 : vector<16xf32>
      %min3A_317 = arith.minimumf %min3A_297, %max3A_316 : vector<16xf32>
      %max3A_318 = arith.maximumf %min3A_297, %max3A_316 : vector<16xf32>
      %min3A_319 = arith.minimumf %min3A_299, %max3A_318 : vector<16xf32>
      %max3A_320 = arith.maximumf %min3A_299, %max3A_318 : vector<16xf32>
      %min3A_321 = arith.minimumf %min3A_301, %max3A_320 : vector<16xf32>
      %slice3A_322 = vector.extract_strided_slice %sort3A_48 {offsets = [12], sizes = [1], strides = [1]} : vector<16xf32> to vector<1xf32>
      %squeeze3A_323 = vector.extract %slice3A_322[0] : f32 from vector<1xf32>
      %broadcast_in_dim3A_324 = vector.broadcast %squeeze3A_323 : f32 to vector<16xf32>
      %max3A_325 = arith.maximumf %max3A_305, %broadcast_in_dim3A_324 : vector<16xf32>
      %min3A_326 = arith.minimumf %max3A_305, %broadcast_in_dim3A_324 : vector<16xf32>
      %max3A_327 = arith.maximumf %max3A_307, %min3A_326 : vector<16xf32>
      %min3A_328 = arith.minimumf %max3A_307, %min3A_326 : vector<16xf32>
      %max3A_329 = arith.maximumf %max3A_309, %min3A_328 : vector<16xf32>
      %min3A_330 = arith.minimumf %max3A_309, %min3A_328 : vector<16xf32>
      %max3A_331 = arith.maximumf %max3A_311, %min3A_330 : vector<16xf32>
      %slice3A_332 = vector.extract_strided_slice %sort3A_80 {offsets = [3], sizes = [1], strides = [1]} : vector<16xf32> to vector<1xf32>
      %squeeze3A_333 = vector.extract %slice3A_332[0] : f32 from vector<1xf32>
      %broadcast_in_dim3A_334 = vector.broadcast %squeeze3A_333 : f32 to vector<16xf32>
      %min3A_335 = arith.minimumf %min3A_315, %broadcast_in_dim3A_334 : vector<16xf32>
      %max3A_336 = arith.maximumf %min3A_315, %broadcast_in_dim3A_334 : vector<16xf32>
      %min3A_337 = arith.minimumf %min3A_317, %max3A_336 : vector<16xf32>
      %max3A_338 = arith.maximumf %min3A_317, %max3A_336 : vector<16xf32>
      %min3A_339 = arith.minimumf %min3A_319, %max3A_338 : vector<16xf32>
      %max3A_340 = arith.maximumf %min3A_319, %max3A_338 : vector<16xf32>
      %min3A_341 = arith.minimumf %min3A_321, %max3A_340 : vector<16xf32>
      %slice3A_342 = vector.extract_strided_slice %sort3A_52 {offsets = [15], sizes = [1], strides = [1]} : vector<16xf32> to vector<1xf32>
      %squeeze3A_343 = vector.extract %slice3A_342[0] : f32 from vector<1xf32>
      %broadcast_in_dim3A_344 = vector.broadcast %squeeze3A_343 : f32 to vector<16xf32>
      %max3A_345 = arith.maximumf %max3A_325, %broadcast_in_dim3A_344 : vector<16xf32>
      %min3A_346 = arith.minimumf %max3A_325, %broadcast_in_dim3A_344 : vector<16xf32>
      %max3A_347 = arith.maximumf %max3A_327, %min3A_346 : vector<16xf32>
      %min3A_348 = arith.minimumf %max3A_327, %min3A_346 : vector<16xf32>
      %max3A_349 = arith.maximumf %max3A_329, %min3A_348 : vector<16xf32>
      %min3A_350 = arith.minimumf %max3A_329, %min3A_348 : vector<16xf32>
      %max3A_351 = arith.maximumf %max3A_331, %min3A_350 : vector<16xf32>
      %slice3A_352 = vector.extract_strided_slice %sort3A_84 {offsets = [0], sizes = [1], strides = [1]} : vector<16xf32> to vector<1xf32>
      %squeeze3A_353 = vector.extract %slice3A_352[0] : f32 from vector<1xf32>
      %broadcast_in_dim3A_354 = vector.broadcast %squeeze3A_353 : f32 to vector<16xf32>
      %min3A_355 = arith.minimumf %min3A_335, %broadcast_in_dim3A_354 : vector<16xf32>
      %max3A_356 = arith.maximumf %min3A_335, %broadcast_in_dim3A_354 : vector<16xf32>
      %min3A_357 = arith.minimumf %min3A_337, %max3A_356 : vector<16xf32>
      %max3A_358 = arith.maximumf %min3A_337, %max3A_356 : vector<16xf32>
      %min3A_359 = arith.minimumf %min3A_339, %max3A_358 : vector<16xf32>
      %max3A_360 = arith.maximumf %min3A_339, %max3A_358 : vector<16xf32>
      %min3A_361 = arith.minimumf %min3A_341, %max3A_360 : vector<16xf32>
      %slice3A_362 = vector.extract_strided_slice %sort3A_52 {offsets = [14], sizes = [1], strides = [1]} : vector<16xf32> to vector<1xf32>
      %squeeze3A_363 = vector.extract %slice3A_362[0] : f32 from vector<1xf32>
      %broadcast_in_dim3A_364 = vector.broadcast %squeeze3A_363 : f32 to vector<16xf32>
      %max3A_365 = arith.maximumf %max3A_345, %broadcast_in_dim3A_364 : vector<16xf32>
      %min3A_366 = arith.minimumf %max3A_345, %broadcast_in_dim3A_364 : vector<16xf32>
      %max3A_367 = arith.maximumf %max3A_347, %min3A_366 : vector<16xf32>
      %min3A_368 = arith.minimumf %max3A_347, %min3A_366 : vector<16xf32>
      %max3A_369 = arith.maximumf %max3A_349, %min3A_368 : vector<16xf32>
      %min3A_370 = arith.minimumf %max3A_349, %min3A_368 : vector<16xf32>
      %max3A_371 = arith.maximumf %max3A_351, %min3A_370 : vector<16xf32>
      %slice3A_372 = vector.extract_strided_slice %sort3A_84 {offsets = [1], sizes = [1], strides = [1]} : vector<16xf32> to vector<1xf32>
      %squeeze3A_373 = vector.extract %slice3A_372[0] : f32 from vector<1xf32>
      %broadcast_in_dim3A_374 = vector.broadcast %squeeze3A_373 : f32 to vector<16xf32>
      %min3A_375 = arith.minimumf %min3A_355, %broadcast_in_dim3A_374 : vector<16xf32>
      %max3A_376 = arith.maximumf %min3A_355, %broadcast_in_dim3A_374 : vector<16xf32>
      %min3A_377 = arith.minimumf %min3A_357, %max3A_376 : vector<16xf32>
      %max3A_378 = arith.maximumf %min3A_357, %max3A_376 : vector<16xf32>
      %min3A_379 = arith.minimumf %min3A_359, %max3A_378 : vector<16xf32>
      %max3A_380 = arith.maximumf %min3A_359, %max3A_378 : vector<16xf32>
      %min3A_381 = arith.minimumf %min3A_361, %max3A_380 : vector<16xf32>
      %slice3A_382 = vector.extract_strided_slice %sort3A_52 {offsets = [13], sizes = [1], strides = [1]} : vector<16xf32> to vector<1xf32>
      %squeeze3A_383 = vector.extract %slice3A_382[0] : f32 from vector<1xf32>
      %broadcast_in_dim3A_384 = vector.broadcast %squeeze3A_383 : f32 to vector<16xf32>
      %max3A_385 = arith.maximumf %max3A_365, %broadcast_in_dim3A_384 : vector<16xf32>
      %min3A_386 = arith.minimumf %max3A_365, %broadcast_in_dim3A_384 : vector<16xf32>
      %max3A_387 = arith.maximumf %max3A_367, %min3A_386 : vector<16xf32>
      %min3A_388 = arith.minimumf %max3A_367, %min3A_386 : vector<16xf32>
      %max3A_389 = arith.maximumf %max3A_369, %min3A_388 : vector<16xf32>
      %min3A_390 = arith.minimumf %max3A_369, %min3A_388 : vector<16xf32>
      %max3A_391 = arith.maximumf %max3A_371, %min3A_390 : vector<16xf32>
      %slice3A_392 = vector.extract_strided_slice %sort3A_84 {offsets = [2], sizes = [1], strides = [1]} : vector<16xf32> to vector<1xf32>
      %squeeze3A_393 = vector.extract %slice3A_392[0] : f32 from vector<1xf32>
      %broadcast_in_dim3A_394 = vector.broadcast %squeeze3A_393 : f32 to vector<16xf32>
      %min3A_395 = arith.minimumf %min3A_375, %broadcast_in_dim3A_394 : vector<16xf32>
      %max3A_396 = arith.maximumf %min3A_375, %broadcast_in_dim3A_394 : vector<16xf32>
      %min3A_397 = arith.minimumf %min3A_377, %max3A_396 : vector<16xf32>
      %max3A_398 = arith.maximumf %min3A_377, %max3A_396 : vector<16xf32>
      %min3A_399 = arith.minimumf %min3A_379, %max3A_398 : vector<16xf32>
      %max3A_400 = arith.maximumf %min3A_379, %max3A_398 : vector<16xf32>
      %min3A_401 = arith.minimumf %min3A_381, %max3A_400 : vector<16xf32>
      %slice3A_402 = vector.extract_strided_slice %sort3A_52 {offsets = [12], sizes = [1], strides = [1]} : vector<16xf32> to vector<1xf32>
      %squeeze3A_403 = vector.extract %slice3A_402[0] : f32 from vector<1xf32>
      %broadcast_in_dim3A_404 = vector.broadcast %squeeze3A_403 : f32 to vector<16xf32>
      %max3A_405 = arith.maximumf %max3A_385, %broadcast_in_dim3A_404 : vector<16xf32>
      %min3A_406 = arith.minimumf %max3A_385, %broadcast_in_dim3A_404 : vector<16xf32>
      %max3A_407 = arith.maximumf %max3A_387, %min3A_406 : vector<16xf32>
      %min3A_408 = arith.minimumf %max3A_387, %min3A_406 : vector<16xf32>
      %max3A_409 = arith.maximumf %max3A_389, %min3A_408 : vector<16xf32>
      %min3A_410 = arith.minimumf %max3A_389, %min3A_408 : vector<16xf32>
      %max3A_411 = arith.maximumf %max3A_391, %min3A_410 : vector<16xf32>
      %slice3A_412 = vector.extract_strided_slice %sort3A_84 {offsets = [3], sizes = [1], strides = [1]} : vector<16xf32> to vector<1xf32>
      %squeeze3A_413 = vector.extract %slice3A_412[0] : f32 from vector<1xf32>
      %broadcast_in_dim3A_414 = vector.broadcast %squeeze3A_413 : f32 to vector<16xf32>
      %min3A_415 = arith.minimumf %min3A_395, %broadcast_in_dim3A_414 : vector<16xf32>
      %max3A_416 = arith.maximumf %min3A_395, %broadcast_in_dim3A_414 : vector<16xf32>
      %min3A_417 = arith.minimumf %min3A_397, %max3A_416 : vector<16xf32>
      %max3A_418 = arith.maximumf %min3A_397, %max3A_416 : vector<16xf32>
      %min3A_419 = arith.minimumf %min3A_399, %max3A_418 : vector<16xf32>
      %max3A_420 = arith.maximumf %min3A_399, %max3A_418 : vector<16xf32>
      %min3A_421 = arith.minimumf %min3A_401, %max3A_420 : vector<16xf32>
      %slice3A_422 = vector.extract_strided_slice %sort3A_56 {offsets = [15], sizes = [1], strides = [1]} : vector<16xf32> to vector<1xf32>
      %squeeze3A_423 = vector.extract %slice3A_422[0] : f32 from vector<1xf32>
      %broadcast_in_dim3A_424 = vector.broadcast %squeeze3A_423 : f32 to vector<16xf32>
      %max3A_425 = arith.maximumf %max3A_405, %broadcast_in_dim3A_424 : vector<16xf32>
      %min3A_426 = arith.minimumf %max3A_405, %broadcast_in_dim3A_424 : vector<16xf32>
      %max3A_427 = arith.maximumf %max3A_407, %min3A_426 : vector<16xf32>
      %min3A_428 = arith.minimumf %max3A_407, %min3A_426 : vector<16xf32>
      %max3A_429 = arith.maximumf %max3A_409, %min3A_428 : vector<16xf32>
      %min3A_430 = arith.minimumf %max3A_409, %min3A_428 : vector<16xf32>
      %max3A_431 = arith.maximumf %max3A_411, %min3A_430 : vector<16xf32>
      %slice3A_432 = vector.extract_strided_slice %sort3A_88 {offsets = [0], sizes = [1], strides = [1]} : vector<16xf32> to vector<1xf32>
      %squeeze3A_433 = vector.extract %slice3A_432[0] : f32 from vector<1xf32>
      %broadcast_in_dim3A_434 = vector.broadcast %squeeze3A_433 : f32 to vector<16xf32>
      %min3A_435 = arith.minimumf %min3A_415, %broadcast_in_dim3A_434 : vector<16xf32>
      %max3A_436 = arith.maximumf %min3A_415, %broadcast_in_dim3A_434 : vector<16xf32>
      %min3A_437 = arith.minimumf %min3A_417, %max3A_436 : vector<16xf32>
      %max3A_438 = arith.maximumf %min3A_417, %max3A_436 : vector<16xf32>
      %min3A_439 = arith.minimumf %min3A_419, %max3A_438 : vector<16xf32>
      %max3A_440 = arith.maximumf %min3A_419, %max3A_438 : vector<16xf32>
      %min3A_441 = arith.minimumf %min3A_421, %max3A_440 : vector<16xf32>
      %slice3A_442 = vector.extract_strided_slice %sort3A_56 {offsets = [14], sizes = [1], strides = [1]} : vector<16xf32> to vector<1xf32>
      %squeeze3A_443 = vector.extract %slice3A_442[0] : f32 from vector<1xf32>
      %broadcast_in_dim3A_444 = vector.broadcast %squeeze3A_443 : f32 to vector<16xf32>
      %max3A_445 = arith.maximumf %max3A_425, %broadcast_in_dim3A_444 : vector<16xf32>
      %min3A_446 = arith.minimumf %max3A_425, %broadcast_in_dim3A_444 : vector<16xf32>
      %max3A_447 = arith.maximumf %max3A_427, %min3A_446 : vector<16xf32>
      %min3A_448 = arith.minimumf %max3A_427, %min3A_446 : vector<16xf32>
      %max3A_449 = arith.maximumf %max3A_429, %min3A_448 : vector<16xf32>
      %min3A_450 = arith.minimumf %max3A_429, %min3A_448 : vector<16xf32>
      %max3A_451 = arith.maximumf %max3A_431, %min3A_450 : vector<16xf32>
      %slice3A_452 = vector.extract_strided_slice %sort3A_88 {offsets = [1], sizes = [1], strides = [1]} : vector<16xf32> to vector<1xf32>
      %squeeze3A_453 = vector.extract %slice3A_452[0] : f32 from vector<1xf32>
      %broadcast_in_dim3A_454 = vector.broadcast %squeeze3A_453 : f32 to vector<16xf32>
      %min3A_455 = arith.minimumf %min3A_435, %broadcast_in_dim3A_454 : vector<16xf32>
      %max3A_456 = arith.maximumf %min3A_435, %broadcast_in_dim3A_454 : vector<16xf32>
      %min3A_457 = arith.minimumf %min3A_437, %max3A_456 : vector<16xf32>
      %max3A_458 = arith.maximumf %min3A_437, %max3A_456 : vector<16xf32>
      %min3A_459 = arith.minimumf %min3A_439, %max3A_458 : vector<16xf32>
      %max3A_460 = arith.maximumf %min3A_439, %max3A_458 : vector<16xf32>
      %min3A_461 = arith.minimumf %min3A_441, %max3A_460 : vector<16xf32>
      %slice3A_462 = vector.extract_strided_slice %sort3A_56 {offsets = [13], sizes = [1], strides = [1]} : vector<16xf32> to vector<1xf32>
      %squeeze3A_463 = vector.extract %slice3A_462[0] : f32 from vector<1xf32>
      %broadcast_in_dim3A_464 = vector.broadcast %squeeze3A_463 : f32 to vector<16xf32>
      %max3A_465 = arith.maximumf %max3A_445, %broadcast_in_dim3A_464 : vector<16xf32>
      %min3A_466 = arith.minimumf %max3A_445, %broadcast_in_dim3A_464 : vector<16xf32>
      %max3A_467 = arith.maximumf %max3A_447, %min3A_466 : vector<16xf32>
      %min3A_468 = arith.minimumf %max3A_447, %min3A_466 : vector<16xf32>
      %max3A_469 = arith.maximumf %max3A_449, %min3A_468 : vector<16xf32>
      %min3A_470 = arith.minimumf %max3A_449, %min3A_468 : vector<16xf32>
      %max3A_471 = arith.maximumf %max3A_451, %min3A_470 : vector<16xf32>
      %slice3A_472 = vector.extract_strided_slice %sort3A_88 {offsets = [2], sizes = [1], strides = [1]} : vector<16xf32> to vector<1xf32>
      %squeeze3A_473 = vector.extract %slice3A_472[0] : f32 from vector<1xf32>
      %broadcast_in_dim3A_474 = vector.broadcast %squeeze3A_473 : f32 to vector<16xf32>
      %min3A_475 = arith.minimumf %min3A_455, %broadcast_in_dim3A_474 : vector<16xf32>
      %max3A_476 = arith.maximumf %min3A_455, %broadcast_in_dim3A_474 : vector<16xf32>
      %min3A_477 = arith.minimumf %min3A_457, %max3A_476 : vector<16xf32>
      %max3A_478 = arith.maximumf %min3A_457, %max3A_476 : vector<16xf32>
      %min3A_479 = arith.minimumf %min3A_459, %max3A_478 : vector<16xf32>
      %max3A_480 = arith.maximumf %min3A_459, %max3A_478 : vector<16xf32>
      %min3A_481 = arith.minimumf %min3A_461, %max3A_480 : vector<16xf32>
      %slice3A_482 = vector.extract_strided_slice %sort3A_56 {offsets = [12], sizes = [1], strides = [1]} : vector<16xf32> to vector<1xf32>
      %squeeze3A_483 = vector.extract %slice3A_482[0] : f32 from vector<1xf32>
      %broadcast_in_dim3A_484 = vector.broadcast %squeeze3A_483 : f32 to vector<16xf32>
      %max3A_485 = arith.maximumf %max3A_465, %broadcast_in_dim3A_484 : vector<16xf32>
      %min3A_486 = arith.minimumf %max3A_465, %broadcast_in_dim3A_484 : vector<16xf32>
      %max3A_487 = arith.maximumf %max3A_467, %min3A_486 : vector<16xf32>
      %min3A_488 = arith.minimumf %max3A_467, %min3A_486 : vector<16xf32>
      %max3A_489 = arith.maximumf %max3A_469, %min3A_488 : vector<16xf32>
      %min3A_490 = arith.minimumf %max3A_469, %min3A_488 : vector<16xf32>
      %max3A_491 = arith.maximumf %max3A_471, %min3A_490 : vector<16xf32>
      %slice3A_492 = vector.extract_strided_slice %sort3A_88 {offsets = [3], sizes = [1], strides = [1]} : vector<16xf32> to vector<1xf32>
      %squeeze3A_493 = vector.extract %slice3A_492[0] : f32 from vector<1xf32>
      %broadcast_in_dim3A_494 = vector.broadcast %squeeze3A_493 : f32 to vector<16xf32>
      %min3A_495 = arith.minimumf %min3A_475, %broadcast_in_dim3A_494 : vector<16xf32>
      %max3A_496 = arith.maximumf %min3A_475, %broadcast_in_dim3A_494 : vector<16xf32>
      %min3A_497 = arith.minimumf %min3A_477, %max3A_496 : vector<16xf32>
      %max3A_498 = arith.maximumf %min3A_477, %max3A_496 : vector<16xf32>
      %min3A_499 = arith.minimumf %min3A_479, %max3A_498 : vector<16xf32>
      %max3A_500 = arith.maximumf %min3A_479, %max3A_498 : vector<16xf32>
      %min3A_501 = arith.minimumf %min3A_481, %max3A_500 : vector<16xf32>
      %slice3A_502 = vector.extract_strided_slice %sort3A_60 {offsets = [15], sizes = [1], strides = [1]} : vector<16xf32> to vector<1xf32>
      %squeeze3A_503 = vector.extract %slice3A_502[0] : f32 from vector<1xf32>
      %broadcast_in_dim3A_504 = vector.broadcast %squeeze3A_503 : f32 to vector<16xf32>
      %max3A_505 = arith.maximumf %max3A_485, %broadcast_in_dim3A_504 : vector<16xf32>
      %min3A_506 = arith.minimumf %max3A_485, %broadcast_in_dim3A_504 : vector<16xf32>
      %max3A_507 = arith.maximumf %max3A_487, %min3A_506 : vector<16xf32>
      %min3A_508 = arith.minimumf %max3A_487, %min3A_506 : vector<16xf32>
      %max3A_509 = arith.maximumf %max3A_489, %min3A_508 : vector<16xf32>
      %min3A_510 = arith.minimumf %max3A_489, %min3A_508 : vector<16xf32>
      %max3A_511 = arith.maximumf %max3A_491, %min3A_510 : vector<16xf32>
      %slice3A_512 = vector.extract_strided_slice %sort3A_92 {offsets = [0], sizes = [1], strides = [1]} : vector<16xf32> to vector<1xf32>
      %squeeze3A_513 = vector.extract %slice3A_512[0] : f32 from vector<1xf32>
      %broadcast_in_dim3A_514 = vector.broadcast %squeeze3A_513 : f32 to vector<16xf32>
      %min3A_515 = arith.minimumf %min3A_495, %broadcast_in_dim3A_514 : vector<16xf32>
      %max3A_516 = arith.maximumf %min3A_495, %broadcast_in_dim3A_514 : vector<16xf32>
      %min3A_517 = arith.minimumf %min3A_497, %max3A_516 : vector<16xf32>
      %max3A_518 = arith.maximumf %min3A_497, %max3A_516 : vector<16xf32>
      %min3A_519 = arith.minimumf %min3A_499, %max3A_518 : vector<16xf32>
      %max3A_520 = arith.maximumf %min3A_499, %max3A_518 : vector<16xf32>
      %min3A_521 = arith.minimumf %min3A_501, %max3A_520 : vector<16xf32>
      %slice3A_522 = vector.extract_strided_slice %sort3A_60 {offsets = [14], sizes = [1], strides = [1]} : vector<16xf32> to vector<1xf32>
      %squeeze3A_523 = vector.extract %slice3A_522[0] : f32 from vector<1xf32>
      %broadcast_in_dim3A_524 = vector.broadcast %squeeze3A_523 : f32 to vector<16xf32>
      %max3A_525 = arith.maximumf %max3A_505, %broadcast_in_dim3A_524 : vector<16xf32>
      %min3A_526 = arith.minimumf %max3A_505, %broadcast_in_dim3A_524 : vector<16xf32>
      %max3A_527 = arith.maximumf %max3A_507, %min3A_526 : vector<16xf32>
      %min3A_528 = arith.minimumf %max3A_507, %min3A_526 : vector<16xf32>
      %max3A_529 = arith.maximumf %max3A_509, %min3A_528 : vector<16xf32>
      %min3A_530 = arith.minimumf %max3A_509, %min3A_528 : vector<16xf32>
      %max3A_531 = arith.maximumf %max3A_511, %min3A_530 : vector<16xf32>
      %slice3A_532 = vector.extract_strided_slice %sort3A_92 {offsets = [1], sizes = [1], strides = [1]} : vector<16xf32> to vector<1xf32>
      %squeeze3A_533 = vector.extract %slice3A_532[0] : f32 from vector<1xf32>
      %broadcast_in_dim3A_534 = vector.broadcast %squeeze3A_533 : f32 to vector<16xf32>
      %min3A_535 = arith.minimumf %min3A_515, %broadcast_in_dim3A_534 : vector<16xf32>
      %max3A_536 = arith.maximumf %min3A_515, %broadcast_in_dim3A_534 : vector<16xf32>
      %min3A_537 = arith.minimumf %min3A_517, %max3A_536 : vector<16xf32>
      %max3A_538 = arith.maximumf %min3A_517, %max3A_536 : vector<16xf32>
      %min3A_539 = arith.minimumf %min3A_519, %max3A_538 : vector<16xf32>
      %max3A_540 = arith.maximumf %min3A_519, %max3A_538 : vector<16xf32>
      %min3A_541 = arith.minimumf %min3A_521, %max3A_540 : vector<16xf32>
      %slice3A_542 = vector.extract_strided_slice %sort3A_60 {offsets = [13], sizes = [1], strides = [1]} : vector<16xf32> to vector<1xf32>
      %squeeze3A_543 = vector.extract %slice3A_542[0] : f32 from vector<1xf32>
      %broadcast_in_dim3A_544 = vector.broadcast %squeeze3A_543 : f32 to vector<16xf32>
      %max3A_545 = arith.maximumf %max3A_525, %broadcast_in_dim3A_544 : vector<16xf32>
      %min3A_546 = arith.minimumf %max3A_525, %broadcast_in_dim3A_544 : vector<16xf32>
      %max3A_547 = arith.maximumf %max3A_527, %min3A_546 : vector<16xf32>
      %min3A_548 = arith.minimumf %max3A_527, %min3A_546 : vector<16xf32>
      %max3A_549 = arith.maximumf %max3A_529, %min3A_548 : vector<16xf32>
      %min3A_550 = arith.minimumf %max3A_529, %min3A_548 : vector<16xf32>
      %max3A_551 = arith.maximumf %max3A_531, %min3A_550 : vector<16xf32>
      %slice3A_552 = vector.extract_strided_slice %sort3A_92 {offsets = [2], sizes = [1], strides = [1]} : vector<16xf32> to vector<1xf32>
      %squeeze3A_553 = vector.extract %slice3A_552[0] : f32 from vector<1xf32>
      %broadcast_in_dim3A_554 = vector.broadcast %squeeze3A_553 : f32 to vector<16xf32>
      %min3A_555 = arith.minimumf %min3A_535, %broadcast_in_dim3A_554 : vector<16xf32>
      %max3A_556 = arith.maximumf %min3A_535, %broadcast_in_dim3A_554 : vector<16xf32>
      %min3A_557 = arith.minimumf %min3A_537, %max3A_556 : vector<16xf32>
      %max3A_558 = arith.maximumf %min3A_537, %max3A_556 : vector<16xf32>
      %min3A_559 = arith.minimumf %min3A_539, %max3A_558 : vector<16xf32>
      %max3A_560 = arith.maximumf %min3A_539, %max3A_558 : vector<16xf32>
      %min3A_561 = arith.minimumf %min3A_541, %max3A_560 : vector<16xf32>
      %slice3A_562 = vector.extract_strided_slice %sort3A_60 {offsets = [12], sizes = [1], strides = [1]} : vector<16xf32> to vector<1xf32>
      %squeeze3A_563 = vector.extract %slice3A_562[0] : f32 from vector<1xf32>
      %broadcast_in_dim3A_564 = vector.broadcast %squeeze3A_563 : f32 to vector<16xf32>
      %max3A_565 = arith.maximumf %max3A_545, %broadcast_in_dim3A_564 : vector<16xf32>
      %min3A_566 = arith.minimumf %max3A_545, %broadcast_in_dim3A_564 : vector<16xf32>
      %max3A_567 = arith.maximumf %max3A_547, %min3A_566 : vector<16xf32>
      %min3A_568 = arith.minimumf %max3A_547, %min3A_566 : vector<16xf32>
      %max3A_569 = arith.maximumf %max3A_549, %min3A_568 : vector<16xf32>
      %min3A_570 = arith.minimumf %max3A_549, %min3A_568 : vector<16xf32>
      %max3A_571 = arith.maximumf %max3A_551, %min3A_570 : vector<16xf32>
      %slice3A_572 = vector.extract_strided_slice %sort3A_92 {offsets = [3], sizes = [1], strides = [1]} : vector<16xf32> to vector<1xf32>
      %squeeze3A_573 = vector.extract %slice3A_572[0] : f32 from vector<1xf32>
      %broadcast_in_dim3A_574 = vector.broadcast %squeeze3A_573 : f32 to vector<16xf32>
      %min3A_575 = arith.minimumf %min3A_555, %broadcast_in_dim3A_574 : vector<16xf32>
      %max3A_576 = arith.maximumf %min3A_555, %broadcast_in_dim3A_574 : vector<16xf32>
      %min3A_577 = arith.minimumf %min3A_557, %max3A_576 : vector<16xf32>
      %max3A_578 = arith.maximumf %min3A_557, %max3A_576 : vector<16xf32>
      %min3A_579 = arith.minimumf %min3A_559, %max3A_578 : vector<16xf32>
      %max3A_580 = arith.maximumf %min3A_559, %max3A_578 : vector<16xf32>
      %min3A_581 = arith.minimumf %min3A_561, %max3A_580 : vector<16xf32>
      %slice3A_582 = vector.extract_strided_slice %sort3A_64 {offsets = [15], sizes = [1], strides = [1]} : vector<16xf32> to vector<1xf32>
      %squeeze3A_583 = vector.extract %slice3A_582[0] : f32 from vector<1xf32>
      %broadcast_in_dim3A_584 = vector.broadcast %squeeze3A_583 : f32 to vector<16xf32>
      %max3A_585 = arith.maximumf %max3A_565, %broadcast_in_dim3A_584 : vector<16xf32>
      %min3A_586 = arith.minimumf %max3A_565, %broadcast_in_dim3A_584 : vector<16xf32>
      %max3A_587 = arith.maximumf %max3A_567, %min3A_586 : vector<16xf32>
      %min3A_588 = arith.minimumf %max3A_567, %min3A_586 : vector<16xf32>
      %max3A_589 = arith.maximumf %max3A_569, %min3A_588 : vector<16xf32>
      %min3A_590 = arith.minimumf %max3A_569, %min3A_588 : vector<16xf32>
      %max3A_591 = arith.maximumf %max3A_571, %min3A_590 : vector<16xf32>
      %slice3A_592 = vector.extract_strided_slice %sort3A_96 {offsets = [0], sizes = [1], strides = [1]} : vector<16xf32> to vector<1xf32>
      %squeeze3A_593 = vector.extract %slice3A_592[0] : f32 from vector<1xf32>
      %broadcast_in_dim3A_594 = vector.broadcast %squeeze3A_593 : f32 to vector<16xf32>
      %min3A_595 = arith.minimumf %min3A_575, %broadcast_in_dim3A_594 : vector<16xf32>
      %max3A_596 = arith.maximumf %min3A_575, %broadcast_in_dim3A_594 : vector<16xf32>
      %min3A_597 = arith.minimumf %min3A_577, %max3A_596 : vector<16xf32>
      %max3A_598 = arith.maximumf %min3A_577, %max3A_596 : vector<16xf32>
      %min3A_599 = arith.minimumf %min3A_579, %max3A_598 : vector<16xf32>
      %max3A_600 = arith.maximumf %min3A_579, %max3A_598 : vector<16xf32>
      %min3A_601 = arith.minimumf %min3A_581, %max3A_600 : vector<16xf32>
      %slice3A_602 = vector.extract_strided_slice %sort3A_64 {offsets = [14], sizes = [1], strides = [1]} : vector<16xf32> to vector<1xf32>
      %squeeze3A_603 = vector.extract %slice3A_602[0] : f32 from vector<1xf32>
      %broadcast_in_dim3A_604 = vector.broadcast %squeeze3A_603 : f32 to vector<16xf32>
      %max3A_605 = arith.maximumf %max3A_585, %broadcast_in_dim3A_604 : vector<16xf32>
      %min3A_606 = arith.minimumf %max3A_585, %broadcast_in_dim3A_604 : vector<16xf32>
      %max3A_607 = arith.maximumf %max3A_587, %min3A_606 : vector<16xf32>
      %min3A_608 = arith.minimumf %max3A_587, %min3A_606 : vector<16xf32>
      %max3A_609 = arith.maximumf %max3A_589, %min3A_608 : vector<16xf32>
      %min3A_610 = arith.minimumf %max3A_589, %min3A_608 : vector<16xf32>
      %max3A_611 = arith.maximumf %max3A_591, %min3A_610 : vector<16xf32>
      %slice3A_612 = vector.extract_strided_slice %sort3A_96 {offsets = [1], sizes = [1], strides = [1]} : vector<16xf32> to vector<1xf32>
      %squeeze3A_613 = vector.extract %slice3A_612[0] : f32 from vector<1xf32>
      %broadcast_in_dim3A_614 = vector.broadcast %squeeze3A_613 : f32 to vector<16xf32>
      %min3A_615 = arith.minimumf %min3A_595, %broadcast_in_dim3A_614 : vector<16xf32>
      %max3A_616 = arith.maximumf %min3A_595, %broadcast_in_dim3A_614 : vector<16xf32>
      %min3A_617 = arith.minimumf %min3A_597, %max3A_616 : vector<16xf32>
      %max3A_618 = arith.maximumf %min3A_597, %max3A_616 : vector<16xf32>
      %min3A_619 = arith.minimumf %min3A_599, %max3A_618 : vector<16xf32>
      %max3A_620 = arith.maximumf %min3A_599, %max3A_618 : vector<16xf32>
      %min3A_621 = arith.minimumf %min3A_601, %max3A_620 : vector<16xf32>
      %slice3A_622 = vector.extract_strided_slice %sort3A_64 {offsets = [13], sizes = [1], strides = [1]} : vector<16xf32> to vector<1xf32>
      %squeeze3A_623 = vector.extract %slice3A_622[0] : f32 from vector<1xf32>
      %broadcast_in_dim3A_624 = vector.broadcast %squeeze3A_623 : f32 to vector<16xf32>
      %max3A_625 = arith.maximumf %max3A_605, %broadcast_in_dim3A_624 : vector<16xf32>
      %min3A_626 = arith.minimumf %max3A_605, %broadcast_in_dim3A_624 : vector<16xf32>
      %max3A_627 = arith.maximumf %max3A_607, %min3A_626 : vector<16xf32>
      %min3A_628 = arith.minimumf %max3A_607, %min3A_626 : vector<16xf32>
      %max3A_629 = arith.maximumf %max3A_609, %min3A_628 : vector<16xf32>
      %min3A_630 = arith.minimumf %max3A_609, %min3A_628 : vector<16xf32>
      %max3A_631 = arith.maximumf %max3A_611, %min3A_630 : vector<16xf32>
      %slice3A_632 = vector.extract_strided_slice %sort3A_96 {offsets = [2], sizes = [1], strides = [1]} : vector<16xf32> to vector<1xf32>
      %squeeze3A_633 = vector.extract %slice3A_632[0] : f32 from vector<1xf32>
      %broadcast_in_dim3A_634 = vector.broadcast %squeeze3A_633 : f32 to vector<16xf32>
      %min3A_635 = arith.minimumf %min3A_615, %broadcast_in_dim3A_634 : vector<16xf32>
      %max3A_636 = arith.maximumf %min3A_615, %broadcast_in_dim3A_634 : vector<16xf32>
      %min3A_637 = arith.minimumf %min3A_617, %max3A_636 : vector<16xf32>
      %max3A_638 = arith.maximumf %min3A_617, %max3A_636 : vector<16xf32>
      %min3A_639 = arith.minimumf %min3A_619, %max3A_638 : vector<16xf32>
      %max3A_640 = arith.maximumf %min3A_619, %max3A_638 : vector<16xf32>
      %min3A_641 = arith.minimumf %min3A_621, %max3A_640 : vector<16xf32>
      %slice3A_642 = vector.extract_strided_slice %sort3A_64 {offsets = [12], sizes = [1], strides = [1]} : vector<16xf32> to vector<1xf32>
      %squeeze3A_643 = vector.extract %slice3A_642[0] : f32 from vector<1xf32>
      %broadcast_in_dim3A_644 = vector.broadcast %squeeze3A_643 : f32 to vector<16xf32>
      %max3A_645 = arith.maximumf %max3A_625, %broadcast_in_dim3A_644 : vector<16xf32>
      %min3A_646 = arith.minimumf %max3A_625, %broadcast_in_dim3A_644 : vector<16xf32>
      %max3A_647 = arith.maximumf %max3A_627, %min3A_646 : vector<16xf32>
      %min3A_648 = arith.minimumf %max3A_627, %min3A_646 : vector<16xf32>
      %max3A_649 = arith.maximumf %max3A_629, %min3A_648 : vector<16xf32>
      %min3A_650 = arith.minimumf %max3A_629, %min3A_648 : vector<16xf32>
      %max3A_651 = arith.maximumf %max3A_631, %min3A_650 : vector<16xf32>
      %slice3A_652 = vector.extract_strided_slice %sort3A_96 {offsets = [3], sizes = [1], strides = [1]} : vector<16xf32> to vector<1xf32>
      %squeeze3A_653 = vector.extract %slice3A_652[0] : f32 from vector<1xf32>
      %broadcast_in_dim3A_654 = vector.broadcast %squeeze3A_653 : f32 to vector<16xf32>
      %min3A_655 = arith.minimumf %min3A_635, %broadcast_in_dim3A_654 : vector<16xf32>
      %max3A_656 = arith.maximumf %min3A_635, %broadcast_in_dim3A_654 : vector<16xf32>
      %min3A_657 = arith.minimumf %min3A_637, %max3A_656 : vector<16xf32>
      %max3A_658 = arith.maximumf %min3A_637, %max3A_656 : vector<16xf32>
      %min3A_659 = arith.minimumf %min3A_639, %max3A_658 : vector<16xf32>
      %max3A_660 = arith.maximumf %min3A_639, %max3A_658 : vector<16xf32>
      %min3A_661 = arith.minimumf %min3A_641, %max3A_660 : vector<16xf32>
      %slice3A_662 = vector.extract_strided_slice %sort3A_68 {offsets = [15], sizes = [1], strides = [1]} : vector<16xf32> to vector<1xf32>
      %squeeze3A_663 = vector.extract %slice3A_662[0] : f32 from vector<1xf32>
      %broadcast_in_dim3A_664 = vector.broadcast %squeeze3A_663 : f32 to vector<16xf32>
      %max3A_665 = arith.maximumf %max3A_645, %broadcast_in_dim3A_664 : vector<16xf32>
      %min3A_666 = arith.minimumf %max3A_645, %broadcast_in_dim3A_664 : vector<16xf32>
      %max3A_667 = arith.maximumf %max3A_647, %min3A_666 : vector<16xf32>
      %min3A_668 = arith.minimumf %max3A_647, %min3A_666 : vector<16xf32>
      %max3A_669 = arith.maximumf %max3A_649, %min3A_668 : vector<16xf32>
      %min3A_670 = arith.minimumf %max3A_649, %min3A_668 : vector<16xf32>
      %max3A_671 = arith.maximumf %max3A_651, %min3A_670 : vector<16xf32>
      %slice3A_672 = vector.extract_strided_slice %sort3A_100 {offsets = [0], sizes = [1], strides = [1]} : vector<16xf32> to vector<1xf32>
      %squeeze3A_673 = vector.extract %slice3A_672[0] : f32 from vector<1xf32>
      %broadcast_in_dim3A_674 = vector.broadcast %squeeze3A_673 : f32 to vector<16xf32>
      %min3A_675 = arith.minimumf %min3A_655, %broadcast_in_dim3A_674 : vector<16xf32>
      %max3A_676 = arith.maximumf %min3A_655, %broadcast_in_dim3A_674 : vector<16xf32>
      %min3A_677 = arith.minimumf %min3A_657, %max3A_676 : vector<16xf32>
      %max3A_678 = arith.maximumf %min3A_657, %max3A_676 : vector<16xf32>
      %min3A_679 = arith.minimumf %min3A_659, %max3A_678 : vector<16xf32>
      %max3A_680 = arith.maximumf %min3A_659, %max3A_678 : vector<16xf32>
      %min3A_681 = arith.minimumf %min3A_661, %max3A_680 : vector<16xf32>
      %slice3A_682 = vector.extract_strided_slice %sort3A_68 {offsets = [14], sizes = [1], strides = [1]} : vector<16xf32> to vector<1xf32>
      %squeeze3A_683 = vector.extract %slice3A_682[0] : f32 from vector<1xf32>
      %broadcast_in_dim3A_684 = vector.broadcast %squeeze3A_683 : f32 to vector<16xf32>
      %max3A_685 = arith.maximumf %max3A_665, %broadcast_in_dim3A_684 : vector<16xf32>
      %min3A_686 = arith.minimumf %max3A_665, %broadcast_in_dim3A_684 : vector<16xf32>
      %max3A_687 = arith.maximumf %max3A_667, %min3A_686 : vector<16xf32>
      %min3A_688 = arith.minimumf %max3A_667, %min3A_686 : vector<16xf32>
      %max3A_689 = arith.maximumf %max3A_669, %min3A_688 : vector<16xf32>
      %min3A_690 = arith.minimumf %max3A_669, %min3A_688 : vector<16xf32>
      %max3A_691 = arith.maximumf %max3A_671, %min3A_690 : vector<16xf32>
      %slice3A_692 = vector.extract_strided_slice %sort3A_100 {offsets = [1], sizes = [1], strides = [1]} : vector<16xf32> to vector<1xf32>
      %squeeze3A_693 = vector.extract %slice3A_692[0] : f32 from vector<1xf32>
      %broadcast_in_dim3A_694 = vector.broadcast %squeeze3A_693 : f32 to vector<16xf32>
      %min3A_695 = arith.minimumf %min3A_675, %broadcast_in_dim3A_694 : vector<16xf32>
      %max3A_696 = arith.maximumf %min3A_675, %broadcast_in_dim3A_694 : vector<16xf32>
      %min3A_697 = arith.minimumf %min3A_677, %max3A_696 : vector<16xf32>
      %max3A_698 = arith.maximumf %min3A_677, %max3A_696 : vector<16xf32>
      %min3A_699 = arith.minimumf %min3A_679, %max3A_698 : vector<16xf32>
      %max3A_700 = arith.maximumf %min3A_679, %max3A_698 : vector<16xf32>
      %min3A_701 = arith.minimumf %min3A_681, %max3A_700 : vector<16xf32>
      %slice3A_702 = vector.extract_strided_slice %sort3A_68 {offsets = [13], sizes = [1], strides = [1]} : vector<16xf32> to vector<1xf32>
      %squeeze3A_703 = vector.extract %slice3A_702[0] : f32 from vector<1xf32>
      %broadcast_in_dim3A_704 = vector.broadcast %squeeze3A_703 : f32 to vector<16xf32>
      %max3A_705 = arith.maximumf %max3A_685, %broadcast_in_dim3A_704 : vector<16xf32>
      %min3A_706 = arith.minimumf %max3A_685, %broadcast_in_dim3A_704 : vector<16xf32>
      %max3A_707 = arith.maximumf %max3A_687, %min3A_706 : vector<16xf32>
      %min3A_708 = arith.minimumf %max3A_687, %min3A_706 : vector<16xf32>
      %max3A_709 = arith.maximumf %max3A_689, %min3A_708 : vector<16xf32>
      %min3A_710 = arith.minimumf %max3A_689, %min3A_708 : vector<16xf32>
      %max3A_711 = arith.maximumf %max3A_691, %min3A_710 : vector<16xf32>
      %slice3A_712 = vector.extract_strided_slice %sort3A_100 {offsets = [2], sizes = [1], strides = [1]} : vector<16xf32> to vector<1xf32>
      %squeeze3A_713 = vector.extract %slice3A_712[0] : f32 from vector<1xf32>
      %broadcast_in_dim3A_714 = vector.broadcast %squeeze3A_713 : f32 to vector<16xf32>
      %min3A_715 = arith.minimumf %min3A_695, %broadcast_in_dim3A_714 : vector<16xf32>
      %max3A_716 = arith.maximumf %min3A_695, %broadcast_in_dim3A_714 : vector<16xf32>
      %min3A_717 = arith.minimumf %min3A_697, %max3A_716 : vector<16xf32>
      %max3A_718 = arith.maximumf %min3A_697, %max3A_716 : vector<16xf32>
      %min3A_719 = arith.minimumf %min3A_699, %max3A_718 : vector<16xf32>
      %max3A_720 = arith.maximumf %min3A_699, %max3A_718 : vector<16xf32>
      %min3A_721 = arith.minimumf %min3A_701, %max3A_720 : vector<16xf32>
      %slice3A_722 = vector.extract_strided_slice %sort3A_68 {offsets = [12], sizes = [1], strides = [1]} : vector<16xf32> to vector<1xf32>
      %squeeze3A_723 = vector.extract %slice3A_722[0] : f32 from vector<1xf32>
      %broadcast_in_dim3A_724 = vector.broadcast %squeeze3A_723 : f32 to vector<16xf32>
      %max3A_725 = arith.maximumf %max3A_705, %broadcast_in_dim3A_724 : vector<16xf32>
      %min3A_726 = arith.minimumf %max3A_705, %broadcast_in_dim3A_724 : vector<16xf32>
      %max3A_727 = arith.maximumf %max3A_707, %min3A_726 : vector<16xf32>
      %min3A_728 = arith.minimumf %max3A_707, %min3A_726 : vector<16xf32>
      %max3A_729 = arith.maximumf %max3A_709, %min3A_728 : vector<16xf32>
      %min3A_730 = arith.minimumf %max3A_709, %min3A_728 : vector<16xf32>
      %max3A_731 = arith.maximumf %max3A_711, %min3A_730 : vector<16xf32>
      %slice3A_732 = vector.extract_strided_slice %sort3A_100 {offsets = [3], sizes = [1], strides = [1]} : vector<16xf32> to vector<1xf32>
      %squeeze3A_733 = vector.extract %slice3A_732[0] : f32 from vector<1xf32>
      %broadcast_in_dim3A_734 = vector.broadcast %squeeze3A_733 : f32 to vector<16xf32>
      %min3A_735 = arith.minimumf %min3A_715, %broadcast_in_dim3A_734 : vector<16xf32>
      %max3A_736 = arith.maximumf %min3A_715, %broadcast_in_dim3A_734 : vector<16xf32>
      %min3A_737 = arith.minimumf %min3A_717, %max3A_736 : vector<16xf32>
      %max3A_738 = arith.maximumf %min3A_717, %max3A_736 : vector<16xf32>
      %min3A_739 = arith.minimumf %min3A_719, %max3A_738 : vector<16xf32>
      %max3A_740 = arith.maximumf %min3A_719, %max3A_738 : vector<16xf32>
      %min3A_741 = arith.minimumf %min3A_721, %max3A_740 : vector<16xf32>
      %eq3A = arith.constant 0 : i32
      %eq3A_742 = vector.broadcast %eq3A : i32 to vector<16xi32>
      %eq3A_743 = arith.cmpi eq, %iota3A, %eq3A_742 : vector<16xi32>
      %jit3A = arith.constant 0.000000e+00 : f32
      %broadcast_in_dim3A_744 = vector.broadcast %jit3A : f32 to vector<16xf32>
      %select_n3A = arith.select %eq3A_743, %max3A_725, %broadcast_in_dim3A_744 : vector<16xi1>, vector<16xf32>
      %eq3A_745 = arith.constant 1 : i32
      %eq3A_746 = vector.broadcast %eq3A_745 : i32 to vector<16xi32>
      %eq3A_747 = arith.cmpi eq, %iota3A, %eq3A_746 : vector<16xi32>
      %select_n3A_748 = arith.select %eq3A_747, %max3A_727, %select_n3A : vector<16xi1>, vector<16xf32>
      %eq3A_749 = arith.constant 2 : i32
      %eq3A_750 = vector.broadcast %eq3A_749 : i32 to vector<16xi32>
      %eq3A_751 = arith.cmpi eq, %iota3A, %eq3A_750 : vector<16xi32>
      %select_n3A_752 = arith.select %eq3A_751, %max3A_729, %select_n3A_748 : vector<16xi1>, vector<16xf32>
      %eq3A_753 = arith.constant 3 : i32
      %eq3A_754 = vector.broadcast %eq3A_753 : i32 to vector<16xi32>
      %eq3A_755 = arith.cmpi eq, %iota3A, %eq3A_754 : vector<16xi32>
      %select_n3A_756 = arith.select %eq3A_755, %max3A_731, %select_n3A_752 : vector<16xi1>, vector<16xf32>
      %eq3A_757 = arith.constant 4 : i32
      %eq3A_758 = vector.broadcast %eq3A_757 : i32 to vector<16xi32>
      %eq3A_759 = arith.cmpi eq, %iota3A, %eq3A_758 : vector<16xi32>
      %select_n3A_760 = arith.select %eq3A_759, %min3A_735, %select_n3A_756 : vector<16xi1>, vector<16xf32>
      %eq3A_761 = arith.constant 5 : i32
      %eq3A_762 = vector.broadcast %eq3A_761 : i32 to vector<16xi32>
      %eq3A_763 = arith.cmpi eq, %iota3A, %eq3A_762 : vector<16xi32>
      %select_n3A_764 = arith.select %eq3A_763, %min3A_737, %select_n3A_760 : vector<16xi1>, vector<16xf32>
      %eq3A_765 = arith.constant 6 : i32
      %eq3A_766 = vector.broadcast %eq3A_765 : i32 to vector<16xi32>
      %eq3A_767 = arith.cmpi eq, %iota3A, %eq3A_766 : vector<16xi32>
      %select_n3A_768 = arith.select %eq3A_767, %min3A_739, %select_n3A_764 : vector<16xi1>, vector<16xf32>
      %eq3A_769 = arith.constant 7 : i32
      %eq3A_770 = vector.broadcast %eq3A_769 : i32 to vector<16xi32>
      %eq3A_771 = arith.cmpi eq, %iota3A, %eq3A_770 : vector<16xi32>
      %select_n3A_772 = arith.select %eq3A_771, %min3A_741, %select_n3A_768 : vector<16xi1>, vector<16xf32>
      %swap3A = arith.constant 0 : index
      %swap3A_773 = tpu.vector_load %arg6[%swap3A] {strides = array<i32>} : memref<16xf32, #tpu.memory_space<vmem>>, vector<16xf32>,
      tpu.vector_store %arg6[%swap3A], %select_n3A_772 {strides = array<i32>} : memref<16xf32, #tpu.memory_space<vmem>>, vector<16xf32>,
      "tpu.region"() ({
        %run_scoped3A = tpu.sem_alloc : memref<!tpu.dma_semaphore, #tpu.memory_space<semaphore_mem>>
        %dma_start3A_774 = arith.constant 0 : i32
        %dma_start3A_775 = tpu.memref_slice %arg3[%add3A, %dma_start3A_774] : memref<32x16xf32, #tpu.memory_space<hbm>> -> memref<1x16xf32, #tpu.memory_space<hbm>>
        %dma_start3A_776 = tpu.memref_squeeze %dma_start3A_775 : memref<1x16xf32, #tpu.memory_space<hbm>> -> memref<16xf32, #tpu.memory_space<hbm>>
        %dma_start3A_777 = arith.constant 0 : i32
        %dma_start3A_778 = tpu.memref_slice %arg3[%add3A, %dma_start3A_777] : memref<32x16xf32, #tpu.memory_space<hbm>> -> memref<1x16xf32, #tpu.memory_space<hbm>>
        %dma_start3A_779 = tpu.memref_squeeze %dma_start3A_778 : memref<1x16xf32, #tpu.memory_space<hbm>> -> memref<16xf32, #tpu.memory_space<hbm>>
        tpu.enqueue_dma source(%arg6 : memref<16xf32, #tpu.memory_space<vmem>>) target(%dma_start3A_779 : memref<16xf32, #tpu.memory_space<hbm>>) target_semaphore(%run_scoped3A : memref<!tpu.dma_semaphore, #tpu.memory_space<semaphore_mem>>)
        %dma_wait3A_780 = arith.constant 0 : i32
        %dma_wait3A_781 = tpu.memref_slice %arg3[%add3A, %dma_wait3A_780] : memref<32x16xf32, #tpu.memory_space<hbm>> -> memref<1x16xf32, #tpu.memory_space<hbm>>
        %dma_wait3A_782 = tpu.memref_squeeze %dma_wait3A_781 : memref<1x16xf32, #tpu.memory_space<hbm>> -> memref<16xf32, #tpu.memory_space<hbm>>
        %dma_wait3A_783 = arith.constant 0 : i32
        %dma_wait3A_784 = tpu.memref_slice %arg3[%add3A, %dma_wait3A_783] : memref<32x16xf32, #tpu.memory_space<hbm>> -> memref<1x16xf32, #tpu.memory_space<hbm>>
        %dma_wait3A_785 = tpu.memref_squeeze %dma_wait3A_784 : memref<1x16xf32, #tpu.memory_space<hbm>> -> memref<16xf32, #tpu.memory_space<hbm>>
        tpu.wait_dma2 semaphore(%run_scoped3A : memref<!tpu.dma_semaphore, #tpu.memory_space<semaphore_mem>>) src(%arg6 : memref<16xf32, #tpu.memory_space<vmem>>) dst(%dma_wait3A_785 : memref<16xf32, #tpu.memory_space<hbm>>)
        tpu.yield
      }) : () -> ()
    } else {
    }
    return
  }
}

module attributes {stable_mosaic.version = 14 : i64} {
  func.func @_tc_body(%arg0: i32, %arg1: memref<8x32768xf32, #tpu.memory_space<vmem>>, %arg2: memref<8x128xf32, #tpu.memory_space<vmem>>) attributes {dimension_semantics = [#tpu.dimension_semantics<parallel>], iteration_bounds = array<i64: 12>, scalar_prefetch = 0 : i64, scratch_operands = 0 : i64, tpu.core_type = #tpu.core_type<tc>, window_params = [{transform_indices = @transform_0, window_bounds = array<i64: 8, 32768>}, {transform_indices = @transform_1, window_bounds = array<i64: 8, 128>}]} {
    %broadcast_in_dim3A = arith.constant 0xFF800000 : f32
    %broadcast_in_dim3A_0 = vector.broadcast %broadcast_in_dim3A : f32 to vector<8x128xf32>
    %broadcast_in_dim3A_1 = arith.constant 0x7F800000 : f32
    %broadcast_in_dim3A_2 = vector.broadcast %broadcast_in_dim3A_1 : f32 to vector<8x128xf32>
    %get3A = arith.constant 0 : index
    %get3A_3 = arith.constant 0 : index
    %get3A_4 = vector.load %arg1[%get3A, %get3A_3] : memref<8x32768xf32, #tpu.memory_space<vmem>>, vector<8x128xf32>
    %get3A_5 = arith.constant 0 : index
    %get3A_6 = arith.constant 128 : index
    %get3A_7 = vector.load %arg1[%get3A_5, %get3A_6] : memref<8x32768xf32, #tpu.memory_space<vmem>>, vector<8x128xf32>
    %get3A_8 = arith.constant 0 : index
    %get3A_9 = arith.constant 256 : index
    %get3A_10 = vector.load %arg1[%get3A_8, %get3A_9] : memref<8x32768xf32, #tpu.memory_space<vmem>>, vector<8x128xf32>
    %get3A_11 = arith.constant 0 : index
    %get3A_12 = arith.constant 384 : index
    %get3A_13 = vector.load %arg1[%get3A_11, %get3A_12] : memref<8x32768xf32, #tpu.memory_space<vmem>>, vector<8x128xf32>
    %get3A_14 = arith.constant 0 : index
    %get3A_15 = arith.constant 512 : index
    %get3A_16 = vector.load %arg1[%get3A_14, %get3A_15] : memref<8x32768xf32, #tpu.memory_space<vmem>>, vector<8x128xf32>
    %get3A_17 = arith.constant 0 : index
    %get3A_18 = arith.constant 640 : index
    %get3A_19 = vector.load %arg1[%get3A_17, %get3A_18] : memref<8x32768xf32, #tpu.memory_space<vmem>>, vector<8x128xf32>
    %get3A_20 = arith.constant 0 : index
    %get3A_21 = arith.constant 768 : index
    %get3A_22 = vector.load %arg1[%get3A_20, %get3A_21] : memref<8x32768xf32, #tpu.memory_space<vmem>>, vector<8x128xf32>
    %get3A_23 = arith.constant 0 : index
    %get3A_24 = arith.constant 896 : index
    %get3A_25 = vector.load %arg1[%get3A_23, %get3A_24] : memref<8x32768xf32, #tpu.memory_space<vmem>>, vector<8x128xf32>
    %max3A = arith.maximumf %get3A_4, %get3A_7 : vector<8x128xf32>
    %min3A = arith.minimumf %get3A_4, %get3A_7 : vector<8x128xf32>
    %max3A_26 = arith.maximumf %get3A_10, %get3A_13 : vector<8x128xf32>
    %min3A_27 = arith.minimumf %get3A_10, %get3A_13 : vector<8x128xf32>
    %max3A_28 = arith.maximumf %max3A, %max3A_26 : vector<8x128xf32>
    %min3A_29 = arith.minimumf %max3A, %max3A_26 : vector<8x128xf32>
    %min3A_30 = arith.minimumf %min3A, %min3A_27 : vector<8x128xf32>
    %max3A_31 = arith.maximumf %min3A, %min3A_27 : vector<8x128xf32>
    %max3A_32 = arith.maximumf %min3A_29, %max3A_31 : vector<8x128xf32>
    %min3A_33 = arith.minimumf %min3A_29, %max3A_31 : vector<8x128xf32>
    %max3A_34 = arith.maximumf %broadcast_in_dim3A_0, %max3A_28 : vector<8x128xf32>
    %min3A_35 = arith.minimumf %broadcast_in_dim3A_0, %max3A_28 : vector<8x128xf32>
    %max3A_36 = arith.maximumf %broadcast_in_dim3A_0, %min3A_35 : vector<8x128xf32>
    %min3A_37 = arith.minimumf %broadcast_in_dim3A_0, %min3A_35 : vector<8x128xf32>
    %max3A_38 = arith.maximumf %broadcast_in_dim3A_0, %min3A_37 : vector<8x128xf32>
    %min3A_39 = arith.minimumf %broadcast_in_dim3A_0, %min3A_37 : vector<8x128xf32>
    %max3A_40 = arith.maximumf %broadcast_in_dim3A_0, %min3A_39 : vector<8x128xf32>
    %max3A_41 = arith.maximumf %broadcast_in_dim3A_0, %max3A_32 : vector<8x128xf32>
    %min3A_42 = arith.minimumf %broadcast_in_dim3A_0, %max3A_32 : vector<8x128xf32>
    %max3A_43 = arith.maximumf %broadcast_in_dim3A_0, %min3A_42 : vector<8x128xf32>
    %max3A_44 = arith.maximumf %broadcast_in_dim3A_0, %min3A_33 : vector<8x128xf32>
    %max3A_45 = arith.maximumf %broadcast_in_dim3A_0, %min3A_30 : vector<8x128xf32>
    %min3A_46 = arith.minimumf %broadcast_in_dim3A_2, %min3A_30 : vector<8x128xf32>
    %max3A_47 = arith.maximumf %broadcast_in_dim3A_2, %min3A_30 : vector<8x128xf32>
    %min3A_48 = arith.minimumf %broadcast_in_dim3A_2, %max3A_47 : vector<8x128xf32>
    %max3A_49 = arith.maximumf %broadcast_in_dim3A_2, %max3A_47 : vector<8x128xf32>
    %min3A_50 = arith.minimumf %broadcast_in_dim3A_2, %max3A_49 : vector<8x128xf32>
    %max3A_51 = arith.maximumf %broadcast_in_dim3A_2, %max3A_49 : vector<8x128xf32>
    %min3A_52 = arith.minimumf %broadcast_in_dim3A_2, %max3A_51 : vector<8x128xf32>
    %min3A_53 = arith.minimumf %broadcast_in_dim3A_2, %min3A_33 : vector<8x128xf32>
    %max3A_54 = arith.maximumf %broadcast_in_dim3A_2, %min3A_33 : vector<8x128xf32>
    %min3A_55 = arith.minimumf %broadcast_in_dim3A_2, %max3A_54 : vector<8x128xf32>
    %min3A_56 = arith.minimumf %broadcast_in_dim3A_2, %max3A_32 : vector<8x128xf32>
    %min3A_57 = arith.minimumf %broadcast_in_dim3A_2, %max3A_28 : vector<8x128xf32>
    %max3A_58 = arith.maximumf %get3A_16, %get3A_19 : vector<8x128xf32>
    %min3A_59 = arith.minimumf %get3A_16, %get3A_19 : vector<8x128xf32>
    %max3A_60 = arith.maximumf %get3A_22, %get3A_25 : vector<8x128xf32>
    %min3A_61 = arith.minimumf %get3A_22, %get3A_25 : vector<8x128xf32>
    %max3A_62 = arith.maximumf %max3A_58, %max3A_60 : vector<8x128xf32>
    %min3A_63 = arith.minimumf %max3A_58, %max3A_60 : vector<8x128xf32>
    %min3A_64 = arith.minimumf %min3A_59, %min3A_61 : vector<8x128xf32>
    %max3A_65 = arith.maximumf %min3A_59, %min3A_61 : vector<8x128xf32>
    %max3A_66 = arith.maximumf %min3A_63, %max3A_65 : vector<8x128xf32>
    %min3A_67 = arith.minimumf %min3A_63, %max3A_65 : vector<8x128xf32>
    %max3A_68 = arith.maximumf %broadcast_in_dim3A_0, %max3A_62 : vector<8x128xf32>
    %min3A_69 = arith.minimumf %broadcast_in_dim3A_0, %max3A_62 : vector<8x128xf32>
    %max3A_70 = arith.maximumf %broadcast_in_dim3A_0, %min3A_69 : vector<8x128xf32>
    %min3A_71 = arith.minimumf %broadcast_in_dim3A_0, %min3A_69 : vector<8x128xf32>
    %max3A_72 = arith.maximumf %broadcast_in_dim3A_0, %min3A_71 : vector<8x128xf32>
    %min3A_73 = arith.minimumf %broadcast_in_dim3A_0, %min3A_71 : vector<8x128xf32>
    %max3A_74 = arith.maximumf %broadcast_in_dim3A_0, %min3A_73 : vector<8x128xf32>
    %max3A_75 = arith.maximumf %broadcast_in_dim3A_0, %max3A_66 : vector<8x128xf32>
    %min3A_76 = arith.minimumf %broadcast_in_dim3A_0, %max3A_66 : vector<8x128xf32>
    %max3A_77 = arith.maximumf %broadcast_in_dim3A_0, %min3A_76 : vector<8x128xf32>
    %max3A_78 = arith.maximumf %broadcast_in_dim3A_0, %min3A_67 : vector<8x128xf32>
    %max3A_79 = arith.maximumf %broadcast_in_dim3A_0, %min3A_64 : vector<8x128xf32>
    %min3A_80 = arith.minimumf %broadcast_in_dim3A_2, %min3A_64 : vector<8x128xf32>
    %max3A_81 = arith.maximumf %broadcast_in_dim3A_2, %min3A_64 : vector<8x128xf32>
    %min3A_82 = arith.minimumf %broadcast_in_dim3A_2, %max3A_81 : vector<8x128xf32>
    %max3A_83 = arith.maximumf %broadcast_in_dim3A_2, %max3A_81 : vector<8x128xf32>
    %min3A_84 = arith.minimumf %broadcast_in_dim3A_2, %max3A_83 : vector<8x128xf32>
    %max3A_85 = arith.maximumf %broadcast_in_dim3A_2, %max3A_83 : vector<8x128xf32>
    %min3A_86 = arith.minimumf %broadcast_in_dim3A_2, %max3A_85 : vector<8x128xf32>
    %min3A_87 = arith.minimumf %broadcast_in_dim3A_2, %min3A_67 : vector<8x128xf32>
    %max3A_88 = arith.maximumf %broadcast_in_dim3A_2, %min3A_67 : vector<8x128xf32>
    %min3A_89 = arith.minimumf %broadcast_in_dim3A_2, %max3A_88 : vector<8x128xf32>
    %min3A_90 = arith.minimumf %broadcast_in_dim3A_2, %max3A_66 : vector<8x128xf32>
    %min3A_91 = arith.minimumf %broadcast_in_dim3A_2, %max3A_62 : vector<8x128xf32>
    %get3A_92 = arith.constant 0 : index
    %get3A_93 = arith.constant 1024 : index
    %get3A_94 = vector.load %arg1[%get3A_92, %get3A_93] : memref<8x32768xf32, #tpu.memory_space<vmem>>, vector<8x128xf32>
    %get3A_95 = arith.constant 0 : index
    %get3A_96 = arith.constant 1152 : index
    %get3A_97 = vector.load %arg1[%get3A_95, %get3A_96] : memref<8x32768xf32, #tpu.memory_space<vmem>>, vector<8x128xf32>
    %get3A_98 = arith.constant 0 : index
    %get3A_99 = arith.constant 1280 : index
    %get3A_100 = vector.load %arg1[%get3A_98, %get3A_99] : memref<8x32768xf32, #tpu.memory_space<vmem>>, vector<8x128xf32>
    %get3A_101 = arith.constant 0 : index
    %get3A_102 = arith.constant 1408 : index
    %get3A_103 = vector.load %arg1[%get3A_101, %get3A_102] : memref<8x32768xf32, #tpu.memory_space<vmem>>, vector<8x128xf32>
    %get3A_104 = arith.constant 0 : index
    %get3A_105 = arith.constant 1536 : index
    %get3A_106 = vector.load %arg1[%get3A_104, %get3A_105] : memref<8x32768xf32, #tpu.memory_space<vmem>>, vector<8x128xf32>
    %get3A_107 = arith.constant 0 : index
    %get3A_108 = arith.constant 1664 : index
    %get3A_109 = vector.load %arg1[%get3A_107, %get3A_108] : memref<8x32768xf32, #tpu.memory_space<vmem>>, vector<8x128xf32>
    %get3A_110 = arith.constant 0 : index
    %get3A_111 = arith.constant 1792 : index
    %get3A_112 = vector.load %arg1[%get3A_110, %get3A_111] : memref<8x32768xf32, #tpu.memory_space<vmem>>, vector<8x128xf32>
    %get3A_113 = arith.constant 0 : index
    %get3A_114 = arith.constant 1920 : index
    %get3A_115 = vector.load %arg1[%get3A_113, %get3A_114] : memref<8x32768xf32, #tpu.memory_space<vmem>>, vector<8x128xf32>
    %max3A_116 = arith.maximumf %get3A_94, %get3A_97 : vector<8x128xf32>
    %min3A_117 = arith.minimumf %get3A_94, %get3A_97 : vector<8x128xf32>
    %max3A_118 = arith.maximumf %get3A_100, %get3A_103 : vector<8x128xf32>
    %min3A_119 = arith.minimumf %get3A_100, %get3A_103 : vector<8x128xf32>
    %max3A_120 = arith.maximumf %max3A_116, %max3A_118 : vector<8x128xf32>
    %min3A_121 = arith.minimumf %max3A_116, %max3A_118 : vector<8x128xf32>
    %min3A_122 = arith.minimumf %min3A_117, %min3A_119 : vector<8x128xf32>
    %max3A_123 = arith.maximumf %min3A_117, %min3A_119 : vector<8x128xf32>
    %max3A_124 = arith.maximumf %min3A_121, %max3A_123 : vector<8x128xf32>
    %min3A_125 = arith.minimumf %min3A_121, %max3A_123 : vector<8x128xf32>
    %max3A_126 = arith.maximumf %max3A_34, %max3A_120 : vector<8x128xf32>
    %min3A_127 = arith.minimumf %max3A_34, %max3A_120 : vector<8x128xf32>
    %max3A_128 = arith.maximumf %max3A_36, %min3A_127 : vector<8x128xf32>
    %min3A_129 = arith.minimumf %max3A_36, %min3A_127 : vector<8x128xf32>
    %max3A_130 = arith.maximumf %max3A_38, %min3A_129 : vector<8x128xf32>
    %min3A_131 = arith.minimumf %max3A_38, %min3A_129 : vector<8x128xf32>
    %max3A_132 = arith.maximumf %max3A_40, %min3A_131 : vector<8x128xf32>
    %max3A_133 = arith.maximumf %max3A_41, %max3A_124 : vector<8x128xf32>
    %min3A_134 = arith.minimumf %max3A_41, %max3A_124 : vector<8x128xf32>
    %max3A_135 = arith.maximumf %max3A_43, %min3A_134 : vector<8x128xf32>
    %max3A_136 = arith.maximumf %max3A_44, %min3A_125 : vector<8x128xf32>
    %max3A_137 = arith.maximumf %max3A_45, %min3A_122 : vector<8x128xf32>
    %min3A_138 = arith.minimumf %min3A_46, %min3A_122 : vector<8x128xf32>
    %max3A_139 = arith.maximumf %min3A_46, %min3A_122 : vector<8x128xf32>
    %min3A_140 = arith.minimumf %min3A_48, %max3A_139 : vector<8x128xf32>
    %max3A_141 = arith.maximumf %min3A_48, %max3A_139 : vector<8x128xf32>
    %min3A_142 = arith.minimumf %min3A_50, %max3A_141 : vector<8x128xf32>
    %max3A_143 = arith.maximumf %min3A_50, %max3A_141 : vector<8x128xf32>
    %min3A_144 = arith.minimumf %min3A_52, %max3A_143 : vector<8x128xf32>
    %min3A_145 = arith.minimumf %min3A_53, %min3A_125 : vector<8x128xf32>
    %max3A_146 = arith.maximumf %min3A_53, %min3A_125 : vector<8x128xf32>
    %min3A_147 = arith.minimumf %min3A_55, %max3A_146 : vector<8x128xf32>
    %min3A_148 = arith.minimumf %min3A_56, %max3A_124 : vector<8x128xf32>
    %min3A_149 = arith.minimumf %min3A_57, %max3A_120 : vector<8x128xf32>
    %max3A_150 = arith.maximumf %get3A_106, %get3A_109 : vector<8x128xf32>
    %min3A_151 = arith.minimumf %get3A_106, %get3A_109 : vector<8x128xf32>
    %max3A_152 = arith.maximumf %get3A_112, %get3A_115 : vector<8x128xf32>
    %min3A_153 = arith.minimumf %get3A_112, %get3A_115 : vector<8x128xf32>
    %max3A_154 = arith.maximumf %max3A_150, %max3A_152 : vector<8x128xf32>
    %min3A_155 = arith.minimumf %max3A_150, %max3A_152 : vector<8x128xf32>
    %min3A_156 = arith.minimumf %min3A_151, %min3A_153 : vector<8x128xf32>
    %max3A_157 = arith.maximumf %min3A_151, %min3A_153 : vector<8x128xf32>
    %max3A_158 = arith.maximumf %min3A_155, %max3A_157 : vector<8x128xf32>
    %min3A_159 = arith.minimumf %min3A_155, %max3A_157 : vector<8x128xf32>
    %max3A_160 = arith.maximumf %max3A_68, %max3A_154 : vector<8x128xf32>
    %min3A_161 = arith.minimumf %max3A_68, %max3A_154 : vector<8x128xf32>
    %max3A_162 = arith.maximumf %max3A_70, %min3A_161 : vector<8x128xf32>
    %min3A_163 = arith.minimumf %max3A_70, %min3A_161 : vector<8x128xf32>
    %max3A_164 = arith.maximumf %max3A_72, %min3A_163 : vector<8x128xf32>
    %min3A_165 = arith.minimumf %max3A_72, %min3A_163 : vector<8x128xf32>
    %max3A_166 = arith.maximumf %max3A_74, %min3A_165 : vector<8x128xf32>
    %max3A_167 = arith.maximumf %max3A_75, %max3A_158 : vector<8x128xf32>
    %min3A_168 = arith.minimumf %max3A_75, %max3A_158 : vector<8x128xf32>
    %max3A_169 = arith.maximumf %max3A_77, %min3A_168 : vector<8x128xf32>
    %max3A_170 = arith.maximumf %max3A_78, %min3A_159 : vector<8x128xf32>
    %max3A_171 = arith.maximumf %max3A_79, %min3A_156 : vector<8x128xf32>
    %min3A_172 = arith.minimumf %min3A_80, %min3A_156 : vector<8x128xf32>
    %max3A_173 = arith.maximumf %min3A_80, %min3A_156 : vector<8x128xf32>
    %min3A_174 = arith.minimumf %min3A_82, %max3A_173 : vector<8x128xf32>
    %max3A_175 = arith.maximumf %min3A_82, %max3A_173 : vector<8x128xf32>
    %min3A_176 = arith.minimumf %min3A_84, %max3A_175 : vector<8x128xf32>
    %max3A_177 = arith.maximumf %min3A_84, %max3A_175 : vector<8x128xf32>
    %min3A_178 = arith.minimumf %min3A_86, %max3A_177 : vector<8x128xf32>
    %min3A_179 = arith.minimumf %min3A_87, %min3A_159 : vector<8x128xf32>
    %max3A_180 = arith.maximumf %min3A_87, %min3A_159 : vector<8x128xf32>
    %min3A_181 = arith.minimumf %min3A_89, %max3A_180 : vector<8x128xf32>
    %min3A_182 = arith.minimumf %min3A_90, %max3A_158 : vector<8x128xf32>
    %min3A_183 = arith.minimumf %min3A_91, %max3A_154 : vector<8x128xf32>
    %get3A_184 = arith.constant 0 : index
    %get3A_185 = arith.constant 2048 : index
    %get3A_186 = vector.load %arg1[%get3A_184, %get3A_185] : memref<8x32768xf32, #tpu.memory_space<vmem>>, vector<8x128xf32>
    %get3A_187 = arith.constant 0 : index
    %get3A_188 = arith.constant 2176 : index
    %get3A_189 = vector.load %arg1[%get3A_187, %get3A_188] : memref<8x32768xf32, #tpu.memory_space<vmem>>, vector<8x128xf32>
    %get3A_190 = arith.constant 0 : index
    %get3A_191 = arith.constant 2304 : index
    %get3A_192 = vector.load %arg1[%get3A_190, %get3A_191] : memref<8x32768xf32, #tpu.memory_space<vmem>>, vector<8x128xf32>
    %get3A_193 = arith.constant 0 : index
    %get3A_194 = arith.constant 2432 : index
    %get3A_195 = vector.load %arg1[%get3A_193, %get3A_194] : memref<8x32768xf32, #tpu.memory_space<vmem>>, vector<8x128xf32>
    %get3A_196 = arith.constant 0 : index
    %get3A_197 = arith.constant 2560 : index
    %get3A_198 = vector.load %arg1[%get3A_196, %get3A_197] : memref<8x32768xf32, #tpu.memory_space<vmem>>, vector<8x128xf32>
    %get3A_199 = arith.constant 0 : index
    %get3A_200 = arith.constant 2688 : index
    %get3A_201 = vector.load %arg1[%get3A_199, %get3A_200] : memref<8x32768xf32, #tpu.memory_space<vmem>>, vector<8x128xf32>
    %get3A_202 = arith.constant 0 : index
    %get3A_203 = arith.constant 2816 : index
    %get3A_204 = vector.load %arg1[%get3A_202, %get3A_203] : memref<8x32768xf32, #tpu.memory_space<vmem>>, vector<8x128xf32>
    %get3A_205 = arith.constant 0 : index
    %get3A_206 = arith.constant 2944 : index
    %get3A_207 = vector.load %arg1[%get3A_205, %get3A_206] : memref<8x32768xf32, #tpu.memory_space<vmem>>, vector<8x128xf32>
    %max3A_208 = arith.maximumf %get3A_186, %get3A_189 : vector<8x128xf32>
    %min3A_209 = arith.minimumf %get3A_186, %get3A_189 : vector<8x128xf32>
    %max3A_210 = arith.maximumf %get3A_192, %get3A_195 : vector<8x128xf32>
    %min3A_211 = arith.minimumf %get3A_192, %get3A_195 : vector<8x128xf32>
    %max3A_212 = arith.maximumf %max3A_208, %max3A_210 : vector<8x128xf32>
    %min3A_213 = arith.minimumf %max3A_208, %max3A_210 : vector<8x128xf32>
    %min3A_214 = arith.minimumf %min3A_209, %min3A_211 : vector<8x128xf32>
    %max3A_215 = arith.maximumf %min3A_209, %min3A_211 : vector<8x128xf32>
    %max3A_216 = arith.maximumf %min3A_213, %max3A_215 : vector<8x128xf32>
    %min3A_217 = arith.minimumf %min3A_213, %max3A_215 : vector<8x128xf32>
    %max3A_218 = arith.maximumf %max3A_126, %max3A_212 : vector<8x128xf32>
    %min3A_219 = arith.minimumf %max3A_126, %max3A_212 : vector<8x128xf32>
    %max3A_220 = arith.maximumf %max3A_128, %min3A_219 : vector<8x128xf32>
    %min3A_221 = arith.minimumf %max3A_128, %min3A_219 : vector<8x128xf32>
    %max3A_222 = arith.maximumf %max3A_130, %min3A_221 : vector<8x128xf32>
    %min3A_223 = arith.minimumf %max3A_130, %min3A_221 : vector<8x128xf32>
    %max3A_224 = arith.maximumf %max3A_132, %min3A_223 : vector<8x128xf32>
    %max3A_225 = arith.maximumf %max3A_133, %max3A_216 : vector<8x128xf32>
    %min3A_226 = arith.minimumf %max3A_133, %max3A_216 : vector<8x128xf32>
    %max3A_227 = arith.maximumf %max3A_135, %min3A_226 : vector<8x128xf32>
    %max3A_228 = arith.maximumf %max3A_136, %min3A_217 : vector<8x128xf32>
    %max3A_229 = arith.maximumf %max3A_137, %min3A_214 : vector<8x128xf32>
    %min3A_230 = arith.minimumf %min3A_138, %min3A_214 : vector<8x128xf32>
    %max3A_231 = arith.maximumf %min3A_138, %min3A_214 : vector<8x128xf32>
    %min3A_232 = arith.minimumf %min3A_140, %max3A_231 : vector<8x128xf32>
    %max3A_233 = arith.maximumf %min3A_140, %max3A_231 : vector<8x128xf32>
    %min3A_234 = arith.minimumf %min3A_142, %max3A_233 : vector<8x128xf32>
    %max3A_235 = arith.maximumf %min3A_142, %max3A_233 : vector<8x128xf32>
    %min3A_236 = arith.minimumf %min3A_144, %max3A_235 : vector<8x128xf32>
    %min3A_237 = arith.minimumf %min3A_145, %min3A_217 : vector<8x128xf32>
    %max3A_238 = arith.maximumf %min3A_145, %min3A_217 : vector<8x128xf32>
    %min3A_239 = arith.minimumf %min3A_147, %max3A_238 : vector<8x128xf32>
    %min3A_240 = arith.minimumf %min3A_148, %max3A_216 : vector<8x128xf32>
    %min3A_241 = arith.minimumf %min3A_149, %max3A_212 : vector<8x128xf32>
    %max3A_242 = arith.maximumf %get3A_198, %get3A_201 : vector<8x128xf32>
    %min3A_243 = arith.minimumf %get3A_198, %get3A_201 : vector<8x128xf32>
    %max3A_244 = arith.maximumf %get3A_204, %get3A_207 : vector<8x128xf32>
    %min3A_245 = arith.minimumf %get3A_204, %get3A_207 : vector<8x128xf32>
    %max3A_246 = arith.maximumf %max3A_242, %max3A_244 : vector<8x128xf32>
    %min3A_247 = arith.minimumf %max3A_242, %max3A_244 : vector<8x128xf32>
    %min3A_248 = arith.minimumf %min3A_243, %min3A_245 : vector<8x128xf32>
    %max3A_249 = arith.maximumf %min3A_243, %min3A_245 : vector<8x128xf32>
    %max3A_250 = arith.maximumf %min3A_247, %max3A_249 : vector<8x128xf32>
    %min3A_251 = arith.minimumf %min3A_247, %max3A_249 : vector<8x128xf32>
    %max3A_252 = arith.maximumf %max3A_160, %max3A_246 : vector<8x128xf32>
    %min3A_253 = arith.minimumf %max3A_160, %max3A_246 : vector<8x128xf32>
    %max3A_254 = arith.maximumf %max3A_162, %min3A_253 : vector<8x128xf32>
    %min3A_255 = arith.minimumf %max3A_162, %min3A_253 : vector<8x128xf32>
    %max3A_256 = arith.maximumf %max3A_164, %min3A_255 : vector<8x128xf32>
    %min3A_257 = arith.minimumf %max3A_164, %min3A_255 : vector<8x128xf32>
    %max3A_258 = arith.maximumf %max3A_166, %min3A_257 : vector<8x128xf32>
    %max3A_259 = arith.maximumf %max3A_167, %max3A_250 : vector<8x128xf32>
    %min3A_260 = arith.minimumf %max3A_167, %max3A_250 : vector<8x128xf32>
    %max3A_261 = arith.maximumf %max3A_169, %min3A_260 : vector<8x128xf32>
    %max3A_262 = arith.maximumf %max3A_170, %min3A_251 : vector<8x128xf32>
    %max3A_263 = arith.maximumf %max3A_171, %min3A_248 : vector<8x128xf32>
    %min3A_264 = arith.minimumf %min3A_172, %min3A_248 : vector<8x128xf32>
    %max3A_265 = arith.maximumf %min3A_172, %min3A_248 : vector<8x128xf32>
    %min3A_266 = arith.minimumf %min3A_174, %max3A_265 : vector<8x128xf32>
    %max3A_267 = arith.maximumf %min3A_174, %max3A_265 : vector<8x128xf32>
    %min3A_268 = arith.minimumf %min3A_176, %max3A_267 : vector<8x128xf32>
    %max3A_269 = arith.maximumf %min3A_176, %max3A_267 : vector<8x128xf32>
    %min3A_270 = arith.minimumf %min3A_178, %max3A_269 : vector<8x128xf32>
    %min3A_271 = arith.minimumf %min3A_179, %min3A_251 : vector<8x128xf32>
    %max3A_272 = arith.maximumf %min3A_179, %min3A_251 : vector<8x128xf32>
    %min3A_273 = arith.minimumf %min3A_181, %max3A_272 : vector<8x128xf32>
    %min3A_274 = arith.minimumf %min3A_182, %max3A_250 : vector<8x128xf32>
    %min3A_275 = arith.minimumf %min3A_183, %max3A_246 : vector<8x128xf32>
    %get3A_276 = arith.constant 0 : index
    %get3A_277 = arith.constant 3072 : index
    %get3A_278 = vector.load %arg1[%get3A_276, %get3A_277] : memref<8x32768xf32, #tpu.memory_space<vmem>>, vector<8x128xf32>
    %get3A_279 = arith.constant 0 : index
    %get3A_280 = arith.constant 3200 : index
    %get3A_281 = vector.load %arg1[%get3A_279, %get3A_280] : memref<8x32768xf32, #tpu.memory_space<vmem>>, vector<8x128xf32>
    %get3A_282 = arith.constant 0 : index
    %get3A_283 = arith.constant 3328 : index
    %get3A_284 = vector.load %arg1[%get3A_282, %get3A_283] : memref<8x32768xf32, #tpu.memory_space<vmem>>, vector<8x128xf32>
    %get3A_285 = arith.constant 0 : index
    %get3A_286 = arith.constant 3456 : index
    %get3A_287 = vector.load %arg1[%get3A_285, %get3A_286] : memref<8x32768xf32, #tpu.memory_space<vmem>>, vector<8x128xf32>
    %get3A_288 = arith.constant 0 : index
    %get3A_289 = arith.constant 3584 : index
    %get3A_290 = vector.load %arg1[%get3A_288, %get3A_289] : memref<8x32768xf32, #tpu.memory_space<vmem>>, vector<8x128xf32>
    %get3A_291 = arith.constant 0 : index
    %get3A_292 = arith.constant 3712 : index
    %get3A_293 = vector.load %arg1[%get3A_291, %get3A_292] : memref<8x32768xf32, #tpu.memory_space<vmem>>, vector<8x128xf32>
    %get3A_294 = arith.constant 0 : index
    %get3A_295 = arith.constant 3840 : index
    %get3A_296 = vector.load %arg1[%get3A_294, %get3A_295] : memref<8x32768xf32, #tpu.memory_space<vmem>>, vector<8x128xf32>
    %get3A_297 = arith.constant 0 : index
    %get3A_298 = arith.constant 3968 : index
    %get3A_299 = vector.load %arg1[%get3A_297, %get3A_298] : memref<8x32768xf32, #tpu.memory_space<vmem>>, vector<8x128xf32>
    %max3A_300 = arith.maximumf %get3A_278, %get3A_281 : vector<8x128xf32>
    %min3A_301 = arith.minimumf %get3A_278, %get3A_281 : vector<8x128xf32>
    %max3A_302 = arith.maximumf %get3A_284, %get3A_287 : vector<8x128xf32>
    %min3A_303 = arith.minimumf %get3A_284, %get3A_287 : vector<8x128xf32>
    %max3A_304 = arith.maximumf %max3A_300, %max3A_302 : vector<8x128xf32>
    %min3A_305 = arith.minimumf %max3A_300, %max3A_302 : vector<8x128xf32>
    %min3A_306 = arith.minimumf %min3A_301, %min3A_303 : vector<8x128xf32>
    %max3A_307 = arith.maximumf %min3A_301, %min3A_303 : vector<8x128xf32>
    %max3A_308 = arith.maximumf %min3A_305, %max3A_307 : vector<8x128xf32>
    %min3A_309 = arith.minimumf %min3A_305, %max3A_307 : vector<8x128xf32>
    %max3A_310 = arith.maximumf %max3A_218, %max3A_304 : vector<8x128xf32>
    %min3A_311 = arith.minimumf %max3A_218, %max3A_304 : vector<8x128xf32>
    %max3A_312 = arith.maximumf %max3A_220, %min3A_311 : vector<8x128xf32>
    %min3A_313 = arith.minimumf %max3A_220, %min3A_311 : vector<8x128xf32>
    %max3A_314 = arith.maximumf %max3A_222, %min3A_313 : vector<8x128xf32>
    %min3A_315 = arith.minimumf %max3A_222, %min3A_313 : vector<8x128xf32>
    %max3A_316 = arith.maximumf %max3A_224, %min3A_315 : vector<8x128xf32>
    %max3A_317 = arith.maximumf %max3A_225, %max3A_308 : vector<8x128xf32>
    %min3A_318 = arith.minimumf %max3A_225, %max3A_308 : vector<8x128xf32>
    %max3A_319 = arith.maximumf %max3A_227, %min3A_318 : vector<8x128xf32>
    %max3A_320 = arith.maximumf %max3A_228, %min3A_309 : vector<8x128xf32>
    %max3A_321 = arith.maximumf %max3A_229, %min3A_306 : vector<8x128xf32>
    %min3A_322 = arith.minimumf %min3A_230, %min3A_306 : vector<8x128xf32>
    %max3A_323 = arith.maximumf %min3A_230, %min3A_306 : vector<8x128xf32>
    %min3A_324 = arith.minimumf %min3A_232, %max3A_323 : vector<8x128xf32>
    %max3A_325 = arith.maximumf %min3A_232, %max3A_323 : vector<8x128xf32>
    %min3A_326 = arith.minimumf %min3A_234, %max3A_325 : vector<8x128xf32>
    %max3A_327 = arith.maximumf %min3A_234, %max3A_325 : vector<8x128xf32>
    %min3A_328 = arith.minimumf %min3A_236, %max3A_327 : vector<8x128xf32>
    %min3A_329 = arith.minimumf %min3A_237, %min3A_309 : vector<8x128xf32>
    %max3A_330 = arith.maximumf %min3A_237, %min3A_309 : vector<8x128xf32>
    %min3A_331 = arith.minimumf %min3A_239, %max3A_330 : vector<8x128xf32>
    %min3A_332 = arith.minimumf %min3A_240, %max3A_308 : vector<8x128xf32>
    %min3A_333 = arith.minimumf %min3A_241, %max3A_304 : vector<8x128xf32>
    %max3A_334 = arith.maximumf %get3A_290, %get3A_293 : vector<8x128xf32>
    %min3A_335 = arith.minimumf %get3A_290, %get3A_293 : vector<8x128xf32>
    %max3A_336 = arith.maximumf %get3A_296, %get3A_299 : vector<8x128xf32>
    %min3A_337 = arith.minimumf %get3A_296, %get3A_299 : vector<8x128xf32>
    %max3A_338 = arith.maximumf %max3A_334, %max3A_336 : vector<8x128xf32>
    %min3A_339 = arith.minimumf %max3A_334, %max3A_336 : vector<8x128xf32>
    %min3A_340 = arith.minimumf %min3A_335, %min3A_337 : vector<8x128xf32>
    %max3A_341 = arith.maximumf %min3A_335, %min3A_337 : vector<8x128xf32>
    %max3A_342 = arith.maximumf %min3A_339, %max3A_341 : vector<8x128xf32>
    %min3A_343 = arith.minimumf %min3A_339, %max3A_341 : vector<8x128xf32>
    %max3A_344 = arith.maximumf %max3A_252, %max3A_338 : vector<8x128xf32>
    %min3A_345 = arith.minimumf %max3A_252, %max3A_338 : vector<8x128xf32>
    %max3A_346 = arith.maximumf %max3A_254, %min3A_345 : vector<8x128xf32>
    %min3A_347 = arith.minimumf %max3A_254, %min3A_345 : vector<8x128xf32>
    %max3A_348 = arith.maximumf %max3A_256, %min3A_347 : vector<8x128xf32>
    %min3A_349 = arith.minimumf %max3A_256, %min3A_347 : vector<8x128xf32>
    %max3A_350 = arith.maximumf %max3A_258, %min3A_349 : vector<8x128xf32>
    %max3A_351 = arith.maximumf %max3A_259, %max3A_342 : vector<8x128xf32>
    %min3A_352 = arith.minimumf %max3A_259, %max3A_342 : vector<8x128xf32>
    %max3A_353 = arith.maximumf %max3A_261, %min3A_352 : vector<8x128xf32>
    %max3A_354 = arith.maximumf %max3A_262, %min3A_343 : vector<8x128xf32>
    %max3A_355 = arith.maximumf %max3A_263, %min3A_340 : vector<8x128xf32>
    %min3A_356 = arith.minimumf %min3A_264, %min3A_340 : vector<8x128xf32>
    %max3A_357 = arith.maximumf %min3A_264, %min3A_340 : vector<8x128xf32>
    %min3A_358 = arith.minimumf %min3A_266, %max3A_357 : vector<8x128xf32>
    %max3A_359 = arith.maximumf %min3A_266, %max3A_357 : vector<8x128xf32>
    %min3A_360 = arith.minimumf %min3A_268, %max3A_359 : vector<8x128xf32>
    %max3A_361 = arith.maximumf %min3A_268, %max3A_359 : vector<8x128xf32>
    %min3A_362 = arith.minimumf %min3A_270, %max3A_361 : vector<8x128xf32>
    %min3A_363 = arith.minimumf %min3A_271, %min3A_343 : vector<8x128xf32>
    %max3A_364 = arith.maximumf %min3A_271, %min3A_343 : vector<8x128xf32>
    %min3A_365 = arith.minimumf %min3A_273, %max3A_364 : vector<8x128xf32>
    %min3A_366 = arith.minimumf %min3A_274, %max3A_342 : vector<8x128xf32>
    %min3A_367 = arith.minimumf %min3A_275, %max3A_338 : vector<8x128xf32>
    %get3A_368 = arith.constant 0 : index
    %get3A_369 = arith.constant 4096 : index
    %get3A_370 = vector.load %arg1[%get3A_368, %get3A_369] : memref<8x32768xf32, #tpu.memory_space<vmem>>, vector<8x128xf32>
    %get3A_371 = arith.constant 0 : index
    %get3A_372 = arith.constant 4224 : index
    %get3A_373 = vector.load %arg1[%get3A_371, %get3A_372] : memref<8x32768xf32, #tpu.memory_space<vmem>>, vector<8x128xf32>
    %get3A_374 = arith.constant 0 : index
    %get3A_375 = arith.constant 4352 : index
    %get3A_376 = vector.load %arg1[%get3A_374, %get3A_375] : memref<8x32768xf32, #tpu.memory_space<vmem>>, vector<8x128xf32>
    %get3A_377 = arith.constant 0 : index
    %get3A_378 = arith.constant 4480 : index
    %get3A_379 = vector.load %arg1[%get3A_377, %get3A_378] : memref<8x32768xf32, #tpu.memory_space<vmem>>, vector<8x128xf32>
    %get3A_380 = arith.constant 0 : index
    %get3A_381 = arith.constant 4608 : index
    %get3A_382 = vector.load %arg1[%get3A_380, %get3A_381] : memref<8x32768xf32, #tpu.memory_space<vmem>>, vector<8x128xf32>
    %get3A_383 = arith.constant 0 : index
    %get3A_384 = arith.constant 4736 : index
    %get3A_385 = vector.load %arg1[%get3A_383, %get3A_384] : memref<8x32768xf32, #tpu.memory_space<vmem>>, vector<8x128xf32>
    %get3A_386 = arith.constant 0 : index
    %get3A_387 = arith.constant 4864 : index
    %get3A_388 = vector.load %arg1[%get3A_386, %get3A_387] : memref<8x32768xf32, #tpu.memory_space<vmem>>, vector<8x128xf32>
    %get3A_389 = arith.constant 0 : index
    %get3A_390 = arith.constant 4992 : index
    %get3A_391 = vector.load %arg1[%get3A_389, %get3A_390] : memref<8x32768xf32, #tpu.memory_space<vmem>>, vector<8x128xf32>
    %max3A_392 = arith.maximumf %get3A_370, %get3A_373 : vector<8x128xf32>
    %min3A_393 = arith.minimumf %get3A_370, %get3A_373 : vector<8x128xf32>
    %max3A_394 = arith.maximumf %get3A_376, %get3A_379 : vector<8x128xf32>
    %min3A_395 = arith.minimumf %get3A_376, %get3A_379 : vector<8x128xf32>
    %max3A_396 = arith.maximumf %max3A_392, %max3A_394 : vector<8x128xf32>
    %min3A_397 = arith.minimumf %max3A_392, %max3A_394 : vector<8x128xf32>
    %min3A_398 = arith.minimumf %min3A_393, %min3A_395 : vector<8x128xf32>
    %max3A_399 = arith.maximumf %min3A_393, %min3A_395 : vector<8x128xf32>
    %max3A_400 = arith.maximumf %min3A_397, %max3A_399 : vector<8x128xf32>
    %min3A_401 = arith.minimumf %min3A_397, %max3A_399 : vector<8x128xf32>
    %max3A_402 = arith.maximumf %max3A_310, %max3A_396 : vector<8x128xf32>
    %min3A_403 = arith.minimumf %max3A_310, %max3A_396 : vector<8x128xf32>
    %max3A_404 = arith.maximumf %max3A_312, %min3A_403 : vector<8x128xf32>
    %min3A_405 = arith.minimumf %max3A_312, %min3A_403 : vector<8x128xf32>
    %max3A_406 = arith.maximumf %max3A_314, %min3A_405 : vector<8x128xf32>
    %min3A_407 = arith.minimumf %max3A_314, %min3A_405 : vector<8x128xf32>
    %max3A_408 = arith.maximumf %max3A_316, %min3A_407 : vector<8x128xf32>
    %max3A_409 = arith.maximumf %max3A_317, %max3A_400 : vector<8x128xf32>
    %min3A_410 = arith.minimumf %max3A_317, %max3A_400 : vector<8x128xf32>
    %max3A_411 = arith.maximumf %max3A_319, %min3A_410 : vector<8x128xf32>
    %max3A_412 = arith.maximumf %max3A_320, %min3A_401 : vector<8x128xf32>
    %max3A_413 = arith.maximumf %max3A_321, %min3A_398 : vector<8x128xf32>
    %min3A_414 = arith.minimumf %min3A_322, %min3A_398 : vector<8x128xf32>
    %max3A_415 = arith.maximumf %min3A_322, %min3A_398 : vector<8x128xf32>
    %min3A_416 = arith.minimumf %min3A_324, %max3A_415 : vector<8x128xf32>
    %max3A_417 = arith.maximumf %min3A_324, %max3A_415 : vector<8x128xf32>
    %min3A_418 = arith.minimumf %min3A_326, %max3A_417 : vector<8x128xf32>
    %max3A_419 = arith.maximumf %min3A_326, %max3A_417 : vector<8x128xf32>
    %min3A_420 = arith.minimumf %min3A_328, %max3A_419 : vector<8x128xf32>
    %min3A_421 = arith.minimumf %min3A_329, %min3A_401 : vector<8x128xf32>
    %max3A_422 = arith.maximumf %min3A_329, %min3A_401 : vector<8x128xf32>
    %min3A_423 = arith.minimumf %min3A_331, %max3A_422 : vector<8x128xf32>
    %min3A_424 = arith.minimumf %min3A_332, %max3A_400 : vector<8x128xf32>
    %min3A_425 = arith.minimumf %min3A_333, %max3A_396 : vector<8x128xf32>
    %max3A_426 = arith.maximumf %get3A_382, %get3A_385 : vector<8x128xf32>
    %min3A_427 = arith.minimumf %get3A_382, %get3A_385 : vector<8x128xf32>
    %max3A_428 = arith.maximumf %get3A_388, %get3A_391 : vector<8x128xf32>
    %min3A_429 = arith.minimumf %get3A_388, %get3A_391 : vector<8x128xf32>
    %max3A_430 = arith.maximumf %max3A_426, %max3A_428 : vector<8x128xf32>
    %min3A_431 = arith.minimumf %max3A_426, %max3A_428 : vector<8x128xf32>
    %min3A_432 = arith.minimumf %min3A_427, %min3A_429 : vector<8x128xf32>
    %max3A_433 = arith.maximumf %min3A_427, %min3A_429 : vector<8x128xf32>
    %max3A_434 = arith.maximumf %min3A_431, %max3A_433 : vector<8x128xf32>
    %min3A_435 = arith.minimumf %min3A_431, %max3A_433 : vector<8x128xf32>
    %max3A_436 = arith.maximumf %max3A_344, %max3A_430 : vector<8x128xf32>
    %min3A_437 = arith.minimumf %max3A_344, %max3A_430 : vector<8x128xf32>
    %max3A_438 = arith.maximumf %max3A_346, %min3A_437 : vector<8x128xf32>
    %min3A_439 = arith.minimumf %max3A_346, %min3A_437 : vector<8x128xf32>
    %max3A_440 = arith.maximumf %max3A_348, %min3A_439 : vector<8x128xf32>
    %min3A_441 = arith.minimumf %max3A_348, %min3A_439 : vector<8x128xf32>
    %max3A_442 = arith.maximumf %max3A_350, %min3A_441 : vector<8x128xf32>
    %max3A_443 = arith.maximumf %max3A_351, %max3A_434 : vector<8x128xf32>
    %min3A_444 = arith.minimumf %max3A_351, %max3A_434 : vector<8x128xf32>
    %max3A_445 = arith.maximumf %max3A_353, %min3A_444 : vector<8x128xf32>
    %max3A_446 = arith.maximumf %max3A_354, %min3A_435 : vector<8x128xf32>
    %max3A_447 = arith.maximumf %max3A_355, %min3A_432 : vector<8x128xf32>
    %min3A_448 = arith.minimumf %min3A_356, %min3A_432 : vector<8x128xf32>
    %max3A_449 = arith.maximumf %min3A_356, %min3A_432 : vector<8x128xf32>
    %min3A_450 = arith.minimumf %min3A_358, %max3A_449 : vector<8x128xf32>
    %max3A_451 = arith.maximumf %min3A_358, %max3A_449 : vector<8x128xf32>
    %min3A_452 = arith.minimumf %min3A_360, %max3A_451 : vector<8x128xf32>
    %max3A_453 = arith.maximumf %min3A_360, %max3A_451 : vector<8x128xf32>
    %min3A_454 = arith.minimumf %min3A_362, %max3A_453 : vector<8x128xf32>
    %min3A_455 = arith.minimumf %min3A_363, %min3A_435 : vector<8x128xf32>
    %max3A_456 = arith.maximumf %min3A_363, %min3A_435 : vector<8x128xf32>
    %min3A_457 = arith.minimumf %min3A_365, %max3A_456 : vector<8x128xf32>
    %min3A_458 = arith.minimumf %min3A_366, %max3A_434 : vector<8x128xf32>
    %min3A_459 = arith.minimumf %min3A_367, %max3A_430 : vector<8x128xf32>
    %get3A_460 = arith.constant 0 : index
    %get3A_461 = arith.constant 5120 : index
    %get3A_462 = vector.load %arg1[%get3A_460, %get3A_461] : memref<8x32768xf32, #tpu.memory_space<vmem>>, vector<8x128xf32>
    %get3A_463 = arith.constant 0 : index
    %get3A_464 = arith.constant 5248 : index
    %get3A_465 = vector.load %arg1[%get3A_463, %get3A_464] : memref<8x32768xf32, #tpu.memory_space<vmem>>, vector<8x128xf32>
    %get3A_466 = arith.constant 0 : index
    %get3A_467 = arith.constant 5376 : index
    %get3A_468 = vector.load %arg1[%get3A_466, %get3A_467] : memref<8x32768xf32, #tpu.memory_space<vmem>>, vector<8x128xf32>
    %get3A_469 = arith.constant 0 : index
    %get3A_470 = arith.constant 5504 : index
    %get3A_471 = vector.load %arg1[%get3A_469, %get3A_470] : memref<8x32768xf32, #tpu.memory_space<vmem>>, vector<8x128xf32>
    %get3A_472 = arith.constant 0 : index
    %get3A_473 = arith.constant 5632 : index
    %get3A_474 = vector.load %arg1[%get3A_472, %get3A_473] : memref<8x32768xf32, #tpu.memory_space<vmem>>, vector<8x128xf32>
    %get3A_475 = arith.constant 0 : index
    %get3A_476 = arith.constant 5760 : index
    %get3A_477 = vector.load %arg1[%get3A_475, %get3A_476] : memref<8x32768xf32, #tpu.memory_space<vmem>>, vector<8x128xf32>
    %get3A_478 = arith.constant 0 : index
    %get3A_479 = arith.constant 5888 : index
    %get3A_480 = vector.load %arg1[%get3A_478, %get3A_479] : memref<8x32768xf32, #tpu.memory_space<vmem>>, vector<8x128xf32>
    %get3A_481 = arith.constant 0 : index
    %get3A_482 = arith.constant 6016 : index
    %get3A_483 = vector.load %arg1[%get3A_481, %get3A_482] : memref<8x32768xf32, #tpu.memory_space<vmem>>, vector<8x128xf32>
    %max3A_484 = arith.maximumf %get3A_462, %get3A_465 : vector<8x128xf32>
    %min3A_485 = arith.minimumf %get3A_462, %get3A_465 : vector<8x128xf32>
    %max3A_486 = arith.maximumf %get3A_468, %get3A_471 : vector<8x128xf32>
    %min3A_487 = arith.minimumf %get3A_468, %get3A_471 : vector<8x128xf32>
    %max3A_488 = arith.maximumf %max3A_484, %max3A_486 : vector<8x128xf32>
    %min3A_489 = arith.minimumf %max3A_484, %max3A_486 : vector<8x128xf32>
    %min3A_490 = arith.minimumf %min3A_485, %min3A_487 : vector<8x128xf32>
    %max3A_491 = arith.maximumf %min3A_485, %min3A_487 : vector<8x128xf32>
    %max3A_492 = arith.maximumf %min3A_489, %max3A_491 : vector<8x128xf32>
    %min3A_493 = arith.minimumf %min3A_489, %max3A_491 : vector<8x128xf32>
    %max3A_494 = arith.maximumf %max3A_402, %max3A_488 : vector<8x128xf32>
    %min3A_495 = arith.minimumf %max3A_402, %max3A_488 : vector<8x128xf32>
    %max3A_496 = arith.maximumf %max3A_404, %min3A_495 : vector<8x128xf32>
    %min3A_497 = arith.minimumf %max3A_404, %min3A_495 : vector<8x128xf32>
    %max3A_498 = arith.maximumf %max3A_406, %min3A_497 : vector<8x128xf32>
    %min3A_499 = arith.minimumf %max3A_406, %min3A_497 : vector<8x128xf32>
    %max3A_500 = arith.maximumf %max3A_408, %min3A_499 : vector<8x128xf32>
    %max3A_501 = arith.maximumf %max3A_409, %max3A_492 : vector<8x128xf32>
    %min3A_502 = arith.minimumf %max3A_409, %max3A_492 : vector<8x128xf32>
    %max3A_503 = arith.maximumf %max3A_411, %min3A_502 : vector<8x128xf32>
    %max3A_504 = arith.maximumf %max3A_412, %min3A_493 : vector<8x128xf32>
    %max3A_505 = arith.maximumf %max3A_413, %min3A_490 : vector<8x128xf32>
    %min3A_506 = arith.minimumf %min3A_414, %min3A_490 : vector<8x128xf32>
    %max3A_507 = arith.maximumf %min3A_414, %min3A_490 : vector<8x128xf32>
    %min3A_508 = arith.minimumf %min3A_416, %max3A_507 : vector<8x128xf32>
    %max3A_509 = arith.maximumf %min3A_416, %max3A_507 : vector<8x128xf32>
    %min3A_510 = arith.minimumf %min3A_418, %max3A_509 : vector<8x128xf32>
    %max3A_511 = arith.maximumf %min3A_418, %max3A_509 : vector<8x128xf32>
    %min3A_512 = arith.minimumf %min3A_420, %max3A_511 : vector<8x128xf32>
    %min3A_513 = arith.minimumf %min3A_421, %min3A_493 : vector<8x128xf32>
    %max3A_514 = arith.maximumf %min3A_421, %min3A_493 : vector<8x128xf32>
    %min3A_515 = arith.minimumf %min3A_423, %max3A_514 : vector<8x128xf32>
    %min3A_516 = arith.minimumf %min3A_424, %max3A_492 : vector<8x128xf32>
    %min3A_517 = arith.minimumf %min3A_425, %max3A_488 : vector<8x128xf32>
    %max3A_518 = arith.maximumf %get3A_474, %get3A_477 : vector<8x128xf32>
    %min3A_519 = arith.minimumf %get3A_474, %get3A_477 : vector<8x128xf32>
    %max3A_520 = arith.maximumf %get3A_480, %get3A_483 : vector<8x128xf32>
    %min3A_521 = arith.minimumf %get3A_480, %get3A_483 : vector<8x128xf32>
    %max3A_522 = arith.maximumf %max3A_518, %max3A_520 : vector<8x128xf32>
    %min3A_523 = arith.minimumf %max3A_518, %max3A_520 : vector<8x128xf32>
    %min3A_524 = arith.minimumf %min3A_519, %min3A_521 : vector<8x128xf32>
    %max3A_525 = arith.maximumf %min3A_519, %min3A_521 : vector<8x128xf32>
    %max3A_526 = arith.maximumf %min3A_523, %max3A_525 : vector<8x128xf32>
    %min3A_527 = arith.minimumf %min3A_523, %max3A_525 : vector<8x128xf32>
    %max3A_528 = arith.maximumf %max3A_436, %max3A_522 : vector<8x128xf32>
    %min3A_529 = arith.minimumf %max3A_436, %max3A_522 : vector<8x128xf32>
    %max3A_530 = arith.maximumf %max3A_438, %min3A_529 : vector<8x128xf32>
    %min3A_531 = arith.minimumf %max3A_438, %min3A_529 : vector<8x128xf32>
    %max3A_532 = arith.maximumf %max3A_440, %min3A_531 : vector<8x128xf32>
    %min3A_533 = arith.minimumf %max3A_440, %min3A_531 : vector<8x128xf32>
    %max3A_534 = arith.maximumf %max3A_442, %min3A_533 : vector<8x128xf32>
    %max3A_535 = arith.maximumf %max3A_443, %max3A_526 : vector<8x128xf32>
    %min3A_536 = arith.minimumf %max3A_443, %max3A_526 : vector<8x128xf32>
    %max3A_537 = arith.maximumf %max3A_445, %min3A_536 : vector<8x128xf32>
    %max3A_538 = arith.maximumf %max3A_446, %min3A_527 : vector<8x128xf32>
    %max3A_539 = arith.maximumf %max3A_447, %min3A_524 : vector<8x128xf32>
    %min3A_540 = arith.minimumf %min3A_448, %min3A_524 : vector<8x128xf32>
    %max3A_541 = arith.maximumf %min3A_448, %min3A_524 : vector<8x128xf32>
    %min3A_542 = arith.minimumf %min3A_450, %max3A_541 : vector<8x128xf32>
    %max3A_543 = arith.maximumf %min3A_450, %max3A_541 : vector<8x128xf32>
    %min3A_544 = arith.minimumf %min3A_452, %max3A_543 : vector<8x128xf32>
    %max3A_545 = arith.maximumf %min3A_452, %max3A_543 : vector<8x128xf32>
    %min3A_546 = arith.minimumf %min3A_454, %max3A_545 : vector<8x128xf32>
    %min3A_547 = arith.minimumf %min3A_455, %min3A_527 : vector<8x128xf32>
    %max3A_548 = arith.maximumf %min3A_455, %min3A_527 : vector<8x128xf32>
    %min3A_549 = arith.minimumf %min3A_457, %max3A_548 : vector<8x128xf32>
    %min3A_550 = arith.minimumf %min3A_458, %max3A_526 : vector<8x128xf32>
    %min3A_551 = arith.minimumf %min3A_459, %max3A_522 : vector<8x128xf32>
    %get3A_552 = arith.constant 0 : index
    %get3A_553 = arith.constant 6144 : index
    %get3A_554 = vector.load %arg1[%get3A_552, %get3A_553] : memref<8x32768xf32, #tpu.memory_space<vmem>>, vector<8x128xf32>
    %get3A_555 = arith.constant 0 : index
    %get3A_556 = arith.constant 6272 : index
    %get3A_557 = vector.load %arg1[%get3A_555, %get3A_556] : memref<8x32768xf32, #tpu.memory_space<vmem>>, vector<8x128xf32>
    %get3A_558 = arith.constant 0 : index
    %get3A_559 = arith.constant 6400 : index
    %get3A_560 = vector.load %arg1[%get3A_558, %get3A_559] : memref<8x32768xf32, #tpu.memory_space<vmem>>, vector<8x128xf32>
    %get3A_561 = arith.constant 0 : index
    %get3A_562 = arith.constant 6528 : index
    %get3A_563 = vector.load %arg1[%get3A_561, %get3A_562] : memref<8x32768xf32, #tpu.memory_space<vmem>>, vector<8x128xf32>
    %get3A_564 = arith.constant 0 : index
    %get3A_565 = arith.constant 6656 : index
    %get3A_566 = vector.load %arg1[%get3A_564, %get3A_565] : memref<8x32768xf32, #tpu.memory_space<vmem>>, vector<8x128xf32>
    %get3A_567 = arith.constant 0 : index
    %get3A_568 = arith.constant 6784 : index
    %get3A_569 = vector.load %arg1[%get3A_567, %get3A_568] : memref<8x32768xf32, #tpu.memory_space<vmem>>, vector<8x128xf32>
    %get3A_570 = arith.constant 0 : index
    %get3A_571 = arith.constant 6912 : index
    %get3A_572 = vector.load %arg1[%get3A_570, %get3A_571] : memref<8x32768xf32, #tpu.memory_space<vmem>>, vector<8x128xf32>
    %get3A_573 = arith.constant 0 : index
    %get3A_574 = arith.constant 7040 : index
    %get3A_575 = vector.load %arg1[%get3A_573, %get3A_574] : memref<8x32768xf32, #tpu.memory_space<vmem>>, vector<8x128xf32>
    %max3A_576 = arith.maximumf %get3A_554, %get3A_557 : vector<8x128xf32>
    %min3A_577 = arith.minimumf %get3A_554, %get3A_557 : vector<8x128xf32>
    %max3A_578 = arith.maximumf %get3A_560, %get3A_563 : vector<8x128xf32>
    %min3A_579 = arith.minimumf %get3A_560, %get3A_563 : vector<8x128xf32>
    %max3A_580 = arith.maximumf %max3A_576, %max3A_578 : vector<8x128xf32>
    %min3A_581 = arith.minimumf %max3A_576, %max3A_578 : vector<8x128xf32>
    %min3A_582 = arith.minimumf %min3A_577, %min3A_579 : vector<8x128xf32>
    %max3A_583 = arith.maximumf %min3A_577, %min3A_579 : vector<8x128xf32>
    %max3A_584 = arith.maximumf %min3A_581, %max3A_583 : vector<8x128xf32>
    %min3A_585 = arith.minimumf %min3A_581, %max3A_583 : vector<8x128xf32>
    %max3A_586 = arith.maximumf %max3A_494, %max3A_580 : vector<8x128xf32>
    %min3A_587 = arith.minimumf %max3A_494, %max3A_580 : vector<8x128xf32>
    %max3A_588 = arith.maximumf %max3A_496, %min3A_587 : vector<8x128xf32>
    %min3A_589 = arith.minimumf %max3A_496, %min3A_587 : vector<8x128xf32>
    %max3A_590 = arith.maximumf %max3A_498, %min3A_589 : vector<8x128xf32>
    %min3A_591 = arith.minimumf %max3A_498, %min3A_589 : vector<8x128xf32>
    %max3A_592 = arith.maximumf %max3A_500, %min3A_591 : vector<8x128xf32>
    %max3A_593 = arith.maximumf %max3A_501, %max3A_584 : vector<8x128xf32>
    %min3A_594 = arith.minimumf %max3A_501, %max3A_584 : vector<8x128xf32>
    %max3A_595 = arith.maximumf %max3A_503, %min3A_594 : vector<8x128xf32>
    %max3A_596 = arith.maximumf %max3A_504, %min3A_585 : vector<8x128xf32>
    %max3A_597 = arith.maximumf %max3A_505, %min3A_582 : vector<8x128xf32>
    %min3A_598 = arith.minimumf %min3A_506, %min3A_582 : vector<8x128xf32>
    %max3A_599 = arith.maximumf %min3A_506, %min3A_582 : vector<8x128xf32>
    %min3A_600 = arith.minimumf %min3A_508, %max3A_599 : vector<8x128xf32>
    %max3A_601 = arith.maximumf %min3A_508, %max3A_599 : vector<8x128xf32>
    %min3A_602 = arith.minimumf %min3A_510, %max3A_601 : vector<8x128xf32>
    %max3A_603 = arith.maximumf %min3A_510, %max3A_601 : vector<8x128xf32>
    %min3A_604 = arith.minimumf %min3A_512, %max3A_603 : vector<8x128xf32>
    %min3A_605 = arith.minimumf %min3A_513, %min3A_585 : vector<8x128xf32>
    %max3A_606 = arith.maximumf %min3A_513, %min3A_585 : vector<8x128xf32>
    %min3A_607 = arith.minimumf %min3A_515, %max3A_606 : vector<8x128xf32>
    %min3A_608 = arith.minimumf %min3A_516, %max3A_584 : vector<8x128xf32>
    %min3A_609 = arith.minimumf %min3A_517, %max3A_580 : vector<8x128xf32>
    %max3A_610 = arith.maximumf %get3A_566, %get3A_569 : vector<8x128xf32>
    %min3A_611 = arith.minimumf %get3A_566, %get3A_569 : vector<8x128xf32>
    %max3A_612 = arith.maximumf %get3A_572, %get3A_575 : vector<8x128xf32>
    %min3A_613 = arith.minimumf %get3A_572, %get3A_575 : vector<8x128xf32>
    %max3A_614 = arith.maximumf %max3A_610, %max3A_612 : vector<8x128xf32>
    %min3A_615 = arith.minimumf %max3A_610, %max3A_612 : vector<8x128xf32>
    %min3A_616 = arith.minimumf %min3A_611, %min3A_613 : vector<8x128xf32>
    %max3A_617 = arith.maximumf %min3A_611, %min3A_613 : vector<8x128xf32>
    %max3A_618 = arith.maximumf %min3A_615, %max3A_617 : vector<8x128xf32>
    %min3A_619 = arith.minimumf %min3A_615, %max3A_617 : vector<8x128xf32>
    %max3A_620 = arith.maximumf %max3A_528, %max3A_614 : vector<8x128xf32>
    %min3A_621 = arith.minimumf %max3A_528, %max3A_614 : vector<8x128xf32>
    %max3A_622 = arith.maximumf %max3A_530, %min3A_621 : vector<8x128xf32>
    %min3A_623 = arith.minimumf %max3A_530, %min3A_621 : vector<8x128xf32>
    %max3A_624 = arith.maximumf %max3A_532, %min3A_623 : vector<8x128xf32>
    %min3A_625 = arith.minimumf %max3A_532, %min3A_623 : vector<8x128xf32>
    %max3A_626 = arith.maximumf %max3A_534, %min3A_625 : vector<8x128xf32>
    %max3A_627 = arith.maximumf %max3A_535, %max3A_618 : vector<8x128xf32>
    %min3A_628 = arith.minimumf %max3A_535, %max3A_618 : vector<8x128xf32>
    %max3A_629 = arith.maximumf %max3A_537, %min3A_628 : vector<8x128xf32>
    %max3A_630 = arith.maximumf %max3A_538, %min3A_619 : vector<8x128xf32>
    %max3A_631 = arith.maximumf %max3A_539, %min3A_616 : vector<8x128xf32>
    %min3A_632 = arith.minimumf %min3A_540, %min3A_616 : vector<8x128xf32>
    %max3A_633 = arith.maximumf %min3A_540, %min3A_616 : vector<8x128xf32>
    %min3A_634 = arith.minimumf %min3A_542, %max3A_633 : vector<8x128xf32>
    %max3A_635 = arith.maximumf %min3A_542, %max3A_633 : vector<8x128xf32>
    %min3A_636 = arith.minimumf %min3A_544, %max3A_635 : vector<8x128xf32>
    %max3A_637 = arith.maximumf %min3A_544, %max3A_635 : vector<8x128xf32>
    %min3A_638 = arith.minimumf %min3A_546, %max3A_637 : vector<8x128xf32>
    %min3A_639 = arith.minimumf %min3A_547, %min3A_619 : vector<8x128xf32>
    %max3A_640 = arith.maximumf %min3A_547, %min3A_619 : vector<8x128xf32>
    %min3A_641 = arith.minimumf %min3A_549, %max3A_640 : vector<8x128xf32>
    %min3A_642 = arith.minimumf %min3A_550, %max3A_618 : vector<8x128xf32>
    %min3A_643 = arith.minimumf %min3A_551, %max3A_614 : vector<8x128xf32>
    %get3A_644 = arith.constant 0 : index
    %get3A_645 = arith.constant 7168 : index
    %get3A_646 = vector.load %arg1[%get3A_644, %get3A_645] : memref<8x32768xf32, #tpu.memory_space<vmem>>, vector<8x128xf32>
    %get3A_647 = arith.constant 0 : index
    %get3A_648 = arith.constant 7296 : index
    %get3A_649 = vector.load %arg1[%get3A_647, %get3A_648] : memref<8x32768xf32, #tpu.memory_space<vmem>>, vector<8x128xf32>
    %get3A_650 = arith.constant 0 : index
    %get3A_651 = arith.constant 7424 : index
    %get3A_652 = vector.load %arg1[%get3A_650, %get3A_651] : memref<8x32768xf32, #tpu.memory_space<vmem>>, vector<8x128xf32>
    %get3A_653 = arith.constant 0 : index
    %get3A_654 = arith.constant 7552 : index
    %get3A_655 = vector.load %arg1[%get3A_653, %get3A_654] : memref<8x32768xf32, #tpu.memory_space<vmem>>, vector<8x128xf32>
    %get3A_656 = arith.constant 0 : index
    %get3A_657 = arith.constant 7680 : index
    %get3A_658 = vector.load %arg1[%get3A_656, %get3A_657] : memref<8x32768xf32, #tpu.memory_space<vmem>>, vector<8x128xf32>
    %get3A_659 = arith.constant 0 : index
    %get3A_660 = arith.constant 7808 : index
    %get3A_661 = vector.load %arg1[%get3A_659, %get3A_660] : memref<8x32768xf32, #tpu.memory_space<vmem>>, vector<8x128xf32>
    %get3A_662 = arith.constant 0 : index
    %get3A_663 = arith.constant 7936 : index
    %get3A_664 = vector.load %arg1[%get3A_662, %get3A_663] : memref<8x32768xf32, #tpu.memory_space<vmem>>, vector<8x128xf32>
    %get3A_665 = arith.constant 0 : index
    %get3A_666 = arith.constant 8064 : index
    %get3A_667 = vector.load %arg1[%get3A_665, %get3A_666] : memref<8x32768xf32, #tpu.memory_space<vmem>>, vector<8x128xf32>
    %max3A_668 = arith.maximumf %get3A_646, %get3A_649 : vector<8x128xf32>
    %min3A_669 = arith.minimumf %get3A_646, %get3A_649 : vector<8x128xf32>
    %max3A_670 = arith.maximumf %get3A_652, %get3A_655 : vector<8x128xf32>
    %min3A_671 = arith.minimumf %get3A_652, %get3A_655 : vector<8x128xf32>
    %max3A_672 = arith.maximumf %max3A_668, %max3A_670 : vector<8x128xf32>
    %min3A_673 = arith.minimumf %max3A_668, %max3A_670 : vector<8x128xf32>
    %min3A_674 = arith.minimumf %min3A_669, %min3A_671 : vector<8x128xf32>
    %max3A_675 = arith.maximumf %min3A_669, %min3A_671 : vector<8x128xf32>
    %max3A_676 = arith.maximumf %min3A_673, %max3A_675 : vector<8x128xf32>
    %min3A_677 = arith.minimumf %min3A_673, %max3A_675 : vector<8x128xf32>
    %max3A_678 = arith.maximumf %max3A_586, %max3A_672 : vector<8x128xf32>
    %min3A_679 = arith.minimumf %max3A_586, %max3A_672 : vector<8x128xf32>
    %max3A_680 = arith.maximumf %max3A_588, %min3A_679 : vector<8x128xf32>
    %min3A_681 = arith.minimumf %max3A_588, %min3A_679 : vector<8x128xf32>
    %max3A_682 = arith.maximumf %max3A_590, %min3A_681 : vector<8x128xf32>
    %min3A_683 = arith.minimumf %max3A_590, %min3A_681 : vector<8x128xf32>
    %max3A_684 = arith.maximumf %max3A_592, %min3A_683 : vector<8x128xf32>
    %max3A_685 = arith.maximumf %max3A_593, %max3A_676 : vector<8x128xf32>
    %min3A_686 = arith.minimumf %max3A_593, %max3A_676 : vector<8x128xf32>
    %max3A_687 = arith.maximumf %max3A_595, %min3A_686 : vector<8x128xf32>
    %max3A_688 = arith.maximumf %max3A_596, %min3A_677 : vector<8x128xf32>
    %max3A_689 = arith.maximumf %max3A_597, %min3A_674 : vector<8x128xf32>
    %min3A_690 = arith.minimumf %min3A_598, %min3A_674 : vector<8x128xf32>
    %max3A_691 = arith.maximumf %min3A_598, %min3A_674 : vector<8x128xf32>
    %min3A_692 = arith.minimumf %min3A_600, %max3A_691 : vector<8x128xf32>
    %max3A_693 = arith.maximumf %min3A_600, %max3A_691 : vector<8x128xf32>
    %min3A_694 = arith.minimumf %min3A_602, %max3A_693 : vector<8x128xf32>
    %max3A_695 = arith.maximumf %min3A_602, %max3A_693 : vector<8x128xf32>
    %min3A_696 = arith.minimumf %min3A_604, %max3A_695 : vector<8x128xf32>
    %min3A_697 = arith.minimumf %min3A_605, %min3A_677 : vector<8x128xf32>
    %max3A_698 = arith.maximumf %min3A_605, %min3A_677 : vector<8x128xf32>
    %min3A_699 = arith.minimumf %min3A_607, %max3A_698 : vector<8x128xf32>
    %min3A_700 = arith.minimumf %min3A_608, %max3A_676 : vector<8x128xf32>
    %min3A_701 = arith.minimumf %min3A_609, %max3A_672 : vector<8x128xf32>
    %max3A_702 = arith.maximumf %get3A_658, %get3A_661 : vector<8x128xf32>
    %min3A_703 = arith.minimumf %get3A_658, %get3A_661 : vector<8x128xf32>
    %max3A_704 = arith.maximumf %get3A_664, %get3A_667 : vector<8x128xf32>
    %min3A_705 = arith.minimumf %get3A_664, %get3A_667 : vector<8x128xf32>
    %max3A_706 = arith.maximumf %max3A_702, %max3A_704 : vector<8x128xf32>
    %min3A_707 = arith.minimumf %max3A_702, %max3A_704 : vector<8x128xf32>
    %min3A_708 = arith.minimumf %min3A_703, %min3A_705 : vector<8x128xf32>
    %max3A_709 = arith.maximumf %min3A_703, %min3A_705 : vector<8x128xf32>
    %max3A_710 = arith.maximumf %min3A_707, %max3A_709 : vector<8x128xf32>
    %min3A_711 = arith.minimumf %min3A_707, %max3A_709 : vector<8x128xf32>
    %max3A_712 = arith.maximumf %max3A_620, %max3A_706 : vector<8x128xf32>
    %min3A_713 = arith.minimumf %max3A_620, %max3A_706 : vector<8x128xf32>
    %max3A_714 = arith.maximumf %max3A_622, %min3A_713 : vector<8x128xf32>
    %min3A_715 = arith.minimumf %max3A_622, %min3A_713 : vector<8x128xf32>
    %max3A_716 = arith.maximumf %max3A_624, %min3A_715 : vector<8x128xf32>
    %min3A_717 = arith.minimumf %max3A_624, %min3A_715 : vector<8x128xf32>
    %max3A_718 = arith.maximumf %max3A_626, %min3A_717 : vector<8x128xf32>
    %max3A_719 = arith.maximumf %max3A_627, %max3A_710 : vector<8x128xf32>
    %min3A_720 = arith.minimumf %max3A_627, %max3A_710 : vector<8x128xf32>
    %max3A_721 = arith.maximumf %max3A_629, %min3A_720 : vector<8x128xf32>
    %max3A_722 = arith.maximumf %max3A_630, %min3A_711 : vector<8x128xf32>
    %max3A_723 = arith.maximumf %max3A_631, %min3A_708 : vector<8x128xf32>
    %min3A_724 = arith.minimumf %min3A_632, %min3A_708 : vector<8x128xf32>
    %max3A_725 = arith.maximumf %min3A_632, %min3A_708 : vector<8x128xf32>
    %min3A_726 = arith.minimumf %min3A_634, %max3A_725 : vector<8x128xf32>
    %max3A_727 = arith.maximumf %min3A_634, %max3A_725 : vector<8x128xf32>
    %min3A_728 = arith.minimumf %min3A_636, %max3A_727 : vector<8x128xf32>
    %max3A_729 = arith.maximumf %min3A_636, %max3A_727 : vector<8x128xf32>
    %min3A_730 = arith.minimumf %min3A_638, %max3A_729 : vector<8x128xf32>
    %min3A_731 = arith.minimumf %min3A_639, %min3A_711 : vector<8x128xf32>
    %max3A_732 = arith.maximumf %min3A_639, %min3A_711 : vector<8x128xf32>
    %min3A_733 = arith.minimumf %min3A_641, %max3A_732 : vector<8x128xf32>
    %min3A_734 = arith.minimumf %min3A_642, %max3A_710 : vector<8x128xf32>
    %min3A_735 = arith.minimumf %min3A_643, %max3A_706 : vector<8x128xf32>
    %get3A_736 = arith.constant 0 : index
    %get3A_737 = arith.constant 8192 : index
    %get3A_738 = vector.load %arg1[%get3A_736, %get3A_737] : memref<8x32768xf32, #tpu.memory_space<vmem>>, vector<8x128xf32>
    %get3A_739 = arith.constant 0 : index
    %get3A_740 = arith.constant 8320 : index
    %get3A_741 = vector.load %arg1[%get3A_739, %get3A_740] : memref<8x32768xf32, #tpu.memory_space<vmem>>, vector<8x128xf32>
    %get3A_742 = arith.constant 0 : index
    %get3A_743 = arith.constant 8448 : index
    %get3A_744 = vector.load %arg1[%get3A_742, %get3A_743] : memref<8x32768xf32, #tpu.memory_space<vmem>>, vector<8x128xf32>
    %get3A_745 = arith.constant 0 : index
    %get3A_746 = arith.constant 8576 : index
    %get3A_747 = vector.load %arg1[%get3A_745, %get3A_746] : memref<8x32768xf32, #tpu.memory_space<vmem>>, vector<8x128xf32>
    %get3A_748 = arith.constant 0 : index
    %get3A_749 = arith.constant 8704 : index
    %get3A_750 = vector.load %arg1[%get3A_748, %get3A_749] : memref<8x32768xf32, #tpu.memory_space<vmem>>, vector<8x128xf32>
    %get3A_751 = arith.constant 0 : index
    %get3A_752 = arith.constant 8832 : index
    %get3A_753 = vector.load %arg1[%get3A_751, %get3A_752] : memref<8x32768xf32, #tpu.memory_space<vmem>>, vector<8x128xf32>
    %get3A_754 = arith.constant 0 : index
    %get3A_755 = arith.constant 8960 : index
    %get3A_756 = vector.load %arg1[%get3A_754, %get3A_755] : memref<8x32768xf32, #tpu.memory_space<vmem>>, vector<8x128xf32>
    %get3A_757 = arith.constant 0 : index
    %get3A_758 = arith.constant 9088 : index
    %get3A_759 = vector.load %arg1[%get3A_757, %get3A_758] : memref<8x32768xf32, #tpu.memory_space<vmem>>, vector<8x128xf32>
    %max3A_760 = arith.maximumf %get3A_738, %get3A_741 : vector<8x128xf32>
    %min3A_761 = arith.minimumf %get3A_738, %get3A_741 : vector<8x128xf32>
    %max3A_762 = arith.maximumf %get3A_744, %get3A_747 : vector<8x128xf32>
    %min3A_763 = arith.minimumf %get3A_744, %get3A_747 : vector<8x128xf32>
    %max3A_764 = arith.maximumf %max3A_760, %max3A_762 : vector<8x128xf32>
    %min3A_765 = arith.minimumf %max3A_760, %max3A_762 : vector<8x128xf32>
    %min3A_766 = arith.minimumf %min3A_761, %min3A_763 : vector<8x128xf32>
    %max3A_767 = arith.maximumf %min3A_761, %min3A_763 : vector<8x128xf32>
    %max3A_768 = arith.maximumf %min3A_765, %max3A_767 : vector<8x128xf32>
    %min3A_769 = arith.minimumf %min3A_765, %max3A_767 : vector<8x128xf32>
    %max3A_770 = arith.maximumf %max3A_678, %max3A_764 : vector<8x128xf32>
    %min3A_771 = arith.minimumf %max3A_678, %max3A_764 : vector<8x128xf32>
    %max3A_772 = arith.maximumf %max3A_680, %min3A_771 : vector<8x128xf32>
    %min3A_773 = arith.minimumf %max3A_680, %min3A_771 : vector<8x128xf32>
    %max3A_774 = arith.maximumf %max3A_682, %min3A_773 : vector<8x128xf32>
    %min3A_775 = arith.minimumf %max3A_682, %min3A_773 : vector<8x128xf32>
    %max3A_776 = arith.maximumf %max3A_684, %min3A_775 : vector<8x128xf32>
    %max3A_777 = arith.maximumf %max3A_685, %max3A_768 : vector<8x128xf32>
    %min3A_778 = arith.minimumf %max3A_685, %max3A_768 : vector<8x128xf32>
    %max3A_779 = arith.maximumf %max3A_687, %min3A_778 : vector<8x128xf32>
    %max3A_780 = arith.maximumf %max3A_688, %min3A_769 : vector<8x128xf32>
    %max3A_781 = arith.maximumf %max3A_689, %min3A_766 : vector<8x128xf32>
    %min3A_782 = arith.minimumf %min3A_690, %min3A_766 : vector<8x128xf32>
    %max3A_783 = arith.maximumf %min3A_690, %min3A_766 : vector<8x128xf32>
    %min3A_784 = arith.minimumf %min3A_692, %max3A_783 : vector<8x128xf32>
    %max3A_785 = arith.maximumf %min3A_692, %max3A_783 : vector<8x128xf32>
    %min3A_786 = arith.minimumf %min3A_694, %max3A_785 : vector<8x128xf32>
    %max3A_787 = arith.maximumf %min3A_694, %max3A_785 : vector<8x128xf32>
    %min3A_788 = arith.minimumf %min3A_696, %max3A_787 : vector<8x128xf32>
    %min3A_789 = arith.minimumf %min3A_697, %min3A_769 : vector<8x128xf32>
    %max3A_790 = arith.maximumf %min3A_697, %min3A_769 : vector<8x128xf32>
    %min3A_791 = arith.minimumf %min3A_699, %max3A_790 : vector<8x128xf32>
    %min3A_792 = arith.minimumf %min3A_700, %max3A_768 : vector<8x128xf32>
    %min3A_793 = arith.minimumf %min3A_701, %max3A_764 : vector<8x128xf32>
    %max3A_794 = arith.maximumf %get3A_750, %get3A_753 : vector<8x128xf32>
    %min3A_795 = arith.minimumf %get3A_750, %get3A_753 : vector<8x128xf32>
    %max3A_796 = arith.maximumf %get3A_756, %get3A_759 : vector<8x128xf32>
    %min3A_797 = arith.minimumf %get3A_756, %get3A_759 : vector<8x128xf32>
    %max3A_798 = arith.maximumf %max3A_794, %max3A_796 : vector<8x128xf32>
    %min3A_799 = arith.minimumf %max3A_794, %max3A_796 : vector<8x128xf32>
    %min3A_800 = arith.minimumf %min3A_795, %min3A_797 : vector<8x128xf32>
    %max3A_801 = arith.maximumf %min3A_795, %min3A_797 : vector<8x128xf32>
    %max3A_802 = arith.maximumf %min3A_799, %max3A_801 : vector<8x128xf32>
    %min3A_803 = arith.minimumf %min3A_799, %max3A_801 : vector<8x128xf32>
    %max3A_804 = arith.maximumf %max3A_712, %max3A_798 : vector<8x128xf32>
    %min3A_805 = arith.minimumf %max3A_712, %max3A_798 : vector<8x128xf32>
    %max3A_806 = arith.maximumf %max3A_714, %min3A_805 : vector<8x128xf32>
    %min3A_807 = arith.minimumf %max3A_714, %min3A_805 : vector<8x128xf32>
    %max3A_808 = arith.maximumf %max3A_716, %min3A_807 : vector<8x128xf32>
    %min3A_809 = arith.minimumf %max3A_716, %min3A_807 : vector<8x128xf32>
    %max3A_810 = arith.maximumf %max3A_718, %min3A_809 : vector<8x128xf32>
    %max3A_811 = arith.maximumf %max3A_719, %max3A_802 : vector<8x128xf32>
    %min3A_812 = arith.minimumf %max3A_719, %max3A_802 : vector<8x128xf32>
    %max3A_813 = arith.maximumf %max3A_721, %min3A_812 : vector<8x128xf32>
    %max3A_814 = arith.maximumf %max3A_722, %min3A_803 : vector<8x128xf32>
    %max3A_815 = arith.maximumf %max3A_723, %min3A_800 : vector<8x128xf32>
    %min3A_816 = arith.minimumf %min3A_724, %min3A_800 : vector<8x128xf32>
    %max3A_817 = arith.maximumf %min3A_724, %min3A_800 : vector<8x128xf32>
    %min3A_818 = arith.minimumf %min3A_726, %max3A_817 : vector<8x128xf32>
    %max3A_819 = arith.maximumf %min3A_726, %max3A_817 : vector<8x128xf32>
    %min3A_820 = arith.minimumf %min3A_728, %max3A_819 : vector<8x128xf32>
    %max3A_821 = arith.maximumf %min3A_728, %max3A_819 : vector<8x128xf32>
    %min3A_822 = arith.minimumf %min3A_730, %max3A_821 : vector<8x128xf32>
    %min3A_823 = arith.minimumf %min3A_731, %min3A_803 : vector<8x128xf32>
    %max3A_824 = arith.maximumf %min3A_731, %min3A_803 : vector<8x128xf32>
    %min3A_825 = arith.minimumf %min3A_733, %max3A_824 : vector<8x128xf32>
    %min3A_826 = arith.minimumf %min3A_734, %max3A_802 : vector<8x128xf32>
    %min3A_827 = arith.minimumf %min3A_735, %max3A_798 : vector<8x128xf32>
    %get3A_828 = arith.constant 0 : index
    %get3A_829 = arith.constant 9216 : index
    %get3A_830 = vector.load %arg1[%get3A_828, %get3A_829] : memref<8x32768xf32, #tpu.memory_space<vmem>>, vector<8x128xf32>
    %get3A_831 = arith.constant 0 : index
    %get3A_832 = arith.constant 9344 : index
    %get3A_833 = vector.load %arg1[%get3A_831, %get3A_832] : memref<8x32768xf32, #tpu.memory_space<vmem>>, vector<8x128xf32>
    %get3A_834 = arith.constant 0 : index
    %get3A_835 = arith.constant 9472 : index
    %get3A_836 = vector.load %arg1[%get3A_834, %get3A_835] : memref<8x32768xf32, #tpu.memory_space<vmem>>, vector<8x128xf32>
    %get3A_837 = arith.constant 0 : index
    %get3A_838 = arith.constant 9600 : index
    %get3A_839 = vector.load %arg1[%get3A_837, %get3A_838] : memref<8x32768xf32, #tpu.memory_space<vmem>>, vector<8x128xf32>
    %get3A_840 = arith.constant 0 : index
    %get3A_841 = arith.constant 9728 : index
    %get3A_842 = vector.load %arg1[%get3A_840, %get3A_841] : memref<8x32768xf32, #tpu.memory_space<vmem>>, vector<8x128xf32>
    %get3A_843 = arith.constant 0 : index
    %get3A_844 = arith.constant 9856 : index
    %get3A_845 = vector.load %arg1[%get3A_843, %get3A_844] : memref<8x32768xf32, #tpu.memory_space<vmem>>, vector<8x128xf32>
    %get3A_846 = arith.constant 0 : index
    %get3A_847 = arith.constant 9984 : index
    %get3A_848 = vector.load %arg1[%get3A_846, %get3A_847] : memref<8x32768xf32, #tpu.memory_space<vmem>>, vector<8x128xf32>
    %get3A_849 = arith.constant 0 : index
    %get3A_850 = arith.constant 10112 : index
    %get3A_851 = vector.load %arg1[%get3A_849, %get3A_850] : memref<8x32768xf32, #tpu.memory_space<vmem>>, vector<8x128xf32>
    %max3A_852 = arith.maximumf %get3A_830, %get3A_833 : vector<8x128xf32>
    %min3A_853 = arith.minimumf %get3A_830, %get3A_833 : vector<8x128xf32>
    %max3A_854 = arith.maximumf %get3A_836, %get3A_839 : vector<8x128xf32>
    %min3A_855 = arith.minimumf %get3A_836, %get3A_839 : vector<8x128xf32>
    %max3A_856 = arith.maximumf %max3A_852, %max3A_854 : vector<8x128xf32>
    %min3A_857 = arith.minimumf %max3A_852, %max3A_854 : vector<8x128xf32>
    %min3A_858 = arith.minimumf %min3A_853, %min3A_855 : vector<8x128xf32>
    %max3A_859 = arith.maximumf %min3A_853, %min3A_855 : vector<8x128xf32>
    %max3A_860 = arith.maximumf %min3A_857, %max3A_859 : vector<8x128xf32>
    %min3A_861 = arith.minimumf %min3A_857, %max3A_859 : vector<8x128xf32>
    %max3A_862 = arith.maximumf %max3A_770, %max3A_856 : vector<8x128xf32>
    %min3A_863 = arith.minimumf %max3A_770, %max3A_856 : vector<8x128xf32>
    %max3A_864 = arith.maximumf %max3A_772, %min3A_863 : vector<8x128xf32>
    %min3A_865 = arith.minimumf %max3A_772, %min3A_863 : vector<8x128xf32>
    %max3A_866 = arith.maximumf %max3A_774, %min3A_865 : vector<8x128xf32>
    %min3A_867 = arith.minimumf %max3A_774, %min3A_865 : vector<8x128xf32>
    %max3A_868 = arith.maximumf %max3A_776, %min3A_867 : vector<8x128xf32>
    %max3A_869 = arith.maximumf %max3A_777, %max3A_860 : vector<8x128xf32>
    %min3A_870 = arith.minimumf %max3A_777, %max3A_860 : vector<8x128xf32>
    %max3A_871 = arith.maximumf %max3A_779, %min3A_870 : vector<8x128xf32>
    %max3A_872 = arith.maximumf %max3A_780, %min3A_861 : vector<8x128xf32>
    %max3A_873 = arith.maximumf %max3A_781, %min3A_858 : vector<8x128xf32>
    %min3A_874 = arith.minimumf %min3A_782, %min3A_858 : vector<8x128xf32>
    %max3A_875 = arith.maximumf %min3A_782, %min3A_858 : vector<8x128xf32>
    %min3A_876 = arith.minimumf %min3A_784, %max3A_875 : vector<8x128xf32>
    %max3A_877 = arith.maximumf %min3A_784, %max3A_875 : vector<8x128xf32>
    %min3A_878 = arith.minimumf %min3A_786, %max3A_877 : vector<8x128xf32>
    %max3A_879 = arith.maximumf %min3A_786, %max3A_877 : vector<8x128xf32>
    %min3A_880 = arith.minimumf %min3A_788, %max3A_879 : vector<8x128xf32>
    %min3A_881 = arith.minimumf %min3A_789, %min3A_861 : vector<8x128xf32>
    %max3A_882 = arith.maximumf %min3A_789, %min3A_861 : vector<8x128xf32>
    %min3A_883 = arith.minimumf %min3A_791, %max3A_882 : vector<8x128xf32>
    %min3A_884 = arith.minimumf %min3A_792, %max3A_860 : vector<8x128xf32>
    %min3A_885 = arith.minimumf %min3A_793, %max3A_856 : vector<8x128xf32>
    %max3A_886 = arith.maximumf %get3A_842, %get3A_845 : vector<8x128xf32>
    %min3A_887 = arith.minimumf %get3A_842, %get3A_845 : vector<8x128xf32>
    %max3A_888 = arith.maximumf %get3A_848, %get3A_851 : vector<8x128xf32>
    %min3A_889 = arith.minimumf %get3A_848, %get3A_851 : vector<8x128xf32>
    %max3A_890 = arith.maximumf %max3A_886, %max3A_888 : vector<8x128xf32>
    %min3A_891 = arith.minimumf %max3A_886, %max3A_888 : vector<8x128xf32>
    %min3A_892 = arith.minimumf %min3A_887, %min3A_889 : vector<8x128xf32>
    %max3A_893 = arith.maximumf %min3A_887, %min3A_889 : vector<8x128xf32>
    %max3A_894 = arith.maximumf %min3A_891, %max3A_893 : vector<8x128xf32>
    %min3A_895 = arith.minimumf %min3A_891, %max3A_893 : vector<8x128xf32>
    %max3A_896 = arith.maximumf %max3A_804, %max3A_890 : vector<8x128xf32>
    %min3A_897 = arith.minimumf %max3A_804, %max3A_890 : vector<8x128xf32>
    %max3A_898 = arith.maximumf %max3A_806, %min3A_897 : vector<8x128xf32>
    %min3A_899 = arith.minimumf %max3A_806, %min3A_897 : vector<8x128xf32>
    %max3A_900 = arith.maximumf %max3A_808, %min3A_899 : vector<8x128xf32>
    %min3A_901 = arith.minimumf %max3A_808, %min3A_899 : vector<8x128xf32>
    %max3A_902 = arith.maximumf %max3A_810, %min3A_901 : vector<8x128xf32>
    %max3A_903 = arith.maximumf %max3A_811, %max3A_894 : vector<8x128xf32>
    %min3A_904 = arith.minimumf %max3A_811, %max3A_894 : vector<8x128xf32>
    %max3A_905 = arith.maximumf %max3A_813, %min3A_904 : vector<8x128xf32>
    %max3A_906 = arith.maximumf %max3A_814, %min3A_895 : vector<8x128xf32>
    %max3A_907 = arith.maximumf %max3A_815, %min3A_892 : vector<8x128xf32>
    %min3A_908 = arith.minimumf %min3A_816, %min3A_892 : vector<8x128xf32>
    %max3A_909 = arith.maximumf %min3A_816, %min3A_892 : vector<8x128xf32>
    %min3A_910 = arith.minimumf %min3A_818, %max3A_909 : vector<8x128xf32>
    %max3A_911 = arith.maximumf %min3A_818, %max3A_909 : vector<8x128xf32>
    %min3A_912 = arith.minimumf %min3A_820, %max3A_911 : vector<8x128xf32>
    %max3A_913 = arith.maximumf %min3A_820, %max3A_911 : vector<8x128xf32>
    %min3A_914 = arith.minimumf %min3A_822, %max3A_913 : vector<8x128xf32>
    %min3A_915 = arith.minimumf %min3A_823, %min3A_895 : vector<8x128xf32>
    %max3A_916 = arith.maximumf %min3A_823, %min3A_895 : vector<8x128xf32>
    %min3A_917 = arith.minimumf %min3A_825, %max3A_916 : vector<8x128xf32>
    %min3A_918 = arith.minimumf %min3A_826, %max3A_894 : vector<8x128xf32>
    %min3A_919 = arith.minimumf %min3A_827, %max3A_890 : vector<8x128xf32>
    %get3A_920 = arith.constant 0 : index
    %get3A_921 = arith.constant 10240 : index
    %get3A_922 = vector.load %arg1[%get3A_920, %get3A_921] : memref<8x32768xf32, #tpu.memory_space<vmem>>, vector<8x128xf32>
    %get3A_923 = arith.constant 0 : index
    %get3A_924 = arith.constant 10368 : index
    %get3A_925 = vector.load %arg1[%get3A_923, %get3A_924] : memref<8x32768xf32, #tpu.memory_space<vmem>>, vector<8x128xf32>
    %get3A_926 = arith.constant 0 : index
    %get3A_927 = arith.constant 10496 : index
    %get3A_928 = vector.load %arg1[%get3A_926, %get3A_927] : memref<8x32768xf32, #tpu.memory_space<vmem>>, vector<8x128xf32>
    %get3A_929 = arith.constant 0 : index
    %get3A_930 = arith.constant 10624 : index
    %get3A_931 = vector.load %arg1[%get3A_929, %get3A_930] : memref<8x32768xf32, #tpu.memory_space<vmem>>, vector<8x128xf32>
    %get3A_932 = arith.constant 0 : index
    %get3A_933 = arith.constant 10752 : index
    %get3A_934 = vector.load %arg1[%get3A_932, %get3A_933] : memref<8x32768xf32, #tpu.memory_space<vmem>>, vector<8x128xf32>
    %get3A_935 = arith.constant 0 : index
    %get3A_936 = arith.constant 10880 : index
    %get3A_937 = vector.load %arg1[%get3A_935, %get3A_936] : memref<8x32768xf32, #tpu.memory_space<vmem>>, vector<8x128xf32>
    %get3A_938 = arith.constant 0 : index
    %get3A_939 = arith.constant 11008 : index
    %get3A_940 = vector.load %arg1[%get3A_938, %get3A_939] : memref<8x32768xf32, #tpu.memory_space<vmem>>, vector<8x128xf32>
    %get3A_941 = arith.constant 0 : index
    %get3A_942 = arith.constant 11136 : index
    %get3A_943 = vector.load %arg1[%get3A_941, %get3A_942] : memref<8x32768xf32, #tpu.memory_space<vmem>>, vector<8x128xf32>
    %max3A_944 = arith.maximumf %get3A_922, %get3A_925 : vector<8x128xf32>
    %min3A_945 = arith.minimumf %get3A_922, %get3A_925 : vector<8x128xf32>
    %max3A_946 = arith.maximumf %get3A_928, %get3A_931 : vector<8x128xf32>
    %min3A_947 = arith.minimumf %get3A_928, %get3A_931 : vector<8x128xf32>
    %max3A_948 = arith.maximumf %max3A_944, %max3A_946 : vector<8x128xf32>
    %min3A_949 = arith.minimumf %max3A_944, %max3A_946 : vector<8x128xf32>
    %min3A_950 = arith.minimumf %min3A_945, %min3A_947 : vector<8x128xf32>
    %max3A_951 = arith.maximumf %min3A_945, %min3A_947 : vector<8x128xf32>
    %max3A_952 = arith.maximumf %min3A_949, %max3A_951 : vector<8x128xf32>
    %min3A_953 = arith.minimumf %min3A_949, %max3A_951 : vector<8x128xf32>
    %max3A_954 = arith.maximumf %max3A_862, %max3A_948 : vector<8x128xf32>
    %min3A_955 = arith.minimumf %max3A_862, %max3A_948 : vector<8x128xf32>
    %max3A_956 = arith.maximumf %max3A_864, %min3A_955 : vector<8x128xf32>
    %min3A_957 = arith.minimumf %max3A_864, %min3A_955 : vector<8x128xf32>
    %max3A_958 = arith.maximumf %max3A_866, %min3A_957 : vector<8x128xf32>
    %min3A_959 = arith.minimumf %max3A_866, %min3A_957 : vector<8x128xf32>
    %max3A_960 = arith.maximumf %max3A_868, %min3A_959 : vector<8x128xf32>
    %max3A_961 = arith.maximumf %max3A_869, %max3A_952 : vector<8x128xf32>
    %min3A_962 = arith.minimumf %max3A_869, %max3A_952 : vector<8x128xf32>
    %max3A_963 = arith.maximumf %max3A_871, %min3A_962 : vector<8x128xf32>
    %max3A_964 = arith.maximumf %max3A_872, %min3A_953 : vector<8x128xf32>
    %max3A_965 = arith.maximumf %max3A_873, %min3A_950 : vector<8x128xf32>
    %min3A_966 = arith.minimumf %min3A_874, %min3A_950 : vector<8x128xf32>
    %max3A_967 = arith.maximumf %min3A_874, %min3A_950 : vector<8x128xf32>
    %min3A_968 = arith.minimumf %min3A_876, %max3A_967 : vector<8x128xf32>
    %max3A_969 = arith.maximumf %min3A_876, %max3A_967 : vector<8x128xf32>
    %min3A_970 = arith.minimumf %min3A_878, %max3A_969 : vector<8x128xf32>
    %max3A_971 = arith.maximumf %min3A_878, %max3A_969 : vector<8x128xf32>
    %min3A_972 = arith.minimumf %min3A_880, %max3A_971 : vector<8x128xf32>
    %min3A_973 = arith.minimumf %min3A_881, %min3A_953 : vector<8x128xf32>
    %max3A_974 = arith.maximumf %min3A_881, %min3A_953 : vector<8x128xf32>
    %min3A_975 = arith.minimumf %min3A_883, %max3A_974 : vector<8x128xf32>
    %min3A_976 = arith.minimumf %min3A_884, %max3A_952 : vector<8x128xf32>
    %min3A_977 = arith.minimumf %min3A_885, %max3A_948 : vector<8x128xf32>
    %max3A_978 = arith.maximumf %get3A_934, %get3A_937 : vector<8x128xf32>
    %min3A_979 = arith.minimumf %get3A_934, %get3A_937 : vector<8x128xf32>
    %max3A_980 = arith.maximumf %get3A_940, %get3A_943 : vector<8x128xf32>
    %min3A_981 = arith.minimumf %get3A_940, %get3A_943 : vector<8x128xf32>
    %max3A_982 = arith.maximumf %max3A_978, %max3A_980 : vector<8x128xf32>
    %min3A_983 = arith.minimumf %max3A_978, %max3A_980 : vector<8x128xf32>
    %min3A_984 = arith.minimumf %min3A_979, %min3A_981 : vector<8x128xf32>
    %max3A_985 = arith.maximumf %min3A_979, %min3A_981 : vector<8x128xf32>
    %max3A_986 = arith.maximumf %min3A_983, %max3A_985 : vector<8x128xf32>
    %min3A_987 = arith.minimumf %min3A_983, %max3A_985 : vector<8x128xf32>
    %max3A_988 = arith.maximumf %max3A_896, %max3A_982 : vector<8x128xf32>
    %min3A_989 = arith.minimumf %max3A_896, %max3A_982 : vector<8x128xf32>
    %max3A_990 = arith.maximumf %max3A_898, %min3A_989 : vector<8x128xf32>
    %min3A_991 = arith.minimumf %max3A_898, %min3A_989 : vector<8x128xf32>
    %max3A_992 = arith.maximumf %max3A_900, %min3A_991 : vector<8x128xf32>
    %min3A_993 = arith.minimumf %max3A_900, %min3A_991 : vector<8x128xf32>
    %max3A_994 = arith.maximumf %max3A_902, %min3A_993 : vector<8x128xf32>
    %max3A_995 = arith.maximumf %max3A_903, %max3A_986 : vector<8x128xf32>
    %min3A_996 = arith.minimumf %max3A_903, %max3A_986 : vector<8x128xf32>
    %max3A_997 = arith.maximumf %max3A_905, %min3A_996 : vector<8x128xf32>
    %max3A_998 = arith.maximumf %max3A_906, %min3A_987 : vector<8x128xf32>
    %max3A_999 = arith.maximumf %max3A_907, %min3A_984 : vector<8x128xf32>
    %min3A_1000 = arith.minimumf %min3A_908, %min3A_984 : vector<8x128xf32>
    %max3A_1001 = arith.maximumf %min3A_908, %min3A_984 : vector<8x128xf32>
    %min3A_1002 = arith.minimumf %min3A_910, %max3A_1001 : vector<8x128xf32>
    %max3A_1003 = arith.maximumf %min3A_910, %max3A_1001 : vector<8x128xf32>
    %min3A_1004 = arith.minimumf %min3A_912, %max3A_1003 : vector<8x128xf32>
    %max3A_1005 = arith.maximumf %min3A_912, %max3A_1003 : vector<8x128xf32>
    %min3A_1006 = arith.minimumf %min3A_914, %max3A_1005 : vector<8x128xf32>
    %min3A_1007 = arith.minimumf %min3A_915, %min3A_987 : vector<8x128xf32>
    %max3A_1008 = arith.maximumf %min3A_915, %min3A_987 : vector<8x128xf32>
    %min3A_1009 = arith.minimumf %min3A_917, %max3A_1008 : vector<8x128xf32>
    %min3A_1010 = arith.minimumf %min3A_918, %max3A_986 : vector<8x128xf32>
    %min3A_1011 = arith.minimumf %min3A_919, %max3A_982 : vector<8x128xf32>
    %get3A_1012 = arith.constant 0 : index
    %get3A_1013 = arith.constant 11264 : index
    %get3A_1014 = vector.load %arg1[%get3A_1012, %get3A_1013] : memref<8x32768xf32, #tpu.memory_space<vmem>>, vector<8x128xf32>
    %get3A_1015 = arith.constant 0 : index
    %get3A_1016 = arith.constant 11392 : index
    %get3A_1017 = vector.load %arg1[%get3A_1015, %get3A_1016] : memref<8x32768xf32, #tpu.memory_space<vmem>>, vector<8x128xf32>
    %get3A_1018 = arith.constant 0 : index
    %get3A_1019 = arith.constant 11520 : index
    %get3A_1020 = vector.load %arg1[%get3A_1018, %get3A_1019] : memref<8x32768xf32, #tpu.memory_space<vmem>>, vector<8x128xf32>
    %get3A_1021 = arith.constant 0 : index
    %get3A_1022 = arith.constant 11648 : index
    %get3A_1023 = vector.load %arg1[%get3A_1021, %get3A_1022] : memref<8x32768xf32, #tpu.memory_space<vmem>>, vector<8x128xf32>
    %get3A_1024 = arith.constant 0 : index
    %get3A_1025 = arith.constant 11776 : index
    %get3A_1026 = vector.load %arg1[%get3A_1024, %get3A_1025] : memref<8x32768xf32, #tpu.memory_space<vmem>>, vector<8x128xf32>
    %get3A_1027 = arith.constant 0 : index
    %get3A_1028 = arith.constant 11904 : index
    %get3A_1029 = vector.load %arg1[%get3A_1027, %get3A_1028] : memref<8x32768xf32, #tpu.memory_space<vmem>>, vector<8x128xf32>
    %get3A_1030 = arith.constant 0 : index
    %get3A_1031 = arith.constant 12032 : index
    %get3A_1032 = vector.load %arg1[%get3A_1030, %get3A_1031] : memref<8x32768xf32, #tpu.memory_space<vmem>>, vector<8x128xf32>
    %get3A_1033 = arith.constant 0 : index
    %get3A_1034 = arith.constant 12160 : index
    %get3A_1035 = vector.load %arg1[%get3A_1033, %get3A_1034] : memref<8x32768xf32, #tpu.memory_space<vmem>>, vector<8x128xf32>
    %max3A_1036 = arith.maximumf %get3A_1014, %get3A_1017 : vector<8x128xf32>
    %min3A_1037 = arith.minimumf %get3A_1014, %get3A_1017 : vector<8x128xf32>
    %max3A_1038 = arith.maximumf %get3A_1020, %get3A_1023 : vector<8x128xf32>
    %min3A_1039 = arith.minimumf %get3A_1020, %get3A_1023 : vector<8x128xf32>
    %max3A_1040 = arith.maximumf %max3A_1036, %max3A_1038 : vector<8x128xf32>
    %min3A_1041 = arith.minimumf %max3A_1036, %max3A_1038 : vector<8x128xf32>
    %min3A_1042 = arith.minimumf %min3A_1037, %min3A_1039 : vector<8x128xf32>
    %max3A_1043 = arith.maximumf %min3A_1037, %min3A_1039 : vector<8x128xf32>
    %max3A_1044 = arith.maximumf %min3A_1041, %max3A_1043 : vector<8x128xf32>
    %min3A_1045 = arith.minimumf %min3A_1041, %max3A_1043 : vector<8x128xf32>
    %max3A_1046 = arith.maximumf %max3A_954, %max3A_1040 : vector<8x128xf32>
    %min3A_1047 = arith.minimumf %max3A_954, %max3A_1040 : vector<8x128xf32>
    %max3A_1048 = arith.maximumf %max3A_956, %min3A_1047 : vector<8x128xf32>
    %min3A_1049 = arith.minimumf %max3A_956, %min3A_1047 : vector<8x128xf32>
    %max3A_1050 = arith.maximumf %max3A_958, %min3A_1049 : vector<8x128xf32>
    %min3A_1051 = arith.minimumf %max3A_958, %min3A_1049 : vector<8x128xf32>
    %max3A_1052 = arith.maximumf %max3A_960, %min3A_1051 : vector<8x128xf32>
    %max3A_1053 = arith.maximumf %max3A_961, %max3A_1044 : vector<8x128xf32>
    %min3A_1054 = arith.minimumf %max3A_961, %max3A_1044 : vector<8x128xf32>
    %max3A_1055 = arith.maximumf %max3A_963, %min3A_1054 : vector<8x128xf32>
    %max3A_1056 = arith.maximumf %max3A_964, %min3A_1045 : vector<8x128xf32>
    %max3A_1057 = arith.maximumf %max3A_965, %min3A_1042 : vector<8x128xf32>
    %min3A_1058 = arith.minimumf %min3A_966, %min3A_1042 : vector<8x128xf32>
    %max3A_1059 = arith.maximumf %min3A_966, %min3A_1042 : vector<8x128xf32>
    %min3A_1060 = arith.minimumf %min3A_968, %max3A_1059 : vector<8x128xf32>
    %max3A_1061 = arith.maximumf %min3A_968, %max3A_1059 : vector<8x128xf32>
    %min3A_1062 = arith.minimumf %min3A_970, %max3A_1061 : vector<8x128xf32>
    %max3A_1063 = arith.maximumf %min3A_970, %max3A_1061 : vector<8x128xf32>
    %min3A_1064 = arith.minimumf %min3A_972, %max3A_1063 : vector<8x128xf32>
    %min3A_1065 = arith.minimumf %min3A_973, %min3A_1045 : vector<8x128xf32>
    %max3A_1066 = arith.maximumf %min3A_973, %min3A_1045 : vector<8x128xf32>
    %min3A_1067 = arith.minimumf %min3A_975, %max3A_1066 : vector<8x128xf32>
    %min3A_1068 = arith.minimumf %min3A_976, %max3A_1044 : vector<8x128xf32>
    %min3A_1069 = arith.minimumf %min3A_977, %max3A_1040 : vector<8x128xf32>
    %max3A_1070 = arith.maximumf %get3A_1026, %get3A_1029 : vector<8x128xf32>
    %min3A_1071 = arith.minimumf %get3A_1026, %get3A_1029 : vector<8x128xf32>
    %max3A_1072 = arith.maximumf %get3A_1032, %get3A_1035 : vector<8x128xf32>
    %min3A_1073 = arith.minimumf %get3A_1032, %get3A_1035 : vector<8x128xf32>
    %max3A_1074 = arith.maximumf %max3A_1070, %max3A_1072 : vector<8x128xf32>
    %min3A_1075 = arith.minimumf %max3A_1070, %max3A_1072 : vector<8x128xf32>
    %min3A_1076 = arith.minimumf %min3A_1071, %min3A_1073 : vector<8x128xf32>
    %max3A_1077 = arith.maximumf %min3A_1071, %min3A_1073 : vector<8x128xf32>
    %max3A_1078 = arith.maximumf %min3A_1075, %max3A_1077 : vector<8x128xf32>
    %min3A_1079 = arith.minimumf %min3A_1075, %max3A_1077 : vector<8x128xf32>
    %max3A_1080 = arith.maximumf %max3A_988, %max3A_1074 : vector<8x128xf32>
    %min3A_1081 = arith.minimumf %max3A_988, %max3A_1074 : vector<8x128xf32>
    %max3A_1082 = arith.maximumf %max3A_990, %min3A_1081 : vector<8x128xf32>
    %min3A_1083 = arith.minimumf %max3A_990, %min3A_1081 : vector<8x128xf32>
    %max3A_1084 = arith.maximumf %max3A_992, %min3A_1083 : vector<8x128xf32>
    %min3A_1085 = arith.minimumf %max3A_992, %min3A_1083 : vector<8x128xf32>
    %max3A_1086 = arith.maximumf %max3A_994, %min3A_1085 : vector<8x128xf32>
    %max3A_1087 = arith.maximumf %max3A_995, %max3A_1078 : vector<8x128xf32>
    %min3A_1088 = arith.minimumf %max3A_995, %max3A_1078 : vector<8x128xf32>
    %max3A_1089 = arith.maximumf %max3A_997, %min3A_1088 : vector<8x128xf32>
    %max3A_1090 = arith.maximumf %max3A_998, %min3A_1079 : vector<8x128xf32>
    %max3A_1091 = arith.maximumf %max3A_999, %min3A_1076 : vector<8x128xf32>
    %min3A_1092 = arith.minimumf %min3A_1000, %min3A_1076 : vector<8x128xf32>
    %max3A_1093 = arith.maximumf %min3A_1000, %min3A_1076 : vector<8x128xf32>
    %min3A_1094 = arith.minimumf %min3A_1002, %max3A_1093 : vector<8x128xf32>
    %max3A_1095 = arith.maximumf %min3A_1002, %max3A_1093 : vector<8x128xf32>
    %min3A_1096 = arith.minimumf %min3A_1004, %max3A_1095 : vector<8x128xf32>
    %max3A_1097 = arith.maximumf %min3A_1004, %max3A_1095 : vector<8x128xf32>
    %min3A_1098 = arith.minimumf %min3A_1006, %max3A_1097 : vector<8x128xf32>
    %min3A_1099 = arith.minimumf %min3A_1007, %min3A_1079 : vector<8x128xf32>
    %max3A_1100 = arith.maximumf %min3A_1007, %min3A_1079 : vector<8x128xf32>
    %min3A_1101 = arith.minimumf %min3A_1009, %max3A_1100 : vector<8x128xf32>
    %min3A_1102 = arith.minimumf %min3A_1010, %max3A_1078 : vector<8x128xf32>
    %min3A_1103 = arith.minimumf %min3A_1011, %max3A_1074 : vector<8x128xf32>
    %get3A_1104 = arith.constant 0 : index
    %get3A_1105 = arith.constant 12288 : index
    %get3A_1106 = vector.load %arg1[%get3A_1104, %get3A_1105] : memref<8x32768xf32, #tpu.memory_space<vmem>>, vector<8x128xf32>
    %get3A_1107 = arith.constant 0 : index
    %get3A_1108 = arith.constant 12416 : index
    %get3A_1109 = vector.load %arg1[%get3A_1107, %get3A_1108] : memref<8x32768xf32, #tpu.memory_space<vmem>>, vector<8x128xf32>
    %get3A_1110 = arith.constant 0 : index
    %get3A_1111 = arith.constant 12544 : index
    %get3A_1112 = vector.load %arg1[%get3A_1110, %get3A_1111] : memref<8x32768xf32, #tpu.memory_space<vmem>>, vector<8x128xf32>
    %get3A_1113 = arith.constant 0 : index
    %get3A_1114 = arith.constant 12672 : index
    %get3A_1115 = vector.load %arg1[%get3A_1113, %get3A_1114] : memref<8x32768xf32, #tpu.memory_space<vmem>>, vector<8x128xf32>
    %get3A_1116 = arith.constant 0 : index
    %get3A_1117 = arith.constant 12800 : index
    %get3A_1118 = vector.load %arg1[%get3A_1116, %get3A_1117] : memref<8x32768xf32, #tpu.memory_space<vmem>>, vector<8x128xf32>
    %get3A_1119 = arith.constant 0 : index
    %get3A_1120 = arith.constant 12928 : index
    %get3A_1121 = vector.load %arg1[%get3A_1119, %get3A_1120] : memref<8x32768xf32, #tpu.memory_space<vmem>>, vector<8x128xf32>
    %get3A_1122 = arith.constant 0 : index
    %get3A_1123 = arith.constant 13056 : index
    %get3A_1124 = vector.load %arg1[%get3A_1122, %get3A_1123] : memref<8x32768xf32, #tpu.memory_space<vmem>>, vector<8x128xf32>
    %get3A_1125 = arith.constant 0 : index
    %get3A_1126 = arith.constant 13184 : index
    %get3A_1127 = vector.load %arg1[%get3A_1125, %get3A_1126] : memref<8x32768xf32, #tpu.memory_space<vmem>>, vector<8x128xf32>
    %max3A_1128 = arith.maximumf %get3A_1106, %get3A_1109 : vector<8x128xf32>
    %min3A_1129 = arith.minimumf %get3A_1106, %get3A_1109 : vector<8x128xf32>
    %max3A_1130 = arith.maximumf %get3A_1112, %get3A_1115 : vector<8x128xf32>
    %min3A_1131 = arith.minimumf %get3A_1112, %get3A_1115 : vector<8x128xf32>
    %max3A_1132 = arith.maximumf %max3A_1128, %max3A_1130 : vector<8x128xf32>
    %min3A_1133 = arith.minimumf %max3A_1128, %max3A_1130 : vector<8x128xf32>
    %min3A_1134 = arith.minimumf %min3A_1129, %min3A_1131 : vector<8x128xf32>
    %max3A_1135 = arith.maximumf %min3A_1129, %min3A_1131 : vector<8x128xf32>
    %max3A_1136 = arith.maximumf %min3A_1133, %max3A_1135 : vector<8x128xf32>
    %min3A_1137 = arith.minimumf %min3A_1133, %max3A_1135 : vector<8x128xf32>
    %max3A_1138 = arith.maximumf %max3A_1046, %max3A_1132 : vector<8x128xf32>
    %min3A_1139 = arith.minimumf %max3A_1046, %max3A_1132 : vector<8x128xf32>
    %max3A_1140 = arith.maximumf %max3A_1048, %min3A_1139 : vector<8x128xf32>
    %min3A_1141 = arith.minimumf %max3A_1048, %min3A_1139 : vector<8x128xf32>
    %max3A_1142 = arith.maximumf %max3A_1050, %min3A_1141 : vector<8x128xf32>
    %min3A_1143 = arith.minimumf %max3A_1050, %min3A_1141 : vector<8x128xf32>
    %max3A_1144 = arith.maximumf %max3A_1052, %min3A_1143 : vector<8x128xf32>
    %max3A_1145 = arith.maximumf %max3A_1053, %max3A_1136 : vector<8x128xf32>
    %min3A_1146 = arith.minimumf %max3A_1053, %max3A_1136 : vector<8x128xf32>
    %max3A_1147 = arith.maximumf %max3A_1055, %min3A_1146 : vector<8x128xf32>
    %max3A_1148 = arith.maximumf %max3A_1056, %min3A_1137 : vector<8x128xf32>
    %max3A_1149 = arith.maximumf %max3A_1057, %min3A_1134 : vector<8x128xf32>
    %min3A_1150 = arith.minimumf %min3A_1058, %min3A_1134 : vector<8x128xf32>
    %max3A_1151 = arith.maximumf %min3A_1058, %min3A_1134 : vector<8x128xf32>
    %min3A_1152 = arith.minimumf %min3A_1060, %max3A_1151 : vector<8x128xf32>
    %max3A_1153 = arith.maximumf %min3A_1060, %max3A_1151 : vector<8x128xf32>
    %min3A_1154 = arith.minimumf %min3A_1062, %max3A_1153 : vector<8x128xf32>
    %max3A_1155 = arith.maximumf %min3A_1062, %max3A_1153 : vector<8x128xf32>
    %min3A_1156 = arith.minimumf %min3A_1064, %max3A_1155 : vector<8x128xf32>
    %min3A_1157 = arith.minimumf %min3A_1065, %min3A_1137 : vector<8x128xf32>
    %max3A_1158 = arith.maximumf %min3A_1065, %min3A_1137 : vector<8x128xf32>
    %min3A_1159 = arith.minimumf %min3A_1067, %max3A_1158 : vector<8x128xf32>
    %min3A_1160 = arith.minimumf %min3A_1068, %max3A_1136 : vector<8x128xf32>
    %min3A_1161 = arith.minimumf %min3A_1069, %max3A_1132 : vector<8x128xf32>
    %max3A_1162 = arith.maximumf %get3A_1118, %get3A_1121 : vector<8x128xf32>
    %min3A_1163 = arith.minimumf %get3A_1118, %get3A_1121 : vector<8x128xf32>
    %max3A_1164 = arith.maximumf %get3A_1124, %get3A_1127 : vector<8x128xf32>
    %min3A_1165 = arith.minimumf %get3A_1124, %get3A_1127 : vector<8x128xf32>
    %max3A_1166 = arith.maximumf %max3A_1162, %max3A_1164 : vector<8x128xf32>
    %min3A_1167 = arith.minimumf %max3A_1162, %max3A_1164 : vector<8x128xf32>
    %min3A_1168 = arith.minimumf %min3A_1163, %min3A_1165 : vector<8x128xf32>
    %max3A_1169 = arith.maximumf %min3A_1163, %min3A_1165 : vector<8x128xf32>
    %max3A_1170 = arith.maximumf %min3A_1167, %max3A_1169 : vector<8x128xf32>
    %min3A_1171 = arith.minimumf %min3A_1167, %max3A_1169 : vector<8x128xf32>
    %max3A_1172 = arith.maximumf %max3A_1080, %max3A_1166 : vector<8x128xf32>
    %min3A_1173 = arith.minimumf %max3A_1080, %max3A_1166 : vector<8x128xf32>
    %max3A_1174 = arith.maximumf %max3A_1082, %min3A_1173 : vector<8x128xf32>
    %min3A_1175 = arith.minimumf %max3A_1082, %min3A_1173 : vector<8x128xf32>
    %max3A_1176 = arith.maximumf %max3A_1084, %min3A_1175 : vector<8x128xf32>
    %min3A_1177 = arith.minimumf %max3A_1084, %min3A_1175 : vector<8x128xf32>
    %max3A_1178 = arith.maximumf %max3A_1086, %min3A_1177 : vector<8x128xf32>
    %max3A_1179 = arith.maximumf %max3A_1087, %max3A_1170 : vector<8x128xf32>
    %min3A_1180 = arith.minimumf %max3A_1087, %max3A_1170 : vector<8x128xf32>
    %max3A_1181 = arith.maximumf %max3A_1089, %min3A_1180 : vector<8x128xf32>
    %max3A_1182 = arith.maximumf %max3A_1090, %min3A_1171 : vector<8x128xf32>
    %max3A_1183 = arith.maximumf %max3A_1091, %min3A_1168 : vector<8x128xf32>
    %min3A_1184 = arith.minimumf %min3A_1092, %min3A_1168 : vector<8x128xf32>
    %max3A_1185 = arith.maximumf %min3A_1092, %min3A_1168 : vector<8x128xf32>
    %min3A_1186 = arith.minimumf %min3A_1094, %max3A_1185 : vector<8x128xf32>
    %max3A_1187 = arith.maximumf %min3A_1094, %max3A_1185 : vector<8x128xf32>
    %min3A_1188 = arith.minimumf %min3A_1096, %max3A_1187 : vector<8x128xf32>
    %max3A_1189 = arith.maximumf %min3A_1096, %max3A_1187 : vector<8x128xf32>
    %min3A_1190 = arith.minimumf %min3A_1098, %max3A_1189 : vector<8x128xf32>
    %min3A_1191 = arith.minimumf %min3A_1099, %min3A_1171 : vector<8x128xf32>
    %max3A_1192 = arith.maximumf %min3A_1099, %min3A_1171 : vector<8x128xf32>
    %min3A_1193 = arith.minimumf %min3A_1101, %max3A_1192 : vector<8x128xf32>
    %min3A_1194 = arith.minimumf %min3A_1102, %max3A_1170 : vector<8x128xf32>
    %min3A_1195 = arith.minimumf %min3A_1103, %max3A_1166 : vector<8x128xf32>
    %get3A_1196 = arith.constant 0 : index
    %get3A_1197 = arith.constant 13312 : index
    %get3A_1198 = vector.load %arg1[%get3A_1196, %get3A_1197] : memref<8x32768xf32, #tpu.memory_space<vmem>>, vector<8x128xf32>
    %get3A_1199 = arith.constant 0 : index
    %get3A_1200 = arith.constant 13440 : index
    %get3A_1201 = vector.load %arg1[%get3A_1199, %get3A_1200] : memref<8x32768xf32, #tpu.memory_space<vmem>>, vector<8x128xf32>
    %get3A_1202 = arith.constant 0 : index
    %get3A_1203 = arith.constant 13568 : index
    %get3A_1204 = vector.load %arg1[%get3A_1202, %get3A_1203] : memref<8x32768xf32, #tpu.memory_space<vmem>>, vector<8x128xf32>
    %get3A_1205 = arith.constant 0 : index
    %get3A_1206 = arith.constant 13696 : index
    %get3A_1207 = vector.load %arg1[%get3A_1205, %get3A_1206] : memref<8x32768xf32, #tpu.memory_space<vmem>>, vector<8x128xf32>
    %get3A_1208 = arith.constant 0 : index
    %get3A_1209 = arith.constant 13824 : index
    %get3A_1210 = vector.load %arg1[%get3A_1208, %get3A_1209] : memref<8x32768xf32, #tpu.memory_space<vmem>>, vector<8x128xf32>
    %get3A_1211 = arith.constant 0 : index
    %get3A_1212 = arith.constant 13952 : index
    %get3A_1213 = vector.load %arg1[%get3A_1211, %get3A_1212] : memref<8x32768xf32, #tpu.memory_space<vmem>>, vector<8x128xf32>
    %get3A_1214 = arith.constant 0 : index
    %get3A_1215 = arith.constant 14080 : index
    %get3A_1216 = vector.load %arg1[%get3A_1214, %get3A_1215] : memref<8x32768xf32, #tpu.memory_space<vmem>>, vector<8x128xf32>
    %get3A_1217 = arith.constant 0 : index
    %get3A_1218 = arith.constant 14208 : index
    %get3A_1219 = vector.load %arg1[%get3A_1217, %get3A_1218] : memref<8x32768xf32, #tpu.memory_space<vmem>>, vector<8x128xf32>
    %max3A_1220 = arith.maximumf %get3A_1198, %get3A_1201 : vector<8x128xf32>
    %min3A_1221 = arith.minimumf %get3A_1198, %get3A_1201 : vector<8x128xf32>
    %max3A_1222 = arith.maximumf %get3A_1204, %get3A_1207 : vector<8x128xf32>
    %min3A_1223 = arith.minimumf %get3A_1204, %get3A_1207 : vector<8x128xf32>
    %max3A_1224 = arith.maximumf %max3A_1220, %max3A_1222 : vector<8x128xf32>
    %min3A_1225 = arith.minimumf %max3A_1220, %max3A_1222 : vector<8x128xf32>
    %min3A_1226 = arith.minimumf %min3A_1221, %min3A_1223 : vector<8x128xf32>
    %max3A_1227 = arith.maximumf %min3A_1221, %min3A_1223 : vector<8x128xf32>
    %max3A_1228 = arith.maximumf %min3A_1225, %max3A_1227 : vector<8x128xf32>
    %min3A_1229 = arith.minimumf %min3A_1225, %max3A_1227 : vector<8x128xf32>
    %max3A_1230 = arith.maximumf %max3A_1138, %max3A_1224 : vector<8x128xf32>
    %min3A_1231 = arith.minimumf %max3A_1138, %max3A_1224 : vector<8x128xf32>
    %max3A_1232 = arith.maximumf %max3A_1140, %min3A_1231 : vector<8x128xf32>
    %min3A_1233 = arith.minimumf %max3A_1140, %min3A_1231 : vector<8x128xf32>
    %max3A_1234 = arith.maximumf %max3A_1142, %min3A_1233 : vector<8x128xf32>
    %min3A_1235 = arith.minimumf %max3A_1142, %min3A_1233 : vector<8x128xf32>
    %max3A_1236 = arith.maximumf %max3A_1144, %min3A_1235 : vector<8x128xf32>
    %max3A_1237 = arith.maximumf %max3A_1145, %max3A_1228 : vector<8x128xf32>
    %min3A_1238 = arith.minimumf %max3A_1145, %max3A_1228 : vector<8x128xf32>
    %max3A_1239 = arith.maximumf %max3A_1147, %min3A_1238 : vector<8x128xf32>
    %max3A_1240 = arith.maximumf %max3A_1148, %min3A_1229 : vector<8x128xf32>
    %max3A_1241 = arith.maximumf %max3A_1149, %min3A_1226 : vector<8x128xf32>
    %min3A_1242 = arith.minimumf %min3A_1150, %min3A_1226 : vector<8x128xf32>
    %max3A_1243 = arith.maximumf %min3A_1150, %min3A_1226 : vector<8x128xf32>
    %min3A_1244 = arith.minimumf %min3A_1152, %max3A_1243 : vector<8x128xf32>
    %max3A_1245 = arith.maximumf %min3A_1152, %max3A_1243 : vector<8x128xf32>
    %min3A_1246 = arith.minimumf %min3A_1154, %max3A_1245 : vector<8x128xf32>
    %max3A_1247 = arith.maximumf %min3A_1154, %max3A_1245 : vector<8x128xf32>
    %min3A_1248 = arith.minimumf %min3A_1156, %max3A_1247 : vector<8x128xf32>
    %min3A_1249 = arith.minimumf %min3A_1157, %min3A_1229 : vector<8x128xf32>
    %max3A_1250 = arith.maximumf %min3A_1157, %min3A_1229 : vector<8x128xf32>
    %min3A_1251 = arith.minimumf %min3A_1159, %max3A_1250 : vector<8x128xf32>
    %min3A_1252 = arith.minimumf %min3A_1160, %max3A_1228 : vector<8x128xf32>
    %min3A_1253 = arith.minimumf %min3A_1161, %max3A_1224 : vector<8x128xf32>
    %max3A_1254 = arith.maximumf %get3A_1210, %get3A_1213 : vector<8x128xf32>
    %min3A_1255 = arith.minimumf %get3A_1210, %get3A_1213 : vector<8x128xf32>
    %max3A_1256 = arith.maximumf %get3A_1216, %get3A_1219 : vector<8x128xf32>
    %min3A_1257 = arith.minimumf %get3A_1216, %get3A_1219 : vector<8x128xf32>
    %max3A_1258 = arith.maximumf %max3A_1254, %max3A_1256 : vector<8x128xf32>
    %min3A_1259 = arith.minimumf %max3A_1254, %max3A_1256 : vector<8x128xf32>
    %min3A_1260 = arith.minimumf %min3A_1255, %min3A_1257 : vector<8x128xf32>
    %max3A_1261 = arith.maximumf %min3A_1255, %min3A_1257 : vector<8x128xf32>
    %max3A_1262 = arith.maximumf %min3A_1259, %max3A_1261 : vector<8x128xf32>
    %min3A_1263 = arith.minimumf %min3A_1259, %max3A_1261 : vector<8x128xf32>
    %max3A_1264 = arith.maximumf %max3A_1172, %max3A_1258 : vector<8x128xf32>
    %min3A_1265 = arith.minimumf %max3A_1172, %max3A_1258 : vector<8x128xf32>
    %max3A_1266 = arith.maximumf %max3A_1174, %min3A_1265 : vector<8x128xf32>
    %min3A_1267 = arith.minimumf %max3A_1174, %min3A_1265 : vector<8x128xf32>
    %max3A_1268 = arith.maximumf %max3A_1176, %min3A_1267 : vector<8x128xf32>
    %min3A_1269 = arith.minimumf %max3A_1176, %min3A_1267 : vector<8x128xf32>
    %max3A_1270 = arith.maximumf %max3A_1178, %min3A_1269 : vector<8x128xf32>
    %max3A_1271 = arith.maximumf %max3A_1179, %max3A_1262 : vector<8x128xf32>
    %min3A_1272 = arith.minimumf %max3A_1179, %max3A_1262 : vector<8x128xf32>
    %max3A_1273 = arith.maximumf %max3A_1181, %min3A_1272 : vector<8x128xf32>
    %max3A_1274 = arith.maximumf %max3A_1182, %min3A_1263 : vector<8x128xf32>
    %max3A_1275 = arith.maximumf %max3A_1183, %min3A_1260 : vector<8x128xf32>
    %min3A_1276 = arith.minimumf %min3A_1184, %min3A_1260 : vector<8x128xf32>
    %max3A_1277 = arith.maximumf %min3A_1184, %min3A_1260 : vector<8x128xf32>
    %min3A_1278 = arith.minimumf %min3A_1186, %max3A_1277 : vector<8x128xf32>
    %max3A_1279 = arith.maximumf %min3A_1186, %max3A_1277 : vector<8x128xf32>
    %min3A_1280 = arith.minimumf %min3A_1188, %max3A_1279 : vector<8x128xf32>
    %max3A_1281 = arith.maximumf %min3A_1188, %max3A_1279 : vector<8x128xf32>
    %min3A_1282 = arith.minimumf %min3A_1190, %max3A_1281 : vector<8x128xf32>
    %min3A_1283 = arith.minimumf %min3A_1191, %min3A_1263 : vector<8x128xf32>
    %max3A_1284 = arith.maximumf %min3A_1191, %min3A_1263 : vector<8x128xf32>
    %min3A_1285 = arith.minimumf %min3A_1193, %max3A_1284 : vector<8x128xf32>
    %min3A_1286 = arith.minimumf %min3A_1194, %max3A_1262 : vector<8x128xf32>
    %min3A_1287 = arith.minimumf %min3A_1195, %max3A_1258 : vector<8x128xf32>
    %get3A_1288 = arith.constant 0 : index
    %get3A_1289 = arith.constant 14336 : index
    %get3A_1290 = vector.load %arg1[%get3A_1288, %get3A_1289] : memref<8x32768xf32, #tpu.memory_space<vmem>>, vector<8x128xf32>
    %get3A_1291 = arith.constant 0 : index
    %get3A_1292 = arith.constant 14464 : index
    %get3A_1293 = vector.load %arg1[%get3A_1291, %get3A_1292] : memref<8x32768xf32, #tpu.memory_space<vmem>>, vector<8x128xf32>
    %get3A_1294 = arith.constant 0 : index
    %get3A_1295 = arith.constant 14592 : index
    %get3A_1296 = vector.load %arg1[%get3A_1294, %get3A_1295] : memref<8x32768xf32, #tpu.memory_space<vmem>>, vector<8x128xf32>
    %get3A_1297 = arith.constant 0 : index
    %get3A_1298 = arith.constant 14720 : index
    %get3A_1299 = vector.load %arg1[%get3A_1297, %get3A_1298] : memref<8x32768xf32, #tpu.memory_space<vmem>>, vector<8x128xf32>
    %get3A_1300 = arith.constant 0 : index
    %get3A_1301 = arith.constant 14848 : index
    %get3A_1302 = vector.load %arg1[%get3A_1300, %get3A_1301] : memref<8x32768xf32, #tpu.memory_space<vmem>>, vector<8x128xf32>
    %get3A_1303 = arith.constant 0 : index
    %get3A_1304 = arith.constant 14976 : index
    %get3A_1305 = vector.load %arg1[%get3A_1303, %get3A_1304] : memref<8x32768xf32, #tpu.memory_space<vmem>>, vector<8x128xf32>
    %get3A_1306 = arith.constant 0 : index
    %get3A_1307 = arith.constant 15104 : index
    %get3A_1308 = vector.load %arg1[%get3A_1306, %get3A_1307] : memref<8x32768xf32, #tpu.memory_space<vmem>>, vector<8x128xf32>
    %get3A_1309 = arith.constant 0 : index
    %get3A_1310 = arith.constant 15232 : index
    %get3A_1311 = vector.load %arg1[%get3A_1309, %get3A_1310] : memref<8x32768xf32, #tpu.memory_space<vmem>>, vector<8x128xf32>
    %max3A_1312 = arith.maximumf %get3A_1290, %get3A_1293 : vector<8x128xf32>
    %min3A_1313 = arith.minimumf %get3A_1290, %get3A_1293 : vector<8x128xf32>
    %max3A_1314 = arith.maximumf %get3A_1296, %get3A_1299 : vector<8x128xf32>
    %min3A_1315 = arith.minimumf %get3A_1296, %get3A_1299 : vector<8x128xf32>
    %max3A_1316 = arith.maximumf %max3A_1312, %max3A_1314 : vector<8x128xf32>
    %min3A_1317 = arith.minimumf %max3A_1312, %max3A_1314 : vector<8x128xf32>
    %min3A_1318 = arith.minimumf %min3A_1313, %min3A_1315 : vector<8x128xf32>
    %max3A_1319 = arith.maximumf %min3A_1313, %min3A_1315 : vector<8x128xf32>
    %max3A_1320 = arith.maximumf %min3A_1317, %max3A_1319 : vector<8x128xf32>
    %min3A_1321 = arith.minimumf %min3A_1317, %max3A_1319 : vector<8x128xf32>
    %max3A_1322 = arith.maximumf %max3A_1230, %max3A_1316 : vector<8x128xf32>
    %min3A_1323 = arith.minimumf %max3A_1230, %max3A_1316 : vector<8x128xf32>
    %max3A_1324 = arith.maximumf %max3A_1232, %min3A_1323 : vector<8x128xf32>
    %min3A_1325 = arith.minimumf %max3A_1232, %min3A_1323 : vector<8x128xf32>
    %max3A_1326 = arith.maximumf %max3A_1234, %min3A_1325 : vector<8x128xf32>
    %min3A_1327 = arith.minimumf %max3A_1234, %min3A_1325 : vector<8x128xf32>
    %max3A_1328 = arith.maximumf %max3A_1236, %min3A_1327 : vector<8x128xf32>
    %max3A_1329 = arith.maximumf %max3A_1237, %max3A_1320 : vector<8x128xf32>
    %min3A_1330 = arith.minimumf %max3A_1237, %max3A_1320 : vector<8x128xf32>
    %max3A_1331 = arith.maximumf %max3A_1239, %min3A_1330 : vector<8x128xf32>
    %max3A_1332 = arith.maximumf %max3A_1240, %min3A_1321 : vector<8x128xf32>
    %max3A_1333 = arith.maximumf %max3A_1241, %min3A_1318 : vector<8x128xf32>
    %min3A_1334 = arith.minimumf %min3A_1242, %min3A_1318 : vector<8x128xf32>
    %max3A_1335 = arith.maximumf %min3A_1242, %min3A_1318 : vector<8x128xf32>
    %min3A_1336 = arith.minimumf %min3A_1244, %max3A_1335 : vector<8x128xf32>
    %max3A_1337 = arith.maximumf %min3A_1244, %max3A_1335 : vector<8x128xf32>
    %min3A_1338 = arith.minimumf %min3A_1246, %max3A_1337 : vector<8x128xf32>
    %max3A_1339 = arith.maximumf %min3A_1246, %max3A_1337 : vector<8x128xf32>
    %min3A_1340 = arith.minimumf %min3A_1248, %max3A_1339 : vector<8x128xf32>
    %min3A_1341 = arith.minimumf %min3A_1249, %min3A_1321 : vector<8x128xf32>
    %max3A_1342 = arith.maximumf %min3A_1249, %min3A_1321 : vector<8x128xf32>
    %min3A_1343 = arith.minimumf %min3A_1251, %max3A_1342 : vector<8x128xf32>
    %min3A_1344 = arith.minimumf %min3A_1252, %max3A_1320 : vector<8x128xf32>
    %min3A_1345 = arith.minimumf %min3A_1253, %max3A_1316 : vector<8x128xf32>
    %max3A_1346 = arith.maximumf %get3A_1302, %get3A_1305 : vector<8x128xf32>
    %min3A_1347 = arith.minimumf %get3A_1302, %get3A_1305 : vector<8x128xf32>
    %max3A_1348 = arith.maximumf %get3A_1308, %get3A_1311 : vector<8x128xf32>
    %min3A_1349 = arith.minimumf %get3A_1308, %get3A_1311 : vector<8x128xf32>
    %max3A_1350 = arith.maximumf %max3A_1346, %max3A_1348 : vector<8x128xf32>
    %min3A_1351 = arith.minimumf %max3A_1346, %max3A_1348 : vector<8x128xf32>
    %min3A_1352 = arith.minimumf %min3A_1347, %min3A_1349 : vector<8x128xf32>
    %max3A_1353 = arith.maximumf %min3A_1347, %min3A_1349 : vector<8x128xf32>
    %max3A_1354 = arith.maximumf %min3A_1351, %max3A_1353 : vector<8x128xf32>
    %min3A_1355 = arith.minimumf %min3A_1351, %max3A_1353 : vector<8x128xf32>
    %max3A_1356 = arith.maximumf %max3A_1264, %max3A_1350 : vector<8x128xf32>
    %min3A_1357 = arith.minimumf %max3A_1264, %max3A_1350 : vector<8x128xf32>
    %max3A_1358 = arith.maximumf %max3A_1266, %min3A_1357 : vector<8x128xf32>
    %min3A_1359 = arith.minimumf %max3A_1266, %min3A_1357 : vector<8x128xf32>
    %max3A_1360 = arith.maximumf %max3A_1268, %min3A_1359 : vector<8x128xf32>
    %min3A_1361 = arith.minimumf %max3A_1268, %min3A_1359 : vector<8x128xf32>
    %max3A_1362 = arith.maximumf %max3A_1270, %min3A_1361 : vector<8x128xf32>
    %max3A_1363 = arith.maximumf %max3A_1271, %max3A_1354 : vector<8x128xf32>
    %min3A_1364 = arith.minimumf %max3A_1271, %max3A_1354 : vector<8x128xf32>
    %max3A_1365 = arith.maximumf %max3A_1273, %min3A_1364 : vector<8x128xf32>
    %max3A_1366 = arith.maximumf %max3A_1274, %min3A_1355 : vector<8x128xf32>
    %max3A_1367 = arith.maximumf %max3A_1275, %min3A_1352 : vector<8x128xf32>
    %min3A_1368 = arith.minimumf %min3A_1276, %min3A_1352 : vector<8x128xf32>
    %max3A_1369 = arith.maximumf %min3A_1276, %min3A_1352 : vector<8x128xf32>
    %min3A_1370 = arith.minimumf %min3A_1278, %max3A_1369 : vector<8x128xf32>
    %max3A_1371 = arith.maximumf %min3A_1278, %max3A_1369 : vector<8x128xf32>
    %min3A_1372 = arith.minimumf %min3A_1280, %max3A_1371 : vector<8x128xf32>
    %max3A_1373 = arith.maximumf %min3A_1280, %max3A_1371 : vector<8x128xf32>
    %min3A_1374 = arith.minimumf %min3A_1282, %max3A_1373 : vector<8x128xf32>
    %min3A_1375 = arith.minimumf %min3A_1283, %min3A_1355 : vector<8x128xf32>
    %max3A_1376 = arith.maximumf %min3A_1283, %min3A_1355 : vector<8x128xf32>
    %min3A_1377 = arith.minimumf %min3A_1285, %max3A_1376 : vector<8x128xf32>
    %min3A_1378 = arith.minimumf %min3A_1286, %max3A_1354 : vector<8x128xf32>
    %min3A_1379 = arith.minimumf %min3A_1287, %max3A_1350 : vector<8x128xf32>
    %get3A_1380 = arith.constant 0 : index
    %get3A_1381 = arith.constant 15360 : index
    %get3A_1382 = vector.load %arg1[%get3A_1380, %get3A_1381] : memref<8x32768xf32, #tpu.memory_space<vmem>>, vector<8x128xf32>
    %get3A_1383 = arith.constant 0 : index
    %get3A_1384 = arith.constant 15488 : index
    %get3A_1385 = vector.load %arg1[%get3A_1383, %get3A_1384] : memref<8x32768xf32, #tpu.memory_space<vmem>>, vector<8x128xf32>
    %get3A_1386 = arith.constant 0 : index
    %get3A_1387 = arith.constant 15616 : index
    %get3A_1388 = vector.load %arg1[%get3A_1386, %get3A_1387] : memref<8x32768xf32, #tpu.memory_space<vmem>>, vector<8x128xf32>
    %get3A_1389 = arith.constant 0 : index
    %get3A_1390 = arith.constant 15744 : index
    %get3A_1391 = vector.load %arg1[%get3A_1389, %get3A_1390] : memref<8x32768xf32, #tpu.memory_space<vmem>>, vector<8x128xf32>
    %get3A_1392 = arith.constant 0 : index
    %get3A_1393 = arith.constant 15872 : index
    %get3A_1394 = vector.load %arg1[%get3A_1392, %get3A_1393] : memref<8x32768xf32, #tpu.memory_space<vmem>>, vector<8x128xf32>
    %get3A_1395 = arith.constant 0 : index
    %get3A_1396 = arith.constant 16000 : index
    %get3A_1397 = vector.load %arg1[%get3A_1395, %get3A_1396] : memref<8x32768xf32, #tpu.memory_space<vmem>>, vector<8x128xf32>
    %get3A_1398 = arith.constant 0 : index
    %get3A_1399 = arith.constant 16128 : index
    %get3A_1400 = vector.load %arg1[%get3A_1398, %get3A_1399] : memref<8x32768xf32, #tpu.memory_space<vmem>>, vector<8x128xf32>
    %get3A_1401 = arith.constant 0 : index
    %get3A_1402 = arith.constant 16256 : index
    %get3A_1403 = vector.load %arg1[%get3A_1401, %get3A_1402] : memref<8x32768xf32, #tpu.memory_space<vmem>>, vector<8x128xf32>
    %max3A_1404 = arith.maximumf %get3A_1382, %get3A_1385 : vector<8x128xf32>
    %min3A_1405 = arith.minimumf %get3A_1382, %get3A_1385 : vector<8x128xf32>
    %max3A_1406 = arith.maximumf %get3A_1388, %get3A_1391 : vector<8x128xf32>
    %min3A_1407 = arith.minimumf %get3A_1388, %get3A_1391 : vector<8x128xf32>
    %max3A_1408 = arith.maximumf %max3A_1404, %max3A_1406 : vector<8x128xf32>
    %min3A_1409 = arith.minimumf %max3A_1404, %max3A_1406 : vector<8x128xf32>
    %min3A_1410 = arith.minimumf %min3A_1405, %min3A_1407 : vector<8x128xf32>
    %max3A_1411 = arith.maximumf %min3A_1405, %min3A_1407 : vector<8x128xf32>
    %max3A_1412 = arith.maximumf %min3A_1409, %max3A_1411 : vector<8x128xf32>
    %min3A_1413 = arith.minimumf %min3A_1409, %max3A_1411 : vector<8x128xf32>
    %max3A_1414 = arith.maximumf %max3A_1322, %max3A_1408 : vector<8x128xf32>
    %min3A_1415 = arith.minimumf %max3A_1322, %max3A_1408 : vector<8x128xf32>
    %max3A_1416 = arith.maximumf %max3A_1324, %min3A_1415 : vector<8x128xf32>
    %min3A_1417 = arith.minimumf %max3A_1324, %min3A_1415 : vector<8x128xf32>
    %max3A_1418 = arith.maximumf %max3A_1326, %min3A_1417 : vector<8x128xf32>
    %min3A_1419 = arith.minimumf %max3A_1326, %min3A_1417 : vector<8x128xf32>
    %max3A_1420 = arith.maximumf %max3A_1328, %min3A_1419 : vector<8x128xf32>
    %max3A_1421 = arith.maximumf %max3A_1329, %max3A_1412 : vector<8x128xf32>
    %min3A_1422 = arith.minimumf %max3A_1329, %max3A_1412 : vector<8x128xf32>
    %max3A_1423 = arith.maximumf %max3A_1331, %min3A_1422 : vector<8x128xf32>
    %max3A_1424 = arith.maximumf %max3A_1332, %min3A_1413 : vector<8x128xf32>
    %max3A_1425 = arith.maximumf %max3A_1333, %min3A_1410 : vector<8x128xf32>
    %min3A_1426 = arith.minimumf %min3A_1334, %min3A_1410 : vector<8x128xf32>
    %max3A_1427 = arith.maximumf %min3A_1334, %min3A_1410 : vector<8x128xf32>
    %min3A_1428 = arith.minimumf %min3A_1336, %max3A_1427 : vector<8x128xf32>
    %max3A_1429 = arith.maximumf %min3A_1336, %max3A_1427 : vector<8x128xf32>
    %min3A_1430 = arith.minimumf %min3A_1338, %max3A_1429 : vector<8x128xf32>
    %max3A_1431 = arith.maximumf %min3A_1338, %max3A_1429 : vector<8x128xf32>
    %min3A_1432 = arith.minimumf %min3A_1340, %max3A_1431 : vector<8x128xf32>
    %min3A_1433 = arith.minimumf %min3A_1341, %min3A_1413 : vector<8x128xf32>
    %max3A_1434 = arith.maximumf %min3A_1341, %min3A_1413 : vector<8x128xf32>
    %min3A_1435 = arith.minimumf %min3A_1343, %max3A_1434 : vector<8x128xf32>
    %min3A_1436 = arith.minimumf %min3A_1344, %max3A_1412 : vector<8x128xf32>
    %min3A_1437 = arith.minimumf %min3A_1345, %max3A_1408 : vector<8x128xf32>
    %max3A_1438 = arith.maximumf %get3A_1394, %get3A_1397 : vector<8x128xf32>
    %min3A_1439 = arith.minimumf %get3A_1394, %get3A_1397 : vector<8x128xf32>
    %max3A_1440 = arith.maximumf %get3A_1400, %get3A_1403 : vector<8x128xf32>
    %min3A_1441 = arith.minimumf %get3A_1400, %get3A_1403 : vector<8x128xf32>
    %max3A_1442 = arith.maximumf %max3A_1438, %max3A_1440 : vector<8x128xf32>
    %min3A_1443 = arith.minimumf %max3A_1438, %max3A_1440 : vector<8x128xf32>
    %min3A_1444 = arith.minimumf %min3A_1439, %min3A_1441 : vector<8x128xf32>
    %max3A_1445 = arith.maximumf %min3A_1439, %min3A_1441 : vector<8x128xf32>
    %max3A_1446 = arith.maximumf %min3A_1443, %max3A_1445 : vector<8x128xf32>
    %min3A_1447 = arith.minimumf %min3A_1443, %max3A_1445 : vector<8x128xf32>
    %max3A_1448 = arith.maximumf %max3A_1356, %max3A_1442 : vector<8x128xf32>
    %min3A_1449 = arith.minimumf %max3A_1356, %max3A_1442 : vector<8x128xf32>
    %max3A_1450 = arith.maximumf %max3A_1358, %min3A_1449 : vector<8x128xf32>
    %min3A_1451 = arith.minimumf %max3A_1358, %min3A_1449 : vector<8x128xf32>
    %max3A_1452 = arith.maximumf %max3A_1360, %min3A_1451 : vector<8x128xf32>
    %min3A_1453 = arith.minimumf %max3A_1360, %min3A_1451 : vector<8x128xf32>
    %max3A_1454 = arith.maximumf %max3A_1362, %min3A_1453 : vector<8x128xf32>
    %max3A_1455 = arith.maximumf %max3A_1363, %max3A_1446 : vector<8x128xf32>
    %min3A_1456 = arith.minimumf %max3A_1363, %max3A_1446 : vector<8x128xf32>
    %max3A_1457 = arith.maximumf %max3A_1365, %min3A_1456 : vector<8x128xf32>
    %max3A_1458 = arith.maximumf %max3A_1366, %min3A_1447 : vector<8x128xf32>
    %max3A_1459 = arith.maximumf %max3A_1367, %min3A_1444 : vector<8x128xf32>
    %min3A_1460 = arith.minimumf %min3A_1368, %min3A_1444 : vector<8x128xf32>
    %max3A_1461 = arith.maximumf %min3A_1368, %min3A_1444 : vector<8x128xf32>
    %min3A_1462 = arith.minimumf %min3A_1370, %max3A_1461 : vector<8x128xf32>
    %max3A_1463 = arith.maximumf %min3A_1370, %max3A_1461 : vector<8x128xf32>
    %min3A_1464 = arith.minimumf %min3A_1372, %max3A_1463 : vector<8x128xf32>
    %max3A_1465 = arith.maximumf %min3A_1372, %max3A_1463 : vector<8x128xf32>
    %min3A_1466 = arith.minimumf %min3A_1374, %max3A_1465 : vector<8x128xf32>
    %min3A_1467 = arith.minimumf %min3A_1375, %min3A_1447 : vector<8x128xf32>
    %max3A_1468 = arith.maximumf %min3A_1375, %min3A_1447 : vector<8x128xf32>
    %min3A_1469 = arith.minimumf %min3A_1377, %max3A_1468 : vector<8x128xf32>
    %min3A_1470 = arith.minimumf %min3A_1378, %max3A_1446 : vector<8x128xf32>
    %min3A_1471 = arith.minimumf %min3A_1379, %max3A_1442 : vector<8x128xf32>
    %get3A_1472 = arith.constant 0 : index
    %get3A_1473 = arith.constant 16384 : index
    %get3A_1474 = vector.load %arg1[%get3A_1472, %get3A_1473] : memref<8x32768xf32, #tpu.memory_space<vmem>>, vector<8x128xf32>
    %get3A_1475 = arith.constant 0 : index
    %get3A_1476 = arith.constant 16512 : index
    %get3A_1477 = vector.load %arg1[%get3A_1475, %get3A_1476] : memref<8x32768xf32, #tpu.memory_space<vmem>>, vector<8x128xf32>
    %get3A_1478 = arith.constant 0 : index
    %get3A_1479 = arith.constant 16640 : index
    %get3A_1480 = vector.load %arg1[%get3A_1478, %get3A_1479] : memref<8x32768xf32, #tpu.memory_space<vmem>>, vector<8x128xf32>
    %get3A_1481 = arith.constant 0 : index
    %get3A_1482 = arith.constant 16768 : index
    %get3A_1483 = vector.load %arg1[%get3A_1481, %get3A_1482] : memref<8x32768xf32, #tpu.memory_space<vmem>>, vector<8x128xf32>
    %get3A_1484 = arith.constant 0 : index
    %get3A_1485 = arith.constant 16896 : index
    %get3A_1486 = vector.load %arg1[%get3A_1484, %get3A_1485] : memref<8x32768xf32, #tpu.memory_space<vmem>>, vector<8x128xf32>
    %get3A_1487 = arith.constant 0 : index
    %get3A_1488 = arith.constant 17024 : index
    %get3A_1489 = vector.load %arg1[%get3A_1487, %get3A_1488] : memref<8x32768xf32, #tpu.memory_space<vmem>>, vector<8x128xf32>
    %get3A_1490 = arith.constant 0 : index
    %get3A_1491 = arith.constant 17152 : index
    %get3A_1492 = vector.load %arg1[%get3A_1490, %get3A_1491] : memref<8x32768xf32, #tpu.memory_space<vmem>>, vector<8x128xf32>
    %get3A_1493 = arith.constant 0 : index
    %get3A_1494 = arith.constant 17280 : index
    %get3A_1495 = vector.load %arg1[%get3A_1493, %get3A_1494] : memref<8x32768xf32, #tpu.memory_space<vmem>>, vector<8x128xf32>
    %max3A_1496 = arith.maximumf %get3A_1474, %get3A_1477 : vector<8x128xf32>
    %min3A_1497 = arith.minimumf %get3A_1474, %get3A_1477 : vector<8x128xf32>
    %max3A_1498 = arith.maximumf %get3A_1480, %get3A_1483 : vector<8x128xf32>
    %min3A_1499 = arith.minimumf %get3A_1480, %get3A_1483 : vector<8x128xf32>
    %max3A_1500 = arith.maximumf %max3A_1496, %max3A_1498 : vector<8x128xf32>
    %min3A_1501 = arith.minimumf %max3A_1496, %max3A_1498 : vector<8x128xf32>
    %min3A_1502 = arith.minimumf %min3A_1497, %min3A_1499 : vector<8x128xf32>
    %max3A_1503 = arith.maximumf %min3A_1497, %min3A_1499 : vector<8x128xf32>
    %max3A_1504 = arith.maximumf %min3A_1501, %max3A_1503 : vector<8x128xf32>
    %min3A_1505 = arith.minimumf %min3A_1501, %max3A_1503 : vector<8x128xf32>
    %max3A_1506 = arith.maximumf %max3A_1414, %max3A_1500 : vector<8x128xf32>
    %min3A_1507 = arith.minimumf %max3A_1414, %max3A_1500 : vector<8x128xf32>
    %max3A_1508 = arith.maximumf %max3A_1416, %min3A_1507 : vector<8x128xf32>
    %min3A_1509 = arith.minimumf %max3A_1416, %min3A_1507 : vector<8x128xf32>
    %max3A_1510 = arith.maximumf %max3A_1418, %min3A_1509 : vector<8x128xf32>
    %min3A_1511 = arith.minimumf %max3A_1418, %min3A_1509 : vector<8x128xf32>
    %max3A_1512 = arith.maximumf %max3A_1420, %min3A_1511 : vector<8x128xf32>
    %max3A_1513 = arith.maximumf %max3A_1421, %max3A_1504 : vector<8x128xf32>
    %min3A_1514 = arith.minimumf %max3A_1421, %max3A_1504 : vector<8x128xf32>
    %max3A_1515 = arith.maximumf %max3A_1423, %min3A_1514 : vector<8x128xf32>
    %max3A_1516 = arith.maximumf %max3A_1424, %min3A_1505 : vector<8x128xf32>
    %max3A_1517 = arith.maximumf %max3A_1425, %min3A_1502 : vector<8x128xf32>
    %min3A_1518 = arith.minimumf %min3A_1426, %min3A_1502 : vector<8x128xf32>
    %max3A_1519 = arith.maximumf %min3A_1426, %min3A_1502 : vector<8x128xf32>
    %min3A_1520 = arith.minimumf %min3A_1428, %max3A_1519 : vector<8x128xf32>
    %max3A_1521 = arith.maximumf %min3A_1428, %max3A_1519 : vector<8x128xf32>
    %min3A_1522 = arith.minimumf %min3A_1430, %max3A_1521 : vector<8x128xf32>
    %max3A_1523 = arith.maximumf %min3A_1430, %max3A_1521 : vector<8x128xf32>
    %min3A_1524 = arith.minimumf %min3A_1432, %max3A_1523 : vector<8x128xf32>
    %min3A_1525 = arith.minimumf %min3A_1433, %min3A_1505 : vector<8x128xf32>
    %max3A_1526 = arith.maximumf %min3A_1433, %min3A_1505 : vector<8x128xf32>
    %min3A_1527 = arith.minimumf %min3A_1435, %max3A_1526 : vector<8x128xf32>
    %min3A_1528 = arith.minimumf %min3A_1436, %max3A_1504 : vector<8x128xf32>
    %min3A_1529 = arith.minimumf %min3A_1437, %max3A_1500 : vector<8x128xf32>
    %max3A_1530 = arith.maximumf %get3A_1486, %get3A_1489 : vector<8x128xf32>
    %min3A_1531 = arith.minimumf %get3A_1486, %get3A_1489 : vector<8x128xf32>
    %max3A_1532 = arith.maximumf %get3A_1492, %get3A_1495 : vector<8x128xf32>
    %min3A_1533 = arith.minimumf %get3A_1492, %get3A_1495 : vector<8x128xf32>
    %max3A_1534 = arith.maximumf %max3A_1530, %max3A_1532 : vector<8x128xf32>
    %min3A_1535 = arith.minimumf %max3A_1530, %max3A_1532 : vector<8x128xf32>
    %min3A_1536 = arith.minimumf %min3A_1531, %min3A_1533 : vector<8x128xf32>
    %max3A_1537 = arith.maximumf %min3A_1531, %min3A_1533 : vector<8x128xf32>
    %max3A_1538 = arith.maximumf %min3A_1535, %max3A_1537 : vector<8x128xf32>
    %min3A_1539 = arith.minimumf %min3A_1535, %max3A_1537 : vector<8x128xf32>
    %max3A_1540 = arith.maximumf %max3A_1448, %max3A_1534 : vector<8x128xf32>
    %min3A_1541 = arith.minimumf %max3A_1448, %max3A_1534 : vector<8x128xf32>
    %max3A_1542 = arith.maximumf %max3A_1450, %min3A_1541 : vector<8x128xf32>
    %min3A_1543 = arith.minimumf %max3A_1450, %min3A_1541 : vector<8x128xf32>
    %max3A_1544 = arith.maximumf %max3A_1452, %min3A_1543 : vector<8x128xf32>
    %min3A_1545 = arith.minimumf %max3A_1452, %min3A_1543 : vector<8x128xf32>
    %max3A_1546 = arith.maximumf %max3A_1454, %min3A_1545 : vector<8x128xf32>
    %max3A_1547 = arith.maximumf %max3A_1455, %max3A_1538 : vector<8x128xf32>
    %min3A_1548 = arith.minimumf %max3A_1455, %max3A_1538 : vector<8x128xf32>
    %max3A_1549 = arith.maximumf %max3A_1457, %min3A_1548 : vector<8x128xf32>
    %max3A_1550 = arith.maximumf %max3A_1458, %min3A_1539 : vector<8x128xf32>
    %max3A_1551 = arith.maximumf %max3A_1459, %min3A_1536 : vector<8x128xf32>
    %min3A_1552 = arith.minimumf %min3A_1460, %min3A_1536 : vector<8x128xf32>
    %max3A_1553 = arith.maximumf %min3A_1460, %min3A_1536 : vector<8x128xf32>
    %min3A_1554 = arith.minimumf %min3A_1462, %max3A_1553 : vector<8x128xf32>
    %max3A_1555 = arith.maximumf %min3A_1462, %max3A_1553 : vector<8x128xf32>
    %min3A_1556 = arith.minimumf %min3A_1464, %max3A_1555 : vector<8x128xf32>
    %max3A_1557 = arith.maximumf %min3A_1464, %max3A_1555 : vector<8x128xf32>
    %min3A_1558 = arith.minimumf %min3A_1466, %max3A_1557 : vector<8x128xf32>
    %min3A_1559 = arith.minimumf %min3A_1467, %min3A_1539 : vector<8x128xf32>
    %max3A_1560 = arith.maximumf %min3A_1467, %min3A_1539 : vector<8x128xf32>
    %min3A_1561 = arith.minimumf %min3A_1469, %max3A_1560 : vector<8x128xf32>
    %min3A_1562 = arith.minimumf %min3A_1470, %max3A_1538 : vector<8x128xf32>
    %min3A_1563 = arith.minimumf %min3A_1471, %max3A_1534 : vector<8x128xf32>
    %get3A_1564 = arith.constant 0 : index
    %get3A_1565 = arith.constant 17408 : index
    %get3A_1566 = vector.load %arg1[%get3A_1564, %get3A_1565] : memref<8x32768xf32, #tpu.memory_space<vmem>>, vector<8x128xf32>
    %get3A_1567 = arith.constant 0 : index
    %get3A_1568 = arith.constant 17536 : index
    %get3A_1569 = vector.load %arg1[%get3A_1567, %get3A_1568] : memref<8x32768xf32, #tpu.memory_space<vmem>>, vector<8x128xf32>
    %get3A_1570 = arith.constant 0 : index
    %get3A_1571 = arith.constant 17664 : index
    %get3A_1572 = vector.load %arg1[%get3A_1570, %get3A_1571] : memref<8x32768xf32, #tpu.memory_space<vmem>>, vector<8x128xf32>
    %get3A_1573 = arith.constant 0 : index
    %get3A_1574 = arith.constant 17792 : index
    %get3A_1575 = vector.load %arg1[%get3A_1573, %get3A_1574] : memref<8x32768xf32, #tpu.memory_space<vmem>>, vector<8x128xf32>
    %get3A_1576 = arith.constant 0 : index
    %get3A_1577 = arith.constant 17920 : index
    %get3A_1578 = vector.load %arg1[%get3A_1576, %get3A_1577] : memref<8x32768xf32, #tpu.memory_space<vmem>>, vector<8x128xf32>
    %get3A_1579 = arith.constant 0 : index
    %get3A_1580 = arith.constant 18048 : index
    %get3A_1581 = vector.load %arg1[%get3A_1579, %get3A_1580] : memref<8x32768xf32, #tpu.memory_space<vmem>>, vector<8x128xf32>
    %get3A_1582 = arith.constant 0 : index
    %get3A_1583 = arith.constant 18176 : index
    %get3A_1584 = vector.load %arg1[%get3A_1582, %get3A_1583] : memref<8x32768xf32, #tpu.memory_space<vmem>>, vector<8x128xf32>
    %get3A_1585 = arith.constant 0 : index
    %get3A_1586 = arith.constant 18304 : index
    %get3A_1587 = vector.load %arg1[%get3A_1585, %get3A_1586] : memref<8x32768xf32, #tpu.memory_space<vmem>>, vector<8x128xf32>
    %max3A_1588 = arith.maximumf %get3A_1566, %get3A_1569 : vector<8x128xf32>
    %min3A_1589 = arith.minimumf %get3A_1566, %get3A_1569 : vector<8x128xf32>
    %max3A_1590 = arith.maximumf %get3A_1572, %get3A_1575 : vector<8x128xf32>
    %min3A_1591 = arith.minimumf %get3A_1572, %get3A_1575 : vector<8x128xf32>
    %max3A_1592 = arith.maximumf %max3A_1588, %max3A_1590 : vector<8x128xf32>
    %min3A_1593 = arith.minimumf %max3A_1588, %max3A_1590 : vector<8x128xf32>
    %min3A_1594 = arith.minimumf %min3A_1589, %min3A_1591 : vector<8x128xf32>
    %max3A_1595 = arith.maximumf %min3A_1589, %min3A_1591 : vector<8x128xf32>
    %max3A_1596 = arith.maximumf %min3A_1593, %max3A_1595 : vector<8x128xf32>
    %min3A_1597 = arith.minimumf %min3A_1593, %max3A_1595 : vector<8x128xf32>
    %max3A_1598 = arith.maximumf %max3A_1506, %max3A_1592 : vector<8x128xf32>
    %min3A_1599 = arith.minimumf %max3A_1506, %max3A_1592 : vector<8x128xf32>
    %max3A_1600 = arith.maximumf %max3A_1508, %min3A_1599 : vector<8x128xf32>
    %min3A_1601 = arith.minimumf %max3A_1508, %min3A_1599 : vector<8x128xf32>
    %max3A_1602 = arith.maximumf %max3A_1510, %min3A_1601 : vector<8x128xf32>
    %min3A_1603 = arith.minimumf %max3A_1510, %min3A_1601 : vector<8x128xf32>
    %max3A_1604 = arith.maximumf %max3A_1512, %min3A_1603 : vector<8x128xf32>
    %max3A_1605 = arith.maximumf %max3A_1513, %max3A_1596 : vector<8x128xf32>
    %min3A_1606 = arith.minimumf %max3A_1513, %max3A_1596 : vector<8x128xf32>
    %max3A_1607 = arith.maximumf %max3A_1515, %min3A_1606 : vector<8x128xf32>
    %max3A_1608 = arith.maximumf %max3A_1516, %min3A_1597 : vector<8x128xf32>
    %max3A_1609 = arith.maximumf %max3A_1517, %min3A_1594 : vector<8x128xf32>
    %min3A_1610 = arith.minimumf %min3A_1518, %min3A_1594 : vector<8x128xf32>
    %max3A_1611 = arith.maximumf %min3A_1518, %min3A_1594 : vector<8x128xf32>
    %min3A_1612 = arith.minimumf %min3A_1520, %max3A_1611 : vector<8x128xf32>
    %max3A_1613 = arith.maximumf %min3A_1520, %max3A_1611 : vector<8x128xf32>
    %min3A_1614 = arith.minimumf %min3A_1522, %max3A_1613 : vector<8x128xf32>
    %max3A_1615 = arith.maximumf %min3A_1522, %max3A_1613 : vector<8x128xf32>
    %min3A_1616 = arith.minimumf %min3A_1524, %max3A_1615 : vector<8x128xf32>
    %min3A_1617 = arith.minimumf %min3A_1525, %min3A_1597 : vector<8x128xf32>
    %max3A_1618 = arith.maximumf %min3A_1525, %min3A_1597 : vector<8x128xf32>
    %min3A_1619 = arith.minimumf %min3A_1527, %max3A_1618 : vector<8x128xf32>
    %min3A_1620 = arith.minimumf %min3A_1528, %max3A_1596 : vector<8x128xf32>
    %min3A_1621 = arith.minimumf %min3A_1529, %max3A_1592 : vector<8x128xf32>
    %max3A_1622 = arith.maximumf %get3A_1578, %get3A_1581 : vector<8x128xf32>
    %min3A_1623 = arith.minimumf %get3A_1578, %get3A_1581 : vector<8x128xf32>
    %max3A_1624 = arith.maximumf %get3A_1584, %get3A_1587 : vector<8x128xf32>
    %min3A_1625 = arith.minimumf %get3A_1584, %get3A_1587 : vector<8x128xf32>
    %max3A_1626 = arith.maximumf %max3A_1622, %max3A_1624 : vector<8x128xf32>
    %min3A_1627 = arith.minimumf %max3A_1622, %max3A_1624 : vector<8x128xf32>
    %min3A_1628 = arith.minimumf %min3A_1623, %min3A_1625 : vector<8x128xf32>
    %max3A_1629 = arith.maximumf %min3A_1623, %min3A_1625 : vector<8x128xf32>
    %max3A_1630 = arith.maximumf %min3A_1627, %max3A_1629 : vector<8x128xf32>
    %min3A_1631 = arith.minimumf %min3A_1627, %max3A_1629 : vector<8x128xf32>
    %max3A_1632 = arith.maximumf %max3A_1540, %max3A_1626 : vector<8x128xf32>
    %min3A_1633 = arith.minimumf %max3A_1540, %max3A_1626 : vector<8x128xf32>
    %max3A_1634 = arith.maximumf %max3A_1542, %min3A_1633 : vector<8x128xf32>
    %min3A_1635 = arith.minimumf %max3A_1542, %min3A_1633 : vector<8x128xf32>
    %max3A_1636 = arith.maximumf %max3A_1544, %min3A_1635 : vector<8x128xf32>
    %min3A_1637 = arith.minimumf %max3A_1544, %min3A_1635 : vector<8x128xf32>
    %max3A_1638 = arith.maximumf %max3A_1546, %min3A_1637 : vector<8x128xf32>
    %max3A_1639 = arith.maximumf %max3A_1547, %max3A_1630 : vector<8x128xf32>
    %min3A_1640 = arith.minimumf %max3A_1547, %max3A_1630 : vector<8x128xf32>
    %max3A_1641 = arith.maximumf %max3A_1549, %min3A_1640 : vector<8x128xf32>
    %max3A_1642 = arith.maximumf %max3A_1550, %min3A_1631 : vector<8x128xf32>
    %max3A_1643 = arith.maximumf %max3A_1551, %min3A_1628 : vector<8x128xf32>
    %min3A_1644 = arith.minimumf %min3A_1552, %min3A_1628 : vector<8x128xf32>
    %max3A_1645 = arith.maximumf %min3A_1552, %min3A_1628 : vector<8x128xf32>
    %min3A_1646 = arith.minimumf %min3A_1554, %max3A_1645 : vector<8x128xf32>
    %max3A_1647 = arith.maximumf %min3A_1554, %max3A_1645 : vector<8x128xf32>
    %min3A_1648 = arith.minimumf %min3A_1556, %max3A_1647 : vector<8x128xf32>
    %max3A_1649 = arith.maximumf %min3A_1556, %max3A_1647 : vector<8x128xf32>
    %min3A_1650 = arith.minimumf %min3A_1558, %max3A_1649 : vector<8x128xf32>
    %min3A_1651 = arith.minimumf %min3A_1559, %min3A_1631 : vector<8x128xf32>
    %max3A_1652 = arith.maximumf %min3A_1559, %min3A_1631 : vector<8x128xf32>
    %min3A_1653 = arith.minimumf %min3A_1561, %max3A_1652 : vector<8x128xf32>
    %min3A_1654 = arith.minimumf %min3A_1562, %max3A_1630 : vector<8x128xf32>
    %min3A_1655 = arith.minimumf %min3A_1563, %max3A_1626 : vector<8x128xf32>
    %get3A_1656 = arith.constant 0 : index
    %get3A_1657 = arith.constant 18432 : index
    %get3A_1658 = vector.load %arg1[%get3A_1656, %get3A_1657] : memref<8x32768xf32, #tpu.memory_space<vmem>>, vector<8x128xf32>
    %get3A_1659 = arith.constant 0 : index
    %get3A_1660 = arith.constant 18560 : index
    %get3A_1661 = vector.load %arg1[%get3A_1659, %get3A_1660] : memref<8x32768xf32, #tpu.memory_space<vmem>>, vector<8x128xf32>
    %get3A_1662 = arith.constant 0 : index
    %get3A_1663 = arith.constant 18688 : index
    %get3A_1664 = vector.load %arg1[%get3A_1662, %get3A_1663] : memref<8x32768xf32, #tpu.memory_space<vmem>>, vector<8x128xf32>
    %get3A_1665 = arith.constant 0 : index
    %get3A_1666 = arith.constant 18816 : index
    %get3A_1667 = vector.load %arg1[%get3A_1665, %get3A_1666] : memref<8x32768xf32, #tpu.memory_space<vmem>>, vector<8x128xf32>
    %get3A_1668 = arith.constant 0 : index
    %get3A_1669 = arith.constant 18944 : index
    %get3A_1670 = vector.load %arg1[%get3A_1668, %get3A_1669] : memref<8x32768xf32, #tpu.memory_space<vmem>>, vector<8x128xf32>
    %get3A_1671 = arith.constant 0 : index
    %get3A_1672 = arith.constant 19072 : index
    %get3A_1673 = vector.load %arg1[%get3A_1671, %get3A_1672] : memref<8x32768xf32, #tpu.memory_space<vmem>>, vector<8x128xf32>
    %get3A_1674 = arith.constant 0 : index
    %get3A_1675 = arith.constant 19200 : index
    %get3A_1676 = vector.load %arg1[%get3A_1674, %get3A_1675] : memref<8x32768xf32, #tpu.memory_space<vmem>>, vector<8x128xf32>
    %get3A_1677 = arith.constant 0 : index
    %get3A_1678 = arith.constant 19328 : index
    %get3A_1679 = vector.load %arg1[%get3A_1677, %get3A_1678] : memref<8x32768xf32, #tpu.memory_space<vmem>>, vector<8x128xf32>
    %max3A_1680 = arith.maximumf %get3A_1658, %get3A_1661 : vector<8x128xf32>
    %min3A_1681 = arith.minimumf %get3A_1658, %get3A_1661 : vector<8x128xf32>
    %max3A_1682 = arith.maximumf %get3A_1664, %get3A_1667 : vector<8x128xf32>
    %min3A_1683 = arith.minimumf %get3A_1664, %get3A_1667 : vector<8x128xf32>
    %max3A_1684 = arith.maximumf %max3A_1680, %max3A_1682 : vector<8x128xf32>
    %min3A_1685 = arith.minimumf %max3A_1680, %max3A_1682 : vector<8x128xf32>
    %min3A_1686 = arith.minimumf %min3A_1681, %min3A_1683 : vector<8x128xf32>
    %max3A_1687 = arith.maximumf %min3A_1681, %min3A_1683 : vector<8x128xf32>
    %max3A_1688 = arith.maximumf %min3A_1685, %max3A_1687 : vector<8x128xf32>
    %min3A_1689 = arith.minimumf %min3A_1685, %max3A_1687 : vector<8x128xf32>
    %max3A_1690 = arith.maximumf %max3A_1598, %max3A_1684 : vector<8x128xf32>
    %min3A_1691 = arith.minimumf %max3A_1598, %max3A_1684 : vector<8x128xf32>
    %max3A_1692 = arith.maximumf %max3A_1600, %min3A_1691 : vector<8x128xf32>
    %min3A_1693 = arith.minimumf %max3A_1600, %min3A_1691 : vector<8x128xf32>
    %max3A_1694 = arith.maximumf %max3A_1602, %min3A_1693 : vector<8x128xf32>
    %min3A_1695 = arith.minimumf %max3A_1602, %min3A_1693 : vector<8x128xf32>
    %max3A_1696 = arith.maximumf %max3A_1604, %min3A_1695 : vector<8x128xf32>
    %max3A_1697 = arith.maximumf %max3A_1605, %max3A_1688 : vector<8x128xf32>
    %min3A_1698 = arith.minimumf %max3A_1605, %max3A_1688 : vector<8x128xf32>
    %max3A_1699 = arith.maximumf %max3A_1607, %min3A_1698 : vector<8x128xf32>
    %max3A_1700 = arith.maximumf %max3A_1608, %min3A_1689 : vector<8x128xf32>
    %max3A_1701 = arith.maximumf %max3A_1609, %min3A_1686 : vector<8x128xf32>
    %min3A_1702 = arith.minimumf %min3A_1610, %min3A_1686 : vector<8x128xf32>
    %max3A_1703 = arith.maximumf %min3A_1610, %min3A_1686 : vector<8x128xf32>
    %min3A_1704 = arith.minimumf %min3A_1612, %max3A_1703 : vector<8x128xf32>
    %max3A_1705 = arith.maximumf %min3A_1612, %max3A_1703 : vector<8x128xf32>
    %min3A_1706 = arith.minimumf %min3A_1614, %max3A_1705 : vector<8x128xf32>
    %max3A_1707 = arith.maximumf %min3A_1614, %max3A_1705 : vector<8x128xf32>
    %min3A_1708 = arith.minimumf %min3A_1616, %max3A_1707 : vector<8x128xf32>
    %min3A_1709 = arith.minimumf %min3A_1617, %min3A_1689 : vector<8x128xf32>
    %max3A_1710 = arith.maximumf %min3A_1617, %min3A_1689 : vector<8x128xf32>
    %min3A_1711 = arith.minimumf %min3A_1619, %max3A_1710 : vector<8x128xf32>
    %min3A_1712 = arith.minimumf %min3A_1620, %max3A_1688 : vector<8x128xf32>
    %min3A_1713 = arith.minimumf %min3A_1621, %max3A_1684 : vector<8x128xf32>
    %max3A_1714 = arith.maximumf %get3A_1670, %get3A_1673 : vector<8x128xf32>
    %min3A_1715 = arith.minimumf %get3A_1670, %get3A_1673 : vector<8x128xf32>
    %max3A_1716 = arith.maximumf %get3A_1676, %get3A_1679 : vector<8x128xf32>
    %min3A_1717 = arith.minimumf %get3A_1676, %get3A_1679 : vector<8x128xf32>
    %max3A_1718 = arith.maximumf %max3A_1714, %max3A_1716 : vector<8x128xf32>
    %min3A_1719 = arith.minimumf %max3A_1714, %max3A_1716 : vector<8x128xf32>
    %min3A_1720 = arith.minimumf %min3A_1715, %min3A_1717 : vector<8x128xf32>
    %max3A_1721 = arith.maximumf %min3A_1715, %min3A_1717 : vector<8x128xf32>
    %max3A_1722 = arith.maximumf %min3A_1719, %max3A_1721 : vector<8x128xf32>
    %min3A_1723 = arith.minimumf %min3A_1719, %max3A_1721 : vector<8x128xf32>
    %max3A_1724 = arith.maximumf %max3A_1632, %max3A_1718 : vector<8x128xf32>
    %min3A_1725 = arith.minimumf %max3A_1632, %max3A_1718 : vector<8x128xf32>
    %max3A_1726 = arith.maximumf %max3A_1634, %min3A_1725 : vector<8x128xf32>
    %min3A_1727 = arith.minimumf %max3A_1634, %min3A_1725 : vector<8x128xf32>
    %max3A_1728 = arith.maximumf %max3A_1636, %min3A_1727 : vector<8x128xf32>
    %min3A_1729 = arith.minimumf %max3A_1636, %min3A_1727 : vector<8x128xf32>
    %max3A_1730 = arith.maximumf %max3A_1638, %min3A_1729 : vector<8x128xf32>
    %max3A_1731 = arith.maximumf %max3A_1639, %max3A_1722 : vector<8x128xf32>
    %min3A_1732 = arith.minimumf %max3A_1639, %max3A_1722 : vector<8x128xf32>
    %max3A_1733 = arith.maximumf %max3A_1641, %min3A_1732 : vector<8x128xf32>
    %max3A_1734 = arith.maximumf %max3A_1642, %min3A_1723 : vector<8x128xf32>
    %max3A_1735 = arith.maximumf %max3A_1643, %min3A_1720 : vector<8x128xf32>
    %min3A_1736 = arith.minimumf %min3A_1644, %min3A_1720 : vector<8x128xf32>
    %max3A_1737 = arith.maximumf %min3A_1644, %min3A_1720 : vector<8x128xf32>
    %min3A_1738 = arith.minimumf %min3A_1646, %max3A_1737 : vector<8x128xf32>
    %max3A_1739 = arith.maximumf %min3A_1646, %max3A_1737 : vector<8x128xf32>
    %min3A_1740 = arith.minimumf %min3A_1648, %max3A_1739 : vector<8x128xf32>
    %max3A_1741 = arith.maximumf %min3A_1648, %max3A_1739 : vector<8x128xf32>
    %min3A_1742 = arith.minimumf %min3A_1650, %max3A_1741 : vector<8x128xf32>
    %min3A_1743 = arith.minimumf %min3A_1651, %min3A_1723 : vector<8x128xf32>
    %max3A_1744 = arith.maximumf %min3A_1651, %min3A_1723 : vector<8x128xf32>
    %min3A_1745 = arith.minimumf %min3A_1653, %max3A_1744 : vector<8x128xf32>
    %min3A_1746 = arith.minimumf %min3A_1654, %max3A_1722 : vector<8x128xf32>
    %min3A_1747 = arith.minimumf %min3A_1655, %max3A_1718 : vector<8x128xf32>
    %get3A_1748 = arith.constant 0 : index
    %get3A_1749 = arith.constant 19456 : index
    %get3A_1750 = vector.load %arg1[%get3A_1748, %get3A_1749] : memref<8x32768xf32, #tpu.memory_space<vmem>>, vector<8x128xf32>
    %get3A_1751 = arith.constant 0 : index
    %get3A_1752 = arith.constant 19584 : index
    %get3A_1753 = vector.load %arg1[%get3A_1751, %get3A_1752] : memref<8x32768xf32, #tpu.memory_space<vmem>>, vector<8x128xf32>
    %get3A_1754 = arith.constant 0 : index
    %get3A_1755 = arith.constant 19712 : index
    %get3A_1756 = vector.load %arg1[%get3A_1754, %get3A_1755] : memref<8x32768xf32, #tpu.memory_space<vmem>>, vector<8x128xf32>
    %get3A_1757 = arith.constant 0 : index
    %get3A_1758 = arith.constant 19840 : index
    %get3A_1759 = vector.load %arg1[%get3A_1757, %get3A_1758] : memref<8x32768xf32, #tpu.memory_space<vmem>>, vector<8x128xf32>
    %get3A_1760 = arith.constant 0 : index
    %get3A_1761 = arith.constant 19968 : index
    %get3A_1762 = vector.load %arg1[%get3A_1760, %get3A_1761] : memref<8x32768xf32, #tpu.memory_space<vmem>>, vector<8x128xf32>
    %get3A_1763 = arith.constant 0 : index
    %get3A_1764 = arith.constant 20096 : index
    %get3A_1765 = vector.load %arg1[%get3A_1763, %get3A_1764] : memref<8x32768xf32, #tpu.memory_space<vmem>>, vector<8x128xf32>
    %get3A_1766 = arith.constant 0 : index
    %get3A_1767 = arith.constant 20224 : index
    %get3A_1768 = vector.load %arg1[%get3A_1766, %get3A_1767] : memref<8x32768xf32, #tpu.memory_space<vmem>>, vector<8x128xf32>
    %get3A_1769 = arith.constant 0 : index
    %get3A_1770 = arith.constant 20352 : index
    %get3A_1771 = vector.load %arg1[%get3A_1769, %get3A_1770] : memref<8x32768xf32, #tpu.memory_space<vmem>>, vector<8x128xf32>
    %max3A_1772 = arith.maximumf %get3A_1750, %get3A_1753 : vector<8x128xf32>
    %min3A_1773 = arith.minimumf %get3A_1750, %get3A_1753 : vector<8x128xf32>
    %max3A_1774 = arith.maximumf %get3A_1756, %get3A_1759 : vector<8x128xf32>
    %min3A_1775 = arith.minimumf %get3A_1756, %get3A_1759 : vector<8x128xf32>
    %max3A_1776 = arith.maximumf %max3A_1772, %max3A_1774 : vector<8x128xf32>
    %min3A_1777 = arith.minimumf %max3A_1772, %max3A_1774 : vector<8x128xf32>
    %min3A_1778 = arith.minimumf %min3A_1773, %min3A_1775 : vector<8x128xf32>
    %max3A_1779 = arith.maximumf %min3A_1773, %min3A_1775 : vector<8x128xf32>
    %max3A_1780 = arith.maximumf %min3A_1777, %max3A_1779 : vector<8x128xf32>
    %min3A_1781 = arith.minimumf %min3A_1777, %max3A_1779 : vector<8x128xf32>
    %max3A_1782 = arith.maximumf %max3A_1690, %max3A_1776 : vector<8x128xf32>
    %min3A_1783 = arith.minimumf %max3A_1690, %max3A_1776 : vector<8x128xf32>
    %max3A_1784 = arith.maximumf %max3A_1692, %min3A_1783 : vector<8x128xf32>
    %min3A_1785 = arith.minimumf %max3A_1692, %min3A_1783 : vector<8x128xf32>
    %max3A_1786 = arith.maximumf %max3A_1694, %min3A_1785 : vector<8x128xf32>
    %min3A_1787 = arith.minimumf %max3A_1694, %min3A_1785 : vector<8x128xf32>
    %max3A_1788 = arith.maximumf %max3A_1696, %min3A_1787 : vector<8x128xf32>
    %max3A_1789 = arith.maximumf %max3A_1697, %max3A_1780 : vector<8x128xf32>
    %min3A_1790 = arith.minimumf %max3A_1697, %max3A_1780 : vector<8x128xf32>
    %max3A_1791 = arith.maximumf %max3A_1699, %min3A_1790 : vector<8x128xf32>
    %max3A_1792 = arith.maximumf %max3A_1700, %min3A_1781 : vector<8x128xf32>
    %max3A_1793 = arith.maximumf %max3A_1701, %min3A_1778 : vector<8x128xf32>
    %min3A_1794 = arith.minimumf %min3A_1702, %min3A_1778 : vector<8x128xf32>
    %max3A_1795 = arith.maximumf %min3A_1702, %min3A_1778 : vector<8x128xf32>
    %min3A_1796 = arith.minimumf %min3A_1704, %max3A_1795 : vector<8x128xf32>
    %max3A_1797 = arith.maximumf %min3A_1704, %max3A_1795 : vector<8x128xf32>
    %min3A_1798 = arith.minimumf %min3A_1706, %max3A_1797 : vector<8x128xf32>
    %max3A_1799 = arith.maximumf %min3A_1706, %max3A_1797 : vector<8x128xf32>
    %min3A_1800 = arith.minimumf %min3A_1708, %max3A_1799 : vector<8x128xf32>
    %min3A_1801 = arith.minimumf %min3A_1709, %min3A_1781 : vector<8x128xf32>
    %max3A_1802 = arith.maximumf %min3A_1709, %min3A_1781 : vector<8x128xf32>
    %min3A_1803 = arith.minimumf %min3A_1711, %max3A_1802 : vector<8x128xf32>
    %min3A_1804 = arith.minimumf %min3A_1712, %max3A_1780 : vector<8x128xf32>
    %min3A_1805 = arith.minimumf %min3A_1713, %max3A_1776 : vector<8x128xf32>
    %max3A_1806 = arith.maximumf %get3A_1762, %get3A_1765 : vector<8x128xf32>
    %min3A_1807 = arith.minimumf %get3A_1762, %get3A_1765 : vector<8x128xf32>
    %max3A_1808 = arith.maximumf %get3A_1768, %get3A_1771 : vector<8x128xf32>
    %min3A_1809 = arith.minimumf %get3A_1768, %get3A_1771 : vector<8x128xf32>
    %max3A_1810 = arith.maximumf %max3A_1806, %max3A_1808 : vector<8x128xf32>
    %min3A_1811 = arith.minimumf %max3A_1806, %max3A_1808 : vector<8x128xf32>
    %min3A_1812 = arith.minimumf %min3A_1807, %min3A_1809 : vector<8x128xf32>
    %max3A_1813 = arith.maximumf %min3A_1807, %min3A_1809 : vector<8x128xf32>
    %max3A_1814 = arith.maximumf %min3A_1811, %max3A_1813 : vector<8x128xf32>
    %min3A_1815 = arith.minimumf %min3A_1811, %max3A_1813 : vector<8x128xf32>
    %max3A_1816 = arith.maximumf %max3A_1724, %max3A_1810 : vector<8x128xf32>
    %min3A_1817 = arith.minimumf %max3A_1724, %max3A_1810 : vector<8x128xf32>
    %max3A_1818 = arith.maximumf %max3A_1726, %min3A_1817 : vector<8x128xf32>
    %min3A_1819 = arith.minimumf %max3A_1726, %min3A_1817 : vector<8x128xf32>
    %max3A_1820 = arith.maximumf %max3A_1728, %min3A_1819 : vector<8x128xf32>
    %min3A_1821 = arith.minimumf %max3A_1728, %min3A_1819 : vector<8x128xf32>
    %max3A_1822 = arith.maximumf %max3A_1730, %min3A_1821 : vector<8x128xf32>
    %max3A_1823 = arith.maximumf %max3A_1731, %max3A_1814 : vector<8x128xf32>
    %min3A_1824 = arith.minimumf %max3A_1731, %max3A_1814 : vector<8x128xf32>
    %max3A_1825 = arith.maximumf %max3A_1733, %min3A_1824 : vector<8x128xf32>
    %max3A_1826 = arith.maximumf %max3A_1734, %min3A_1815 : vector<8x128xf32>
    %max3A_1827 = arith.maximumf %max3A_1735, %min3A_1812 : vector<8x128xf32>
    %min3A_1828 = arith.minimumf %min3A_1736, %min3A_1812 : vector<8x128xf32>
    %max3A_1829 = arith.maximumf %min3A_1736, %min3A_1812 : vector<8x128xf32>
    %min3A_1830 = arith.minimumf %min3A_1738, %max3A_1829 : vector<8x128xf32>
    %max3A_1831 = arith.maximumf %min3A_1738, %max3A_1829 : vector<8x128xf32>
    %min3A_1832 = arith.minimumf %min3A_1740, %max3A_1831 : vector<8x128xf32>
    %max3A_1833 = arith.maximumf %min3A_1740, %max3A_1831 : vector<8x128xf32>
    %min3A_1834 = arith.minimumf %min3A_1742, %max3A_1833 : vector<8x128xf32>
    %min3A_1835 = arith.minimumf %min3A_1743, %min3A_1815 : vector<8x128xf32>
    %max3A_1836 = arith.maximumf %min3A_1743, %min3A_1815 : vector<8x128xf32>
    %min3A_1837 = arith.minimumf %min3A_1745, %max3A_1836 : vector<8x128xf32>
    %min3A_1838 = arith.minimumf %min3A_1746, %max3A_1814 : vector<8x128xf32>
    %min3A_1839 = arith.minimumf %min3A_1747, %max3A_1810 : vector<8x128xf32>
    %get3A_1840 = arith.constant 0 : index
    %get3A_1841 = arith.constant 20480 : index
    %get3A_1842 = vector.load %arg1[%get3A_1840, %get3A_1841] : memref<8x32768xf32, #tpu.memory_space<vmem>>, vector<8x128xf32>
    %get3A_1843 = arith.constant 0 : index
    %get3A_1844 = arith.constant 20608 : index
    %get3A_1845 = vector.load %arg1[%get3A_1843, %get3A_1844] : memref<8x32768xf32, #tpu.memory_space<vmem>>, vector<8x128xf32>
    %get3A_1846 = arith.constant 0 : index
    %get3A_1847 = arith.constant 20736 : index
    %get3A_1848 = vector.load %arg1[%get3A_1846, %get3A_1847] : memref<8x32768xf32, #tpu.memory_space<vmem>>, vector<8x128xf32>
    %get3A_1849 = arith.constant 0 : index
    %get3A_1850 = arith.constant 20864 : index
    %get3A_1851 = vector.load %arg1[%get3A_1849, %get3A_1850] : memref<8x32768xf32, #tpu.memory_space<vmem>>, vector<8x128xf32>
    %get3A_1852 = arith.constant 0 : index
    %get3A_1853 = arith.constant 20992 : index
    %get3A_1854 = vector.load %arg1[%get3A_1852, %get3A_1853] : memref<8x32768xf32, #tpu.memory_space<vmem>>, vector<8x128xf32>
    %get3A_1855 = arith.constant 0 : index
    %get3A_1856 = arith.constant 21120 : index
    %get3A_1857 = vector.load %arg1[%get3A_1855, %get3A_1856] : memref<8x32768xf32, #tpu.memory_space<vmem>>, vector<8x128xf32>
    %get3A_1858 = arith.constant 0 : index
    %get3A_1859 = arith.constant 21248 : index
    %get3A_1860 = vector.load %arg1[%get3A_1858, %get3A_1859] : memref<8x32768xf32, #tpu.memory_space<vmem>>, vector<8x128xf32>
    %get3A_1861 = arith.constant 0 : index
    %get3A_1862 = arith.constant 21376 : index
    %get3A_1863 = vector.load %arg1[%get3A_1861, %get3A_1862] : memref<8x32768xf32, #tpu.memory_space<vmem>>, vector<8x128xf32>
    %max3A_1864 = arith.maximumf %get3A_1842, %get3A_1845 : vector<8x128xf32>
    %min3A_1865 = arith.minimumf %get3A_1842, %get3A_1845 : vector<8x128xf32>
    %max3A_1866 = arith.maximumf %get3A_1848, %get3A_1851 : vector<8x128xf32>
    %min3A_1867 = arith.minimumf %get3A_1848, %get3A_1851 : vector<8x128xf32>
    %max3A_1868 = arith.maximumf %max3A_1864, %max3A_1866 : vector<8x128xf32>
    %min3A_1869 = arith.minimumf %max3A_1864, %max3A_1866 : vector<8x128xf32>
    %min3A_1870 = arith.minimumf %min3A_1865, %min3A_1867 : vector<8x128xf32>
    %max3A_1871 = arith.maximumf %min3A_1865, %min3A_1867 : vector<8x128xf32>
    %max3A_1872 = arith.maximumf %min3A_1869, %max3A_1871 : vector<8x128xf32>
    %min3A_1873 = arith.minimumf %min3A_1869, %max3A_1871 : vector<8x128xf32>
    %max3A_1874 = arith.maximumf %max3A_1782, %max3A_1868 : vector<8x128xf32>
    %min3A_1875 = arith.minimumf %max3A_1782, %max3A_1868 : vector<8x128xf32>
    %max3A_1876 = arith.maximumf %max3A_1784, %min3A_1875 : vector<8x128xf32>
    %min3A_1877 = arith.minimumf %max3A_1784, %min3A_1875 : vector<8x128xf32>
    %max3A_1878 = arith.maximumf %max3A_1786, %min3A_1877 : vector<8x128xf32>
    %min3A_1879 = arith.minimumf %max3A_1786, %min3A_1877 : vector<8x128xf32>
    %max3A_1880 = arith.maximumf %max3A_1788, %min3A_1879 : vector<8x128xf32>
    %max3A_1881 = arith.maximumf %max3A_1789, %max3A_1872 : vector<8x128xf32>
    %min3A_1882 = arith.minimumf %max3A_1789, %max3A_1872 : vector<8x128xf32>
    %max3A_1883 = arith.maximumf %max3A_1791, %min3A_1882 : vector<8x128xf32>
    %max3A_1884 = arith.maximumf %max3A_1792, %min3A_1873 : vector<8x128xf32>
    %max3A_1885 = arith.maximumf %max3A_1793, %min3A_1870 : vector<8x128xf32>
    %min3A_1886 = arith.minimumf %min3A_1794, %min3A_1870 : vector<8x128xf32>
    %max3A_1887 = arith.maximumf %min3A_1794, %min3A_1870 : vector<8x128xf32>
    %min3A_1888 = arith.minimumf %min3A_1796, %max3A_1887 : vector<8x128xf32>
    %max3A_1889 = arith.maximumf %min3A_1796, %max3A_1887 : vector<8x128xf32>
    %min3A_1890 = arith.minimumf %min3A_1798, %max3A_1889 : vector<8x128xf32>
    %max3A_1891 = arith.maximumf %min3A_1798, %max3A_1889 : vector<8x128xf32>
    %min3A_1892 = arith.minimumf %min3A_1800, %max3A_1891 : vector<8x128xf32>
    %min3A_1893 = arith.minimumf %min3A_1801, %min3A_1873 : vector<8x128xf32>
    %max3A_1894 = arith.maximumf %min3A_1801, %min3A_1873 : vector<8x128xf32>
    %min3A_1895 = arith.minimumf %min3A_1803, %max3A_1894 : vector<8x128xf32>
    %min3A_1896 = arith.minimumf %min3A_1804, %max3A_1872 : vector<8x128xf32>
    %min3A_1897 = arith.minimumf %min3A_1805, %max3A_1868 : vector<8x128xf32>
    %max3A_1898 = arith.maximumf %get3A_1854, %get3A_1857 : vector<8x128xf32>
    %min3A_1899 = arith.minimumf %get3A_1854, %get3A_1857 : vector<8x128xf32>
    %max3A_1900 = arith.maximumf %get3A_1860, %get3A_1863 : vector<8x128xf32>
    %min3A_1901 = arith.minimumf %get3A_1860, %get3A_1863 : vector<8x128xf32>
    %max3A_1902 = arith.maximumf %max3A_1898, %max3A_1900 : vector<8x128xf32>
    %min3A_1903 = arith.minimumf %max3A_1898, %max3A_1900 : vector<8x128xf32>
    %min3A_1904 = arith.minimumf %min3A_1899, %min3A_1901 : vector<8x128xf32>
    %max3A_1905 = arith.maximumf %min3A_1899, %min3A_1901 : vector<8x128xf32>
    %max3A_1906 = arith.maximumf %min3A_1903, %max3A_1905 : vector<8x128xf32>
    %min3A_1907 = arith.minimumf %min3A_1903, %max3A_1905 : vector<8x128xf32>
    %max3A_1908 = arith.maximumf %max3A_1816, %max3A_1902 : vector<8x128xf32>
    %min3A_1909 = arith.minimumf %max3A_1816, %max3A_1902 : vector<8x128xf32>
    %max3A_1910 = arith.maximumf %max3A_1818, %min3A_1909 : vector<8x128xf32>
    %min3A_1911 = arith.minimumf %max3A_1818, %min3A_1909 : vector<8x128xf32>
    %max3A_1912 = arith.maximumf %max3A_1820, %min3A_1911 : vector<8x128xf32>
    %min3A_1913 = arith.minimumf %max3A_1820, %min3A_1911 : vector<8x128xf32>
    %max3A_1914 = arith.maximumf %max3A_1822, %min3A_1913 : vector<8x128xf32>
    %max3A_1915 = arith.maximumf %max3A_1823, %max3A_1906 : vector<8x128xf32>
    %min3A_1916 = arith.minimumf %max3A_1823, %max3A_1906 : vector<8x128xf32>
    %max3A_1917 = arith.maximumf %max3A_1825, %min3A_1916 : vector<8x128xf32>
    %max3A_1918 = arith.maximumf %max3A_1826, %min3A_1907 : vector<8x128xf32>
    %max3A_1919 = arith.maximumf %max3A_1827, %min3A_1904 : vector<8x128xf32>
    %min3A_1920 = arith.minimumf %min3A_1828, %min3A_1904 : vector<8x128xf32>
    %max3A_1921 = arith.maximumf %min3A_1828, %min3A_1904 : vector<8x128xf32>
    %min3A_1922 = arith.minimumf %min3A_1830, %max3A_1921 : vector<8x128xf32>
    %max3A_1923 = arith.maximumf %min3A_1830, %max3A_1921 : vector<8x128xf32>
    %min3A_1924 = arith.minimumf %min3A_1832, %max3A_1923 : vector<8x128xf32>
    %max3A_1925 = arith.maximumf %min3A_1832, %max3A_1923 : vector<8x128xf32>
    %min3A_1926 = arith.minimumf %min3A_1834, %max3A_1925 : vector<8x128xf32>
    %min3A_1927 = arith.minimumf %min3A_1835, %min3A_1907 : vector<8x128xf32>
    %max3A_1928 = arith.maximumf %min3A_1835, %min3A_1907 : vector<8x128xf32>
    %min3A_1929 = arith.minimumf %min3A_1837, %max3A_1928 : vector<8x128xf32>
    %min3A_1930 = arith.minimumf %min3A_1838, %max3A_1906 : vector<8x128xf32>
    %min3A_1931 = arith.minimumf %min3A_1839, %max3A_1902 : vector<8x128xf32>
    %get3A_1932 = arith.constant 0 : index
    %get3A_1933 = arith.constant 21504 : index
    %get3A_1934 = vector.load %arg1[%get3A_1932, %get3A_1933] : memref<8x32768xf32, #tpu.memory_space<vmem>>, vector<8x128xf32>
    %get3A_1935 = arith.constant 0 : index
    %get3A_1936 = arith.constant 21632 : index
    %get3A_1937 = vector.load %arg1[%get3A_1935, %get3A_1936] : memref<8x32768xf32, #tpu.memory_space<vmem>>, vector<8x128xf32>
    %get3A_1938 = arith.constant 0 : index
    %get3A_1939 = arith.constant 21760 : index
    %get3A_1940 = vector.load %arg1[%get3A_1938, %get3A_1939] : memref<8x32768xf32, #tpu.memory_space<vmem>>, vector<8x128xf32>
    %get3A_1941 = arith.constant 0 : index
    %get3A_1942 = arith.constant 21888 : index
    %get3A_1943 = vector.load %arg1[%get3A_1941, %get3A_1942] : memref<8x32768xf32, #tpu.memory_space<vmem>>, vector<8x128xf32>
    %get3A_1944 = arith.constant 0 : index
    %get3A_1945 = arith.constant 22016 : index
    %get3A_1946 = vector.load %arg1[%get3A_1944, %get3A_1945] : memref<8x32768xf32, #tpu.memory_space<vmem>>, vector<8x128xf32>
    %get3A_1947 = arith.constant 0 : index
    %get3A_1948 = arith.constant 22144 : index
    %get3A_1949 = vector.load %arg1[%get3A_1947, %get3A_1948] : memref<8x32768xf32, #tpu.memory_space<vmem>>, vector<8x128xf32>
    %get3A_1950 = arith.constant 0 : index
    %get3A_1951 = arith.constant 22272 : index
    %get3A_1952 = vector.load %arg1[%get3A_1950, %get3A_1951] : memref<8x32768xf32, #tpu.memory_space<vmem>>, vector<8x128xf32>
    %get3A_1953 = arith.constant 0 : index
    %get3A_1954 = arith.constant 22400 : index
    %get3A_1955 = vector.load %arg1[%get3A_1953, %get3A_1954] : memref<8x32768xf32, #tpu.memory_space<vmem>>, vector<8x128xf32>
    %max3A_1956 = arith.maximumf %get3A_1934, %get3A_1937 : vector<8x128xf32>
    %min3A_1957 = arith.minimumf %get3A_1934, %get3A_1937 : vector<8x128xf32>
    %max3A_1958 = arith.maximumf %get3A_1940, %get3A_1943 : vector<8x128xf32>
    %min3A_1959 = arith.minimumf %get3A_1940, %get3A_1943 : vector<8x128xf32>
    %max3A_1960 = arith.maximumf %max3A_1956, %max3A_1958 : vector<8x128xf32>
    %min3A_1961 = arith.minimumf %max3A_1956, %max3A_1958 : vector<8x128xf32>
    %min3A_1962 = arith.minimumf %min3A_1957, %min3A_1959 : vector<8x128xf32>
    %max3A_1963 = arith.maximumf %min3A_1957, %min3A_1959 : vector<8x128xf32>
    %max3A_1964 = arith.maximumf %min3A_1961, %max3A_1963 : vector<8x128xf32>
    %min3A_1965 = arith.minimumf %min3A_1961, %max3A_1963 : vector<8x128xf32>
    %max3A_1966 = arith.maximumf %max3A_1874, %max3A_1960 : vector<8x128xf32>
    %min3A_1967 = arith.minimumf %max3A_1874, %max3A_1960 : vector<8x128xf32>
    %max3A_1968 = arith.maximumf %max3A_1876, %min3A_1967 : vector<8x128xf32>
    %min3A_1969 = arith.minimumf %max3A_1876, %min3A_1967 : vector<8x128xf32>
    %max3A_1970 = arith.maximumf %max3A_1878, %min3A_1969 : vector<8x128xf32>
    %min3A_1971 = arith.minimumf %max3A_1878, %min3A_1969 : vector<8x128xf32>
    %max3A_1972 = arith.maximumf %max3A_1880, %min3A_1971 : vector<8x128xf32>
    %max3A_1973 = arith.maximumf %max3A_1881, %max3A_1964 : vector<8x128xf32>
    %min3A_1974 = arith.minimumf %max3A_1881, %max3A_1964 : vector<8x128xf32>
    %max3A_1975 = arith.maximumf %max3A_1883, %min3A_1974 : vector<8x128xf32>
    %max3A_1976 = arith.maximumf %max3A_1884, %min3A_1965 : vector<8x128xf32>
    %max3A_1977 = arith.maximumf %max3A_1885, %min3A_1962 : vector<8x128xf32>
    %min3A_1978 = arith.minimumf %min3A_1886, %min3A_1962 : vector<8x128xf32>
    %max3A_1979 = arith.maximumf %min3A_1886, %min3A_1962 : vector<8x128xf32>
    %min3A_1980 = arith.minimumf %min3A_1888, %max3A_1979 : vector<8x128xf32>
    %max3A_1981 = arith.maximumf %min3A_1888, %max3A_1979 : vector<8x128xf32>
    %min3A_1982 = arith.minimumf %min3A_1890, %max3A_1981 : vector<8x128xf32>
    %max3A_1983 = arith.maximumf %min3A_1890, %max3A_1981 : vector<8x128xf32>
    %min3A_1984 = arith.minimumf %min3A_1892, %max3A_1983 : vector<8x128xf32>
    %min3A_1985 = arith.minimumf %min3A_1893, %min3A_1965 : vector<8x128xf32>
    %max3A_1986 = arith.maximumf %min3A_1893, %min3A_1965 : vector<8x128xf32>
    %min3A_1987 = arith.minimumf %min3A_1895, %max3A_1986 : vector<8x128xf32>
    %min3A_1988 = arith.minimumf %min3A_1896, %max3A_1964 : vector<8x128xf32>
    %min3A_1989 = arith.minimumf %min3A_1897, %max3A_1960 : vector<8x128xf32>
    %max3A_1990 = arith.maximumf %get3A_1946, %get3A_1949 : vector<8x128xf32>
    %min3A_1991 = arith.minimumf %get3A_1946, %get3A_1949 : vector<8x128xf32>
    %max3A_1992 = arith.maximumf %get3A_1952, %get3A_1955 : vector<8x128xf32>
    %min3A_1993 = arith.minimumf %get3A_1952, %get3A_1955 : vector<8x128xf32>
    %max3A_1994 = arith.maximumf %max3A_1990, %max3A_1992 : vector<8x128xf32>
    %min3A_1995 = arith.minimumf %max3A_1990, %max3A_1992 : vector<8x128xf32>
    %min3A_1996 = arith.minimumf %min3A_1991, %min3A_1993 : vector<8x128xf32>
    %max3A_1997 = arith.maximumf %min3A_1991, %min3A_1993 : vector<8x128xf32>
    %max3A_1998 = arith.maximumf %min3A_1995, %max3A_1997 : vector<8x128xf32>
    %min3A_1999 = arith.minimumf %min3A_1995, %max3A_1997 : vector<8x128xf32>
    %max3A_2000 = arith.maximumf %max3A_1908, %max3A_1994 : vector<8x128xf32>
    %min3A_2001 = arith.minimumf %max3A_1908, %max3A_1994 : vector<8x128xf32>
    %max3A_2002 = arith.maximumf %max3A_1910, %min3A_2001 : vector<8x128xf32>
    %min3A_2003 = arith.minimumf %max3A_1910, %min3A_2001 : vector<8x128xf32>
    %max3A_2004 = arith.maximumf %max3A_1912, %min3A_2003 : vector<8x128xf32>
    %min3A_2005 = arith.minimumf %max3A_1912, %min3A_2003 : vector<8x128xf32>
    %max3A_2006 = arith.maximumf %max3A_1914, %min3A_2005 : vector<8x128xf32>
    %max3A_2007 = arith.maximumf %max3A_1915, %max3A_1998 : vector<8x128xf32>
    %min3A_2008 = arith.minimumf %max3A_1915, %max3A_1998 : vector<8x128xf32>
    %max3A_2009 = arith.maximumf %max3A_1917, %min3A_2008 : vector<8x128xf32>
    %max3A_2010 = arith.maximumf %max3A_1918, %min3A_1999 : vector<8x128xf32>
    %max3A_2011 = arith.maximumf %max3A_1919, %min3A_1996 : vector<8x128xf32>
    %min3A_2012 = arith.minimumf %min3A_1920, %min3A_1996 : vector<8x128xf32>
    %max3A_2013 = arith.maximumf %min3A_1920, %min3A_1996 : vector<8x128xf32>
    %min3A_2014 = arith.minimumf %min3A_1922, %max3A_2013 : vector<8x128xf32>
    %max3A_2015 = arith.maximumf %min3A_1922, %max3A_2013 : vector<8x128xf32>
    %min3A_2016 = arith.minimumf %min3A_1924, %max3A_2015 : vector<8x128xf32>
    %max3A_2017 = arith.maximumf %min3A_1924, %max3A_2015 : vector<8x128xf32>
    %min3A_2018 = arith.minimumf %min3A_1926, %max3A_2017 : vector<8x128xf32>
    %min3A_2019 = arith.minimumf %min3A_1927, %min3A_1999 : vector<8x128xf32>
    %max3A_2020 = arith.maximumf %min3A_1927, %min3A_1999 : vector<8x128xf32>
    %min3A_2021 = arith.minimumf %min3A_1929, %max3A_2020 : vector<8x128xf32>
    %min3A_2022 = arith.minimumf %min3A_1930, %max3A_1998 : vector<8x128xf32>
    %min3A_2023 = arith.minimumf %min3A_1931, %max3A_1994 : vector<8x128xf32>
    %get3A_2024 = arith.constant 0 : index
    %get3A_2025 = arith.constant 22528 : index
    %get3A_2026 = vector.load %arg1[%get3A_2024, %get3A_2025] : memref<8x32768xf32, #tpu.memory_space<vmem>>, vector<8x128xf32>
    %get3A_2027 = arith.constant 0 : index
    %get3A_2028 = arith.constant 22656 : index
    %get3A_2029 = vector.load %arg1[%get3A_2027, %get3A_2028] : memref<8x32768xf32, #tpu.memory_space<vmem>>, vector<8x128xf32>
    %get3A_2030 = arith.constant 0 : index
    %get3A_2031 = arith.constant 22784 : index
    %get3A_2032 = vector.load %arg1[%get3A_2030, %get3A_2031] : memref<8x32768xf32, #tpu.memory_space<vmem>>, vector<8x128xf32>
    %get3A_2033 = arith.constant 0 : index
    %get3A_2034 = arith.constant 22912 : index
    %get3A_2035 = vector.load %arg1[%get3A_2033, %get3A_2034] : memref<8x32768xf32, #tpu.memory_space<vmem>>, vector<8x128xf32>
    %get3A_2036 = arith.constant 0 : index
    %get3A_2037 = arith.constant 23040 : index
    %get3A_2038 = vector.load %arg1[%get3A_2036, %get3A_2037] : memref<8x32768xf32, #tpu.memory_space<vmem>>, vector<8x128xf32>
    %get3A_2039 = arith.constant 0 : index
    %get3A_2040 = arith.constant 23168 : index
    %get3A_2041 = vector.load %arg1[%get3A_2039, %get3A_2040] : memref<8x32768xf32, #tpu.memory_space<vmem>>, vector<8x128xf32>
    %get3A_2042 = arith.constant 0 : index
    %get3A_2043 = arith.constant 23296 : index
    %get3A_2044 = vector.load %arg1[%get3A_2042, %get3A_2043] : memref<8x32768xf32, #tpu.memory_space<vmem>>, vector<8x128xf32>
    %get3A_2045 = arith.constant 0 : index
    %get3A_2046 = arith.constant 23424 : index
    %get3A_2047 = vector.load %arg1[%get3A_2045, %get3A_2046] : memref<8x32768xf32, #tpu.memory_space<vmem>>, vector<8x128xf32>
    %max3A_2048 = arith.maximumf %get3A_2026, %get3A_2029 : vector<8x128xf32>
    %min3A_2049 = arith.minimumf %get3A_2026, %get3A_2029 : vector<8x128xf32>
    %max3A_2050 = arith.maximumf %get3A_2032, %get3A_2035 : vector<8x128xf32>
    %min3A_2051 = arith.minimumf %get3A_2032, %get3A_2035 : vector<8x128xf32>
    %max3A_2052 = arith.maximumf %max3A_2048, %max3A_2050 : vector<8x128xf32>
    %min3A_2053 = arith.minimumf %max3A_2048, %max3A_2050 : vector<8x128xf32>
    %min3A_2054 = arith.minimumf %min3A_2049, %min3A_2051 : vector<8x128xf32>
    %max3A_2055 = arith.maximumf %min3A_2049, %min3A_2051 : vector<8x128xf32>
    %max3A_2056 = arith.maximumf %min3A_2053, %max3A_2055 : vector<8x128xf32>
    %min3A_2057 = arith.minimumf %min3A_2053, %max3A_2055 : vector<8x128xf32>
    %max3A_2058 = arith.maximumf %max3A_1966, %max3A_2052 : vector<8x128xf32>
    %min3A_2059 = arith.minimumf %max3A_1966, %max3A_2052 : vector<8x128xf32>
    %max3A_2060 = arith.maximumf %max3A_1968, %min3A_2059 : vector<8x128xf32>
    %min3A_2061 = arith.minimumf %max3A_1968, %min3A_2059 : vector<8x128xf32>
    %max3A_2062 = arith.maximumf %max3A_1970, %min3A_2061 : vector<8x128xf32>
    %min3A_2063 = arith.minimumf %max3A_1970, %min3A_2061 : vector<8x128xf32>
    %max3A_2064 = arith.maximumf %max3A_1972, %min3A_2063 : vector<8x128xf32>
    %max3A_2065 = arith.maximumf %max3A_1973, %max3A_2056 : vector<8x128xf32>
    %min3A_2066 = arith.minimumf %max3A_1973, %max3A_2056 : vector<8x128xf32>
    %max3A_2067 = arith.maximumf %max3A_1975, %min3A_2066 : vector<8x128xf32>
    %max3A_2068 = arith.maximumf %max3A_1976, %min3A_2057 : vector<8x128xf32>
    %max3A_2069 = arith.maximumf %max3A_1977, %min3A_2054 : vector<8x128xf32>
    %min3A_2070 = arith.minimumf %min3A_1978, %min3A_2054 : vector<8x128xf32>
    %max3A_2071 = arith.maximumf %min3A_1978, %min3A_2054 : vector<8x128xf32>
    %min3A_2072 = arith.minimumf %min3A_1980, %max3A_2071 : vector<8x128xf32>
    %max3A_2073 = arith.maximumf %min3A_1980, %max3A_2071 : vector<8x128xf32>
    %min3A_2074 = arith.minimumf %min3A_1982, %max3A_2073 : vector<8x128xf32>
    %max3A_2075 = arith.maximumf %min3A_1982, %max3A_2073 : vector<8x128xf32>
    %min3A_2076 = arith.minimumf %min3A_1984, %max3A_2075 : vector<8x128xf32>
    %min3A_2077 = arith.minimumf %min3A_1985, %min3A_2057 : vector<8x128xf32>
    %max3A_2078 = arith.maximumf %min3A_1985, %min3A_2057 : vector<8x128xf32>
    %min3A_2079 = arith.minimumf %min3A_1987, %max3A_2078 : vector<8x128xf32>
    %min3A_2080 = arith.minimumf %min3A_1988, %max3A_2056 : vector<8x128xf32>
    %min3A_2081 = arith.minimumf %min3A_1989, %max3A_2052 : vector<8x128xf32>
    %max3A_2082 = arith.maximumf %get3A_2038, %get3A_2041 : vector<8x128xf32>
    %min3A_2083 = arith.minimumf %get3A_2038, %get3A_2041 : vector<8x128xf32>
    %max3A_2084 = arith.maximumf %get3A_2044, %get3A_2047 : vector<8x128xf32>
    %min3A_2085 = arith.minimumf %get3A_2044, %get3A_2047 : vector<8x128xf32>
    %max3A_2086 = arith.maximumf %max3A_2082, %max3A_2084 : vector<8x128xf32>
    %min3A_2087 = arith.minimumf %max3A_2082, %max3A_2084 : vector<8x128xf32>
    %min3A_2088 = arith.minimumf %min3A_2083, %min3A_2085 : vector<8x128xf32>
    %max3A_2089 = arith.maximumf %min3A_2083, %min3A_2085 : vector<8x128xf32>
    %max3A_2090 = arith.maximumf %min3A_2087, %max3A_2089 : vector<8x128xf32>
    %min3A_2091 = arith.minimumf %min3A_2087, %max3A_2089 : vector<8x128xf32>
    %max3A_2092 = arith.maximumf %max3A_2000, %max3A_2086 : vector<8x128xf32>
    %min3A_2093 = arith.minimumf %max3A_2000, %max3A_2086 : vector<8x128xf32>
    %max3A_2094 = arith.maximumf %max3A_2002, %min3A_2093 : vector<8x128xf32>
    %min3A_2095 = arith.minimumf %max3A_2002, %min3A_2093 : vector<8x128xf32>
    %max3A_2096 = arith.maximumf %max3A_2004, %min3A_2095 : vector<8x128xf32>
    %min3A_2097 = arith.minimumf %max3A_2004, %min3A_2095 : vector<8x128xf32>
    %max3A_2098 = arith.maximumf %max3A_2006, %min3A_2097 : vector<8x128xf32>
    %max3A_2099 = arith.maximumf %max3A_2007, %max3A_2090 : vector<8x128xf32>
    %min3A_2100 = arith.minimumf %max3A_2007, %max3A_2090 : vector<8x128xf32>
    %max3A_2101 = arith.maximumf %max3A_2009, %min3A_2100 : vector<8x128xf32>
    %max3A_2102 = arith.maximumf %max3A_2010, %min3A_2091 : vector<8x128xf32>
    %max3A_2103 = arith.maximumf %max3A_2011, %min3A_2088 : vector<8x128xf32>
    %min3A_2104 = arith.minimumf %min3A_2012, %min3A_2088 : vector<8x128xf32>
    %max3A_2105 = arith.maximumf %min3A_2012, %min3A_2088 : vector<8x128xf32>
    %min3A_2106 = arith.minimumf %min3A_2014, %max3A_2105 : vector<8x128xf32>
    %max3A_2107 = arith.maximumf %min3A_2014, %max3A_2105 : vector<8x128xf32>
    %min3A_2108 = arith.minimumf %min3A_2016, %max3A_2107 : vector<8x128xf32>
    %max3A_2109 = arith.maximumf %min3A_2016, %max3A_2107 : vector<8x128xf32>
    %min3A_2110 = arith.minimumf %min3A_2018, %max3A_2109 : vector<8x128xf32>
    %min3A_2111 = arith.minimumf %min3A_2019, %min3A_2091 : vector<8x128xf32>
    %max3A_2112 = arith.maximumf %min3A_2019, %min3A_2091 : vector<8x128xf32>
    %min3A_2113 = arith.minimumf %min3A_2021, %max3A_2112 : vector<8x128xf32>
    %min3A_2114 = arith.minimumf %min3A_2022, %max3A_2090 : vector<8x128xf32>
    %min3A_2115 = arith.minimumf %min3A_2023, %max3A_2086 : vector<8x128xf32>
    %get3A_2116 = arith.constant 0 : index
    %get3A_2117 = arith.constant 23552 : index
    %get3A_2118 = vector.load %arg1[%get3A_2116, %get3A_2117] : memref<8x32768xf32, #tpu.memory_space<vmem>>, vector<8x128xf32>
    %get3A_2119 = arith.constant 0 : index
    %get3A_2120 = arith.constant 23680 : index
    %get3A_2121 = vector.load %arg1[%get3A_2119, %get3A_2120] : memref<8x32768xf32, #tpu.memory_space<vmem>>, vector<8x128xf32>
    %get3A_2122 = arith.constant 0 : index
    %get3A_2123 = arith.constant 23808 : index
    %get3A_2124 = vector.load %arg1[%get3A_2122, %get3A_2123] : memref<8x32768xf32, #tpu.memory_space<vmem>>, vector<8x128xf32>
    %get3A_2125 = arith.constant 0 : index
    %get3A_2126 = arith.constant 23936 : index
    %get3A_2127 = vector.load %arg1[%get3A_2125, %get3A_2126] : memref<8x32768xf32, #tpu.memory_space<vmem>>, vector<8x128xf32>
    %get3A_2128 = arith.constant 0 : index
    %get3A_2129 = arith.constant 24064 : index
    %get3A_2130 = vector.load %arg1[%get3A_2128, %get3A_2129] : memref<8x32768xf32, #tpu.memory_space<vmem>>, vector<8x128xf32>
    %get3A_2131 = arith.constant 0 : index
    %get3A_2132 = arith.constant 24192 : index
    %get3A_2133 = vector.load %arg1[%get3A_2131, %get3A_2132] : memref<8x32768xf32, #tpu.memory_space<vmem>>, vector<8x128xf32>
    %get3A_2134 = arith.constant 0 : index
    %get3A_2135 = arith.constant 24320 : index
    %get3A_2136 = vector.load %arg1[%get3A_2134, %get3A_2135] : memref<8x32768xf32, #tpu.memory_space<vmem>>, vector<8x128xf32>
    %get3A_2137 = arith.constant 0 : index
    %get3A_2138 = arith.constant 24448 : index
    %get3A_2139 = vector.load %arg1[%get3A_2137, %get3A_2138] : memref<8x32768xf32, #tpu.memory_space<vmem>>, vector<8x128xf32>
    %max3A_2140 = arith.maximumf %get3A_2118, %get3A_2121 : vector<8x128xf32>
    %min3A_2141 = arith.minimumf %get3A_2118, %get3A_2121 : vector<8x128xf32>
    %max3A_2142 = arith.maximumf %get3A_2124, %get3A_2127 : vector<8x128xf32>
    %min3A_2143 = arith.minimumf %get3A_2124, %get3A_2127 : vector<8x128xf32>
    %max3A_2144 = arith.maximumf %max3A_2140, %max3A_2142 : vector<8x128xf32>
    %min3A_2145 = arith.minimumf %max3A_2140, %max3A_2142 : vector<8x128xf32>
    %min3A_2146 = arith.minimumf %min3A_2141, %min3A_2143 : vector<8x128xf32>
    %max3A_2147 = arith.maximumf %min3A_2141, %min3A_2143 : vector<8x128xf32>
    %max3A_2148 = arith.maximumf %min3A_2145, %max3A_2147 : vector<8x128xf32>
    %min3A_2149 = arith.minimumf %min3A_2145, %max3A_2147 : vector<8x128xf32>
    %max3A_2150 = arith.maximumf %max3A_2058, %max3A_2144 : vector<8x128xf32>
    %min3A_2151 = arith.minimumf %max3A_2058, %max3A_2144 : vector<8x128xf32>
    %max3A_2152 = arith.maximumf %max3A_2060, %min3A_2151 : vector<8x128xf32>
    %min3A_2153 = arith.minimumf %max3A_2060, %min3A_2151 : vector<8x128xf32>
    %max3A_2154 = arith.maximumf %max3A_2062, %min3A_2153 : vector<8x128xf32>
    %min3A_2155 = arith.minimumf %max3A_2062, %min3A_2153 : vector<8x128xf32>
    %max3A_2156 = arith.maximumf %max3A_2064, %min3A_2155 : vector<8x128xf32>
    %max3A_2157 = arith.maximumf %max3A_2065, %max3A_2148 : vector<8x128xf32>
    %min3A_2158 = arith.minimumf %max3A_2065, %max3A_2148 : vector<8x128xf32>
    %max3A_2159 = arith.maximumf %max3A_2067, %min3A_2158 : vector<8x128xf32>
    %max3A_2160 = arith.maximumf %max3A_2068, %min3A_2149 : vector<8x128xf32>
    %max3A_2161 = arith.maximumf %max3A_2069, %min3A_2146 : vector<8x128xf32>
    %min3A_2162 = arith.minimumf %min3A_2070, %min3A_2146 : vector<8x128xf32>
    %max3A_2163 = arith.maximumf %min3A_2070, %min3A_2146 : vector<8x128xf32>
    %min3A_2164 = arith.minimumf %min3A_2072, %max3A_2163 : vector<8x128xf32>
    %max3A_2165 = arith.maximumf %min3A_2072, %max3A_2163 : vector<8x128xf32>
    %min3A_2166 = arith.minimumf %min3A_2074, %max3A_2165 : vector<8x128xf32>
    %max3A_2167 = arith.maximumf %min3A_2074, %max3A_2165 : vector<8x128xf32>
    %min3A_2168 = arith.minimumf %min3A_2076, %max3A_2167 : vector<8x128xf32>
    %min3A_2169 = arith.minimumf %min3A_2077, %min3A_2149 : vector<8x128xf32>
    %max3A_2170 = arith.maximumf %min3A_2077, %min3A_2149 : vector<8x128xf32>
    %min3A_2171 = arith.minimumf %min3A_2079, %max3A_2170 : vector<8x128xf32>
    %min3A_2172 = arith.minimumf %min3A_2080, %max3A_2148 : vector<8x128xf32>
    %min3A_2173 = arith.minimumf %min3A_2081, %max3A_2144 : vector<8x128xf32>
    %max3A_2174 = arith.maximumf %get3A_2130, %get3A_2133 : vector<8x128xf32>
    %min3A_2175 = arith.minimumf %get3A_2130, %get3A_2133 : vector<8x128xf32>
    %max3A_2176 = arith.maximumf %get3A_2136, %get3A_2139 : vector<8x128xf32>
    %min3A_2177 = arith.minimumf %get3A_2136, %get3A_2139 : vector<8x128xf32>
    %max3A_2178 = arith.maximumf %max3A_2174, %max3A_2176 : vector<8x128xf32>
    %min3A_2179 = arith.minimumf %max3A_2174, %max3A_2176 : vector<8x128xf32>
    %min3A_2180 = arith.minimumf %min3A_2175, %min3A_2177 : vector<8x128xf32>
    %max3A_2181 = arith.maximumf %min3A_2175, %min3A_2177 : vector<8x128xf32>
    %max3A_2182 = arith.maximumf %min3A_2179, %max3A_2181 : vector<8x128xf32>
    %min3A_2183 = arith.minimumf %min3A_2179, %max3A_2181 : vector<8x128xf32>
    %max3A_2184 = arith.maximumf %max3A_2092, %max3A_2178 : vector<8x128xf32>
    %min3A_2185 = arith.minimumf %max3A_2092, %max3A_2178 : vector<8x128xf32>
    %max3A_2186 = arith.maximumf %max3A_2094, %min3A_2185 : vector<8x128xf32>
    %min3A_2187 = arith.minimumf %max3A_2094, %min3A_2185 : vector<8x128xf32>
    %max3A_2188 = arith.maximumf %max3A_2096, %min3A_2187 : vector<8x128xf32>
    %min3A_2189 = arith.minimumf %max3A_2096, %min3A_2187 : vector<8x128xf32>
    %max3A_2190 = arith.maximumf %max3A_2098, %min3A_2189 : vector<8x128xf32>
    %max3A_2191 = arith.maximumf %max3A_2099, %max3A_2182 : vector<8x128xf32>
    %min3A_2192 = arith.minimumf %max3A_2099, %max3A_2182 : vector<8x128xf32>
    %max3A_2193 = arith.maximumf %max3A_2101, %min3A_2192 : vector<8x128xf32>
    %max3A_2194 = arith.maximumf %max3A_2102, %min3A_2183 : vector<8x128xf32>
    %max3A_2195 = arith.maximumf %max3A_2103, %min3A_2180 : vector<8x128xf32>
    %min3A_2196 = arith.minimumf %min3A_2104, %min3A_2180 : vector<8x128xf32>
    %max3A_2197 = arith.maximumf %min3A_2104, %min3A_2180 : vector<8x128xf32>
    %min3A_2198 = arith.minimumf %min3A_2106, %max3A_2197 : vector<8x128xf32>
    %max3A_2199 = arith.maximumf %min3A_2106, %max3A_2197 : vector<8x128xf32>
    %min3A_2200 = arith.minimumf %min3A_2108, %max3A_2199 : vector<8x128xf32>
    %max3A_2201 = arith.maximumf %min3A_2108, %max3A_2199 : vector<8x128xf32>
    %min3A_2202 = arith.minimumf %min3A_2110, %max3A_2201 : vector<8x128xf32>
    %min3A_2203 = arith.minimumf %min3A_2111, %min3A_2183 : vector<8x128xf32>
    %max3A_2204 = arith.maximumf %min3A_2111, %min3A_2183 : vector<8x128xf32>
    %min3A_2205 = arith.minimumf %min3A_2113, %max3A_2204 : vector<8x128xf32>
    %min3A_2206 = arith.minimumf %min3A_2114, %max3A_2182 : vector<8x128xf32>
    %min3A_2207 = arith.minimumf %min3A_2115, %max3A_2178 : vector<8x128xf32>
    %get3A_2208 = arith.constant 0 : index
    %get3A_2209 = arith.constant 24576 : index
    %get3A_2210 = vector.load %arg1[%get3A_2208, %get3A_2209] : memref<8x32768xf32, #tpu.memory_space<vmem>>, vector<8x128xf32>
    %get3A_2211 = arith.constant 0 : index
    %get3A_2212 = arith.constant 24704 : index
    %get3A_2213 = vector.load %arg1[%get3A_2211, %get3A_2212] : memref<8x32768xf32, #tpu.memory_space<vmem>>, vector<8x128xf32>
    %get3A_2214 = arith.constant 0 : index
    %get3A_2215 = arith.constant 24832 : index
    %get3A_2216 = vector.load %arg1[%get3A_2214, %get3A_2215] : memref<8x32768xf32, #tpu.memory_space<vmem>>, vector<8x128xf32>
    %get3A_2217 = arith.constant 0 : index
    %get3A_2218 = arith.constant 24960 : index
    %get3A_2219 = vector.load %arg1[%get3A_2217, %get3A_2218] : memref<8x32768xf32, #tpu.memory_space<vmem>>, vector<8x128xf32>
    %get3A_2220 = arith.constant 0 : index
    %get3A_2221 = arith.constant 25088 : index
    %get3A_2222 = vector.load %arg1[%get3A_2220, %get3A_2221] : memref<8x32768xf32, #tpu.memory_space<vmem>>, vector<8x128xf32>
    %get3A_2223 = arith.constant 0 : index
    %get3A_2224 = arith.constant 25216 : index
    %get3A_2225 = vector.load %arg1[%get3A_2223, %get3A_2224] : memref<8x32768xf32, #tpu.memory_space<vmem>>, vector<8x128xf32>
    %get3A_2226 = arith.constant 0 : index
    %get3A_2227 = arith.constant 25344 : index
    %get3A_2228 = vector.load %arg1[%get3A_2226, %get3A_2227] : memref<8x32768xf32, #tpu.memory_space<vmem>>, vector<8x128xf32>
    %get3A_2229 = arith.constant 0 : index
    %get3A_2230 = arith.constant 25472 : index
    %get3A_2231 = vector.load %arg1[%get3A_2229, %get3A_2230] : memref<8x32768xf32, #tpu.memory_space<vmem>>, vector<8x128xf32>
    %max3A_2232 = arith.maximumf %get3A_2210, %get3A_2213 : vector<8x128xf32>
    %min3A_2233 = arith.minimumf %get3A_2210, %get3A_2213 : vector<8x128xf32>
    %max3A_2234 = arith.maximumf %get3A_2216, %get3A_2219 : vector<8x128xf32>
    %min3A_2235 = arith.minimumf %get3A_2216, %get3A_2219 : vector<8x128xf32>
    %max3A_2236 = arith.maximumf %max3A_2232, %max3A_2234 : vector<8x128xf32>
    %min3A_2237 = arith.minimumf %max3A_2232, %max3A_2234 : vector<8x128xf32>
    %min3A_2238 = arith.minimumf %min3A_2233, %min3A_2235 : vector<8x128xf32>
    %max3A_2239 = arith.maximumf %min3A_2233, %min3A_2235 : vector<8x128xf32>
    %max3A_2240 = arith.maximumf %min3A_2237, %max3A_2239 : vector<8x128xf32>
    %min3A_2241 = arith.minimumf %min3A_2237, %max3A_2239 : vector<8x128xf32>
    %max3A_2242 = arith.maximumf %max3A_2150, %max3A_2236 : vector<8x128xf32>
    %min3A_2243 = arith.minimumf %max3A_2150, %max3A_2236 : vector<8x128xf32>
    %max3A_2244 = arith.maximumf %max3A_2152, %min3A_2243 : vector<8x128xf32>
    %min3A_2245 = arith.minimumf %max3A_2152, %min3A_2243 : vector<8x128xf32>
    %max3A_2246 = arith.maximumf %max3A_2154, %min3A_2245 : vector<8x128xf32>
    %min3A_2247 = arith.minimumf %max3A_2154, %min3A_2245 : vector<8x128xf32>
    %max3A_2248 = arith.maximumf %max3A_2156, %min3A_2247 : vector<8x128xf32>
    %max3A_2249 = arith.maximumf %max3A_2157, %max3A_2240 : vector<8x128xf32>
    %min3A_2250 = arith.minimumf %max3A_2157, %max3A_2240 : vector<8x128xf32>
    %max3A_2251 = arith.maximumf %max3A_2159, %min3A_2250 : vector<8x128xf32>
    %max3A_2252 = arith.maximumf %max3A_2160, %min3A_2241 : vector<8x128xf32>
    %max3A_2253 = arith.maximumf %max3A_2161, %min3A_2238 : vector<8x128xf32>
    %min3A_2254 = arith.minimumf %min3A_2162, %min3A_2238 : vector<8x128xf32>
    %max3A_2255 = arith.maximumf %min3A_2162, %min3A_2238 : vector<8x128xf32>
    %min3A_2256 = arith.minimumf %min3A_2164, %max3A_2255 : vector<8x128xf32>
    %max3A_2257 = arith.maximumf %min3A_2164, %max3A_2255 : vector<8x128xf32>
    %min3A_2258 = arith.minimumf %min3A_2166, %max3A_2257 : vector<8x128xf32>
    %max3A_2259 = arith.maximumf %min3A_2166, %max3A_2257 : vector<8x128xf32>
    %min3A_2260 = arith.minimumf %min3A_2168, %max3A_2259 : vector<8x128xf32>
    %min3A_2261 = arith.minimumf %min3A_2169, %min3A_2241 : vector<8x128xf32>
    %max3A_2262 = arith.maximumf %min3A_2169, %min3A_2241 : vector<8x128xf32>
    %min3A_2263 = arith.minimumf %min3A_2171, %max3A_2262 : vector<8x128xf32>
    %min3A_2264 = arith.minimumf %min3A_2172, %max3A_2240 : vector<8x128xf32>
    %min3A_2265 = arith.minimumf %min3A_2173, %max3A_2236 : vector<8x128xf32>
    %max3A_2266 = arith.maximumf %get3A_2222, %get3A_2225 : vector<8x128xf32>
    %min3A_2267 = arith.minimumf %get3A_2222, %get3A_2225 : vector<8x128xf32>
    %max3A_2268 = arith.maximumf %get3A_2228, %get3A_2231 : vector<8x128xf32>
    %min3A_2269 = arith.minimumf %get3A_2228, %get3A_2231 : vector<8x128xf32>
    %max3A_2270 = arith.maximumf %max3A_2266, %max3A_2268 : vector<8x128xf32>
    %min3A_2271 = arith.minimumf %max3A_2266, %max3A_2268 : vector<8x128xf32>
    %min3A_2272 = arith.minimumf %min3A_2267, %min3A_2269 : vector<8x128xf32>
    %max3A_2273 = arith.maximumf %min3A_2267, %min3A_2269 : vector<8x128xf32>
    %max3A_2274 = arith.maximumf %min3A_2271, %max3A_2273 : vector<8x128xf32>
    %min3A_2275 = arith.minimumf %min3A_2271, %max3A_2273 : vector<8x128xf32>
    %max3A_2276 = arith.maximumf %max3A_2184, %max3A_2270 : vector<8x128xf32>
    %min3A_2277 = arith.minimumf %max3A_2184, %max3A_2270 : vector<8x128xf32>
    %max3A_2278 = arith.maximumf %max3A_2186, %min3A_2277 : vector<8x128xf32>
    %min3A_2279 = arith.minimumf %max3A_2186, %min3A_2277 : vector<8x128xf32>
    %max3A_2280 = arith.maximumf %max3A_2188, %min3A_2279 : vector<8x128xf32>
    %min3A_2281 = arith.minimumf %max3A_2188, %min3A_2279 : vector<8x128xf32>
    %max3A_2282 = arith.maximumf %max3A_2190, %min3A_2281 : vector<8x128xf32>
    %max3A_2283 = arith.maximumf %max3A_2191, %max3A_2274 : vector<8x128xf32>
    %min3A_2284 = arith.minimumf %max3A_2191, %max3A_2274 : vector<8x128xf32>
    %max3A_2285 = arith.maximumf %max3A_2193, %min3A_2284 : vector<8x128xf32>
    %max3A_2286 = arith.maximumf %max3A_2194, %min3A_2275 : vector<8x128xf32>
    %max3A_2287 = arith.maximumf %max3A_2195, %min3A_2272 : vector<8x128xf32>
    %min3A_2288 = arith.minimumf %min3A_2196, %min3A_2272 : vector<8x128xf32>
    %max3A_2289 = arith.maximumf %min3A_2196, %min3A_2272 : vector<8x128xf32>
    %min3A_2290 = arith.minimumf %min3A_2198, %max3A_2289 : vector<8x128xf32>
    %max3A_2291 = arith.maximumf %min3A_2198, %max3A_2289 : vector<8x128xf32>
    %min3A_2292 = arith.minimumf %min3A_2200, %max3A_2291 : vector<8x128xf32>
    %max3A_2293 = arith.maximumf %min3A_2200, %max3A_2291 : vector<8x128xf32>
    %min3A_2294 = arith.minimumf %min3A_2202, %max3A_2293 : vector<8x128xf32>
    %min3A_2295 = arith.minimumf %min3A_2203, %min3A_2275 : vector<8x128xf32>
    %max3A_2296 = arith.maximumf %min3A_2203, %min3A_2275 : vector<8x128xf32>
    %min3A_2297 = arith.minimumf %min3A_2205, %max3A_2296 : vector<8x128xf32>
    %min3A_2298 = arith.minimumf %min3A_2206, %max3A_2274 : vector<8x128xf32>
    %min3A_2299 = arith.minimumf %min3A_2207, %max3A_2270 : vector<8x128xf32>
    %get3A_2300 = arith.constant 0 : index
    %get3A_2301 = arith.constant 25600 : index
    %get3A_2302 = vector.load %arg1[%get3A_2300, %get3A_2301] : memref<8x32768xf32, #tpu.memory_space<vmem>>, vector<8x128xf32>
    %get3A_2303 = arith.constant 0 : index
    %get3A_2304 = arith.constant 25728 : index
    %get3A_2305 = vector.load %arg1[%get3A_2303, %get3A_2304] : memref<8x32768xf32, #tpu.memory_space<vmem>>, vector<8x128xf32>
    %get3A_2306 = arith.constant 0 : index
    %get3A_2307 = arith.constant 25856 : index
    %get3A_2308 = vector.load %arg1[%get3A_2306, %get3A_2307] : memref<8x32768xf32, #tpu.memory_space<vmem>>, vector<8x128xf32>
    %get3A_2309 = arith.constant 0 : index
    %get3A_2310 = arith.constant 25984 : index
    %get3A_2311 = vector.load %arg1[%get3A_2309, %get3A_2310] : memref<8x32768xf32, #tpu.memory_space<vmem>>, vector<8x128xf32>
    %get3A_2312 = arith.constant 0 : index
    %get3A_2313 = arith.constant 26112 : index
    %get3A_2314 = vector.load %arg1[%get3A_2312, %get3A_2313] : memref<8x32768xf32, #tpu.memory_space<vmem>>, vector<8x128xf32>
    %get3A_2315 = arith.constant 0 : index
    %get3A_2316 = arith.constant 26240 : index
    %get3A_2317 = vector.load %arg1[%get3A_2315, %get3A_2316] : memref<8x32768xf32, #tpu.memory_space<vmem>>, vector<8x128xf32>
    %get3A_2318 = arith.constant 0 : index
    %get3A_2319 = arith.constant 26368 : index
    %get3A_2320 = vector.load %arg1[%get3A_2318, %get3A_2319] : memref<8x32768xf32, #tpu.memory_space<vmem>>, vector<8x128xf32>
    %get3A_2321 = arith.constant 0 : index
    %get3A_2322 = arith.constant 26496 : index
    %get3A_2323 = vector.load %arg1[%get3A_2321, %get3A_2322] : memref<8x32768xf32, #tpu.memory_space<vmem>>, vector<8x128xf32>
    %max3A_2324 = arith.maximumf %get3A_2302, %get3A_2305 : vector<8x128xf32>
    %min3A_2325 = arith.minimumf %get3A_2302, %get3A_2305 : vector<8x128xf32>
    %max3A_2326 = arith.maximumf %get3A_2308, %get3A_2311 : vector<8x128xf32>
    %min3A_2327 = arith.minimumf %get3A_2308, %get3A_2311 : vector<8x128xf32>
    %max3A_2328 = arith.maximumf %max3A_2324, %max3A_2326 : vector<8x128xf32>
    %min3A_2329 = arith.minimumf %max3A_2324, %max3A_2326 : vector<8x128xf32>
    %min3A_2330 = arith.minimumf %min3A_2325, %min3A_2327 : vector<8x128xf32>
    %max3A_2331 = arith.maximumf %min3A_2325, %min3A_2327 : vector<8x128xf32>
    %max3A_2332 = arith.maximumf %min3A_2329, %max3A_2331 : vector<8x128xf32>
    %min3A_2333 = arith.minimumf %min3A_2329, %max3A_2331 : vector<8x128xf32>
    %max3A_2334 = arith.maximumf %max3A_2242, %max3A_2328 : vector<8x128xf32>
    %min3A_2335 = arith.minimumf %max3A_2242, %max3A_2328 : vector<8x128xf32>
    %max3A_2336 = arith.maximumf %max3A_2244, %min3A_2335 : vector<8x128xf32>
    %min3A_2337 = arith.minimumf %max3A_2244, %min3A_2335 : vector<8x128xf32>
    %max3A_2338 = arith.maximumf %max3A_2246, %min3A_2337 : vector<8x128xf32>
    %min3A_2339 = arith.minimumf %max3A_2246, %min3A_2337 : vector<8x128xf32>
    %max3A_2340 = arith.maximumf %max3A_2248, %min3A_2339 : vector<8x128xf32>
    %max3A_2341 = arith.maximumf %max3A_2249, %max3A_2332 : vector<8x128xf32>
    %min3A_2342 = arith.minimumf %max3A_2249, %max3A_2332 : vector<8x128xf32>
    %max3A_2343 = arith.maximumf %max3A_2251, %min3A_2342 : vector<8x128xf32>
    %max3A_2344 = arith.maximumf %max3A_2252, %min3A_2333 : vector<8x128xf32>
    %max3A_2345 = arith.maximumf %max3A_2253, %min3A_2330 : vector<8x128xf32>
    %min3A_2346 = arith.minimumf %min3A_2254, %min3A_2330 : vector<8x128xf32>
    %max3A_2347 = arith.maximumf %min3A_2254, %min3A_2330 : vector<8x128xf32>
    %min3A_2348 = arith.minimumf %min3A_2256, %max3A_2347 : vector<8x128xf32>
    %max3A_2349 = arith.maximumf %min3A_2256, %max3A_2347 : vector<8x128xf32>
    %min3A_2350 = arith.minimumf %min3A_2258, %max3A_2349 : vector<8x128xf32>
    %max3A_2351 = arith.maximumf %min3A_2258, %max3A_2349 : vector<8x128xf32>
    %min3A_2352 = arith.minimumf %min3A_2260, %max3A_2351 : vector<8x128xf32>
    %min3A_2353 = arith.minimumf %min3A_2261, %min3A_2333 : vector<8x128xf32>
    %max3A_2354 = arith.maximumf %min3A_2261, %min3A_2333 : vector<8x128xf32>
    %min3A_2355 = arith.minimumf %min3A_2263, %max3A_2354 : vector<8x128xf32>
    %min3A_2356 = arith.minimumf %min3A_2264, %max3A_2332 : vector<8x128xf32>
    %min3A_2357 = arith.minimumf %min3A_2265, %max3A_2328 : vector<8x128xf32>
    %max3A_2358 = arith.maximumf %get3A_2314, %get3A_2317 : vector<8x128xf32>
    %min3A_2359 = arith.minimumf %get3A_2314, %get3A_2317 : vector<8x128xf32>
    %max3A_2360 = arith.maximumf %get3A_2320, %get3A_2323 : vector<8x128xf32>
    %min3A_2361 = arith.minimumf %get3A_2320, %get3A_2323 : vector<8x128xf32>
    %max3A_2362 = arith.maximumf %max3A_2358, %max3A_2360 : vector<8x128xf32>
    %min3A_2363 = arith.minimumf %max3A_2358, %max3A_2360 : vector<8x128xf32>
    %min3A_2364 = arith.minimumf %min3A_2359, %min3A_2361 : vector<8x128xf32>
    %max3A_2365 = arith.maximumf %min3A_2359, %min3A_2361 : vector<8x128xf32>
    %max3A_2366 = arith.maximumf %min3A_2363, %max3A_2365 : vector<8x128xf32>
    %min3A_2367 = arith.minimumf %min3A_2363, %max3A_2365 : vector<8x128xf32>
    %max3A_2368 = arith.maximumf %max3A_2276, %max3A_2362 : vector<8x128xf32>
    %min3A_2369 = arith.minimumf %max3A_2276, %max3A_2362 : vector<8x128xf32>
    %max3A_2370 = arith.maximumf %max3A_2278, %min3A_2369 : vector<8x128xf32>
    %min3A_2371 = arith.minimumf %max3A_2278, %min3A_2369 : vector<8x128xf32>
    %max3A_2372 = arith.maximumf %max3A_2280, %min3A_2371 : vector<8x128xf32>
    %min3A_2373 = arith.minimumf %max3A_2280, %min3A_2371 : vector<8x128xf32>
    %max3A_2374 = arith.maximumf %max3A_2282, %min3A_2373 : vector<8x128xf32>
    %max3A_2375 = arith.maximumf %max3A_2283, %max3A_2366 : vector<8x128xf32>
    %min3A_2376 = arith.minimumf %max3A_2283, %max3A_2366 : vector<8x128xf32>
    %max3A_2377 = arith.maximumf %max3A_2285, %min3A_2376 : vector<8x128xf32>
    %max3A_2378 = arith.maximumf %max3A_2286, %min3A_2367 : vector<8x128xf32>
    %max3A_2379 = arith.maximumf %max3A_2287, %min3A_2364 : vector<8x128xf32>
    %min3A_2380 = arith.minimumf %min3A_2288, %min3A_2364 : vector<8x128xf32>
    %max3A_2381 = arith.maximumf %min3A_2288, %min3A_2364 : vector<8x128xf32>
    %min3A_2382 = arith.minimumf %min3A_2290, %max3A_2381 : vector<8x128xf32>
    %max3A_2383 = arith.maximumf %min3A_2290, %max3A_2381 : vector<8x128xf32>
    %min3A_2384 = arith.minimumf %min3A_2292, %max3A_2383 : vector<8x128xf32>
    %max3A_2385 = arith.maximumf %min3A_2292, %max3A_2383 : vector<8x128xf32>
    %min3A_2386 = arith.minimumf %min3A_2294, %max3A_2385 : vector<8x128xf32>
    %min3A_2387 = arith.minimumf %min3A_2295, %min3A_2367 : vector<8x128xf32>
    %max3A_2388 = arith.maximumf %min3A_2295, %min3A_2367 : vector<8x128xf32>
    %min3A_2389 = arith.minimumf %min3A_2297, %max3A_2388 : vector<8x128xf32>
    %min3A_2390 = arith.minimumf %min3A_2298, %max3A_2366 : vector<8x128xf32>
    %min3A_2391 = arith.minimumf %min3A_2299, %max3A_2362 : vector<8x128xf32>
    %get3A_2392 = arith.constant 0 : index
    %get3A_2393 = arith.constant 26624 : index
    %get3A_2394 = vector.load %arg1[%get3A_2392, %get3A_2393] : memref<8x32768xf32, #tpu.memory_space<vmem>>, vector<8x128xf32>
    %get3A_2395 = arith.constant 0 : index
    %get3A_2396 = arith.constant 26752 : index
    %get3A_2397 = vector.load %arg1[%get3A_2395, %get3A_2396] : memref<8x32768xf32, #tpu.memory_space<vmem>>, vector<8x128xf32>
    %get3A_2398 = arith.constant 0 : index
    %get3A_2399 = arith.constant 26880 : index
    %get3A_2400 = vector.load %arg1[%get3A_2398, %get3A_2399] : memref<8x32768xf32, #tpu.memory_space<vmem>>, vector<8x128xf32>
    %get3A_2401 = arith.constant 0 : index
    %get3A_2402 = arith.constant 27008 : index
    %get3A_2403 = vector.load %arg1[%get3A_2401, %get3A_2402] : memref<8x32768xf32, #tpu.memory_space<vmem>>, vector<8x128xf32>
    %get3A_2404 = arith.constant 0 : index
    %get3A_2405 = arith.constant 27136 : index
    %get3A_2406 = vector.load %arg1[%get3A_2404, %get3A_2405] : memref<8x32768xf32, #tpu.memory_space<vmem>>, vector<8x128xf32>
    %get3A_2407 = arith.constant 0 : index
    %get3A_2408 = arith.constant 27264 : index
    %get3A_2409 = vector.load %arg1[%get3A_2407, %get3A_2408] : memref<8x32768xf32, #tpu.memory_space<vmem>>, vector<8x128xf32>
    %get3A_2410 = arith.constant 0 : index
    %get3A_2411 = arith.constant 27392 : index
    %get3A_2412 = vector.load %arg1[%get3A_2410, %get3A_2411] : memref<8x32768xf32, #tpu.memory_space<vmem>>, vector<8x128xf32>
    %get3A_2413 = arith.constant 0 : index
    %get3A_2414 = arith.constant 27520 : index
    %get3A_2415 = vector.load %arg1[%get3A_2413, %get3A_2414] : memref<8x32768xf32, #tpu.memory_space<vmem>>, vector<8x128xf32>
    %max3A_2416 = arith.maximumf %get3A_2394, %get3A_2397 : vector<8x128xf32>
    %min3A_2417 = arith.minimumf %get3A_2394, %get3A_2397 : vector<8x128xf32>
    %max3A_2418 = arith.maximumf %get3A_2400, %get3A_2403 : vector<8x128xf32>
    %min3A_2419 = arith.minimumf %get3A_2400, %get3A_2403 : vector<8x128xf32>
    %max3A_2420 = arith.maximumf %max3A_2416, %max3A_2418 : vector<8x128xf32>
    %min3A_2421 = arith.minimumf %max3A_2416, %max3A_2418 : vector<8x128xf32>
    %min3A_2422 = arith.minimumf %min3A_2417, %min3A_2419 : vector<8x128xf32>
    %max3A_2423 = arith.maximumf %min3A_2417, %min3A_2419 : vector<8x128xf32>
    %max3A_2424 = arith.maximumf %min3A_2421, %max3A_2423 : vector<8x128xf32>
    %min3A_2425 = arith.minimumf %min3A_2421, %max3A_2423 : vector<8x128xf32>
    %max3A_2426 = arith.maximumf %max3A_2334, %max3A_2420 : vector<8x128xf32>
    %min3A_2427 = arith.minimumf %max3A_2334, %max3A_2420 : vector<8x128xf32>
    %max3A_2428 = arith.maximumf %max3A_2336, %min3A_2427 : vector<8x128xf32>
    %min3A_2429 = arith.minimumf %max3A_2336, %min3A_2427 : vector<8x128xf32>
    %max3A_2430 = arith.maximumf %max3A_2338, %min3A_2429 : vector<8x128xf32>
    %min3A_2431 = arith.minimumf %max3A_2338, %min3A_2429 : vector<8x128xf32>
    %max3A_2432 = arith.maximumf %max3A_2340, %min3A_2431 : vector<8x128xf32>
    %max3A_2433 = arith.maximumf %max3A_2341, %max3A_2424 : vector<8x128xf32>
    %min3A_2434 = arith.minimumf %max3A_2341, %max3A_2424 : vector<8x128xf32>
    %max3A_2435 = arith.maximumf %max3A_2343, %min3A_2434 : vector<8x128xf32>
    %max3A_2436 = arith.maximumf %max3A_2344, %min3A_2425 : vector<8x128xf32>
    %max3A_2437 = arith.maximumf %max3A_2345, %min3A_2422 : vector<8x128xf32>
    %min3A_2438 = arith.minimumf %min3A_2346, %min3A_2422 : vector<8x128xf32>
    %max3A_2439 = arith.maximumf %min3A_2346, %min3A_2422 : vector<8x128xf32>
    %min3A_2440 = arith.minimumf %min3A_2348, %max3A_2439 : vector<8x128xf32>
    %max3A_2441 = arith.maximumf %min3A_2348, %max3A_2439 : vector<8x128xf32>
    %min3A_2442 = arith.minimumf %min3A_2350, %max3A_2441 : vector<8x128xf32>
    %max3A_2443 = arith.maximumf %min3A_2350, %max3A_2441 : vector<8x128xf32>
    %min3A_2444 = arith.minimumf %min3A_2352, %max3A_2443 : vector<8x128xf32>
    %min3A_2445 = arith.minimumf %min3A_2353, %min3A_2425 : vector<8x128xf32>
    %max3A_2446 = arith.maximumf %min3A_2353, %min3A_2425 : vector<8x128xf32>
    %min3A_2447 = arith.minimumf %min3A_2355, %max3A_2446 : vector<8x128xf32>
    %min3A_2448 = arith.minimumf %min3A_2356, %max3A_2424 : vector<8x128xf32>
    %min3A_2449 = arith.minimumf %min3A_2357, %max3A_2420 : vector<8x128xf32>
    %max3A_2450 = arith.maximumf %get3A_2406, %get3A_2409 : vector<8x128xf32>
    %min3A_2451 = arith.minimumf %get3A_2406, %get3A_2409 : vector<8x128xf32>
    %max3A_2452 = arith.maximumf %get3A_2412, %get3A_2415 : vector<8x128xf32>
    %min3A_2453 = arith.minimumf %get3A_2412, %get3A_2415 : vector<8x128xf32>
    %max3A_2454 = arith.maximumf %max3A_2450, %max3A_2452 : vector<8x128xf32>
    %min3A_2455 = arith.minimumf %max3A_2450, %max3A_2452 : vector<8x128xf32>
    %min3A_2456 = arith.minimumf %min3A_2451, %min3A_2453 : vector<8x128xf32>
    %max3A_2457 = arith.maximumf %min3A_2451, %min3A_2453 : vector<8x128xf32>
    %max3A_2458 = arith.maximumf %min3A_2455, %max3A_2457 : vector<8x128xf32>
    %min3A_2459 = arith.minimumf %min3A_2455, %max3A_2457 : vector<8x128xf32>
    %max3A_2460 = arith.maximumf %max3A_2368, %max3A_2454 : vector<8x128xf32>
    %min3A_2461 = arith.minimumf %max3A_2368, %max3A_2454 : vector<8x128xf32>
    %max3A_2462 = arith.maximumf %max3A_2370, %min3A_2461 : vector<8x128xf32>
    %min3A_2463 = arith.minimumf %max3A_2370, %min3A_2461 : vector<8x128xf32>
    %max3A_2464 = arith.maximumf %max3A_2372, %min3A_2463 : vector<8x128xf32>
    %min3A_2465 = arith.minimumf %max3A_2372, %min3A_2463 : vector<8x128xf32>
    %max3A_2466 = arith.maximumf %max3A_2374, %min3A_2465 : vector<8x128xf32>
    %max3A_2467 = arith.maximumf %max3A_2375, %max3A_2458 : vector<8x128xf32>
    %min3A_2468 = arith.minimumf %max3A_2375, %max3A_2458 : vector<8x128xf32>
    %max3A_2469 = arith.maximumf %max3A_2377, %min3A_2468 : vector<8x128xf32>
    %max3A_2470 = arith.maximumf %max3A_2378, %min3A_2459 : vector<8x128xf32>
    %max3A_2471 = arith.maximumf %max3A_2379, %min3A_2456 : vector<8x128xf32>
    %min3A_2472 = arith.minimumf %min3A_2380, %min3A_2456 : vector<8x128xf32>
    %max3A_2473 = arith.maximumf %min3A_2380, %min3A_2456 : vector<8x128xf32>
    %min3A_2474 = arith.minimumf %min3A_2382, %max3A_2473 : vector<8x128xf32>
    %max3A_2475 = arith.maximumf %min3A_2382, %max3A_2473 : vector<8x128xf32>
    %min3A_2476 = arith.minimumf %min3A_2384, %max3A_2475 : vector<8x128xf32>
    %max3A_2477 = arith.maximumf %min3A_2384, %max3A_2475 : vector<8x128xf32>
    %min3A_2478 = arith.minimumf %min3A_2386, %max3A_2477 : vector<8x128xf32>
    %min3A_2479 = arith.minimumf %min3A_2387, %min3A_2459 : vector<8x128xf32>
    %max3A_2480 = arith.maximumf %min3A_2387, %min3A_2459 : vector<8x128xf32>
    %min3A_2481 = arith.minimumf %min3A_2389, %max3A_2480 : vector<8x128xf32>
    %min3A_2482 = arith.minimumf %min3A_2390, %max3A_2458 : vector<8x128xf32>
    %min3A_2483 = arith.minimumf %min3A_2391, %max3A_2454 : vector<8x128xf32>
    %get3A_2484 = arith.constant 0 : index
    %get3A_2485 = arith.constant 27648 : index
    %get3A_2486 = vector.load %arg1[%get3A_2484, %get3A_2485] : memref<8x32768xf32, #tpu.memory_space<vmem>>, vector<8x128xf32>
    %get3A_2487 = arith.constant 0 : index
    %get3A_2488 = arith.constant 27776 : index
    %get3A_2489 = vector.load %arg1[%get3A_2487, %get3A_2488] : memref<8x32768xf32, #tpu.memory_space<vmem>>, vector<8x128xf32>
    %get3A_2490 = arith.constant 0 : index
    %get3A_2491 = arith.constant 27904 : index
    %get3A_2492 = vector.load %arg1[%get3A_2490, %get3A_2491] : memref<8x32768xf32, #tpu.memory_space<vmem>>, vector<8x128xf32>
    %get3A_2493 = arith.constant 0 : index
    %get3A_2494 = arith.constant 28032 : index
    %get3A_2495 = vector.load %arg1[%get3A_2493, %get3A_2494] : memref<8x32768xf32, #tpu.memory_space<vmem>>, vector<8x128xf32>
    %get3A_2496 = arith.constant 0 : index
    %get3A_2497 = arith.constant 28160 : index
    %get3A_2498 = vector.load %arg1[%get3A_2496, %get3A_2497] : memref<8x32768xf32, #tpu.memory_space<vmem>>, vector<8x128xf32>
    %get3A_2499 = arith.constant 0 : index
    %get3A_2500 = arith.constant 28288 : index
    %get3A_2501 = vector.load %arg1[%get3A_2499, %get3A_2500] : memref<8x32768xf32, #tpu.memory_space<vmem>>, vector<8x128xf32>
    %get3A_2502 = arith.constant 0 : index
    %get3A_2503 = arith.constant 28416 : index
    %get3A_2504 = vector.load %arg1[%get3A_2502, %get3A_2503] : memref<8x32768xf32, #tpu.memory_space<vmem>>, vector<8x128xf32>
    %get3A_2505 = arith.constant 0 : index
    %get3A_2506 = arith.constant 28544 : index
    %get3A_2507 = vector.load %arg1[%get3A_2505, %get3A_2506] : memref<8x32768xf32, #tpu.memory_space<vmem>>, vector<8x128xf32>
    %max3A_2508 = arith.maximumf %get3A_2486, %get3A_2489 : vector<8x128xf32>
    %min3A_2509 = arith.minimumf %get3A_2486, %get3A_2489 : vector<8x128xf32>
    %max3A_2510 = arith.maximumf %get3A_2492, %get3A_2495 : vector<8x128xf32>
    %min3A_2511 = arith.minimumf %get3A_2492, %get3A_2495 : vector<8x128xf32>
    %max3A_2512 = arith.maximumf %max3A_2508, %max3A_2510 : vector<8x128xf32>
    %min3A_2513 = arith.minimumf %max3A_2508, %max3A_2510 : vector<8x128xf32>
    %min3A_2514 = arith.minimumf %min3A_2509, %min3A_2511 : vector<8x128xf32>
    %max3A_2515 = arith.maximumf %min3A_2509, %min3A_2511 : vector<8x128xf32>
    %max3A_2516 = arith.maximumf %min3A_2513, %max3A_2515 : vector<8x128xf32>
    %min3A_2517 = arith.minimumf %min3A_2513, %max3A_2515 : vector<8x128xf32>
    %max3A_2518 = arith.maximumf %max3A_2426, %max3A_2512 : vector<8x128xf32>
    %min3A_2519 = arith.minimumf %max3A_2426, %max3A_2512 : vector<8x128xf32>
    %max3A_2520 = arith.maximumf %max3A_2428, %min3A_2519 : vector<8x128xf32>
    %min3A_2521 = arith.minimumf %max3A_2428, %min3A_2519 : vector<8x128xf32>
    %max3A_2522 = arith.maximumf %max3A_2430, %min3A_2521 : vector<8x128xf32>
    %min3A_2523 = arith.minimumf %max3A_2430, %min3A_2521 : vector<8x128xf32>
    %max3A_2524 = arith.maximumf %max3A_2432, %min3A_2523 : vector<8x128xf32>
    %max3A_2525 = arith.maximumf %max3A_2433, %max3A_2516 : vector<8x128xf32>
    %min3A_2526 = arith.minimumf %max3A_2433, %max3A_2516 : vector<8x128xf32>
    %max3A_2527 = arith.maximumf %max3A_2435, %min3A_2526 : vector<8x128xf32>
    %max3A_2528 = arith.maximumf %max3A_2436, %min3A_2517 : vector<8x128xf32>
    %max3A_2529 = arith.maximumf %max3A_2437, %min3A_2514 : vector<8x128xf32>
    %min3A_2530 = arith.minimumf %min3A_2438, %min3A_2514 : vector<8x128xf32>
    %max3A_2531 = arith.maximumf %min3A_2438, %min3A_2514 : vector<8x128xf32>
    %min3A_2532 = arith.minimumf %min3A_2440, %max3A_2531 : vector<8x128xf32>
    %max3A_2533 = arith.maximumf %min3A_2440, %max3A_2531 : vector<8x128xf32>
    %min3A_2534 = arith.minimumf %min3A_2442, %max3A_2533 : vector<8x128xf32>
    %max3A_2535 = arith.maximumf %min3A_2442, %max3A_2533 : vector<8x128xf32>
    %min3A_2536 = arith.minimumf %min3A_2444, %max3A_2535 : vector<8x128xf32>
    %min3A_2537 = arith.minimumf %min3A_2445, %min3A_2517 : vector<8x128xf32>
    %max3A_2538 = arith.maximumf %min3A_2445, %min3A_2517 : vector<8x128xf32>
    %min3A_2539 = arith.minimumf %min3A_2447, %max3A_2538 : vector<8x128xf32>
    %min3A_2540 = arith.minimumf %min3A_2448, %max3A_2516 : vector<8x128xf32>
    %min3A_2541 = arith.minimumf %min3A_2449, %max3A_2512 : vector<8x128xf32>
    %max3A_2542 = arith.maximumf %get3A_2498, %get3A_2501 : vector<8x128xf32>
    %min3A_2543 = arith.minimumf %get3A_2498, %get3A_2501 : vector<8x128xf32>
    %max3A_2544 = arith.maximumf %get3A_2504, %get3A_2507 : vector<8x128xf32>
    %min3A_2545 = arith.minimumf %get3A_2504, %get3A_2507 : vector<8x128xf32>
    %max3A_2546 = arith.maximumf %max3A_2542, %max3A_2544 : vector<8x128xf32>
    %min3A_2547 = arith.minimumf %max3A_2542, %max3A_2544 : vector<8x128xf32>
    %min3A_2548 = arith.minimumf %min3A_2543, %min3A_2545 : vector<8x128xf32>
    %max3A_2549 = arith.maximumf %min3A_2543, %min3A_2545 : vector<8x128xf32>
    %max3A_2550 = arith.maximumf %min3A_2547, %max3A_2549 : vector<8x128xf32>
    %min3A_2551 = arith.minimumf %min3A_2547, %max3A_2549 : vector<8x128xf32>
    %max3A_2552 = arith.maximumf %max3A_2460, %max3A_2546 : vector<8x128xf32>
    %min3A_2553 = arith.minimumf %max3A_2460, %max3A_2546 : vector<8x128xf32>
    %max3A_2554 = arith.maximumf %max3A_2462, %min3A_2553 : vector<8x128xf32>
    %min3A_2555 = arith.minimumf %max3A_2462, %min3A_2553 : vector<8x128xf32>
    %max3A_2556 = arith.maximumf %max3A_2464, %min3A_2555 : vector<8x128xf32>
    %min3A_2557 = arith.minimumf %max3A_2464, %min3A_2555 : vector<8x128xf32>
    %max3A_2558 = arith.maximumf %max3A_2466, %min3A_2557 : vector<8x128xf32>
    %max3A_2559 = arith.maximumf %max3A_2467, %max3A_2550 : vector<8x128xf32>
    %min3A_2560 = arith.minimumf %max3A_2467, %max3A_2550 : vector<8x128xf32>
    %max3A_2561 = arith.maximumf %max3A_2469, %min3A_2560 : vector<8x128xf32>
    %max3A_2562 = arith.maximumf %max3A_2470, %min3A_2551 : vector<8x128xf32>
    %max3A_2563 = arith.maximumf %max3A_2471, %min3A_2548 : vector<8x128xf32>
    %min3A_2564 = arith.minimumf %min3A_2472, %min3A_2548 : vector<8x128xf32>
    %max3A_2565 = arith.maximumf %min3A_2472, %min3A_2548 : vector<8x128xf32>
    %min3A_2566 = arith.minimumf %min3A_2474, %max3A_2565 : vector<8x128xf32>
    %max3A_2567 = arith.maximumf %min3A_2474, %max3A_2565 : vector<8x128xf32>
    %min3A_2568 = arith.minimumf %min3A_2476, %max3A_2567 : vector<8x128xf32>
    %max3A_2569 = arith.maximumf %min3A_2476, %max3A_2567 : vector<8x128xf32>
    %min3A_2570 = arith.minimumf %min3A_2478, %max3A_2569 : vector<8x128xf32>
    %min3A_2571 = arith.minimumf %min3A_2479, %min3A_2551 : vector<8x128xf32>
    %max3A_2572 = arith.maximumf %min3A_2479, %min3A_2551 : vector<8x128xf32>
    %min3A_2573 = arith.minimumf %min3A_2481, %max3A_2572 : vector<8x128xf32>
    %min3A_2574 = arith.minimumf %min3A_2482, %max3A_2550 : vector<8x128xf32>
    %min3A_2575 = arith.minimumf %min3A_2483, %max3A_2546 : vector<8x128xf32>
    %get3A_2576 = arith.constant 0 : index
    %get3A_2577 = arith.constant 28672 : index
    %get3A_2578 = vector.load %arg1[%get3A_2576, %get3A_2577] : memref<8x32768xf32, #tpu.memory_space<vmem>>, vector<8x128xf32>
    %get3A_2579 = arith.constant 0 : index
    %get3A_2580 = arith.constant 28800 : index
    %get3A_2581 = vector.load %arg1[%get3A_2579, %get3A_2580] : memref<8x32768xf32, #tpu.memory_space<vmem>>, vector<8x128xf32>
    %get3A_2582 = arith.constant 0 : index
    %get3A_2583 = arith.constant 28928 : index
    %get3A_2584 = vector.load %arg1[%get3A_2582, %get3A_2583] : memref<8x32768xf32, #tpu.memory_space<vmem>>, vector<8x128xf32>
    %get3A_2585 = arith.constant 0 : index
    %get3A_2586 = arith.constant 29056 : index
    %get3A_2587 = vector.load %arg1[%get3A_2585, %get3A_2586] : memref<8x32768xf32, #tpu.memory_space<vmem>>, vector<8x128xf32>
    %get3A_2588 = arith.constant 0 : index
    %get3A_2589 = arith.constant 29184 : index
    %get3A_2590 = vector.load %arg1[%get3A_2588, %get3A_2589] : memref<8x32768xf32, #tpu.memory_space<vmem>>, vector<8x128xf32>
    %get3A_2591 = arith.constant 0 : index
    %get3A_2592 = arith.constant 29312 : index
    %get3A_2593 = vector.load %arg1[%get3A_2591, %get3A_2592] : memref<8x32768xf32, #tpu.memory_space<vmem>>, vector<8x128xf32>
    %get3A_2594 = arith.constant 0 : index
    %get3A_2595 = arith.constant 29440 : index
    %get3A_2596 = vector.load %arg1[%get3A_2594, %get3A_2595] : memref<8x32768xf32, #tpu.memory_space<vmem>>, vector<8x128xf32>
    %get3A_2597 = arith.constant 0 : index
    %get3A_2598 = arith.constant 29568 : index
    %get3A_2599 = vector.load %arg1[%get3A_2597, %get3A_2598] : memref<8x32768xf32, #tpu.memory_space<vmem>>, vector<8x128xf32>
    %max3A_2600 = arith.maximumf %get3A_2578, %get3A_2581 : vector<8x128xf32>
    %min3A_2601 = arith.minimumf %get3A_2578, %get3A_2581 : vector<8x128xf32>
    %max3A_2602 = arith.maximumf %get3A_2584, %get3A_2587 : vector<8x128xf32>
    %min3A_2603 = arith.minimumf %get3A_2584, %get3A_2587 : vector<8x128xf32>
    %max3A_2604 = arith.maximumf %max3A_2600, %max3A_2602 : vector<8x128xf32>
    %min3A_2605 = arith.minimumf %max3A_2600, %max3A_2602 : vector<8x128xf32>
    %min3A_2606 = arith.minimumf %min3A_2601, %min3A_2603 : vector<8x128xf32>
    %max3A_2607 = arith.maximumf %min3A_2601, %min3A_2603 : vector<8x128xf32>
    %max3A_2608 = arith.maximumf %min3A_2605, %max3A_2607 : vector<8x128xf32>
    %min3A_2609 = arith.minimumf %min3A_2605, %max3A_2607 : vector<8x128xf32>
    %max3A_2610 = arith.maximumf %max3A_2518, %max3A_2604 : vector<8x128xf32>
    %min3A_2611 = arith.minimumf %max3A_2518, %max3A_2604 : vector<8x128xf32>
    %max3A_2612 = arith.maximumf %max3A_2520, %min3A_2611 : vector<8x128xf32>
    %min3A_2613 = arith.minimumf %max3A_2520, %min3A_2611 : vector<8x128xf32>
    %max3A_2614 = arith.maximumf %max3A_2522, %min3A_2613 : vector<8x128xf32>
    %min3A_2615 = arith.minimumf %max3A_2522, %min3A_2613 : vector<8x128xf32>
    %max3A_2616 = arith.maximumf %max3A_2524, %min3A_2615 : vector<8x128xf32>
    %max3A_2617 = arith.maximumf %max3A_2525, %max3A_2608 : vector<8x128xf32>
    %min3A_2618 = arith.minimumf %max3A_2525, %max3A_2608 : vector<8x128xf32>
    %max3A_2619 = arith.maximumf %max3A_2527, %min3A_2618 : vector<8x128xf32>
    %max3A_2620 = arith.maximumf %max3A_2528, %min3A_2609 : vector<8x128xf32>
    %max3A_2621 = arith.maximumf %max3A_2529, %min3A_2606 : vector<8x128xf32>
    %min3A_2622 = arith.minimumf %min3A_2530, %min3A_2606 : vector<8x128xf32>
    %max3A_2623 = arith.maximumf %min3A_2530, %min3A_2606 : vector<8x128xf32>
    %min3A_2624 = arith.minimumf %min3A_2532, %max3A_2623 : vector<8x128xf32>
    %max3A_2625 = arith.maximumf %min3A_2532, %max3A_2623 : vector<8x128xf32>
    %min3A_2626 = arith.minimumf %min3A_2534, %max3A_2625 : vector<8x128xf32>
    %max3A_2627 = arith.maximumf %min3A_2534, %max3A_2625 : vector<8x128xf32>
    %min3A_2628 = arith.minimumf %min3A_2536, %max3A_2627 : vector<8x128xf32>
    %min3A_2629 = arith.minimumf %min3A_2537, %min3A_2609 : vector<8x128xf32>
    %max3A_2630 = arith.maximumf %min3A_2537, %min3A_2609 : vector<8x128xf32>
    %min3A_2631 = arith.minimumf %min3A_2539, %max3A_2630 : vector<8x128xf32>
    %min3A_2632 = arith.minimumf %min3A_2540, %max3A_2608 : vector<8x128xf32>
    %min3A_2633 = arith.minimumf %min3A_2541, %max3A_2604 : vector<8x128xf32>
    %max3A_2634 = arith.maximumf %get3A_2590, %get3A_2593 : vector<8x128xf32>
    %min3A_2635 = arith.minimumf %get3A_2590, %get3A_2593 : vector<8x128xf32>
    %max3A_2636 = arith.maximumf %get3A_2596, %get3A_2599 : vector<8x128xf32>
    %min3A_2637 = arith.minimumf %get3A_2596, %get3A_2599 : vector<8x128xf32>
    %max3A_2638 = arith.maximumf %max3A_2634, %max3A_2636 : vector<8x128xf32>
    %min3A_2639 = arith.minimumf %max3A_2634, %max3A_2636 : vector<8x128xf32>
    %min3A_2640 = arith.minimumf %min3A_2635, %min3A_2637 : vector<8x128xf32>
    %max3A_2641 = arith.maximumf %min3A_2635, %min3A_2637 : vector<8x128xf32>
    %max3A_2642 = arith.maximumf %min3A_2639, %max3A_2641 : vector<8x128xf32>
    %min3A_2643 = arith.minimumf %min3A_2639, %max3A_2641 : vector<8x128xf32>
    %max3A_2644 = arith.maximumf %max3A_2552, %max3A_2638 : vector<8x128xf32>
    %min3A_2645 = arith.minimumf %max3A_2552, %max3A_2638 : vector<8x128xf32>
    %max3A_2646 = arith.maximumf %max3A_2554, %min3A_2645 : vector<8x128xf32>
    %min3A_2647 = arith.minimumf %max3A_2554, %min3A_2645 : vector<8x128xf32>
    %max3A_2648 = arith.maximumf %max3A_2556, %min3A_2647 : vector<8x128xf32>
    %min3A_2649 = arith.minimumf %max3A_2556, %min3A_2647 : vector<8x128xf32>
    %max3A_2650 = arith.maximumf %max3A_2558, %min3A_2649 : vector<8x128xf32>
    %max3A_2651 = arith.maximumf %max3A_2559, %max3A_2642 : vector<8x128xf32>
    %min3A_2652 = arith.minimumf %max3A_2559, %max3A_2642 : vector<8x128xf32>
    %max3A_2653 = arith.maximumf %max3A_2561, %min3A_2652 : vector<8x128xf32>
    %max3A_2654 = arith.maximumf %max3A_2562, %min3A_2643 : vector<8x128xf32>
    %max3A_2655 = arith.maximumf %max3A_2563, %min3A_2640 : vector<8x128xf32>
    %min3A_2656 = arith.minimumf %min3A_2564, %min3A_2640 : vector<8x128xf32>
    %max3A_2657 = arith.maximumf %min3A_2564, %min3A_2640 : vector<8x128xf32>
    %min3A_2658 = arith.minimumf %min3A_2566, %max3A_2657 : vector<8x128xf32>
    %max3A_2659 = arith.maximumf %min3A_2566, %max3A_2657 : vector<8x128xf32>
    %min3A_2660 = arith.minimumf %min3A_2568, %max3A_2659 : vector<8x128xf32>
    %max3A_2661 = arith.maximumf %min3A_2568, %max3A_2659 : vector<8x128xf32>
    %min3A_2662 = arith.minimumf %min3A_2570, %max3A_2661 : vector<8x128xf32>
    %min3A_2663 = arith.minimumf %min3A_2571, %min3A_2643 : vector<8x128xf32>
    %max3A_2664 = arith.maximumf %min3A_2571, %min3A_2643 : vector<8x128xf32>
    %min3A_2665 = arith.minimumf %min3A_2573, %max3A_2664 : vector<8x128xf32>
    %min3A_2666 = arith.minimumf %min3A_2574, %max3A_2642 : vector<8x128xf32>
    %min3A_2667 = arith.minimumf %min3A_2575, %max3A_2638 : vector<8x128xf32>
    %get3A_2668 = arith.constant 0 : index
    %get3A_2669 = arith.constant 29696 : index
    %get3A_2670 = vector.load %arg1[%get3A_2668, %get3A_2669] : memref<8x32768xf32, #tpu.memory_space<vmem>>, vector<8x128xf32>
    %get3A_2671 = arith.constant 0 : index
    %get3A_2672 = arith.constant 29824 : index
    %get3A_2673 = vector.load %arg1[%get3A_2671, %get3A_2672] : memref<8x32768xf32, #tpu.memory_space<vmem>>, vector<8x128xf32>
    %get3A_2674 = arith.constant 0 : index
    %get3A_2675 = arith.constant 29952 : index
    %get3A_2676 = vector.load %arg1[%get3A_2674, %get3A_2675] : memref<8x32768xf32, #tpu.memory_space<vmem>>, vector<8x128xf32>
    %get3A_2677 = arith.constant 0 : index
    %get3A_2678 = arith.constant 30080 : index
    %get3A_2679 = vector.load %arg1[%get3A_2677, %get3A_2678] : memref<8x32768xf32, #tpu.memory_space<vmem>>, vector<8x128xf32>
    %get3A_2680 = arith.constant 0 : index
    %get3A_2681 = arith.constant 30208 : index
    %get3A_2682 = vector.load %arg1[%get3A_2680, %get3A_2681] : memref<8x32768xf32, #tpu.memory_space<vmem>>, vector<8x128xf32>
    %get3A_2683 = arith.constant 0 : index
    %get3A_2684 = arith.constant 30336 : index
    %get3A_2685 = vector.load %arg1[%get3A_2683, %get3A_2684] : memref<8x32768xf32, #tpu.memory_space<vmem>>, vector<8x128xf32>
    %get3A_2686 = arith.constant 0 : index
    %get3A_2687 = arith.constant 30464 : index
    %get3A_2688 = vector.load %arg1[%get3A_2686, %get3A_2687] : memref<8x32768xf32, #tpu.memory_space<vmem>>, vector<8x128xf32>
    %get3A_2689 = arith.constant 0 : index
    %get3A_2690 = arith.constant 30592 : index
    %get3A_2691 = vector.load %arg1[%get3A_2689, %get3A_2690] : memref<8x32768xf32, #tpu.memory_space<vmem>>, vector<8x128xf32>
    %max3A_2692 = arith.maximumf %get3A_2670, %get3A_2673 : vector<8x128xf32>
    %min3A_2693 = arith.minimumf %get3A_2670, %get3A_2673 : vector<8x128xf32>
    %max3A_2694 = arith.maximumf %get3A_2676, %get3A_2679 : vector<8x128xf32>
    %min3A_2695 = arith.minimumf %get3A_2676, %get3A_2679 : vector<8x128xf32>
    %max3A_2696 = arith.maximumf %max3A_2692, %max3A_2694 : vector<8x128xf32>
    %min3A_2697 = arith.minimumf %max3A_2692, %max3A_2694 : vector<8x128xf32>
    %min3A_2698 = arith.minimumf %min3A_2693, %min3A_2695 : vector<8x128xf32>
    %max3A_2699 = arith.maximumf %min3A_2693, %min3A_2695 : vector<8x128xf32>
    %max3A_2700 = arith.maximumf %min3A_2697, %max3A_2699 : vector<8x128xf32>
    %min3A_2701 = arith.minimumf %min3A_2697, %max3A_2699 : vector<8x128xf32>
    %max3A_2702 = arith.maximumf %max3A_2610, %max3A_2696 : vector<8x128xf32>
    %min3A_2703 = arith.minimumf %max3A_2610, %max3A_2696 : vector<8x128xf32>
    %max3A_2704 = arith.maximumf %max3A_2612, %min3A_2703 : vector<8x128xf32>
    %min3A_2705 = arith.minimumf %max3A_2612, %min3A_2703 : vector<8x128xf32>
    %max3A_2706 = arith.maximumf %max3A_2614, %min3A_2705 : vector<8x128xf32>
    %min3A_2707 = arith.minimumf %max3A_2614, %min3A_2705 : vector<8x128xf32>
    %max3A_2708 = arith.maximumf %max3A_2616, %min3A_2707 : vector<8x128xf32>
    %max3A_2709 = arith.maximumf %max3A_2617, %max3A_2700 : vector<8x128xf32>
    %min3A_2710 = arith.minimumf %max3A_2617, %max3A_2700 : vector<8x128xf32>
    %max3A_2711 = arith.maximumf %max3A_2619, %min3A_2710 : vector<8x128xf32>
    %max3A_2712 = arith.maximumf %max3A_2620, %min3A_2701 : vector<8x128xf32>
    %max3A_2713 = arith.maximumf %max3A_2621, %min3A_2698 : vector<8x128xf32>
    %min3A_2714 = arith.minimumf %min3A_2622, %min3A_2698 : vector<8x128xf32>
    %max3A_2715 = arith.maximumf %min3A_2622, %min3A_2698 : vector<8x128xf32>
    %min3A_2716 = arith.minimumf %min3A_2624, %max3A_2715 : vector<8x128xf32>
    %max3A_2717 = arith.maximumf %min3A_2624, %max3A_2715 : vector<8x128xf32>
    %min3A_2718 = arith.minimumf %min3A_2626, %max3A_2717 : vector<8x128xf32>
    %max3A_2719 = arith.maximumf %min3A_2626, %max3A_2717 : vector<8x128xf32>
    %min3A_2720 = arith.minimumf %min3A_2628, %max3A_2719 : vector<8x128xf32>
    %min3A_2721 = arith.minimumf %min3A_2629, %min3A_2701 : vector<8x128xf32>
    %max3A_2722 = arith.maximumf %min3A_2629, %min3A_2701 : vector<8x128xf32>
    %min3A_2723 = arith.minimumf %min3A_2631, %max3A_2722 : vector<8x128xf32>
    %min3A_2724 = arith.minimumf %min3A_2632, %max3A_2700 : vector<8x128xf32>
    %min3A_2725 = arith.minimumf %min3A_2633, %max3A_2696 : vector<8x128xf32>
    %max3A_2726 = arith.maximumf %get3A_2682, %get3A_2685 : vector<8x128xf32>
    %min3A_2727 = arith.minimumf %get3A_2682, %get3A_2685 : vector<8x128xf32>
    %max3A_2728 = arith.maximumf %get3A_2688, %get3A_2691 : vector<8x128xf32>
    %min3A_2729 = arith.minimumf %get3A_2688, %get3A_2691 : vector<8x128xf32>
    %max3A_2730 = arith.maximumf %max3A_2726, %max3A_2728 : vector<8x128xf32>
    %min3A_2731 = arith.minimumf %max3A_2726, %max3A_2728 : vector<8x128xf32>
    %min3A_2732 = arith.minimumf %min3A_2727, %min3A_2729 : vector<8x128xf32>
    %max3A_2733 = arith.maximumf %min3A_2727, %min3A_2729 : vector<8x128xf32>
    %max3A_2734 = arith.maximumf %min3A_2731, %max3A_2733 : vector<8x128xf32>
    %min3A_2735 = arith.minimumf %min3A_2731, %max3A_2733 : vector<8x128xf32>
    %max3A_2736 = arith.maximumf %max3A_2644, %max3A_2730 : vector<8x128xf32>
    %min3A_2737 = arith.minimumf %max3A_2644, %max3A_2730 : vector<8x128xf32>
    %max3A_2738 = arith.maximumf %max3A_2646, %min3A_2737 : vector<8x128xf32>
    %min3A_2739 = arith.minimumf %max3A_2646, %min3A_2737 : vector<8x128xf32>
    %max3A_2740 = arith.maximumf %max3A_2648, %min3A_2739 : vector<8x128xf32>
    %min3A_2741 = arith.minimumf %max3A_2648, %min3A_2739 : vector<8x128xf32>
    %max3A_2742 = arith.maximumf %max3A_2650, %min3A_2741 : vector<8x128xf32>
    %max3A_2743 = arith.maximumf %max3A_2651, %max3A_2734 : vector<8x128xf32>
    %min3A_2744 = arith.minimumf %max3A_2651, %max3A_2734 : vector<8x128xf32>
    %max3A_2745 = arith.maximumf %max3A_2653, %min3A_2744 : vector<8x128xf32>
    %max3A_2746 = arith.maximumf %max3A_2654, %min3A_2735 : vector<8x128xf32>
    %max3A_2747 = arith.maximumf %max3A_2655, %min3A_2732 : vector<8x128xf32>
    %min3A_2748 = arith.minimumf %min3A_2656, %min3A_2732 : vector<8x128xf32>
    %max3A_2749 = arith.maximumf %min3A_2656, %min3A_2732 : vector<8x128xf32>
    %min3A_2750 = arith.minimumf %min3A_2658, %max3A_2749 : vector<8x128xf32>
    %max3A_2751 = arith.maximumf %min3A_2658, %max3A_2749 : vector<8x128xf32>
    %min3A_2752 = arith.minimumf %min3A_2660, %max3A_2751 : vector<8x128xf32>
    %max3A_2753 = arith.maximumf %min3A_2660, %max3A_2751 : vector<8x128xf32>
    %min3A_2754 = arith.minimumf %min3A_2662, %max3A_2753 : vector<8x128xf32>
    %min3A_2755 = arith.minimumf %min3A_2663, %min3A_2735 : vector<8x128xf32>
    %max3A_2756 = arith.maximumf %min3A_2663, %min3A_2735 : vector<8x128xf32>
    %min3A_2757 = arith.minimumf %min3A_2665, %max3A_2756 : vector<8x128xf32>
    %min3A_2758 = arith.minimumf %min3A_2666, %max3A_2734 : vector<8x128xf32>
    %min3A_2759 = arith.minimumf %min3A_2667, %max3A_2730 : vector<8x128xf32>
    %get3A_2760 = arith.constant 0 : index
    %get3A_2761 = arith.constant 30720 : index
    %get3A_2762 = vector.load %arg1[%get3A_2760, %get3A_2761] : memref<8x32768xf32, #tpu.memory_space<vmem>>, vector<8x128xf32>
    %get3A_2763 = arith.constant 0 : index
    %get3A_2764 = arith.constant 30848 : index
    %get3A_2765 = vector.load %arg1[%get3A_2763, %get3A_2764] : memref<8x32768xf32, #tpu.memory_space<vmem>>, vector<8x128xf32>
    %get3A_2766 = arith.constant 0 : index
    %get3A_2767 = arith.constant 30976 : index
    %get3A_2768 = vector.load %arg1[%get3A_2766, %get3A_2767] : memref<8x32768xf32, #tpu.memory_space<vmem>>, vector<8x128xf32>
    %get3A_2769 = arith.constant 0 : index
    %get3A_2770 = arith.constant 31104 : index
    %get3A_2771 = vector.load %arg1[%get3A_2769, %get3A_2770] : memref<8x32768xf32, #tpu.memory_space<vmem>>, vector<8x128xf32>
    %get3A_2772 = arith.constant 0 : index
    %get3A_2773 = arith.constant 31232 : index
    %get3A_2774 = vector.load %arg1[%get3A_2772, %get3A_2773] : memref<8x32768xf32, #tpu.memory_space<vmem>>, vector<8x128xf32>
    %get3A_2775 = arith.constant 0 : index
    %get3A_2776 = arith.constant 31360 : index
    %get3A_2777 = vector.load %arg1[%get3A_2775, %get3A_2776] : memref<8x32768xf32, #tpu.memory_space<vmem>>, vector<8x128xf32>
    %get3A_2778 = arith.constant 0 : index
    %get3A_2779 = arith.constant 31488 : index
    %get3A_2780 = vector.load %arg1[%get3A_2778, %get3A_2779] : memref<8x32768xf32, #tpu.memory_space<vmem>>, vector<8x128xf32>
    %get3A_2781 = arith.constant 0 : index
    %get3A_2782 = arith.constant 31616 : index
    %get3A_2783 = vector.load %arg1[%get3A_2781, %get3A_2782] : memref<8x32768xf32, #tpu.memory_space<vmem>>, vector<8x128xf32>
    %max3A_2784 = arith.maximumf %get3A_2762, %get3A_2765 : vector<8x128xf32>
    %min3A_2785 = arith.minimumf %get3A_2762, %get3A_2765 : vector<8x128xf32>
    %max3A_2786 = arith.maximumf %get3A_2768, %get3A_2771 : vector<8x128xf32>
    %min3A_2787 = arith.minimumf %get3A_2768, %get3A_2771 : vector<8x128xf32>
    %max3A_2788 = arith.maximumf %max3A_2784, %max3A_2786 : vector<8x128xf32>
    %min3A_2789 = arith.minimumf %max3A_2784, %max3A_2786 : vector<8x128xf32>
    %min3A_2790 = arith.minimumf %min3A_2785, %min3A_2787 : vector<8x128xf32>
    %max3A_2791 = arith.maximumf %min3A_2785, %min3A_2787 : vector<8x128xf32>
    %max3A_2792 = arith.maximumf %min3A_2789, %max3A_2791 : vector<8x128xf32>
    %min3A_2793 = arith.minimumf %min3A_2789, %max3A_2791 : vector<8x128xf32>
    %max3A_2794 = arith.maximumf %max3A_2702, %max3A_2788 : vector<8x128xf32>
    %min3A_2795 = arith.minimumf %max3A_2702, %max3A_2788 : vector<8x128xf32>
    %max3A_2796 = arith.maximumf %max3A_2704, %min3A_2795 : vector<8x128xf32>
    %min3A_2797 = arith.minimumf %max3A_2704, %min3A_2795 : vector<8x128xf32>
    %max3A_2798 = arith.maximumf %max3A_2706, %min3A_2797 : vector<8x128xf32>
    %min3A_2799 = arith.minimumf %max3A_2706, %min3A_2797 : vector<8x128xf32>
    %max3A_2800 = arith.maximumf %max3A_2708, %min3A_2799 : vector<8x128xf32>
    %max3A_2801 = arith.maximumf %max3A_2709, %max3A_2792 : vector<8x128xf32>
    %min3A_2802 = arith.minimumf %max3A_2709, %max3A_2792 : vector<8x128xf32>
    %max3A_2803 = arith.maximumf %max3A_2711, %min3A_2802 : vector<8x128xf32>
    %max3A_2804 = arith.maximumf %max3A_2712, %min3A_2793 : vector<8x128xf32>
    %max3A_2805 = arith.maximumf %max3A_2713, %min3A_2790 : vector<8x128xf32>
    %min3A_2806 = arith.minimumf %min3A_2714, %min3A_2790 : vector<8x128xf32>
    %max3A_2807 = arith.maximumf %min3A_2714, %min3A_2790 : vector<8x128xf32>
    %min3A_2808 = arith.minimumf %min3A_2716, %max3A_2807 : vector<8x128xf32>
    %max3A_2809 = arith.maximumf %min3A_2716, %max3A_2807 : vector<8x128xf32>
    %min3A_2810 = arith.minimumf %min3A_2718, %max3A_2809 : vector<8x128xf32>
    %max3A_2811 = arith.maximumf %min3A_2718, %max3A_2809 : vector<8x128xf32>
    %min3A_2812 = arith.minimumf %min3A_2720, %max3A_2811 : vector<8x128xf32>
    %min3A_2813 = arith.minimumf %min3A_2721, %min3A_2793 : vector<8x128xf32>
    %max3A_2814 = arith.maximumf %min3A_2721, %min3A_2793 : vector<8x128xf32>
    %min3A_2815 = arith.minimumf %min3A_2723, %max3A_2814 : vector<8x128xf32>
    %min3A_2816 = arith.minimumf %min3A_2724, %max3A_2792 : vector<8x128xf32>
    %min3A_2817 = arith.minimumf %min3A_2725, %max3A_2788 : vector<8x128xf32>
    %max3A_2818 = arith.maximumf %get3A_2774, %get3A_2777 : vector<8x128xf32>
    %min3A_2819 = arith.minimumf %get3A_2774, %get3A_2777 : vector<8x128xf32>
    %max3A_2820 = arith.maximumf %get3A_2780, %get3A_2783 : vector<8x128xf32>
    %min3A_2821 = arith.minimumf %get3A_2780, %get3A_2783 : vector<8x128xf32>
    %max3A_2822 = arith.maximumf %max3A_2818, %max3A_2820 : vector<8x128xf32>
    %min3A_2823 = arith.minimumf %max3A_2818, %max3A_2820 : vector<8x128xf32>
    %min3A_2824 = arith.minimumf %min3A_2819, %min3A_2821 : vector<8x128xf32>
    %max3A_2825 = arith.maximumf %min3A_2819, %min3A_2821 : vector<8x128xf32>
    %max3A_2826 = arith.maximumf %min3A_2823, %max3A_2825 : vector<8x128xf32>
    %min3A_2827 = arith.minimumf %min3A_2823, %max3A_2825 : vector<8x128xf32>
    %max3A_2828 = arith.maximumf %max3A_2736, %max3A_2822 : vector<8x128xf32>
    %min3A_2829 = arith.minimumf %max3A_2736, %max3A_2822 : vector<8x128xf32>
    %max3A_2830 = arith.maximumf %max3A_2738, %min3A_2829 : vector<8x128xf32>
    %min3A_2831 = arith.minimumf %max3A_2738, %min3A_2829 : vector<8x128xf32>
    %max3A_2832 = arith.maximumf %max3A_2740, %min3A_2831 : vector<8x128xf32>
    %min3A_2833 = arith.minimumf %max3A_2740, %min3A_2831 : vector<8x128xf32>
    %max3A_2834 = arith.maximumf %max3A_2742, %min3A_2833 : vector<8x128xf32>
    %max3A_2835 = arith.maximumf %max3A_2743, %max3A_2826 : vector<8x128xf32>
    %min3A_2836 = arith.minimumf %max3A_2743, %max3A_2826 : vector<8x128xf32>
    %max3A_2837 = arith.maximumf %max3A_2745, %min3A_2836 : vector<8x128xf32>
    %max3A_2838 = arith.maximumf %max3A_2746, %min3A_2827 : vector<8x128xf32>
    %max3A_2839 = arith.maximumf %max3A_2747, %min3A_2824 : vector<8x128xf32>
    %min3A_2840 = arith.minimumf %min3A_2748, %min3A_2824 : vector<8x128xf32>
    %max3A_2841 = arith.maximumf %min3A_2748, %min3A_2824 : vector<8x128xf32>
    %min3A_2842 = arith.minimumf %min3A_2750, %max3A_2841 : vector<8x128xf32>
    %max3A_2843 = arith.maximumf %min3A_2750, %max3A_2841 : vector<8x128xf32>
    %min3A_2844 = arith.minimumf %min3A_2752, %max3A_2843 : vector<8x128xf32>
    %max3A_2845 = arith.maximumf %min3A_2752, %max3A_2843 : vector<8x128xf32>
    %min3A_2846 = arith.minimumf %min3A_2754, %max3A_2845 : vector<8x128xf32>
    %min3A_2847 = arith.minimumf %min3A_2755, %min3A_2827 : vector<8x128xf32>
    %max3A_2848 = arith.maximumf %min3A_2755, %min3A_2827 : vector<8x128xf32>
    %min3A_2849 = arith.minimumf %min3A_2757, %max3A_2848 : vector<8x128xf32>
    %min3A_2850 = arith.minimumf %min3A_2758, %max3A_2826 : vector<8x128xf32>
    %min3A_2851 = arith.minimumf %min3A_2759, %max3A_2822 : vector<8x128xf32>
    %get3A_2852 = arith.constant 0 : index
    %get3A_2853 = arith.constant 31744 : index
    %get3A_2854 = vector.load %arg1[%get3A_2852, %get3A_2853] : memref<8x32768xf32, #tpu.memory_space<vmem>>, vector<8x128xf32>
    %get3A_2855 = arith.constant 0 : index
    %get3A_2856 = arith.constant 31872 : index
    %get3A_2857 = vector.load %arg1[%get3A_2855, %get3A_2856] : memref<8x32768xf32, #tpu.memory_space<vmem>>, vector<8x128xf32>
    %get3A_2858 = arith.constant 0 : index
    %get3A_2859 = arith.constant 32000 : index
    %get3A_2860 = vector.load %arg1[%get3A_2858, %get3A_2859] : memref<8x32768xf32, #tpu.memory_space<vmem>>, vector<8x128xf32>
    %get3A_2861 = arith.constant 0 : index
    %get3A_2862 = arith.constant 32128 : index
    %get3A_2863 = vector.load %arg1[%get3A_2861, %get3A_2862] : memref<8x32768xf32, #tpu.memory_space<vmem>>, vector<8x128xf32>
    %get3A_2864 = arith.constant 0 : index
    %get3A_2865 = arith.constant 32256 : index
    %get3A_2866 = vector.load %arg1[%get3A_2864, %get3A_2865] : memref<8x32768xf32, #tpu.memory_space<vmem>>, vector<8x128xf32>
    %get3A_2867 = arith.constant 0 : index
    %get3A_2868 = arith.constant 32384 : index
    %get3A_2869 = vector.load %arg1[%get3A_2867, %get3A_2868] : memref<8x32768xf32, #tpu.memory_space<vmem>>, vector<8x128xf32>
    %get3A_2870 = arith.constant 0 : index
    %get3A_2871 = arith.constant 32512 : index
    %get3A_2872 = vector.load %arg1[%get3A_2870, %get3A_2871] : memref<8x32768xf32, #tpu.memory_space<vmem>>, vector<8x128xf32>
    %get3A_2873 = arith.constant 0 : index
    %get3A_2874 = arith.constant 32640 : index
    %get3A_2875 = vector.load %arg1[%get3A_2873, %get3A_2874] : memref<8x32768xf32, #tpu.memory_space<vmem>>, vector<8x128xf32>
    %max3A_2876 = arith.maximumf %get3A_2854, %get3A_2857 : vector<8x128xf32>
    %min3A_2877 = arith.minimumf %get3A_2854, %get3A_2857 : vector<8x128xf32>
    %max3A_2878 = arith.maximumf %get3A_2860, %get3A_2863 : vector<8x128xf32>
    %min3A_2879 = arith.minimumf %get3A_2860, %get3A_2863 : vector<8x128xf32>
    %max3A_2880 = arith.maximumf %max3A_2876, %max3A_2878 : vector<8x128xf32>
    %min3A_2881 = arith.minimumf %max3A_2876, %max3A_2878 : vector<8x128xf32>
    %min3A_2882 = arith.minimumf %min3A_2877, %min3A_2879 : vector<8x128xf32>
    %max3A_2883 = arith.maximumf %min3A_2877, %min3A_2879 : vector<8x128xf32>
    %max3A_2884 = arith.maximumf %min3A_2881, %max3A_2883 : vector<8x128xf32>
    %min3A_2885 = arith.minimumf %min3A_2881, %max3A_2883 : vector<8x128xf32>
    %max3A_2886 = arith.maximumf %max3A_2794, %max3A_2880 : vector<8x128xf32>
    %min3A_2887 = arith.minimumf %max3A_2794, %max3A_2880 : vector<8x128xf32>
    %max3A_2888 = arith.maximumf %max3A_2796, %min3A_2887 : vector<8x128xf32>
    %min3A_2889 = arith.minimumf %max3A_2796, %min3A_2887 : vector<8x128xf32>
    %max3A_2890 = arith.maximumf %max3A_2798, %min3A_2889 : vector<8x128xf32>
    %min3A_2891 = arith.minimumf %max3A_2798, %min3A_2889 : vector<8x128xf32>
    %max3A_2892 = arith.maximumf %max3A_2800, %min3A_2891 : vector<8x128xf32>
    %max3A_2893 = arith.maximumf %max3A_2801, %max3A_2884 : vector<8x128xf32>
    %min3A_2894 = arith.minimumf %max3A_2801, %max3A_2884 : vector<8x128xf32>
    %max3A_2895 = arith.maximumf %max3A_2803, %min3A_2894 : vector<8x128xf32>
    %max3A_2896 = arith.maximumf %max3A_2804, %min3A_2885 : vector<8x128xf32>
    %max3A_2897 = arith.maximumf %max3A_2805, %min3A_2882 : vector<8x128xf32>
    %min3A_2898 = arith.minimumf %min3A_2806, %min3A_2882 : vector<8x128xf32>
    %max3A_2899 = arith.maximumf %min3A_2806, %min3A_2882 : vector<8x128xf32>
    %min3A_2900 = arith.minimumf %min3A_2808, %max3A_2899 : vector<8x128xf32>
    %max3A_2901 = arith.maximumf %min3A_2808, %max3A_2899 : vector<8x128xf32>
    %min3A_2902 = arith.minimumf %min3A_2810, %max3A_2901 : vector<8x128xf32>
    %max3A_2903 = arith.maximumf %min3A_2810, %max3A_2901 : vector<8x128xf32>
    %min3A_2904 = arith.minimumf %min3A_2812, %max3A_2903 : vector<8x128xf32>
    %min3A_2905 = arith.minimumf %min3A_2813, %min3A_2885 : vector<8x128xf32>
    %max3A_2906 = arith.maximumf %min3A_2813, %min3A_2885 : vector<8x128xf32>
    %min3A_2907 = arith.minimumf %min3A_2815, %max3A_2906 : vector<8x128xf32>
    %min3A_2908 = arith.minimumf %min3A_2816, %max3A_2884 : vector<8x128xf32>
    %min3A_2909 = arith.minimumf %min3A_2817, %max3A_2880 : vector<8x128xf32>
    %max3A_2910 = arith.maximumf %get3A_2866, %get3A_2869 : vector<8x128xf32>
    %min3A_2911 = arith.minimumf %get3A_2866, %get3A_2869 : vector<8x128xf32>
    %max3A_2912 = arith.maximumf %get3A_2872, %get3A_2875 : vector<8x128xf32>
    %min3A_2913 = arith.minimumf %get3A_2872, %get3A_2875 : vector<8x128xf32>
    %max3A_2914 = arith.maximumf %max3A_2910, %max3A_2912 : vector<8x128xf32>
    %min3A_2915 = arith.minimumf %max3A_2910, %max3A_2912 : vector<8x128xf32>
    %min3A_2916 = arith.minimumf %min3A_2911, %min3A_2913 : vector<8x128xf32>
    %max3A_2917 = arith.maximumf %min3A_2911, %min3A_2913 : vector<8x128xf32>
    %max3A_2918 = arith.maximumf %min3A_2915, %max3A_2917 : vector<8x128xf32>
    %min3A_2919 = arith.minimumf %min3A_2915, %max3A_2917 : vector<8x128xf32>
    %max3A_2920 = arith.maximumf %max3A_2828, %max3A_2914 : vector<8x128xf32>
    %min3A_2921 = arith.minimumf %max3A_2828, %max3A_2914 : vector<8x128xf32>
    %max3A_2922 = arith.maximumf %max3A_2830, %min3A_2921 : vector<8x128xf32>
    %min3A_2923 = arith.minimumf %max3A_2830, %min3A_2921 : vector<8x128xf32>
    %max3A_2924 = arith.maximumf %max3A_2832, %min3A_2923 : vector<8x128xf32>
    %min3A_2925 = arith.minimumf %max3A_2832, %min3A_2923 : vector<8x128xf32>
    %max3A_2926 = arith.maximumf %max3A_2834, %min3A_2925 : vector<8x128xf32>
    %max3A_2927 = arith.maximumf %max3A_2835, %max3A_2918 : vector<8x128xf32>
    %min3A_2928 = arith.minimumf %max3A_2835, %max3A_2918 : vector<8x128xf32>
    %max3A_2929 = arith.maximumf %max3A_2837, %min3A_2928 : vector<8x128xf32>
    %max3A_2930 = arith.maximumf %max3A_2838, %min3A_2919 : vector<8x128xf32>
    %max3A_2931 = arith.maximumf %max3A_2839, %min3A_2916 : vector<8x128xf32>
    %min3A_2932 = arith.minimumf %min3A_2840, %min3A_2916 : vector<8x128xf32>
    %max3A_2933 = arith.maximumf %min3A_2840, %min3A_2916 : vector<8x128xf32>
    %min3A_2934 = arith.minimumf %min3A_2842, %max3A_2933 : vector<8x128xf32>
    %max3A_2935 = arith.maximumf %min3A_2842, %max3A_2933 : vector<8x128xf32>
    %min3A_2936 = arith.minimumf %min3A_2844, %max3A_2935 : vector<8x128xf32>
    %max3A_2937 = arith.maximumf %min3A_2844, %max3A_2935 : vector<8x128xf32>
    %min3A_2938 = arith.minimumf %min3A_2846, %max3A_2937 : vector<8x128xf32>
    %min3A_2939 = arith.minimumf %min3A_2847, %min3A_2919 : vector<8x128xf32>
    %max3A_2940 = arith.maximumf %min3A_2847, %min3A_2919 : vector<8x128xf32>
    %min3A_2941 = arith.minimumf %min3A_2849, %max3A_2940 : vector<8x128xf32>
    %min3A_2942 = arith.minimumf %min3A_2850, %max3A_2918 : vector<8x128xf32>
    %min3A_2943 = arith.minimumf %min3A_2851, %max3A_2914 : vector<8x128xf32>
    %max3A_2944 = arith.maximumf %max3A_2893, %max3A_2895 : vector<8x128xf32>
    %min3A_2945 = arith.minimumf %max3A_2893, %max3A_2895 : vector<8x128xf32>
    %max3A_2946 = arith.maximumf %max3A_2896, %max3A_2897 : vector<8x128xf32>
    %min3A_2947 = arith.minimumf %max3A_2896, %max3A_2897 : vector<8x128xf32>
    %max3A_2948 = arith.maximumf %max3A_2944, %max3A_2946 : vector<8x128xf32>
    %min3A_2949 = arith.minimumf %max3A_2944, %max3A_2946 : vector<8x128xf32>
    %min3A_2950 = arith.minimumf %min3A_2945, %min3A_2947 : vector<8x128xf32>
    %max3A_2951 = arith.maximumf %min3A_2945, %min3A_2947 : vector<8x128xf32>
    %max3A_2952 = arith.maximumf %min3A_2949, %max3A_2951 : vector<8x128xf32>
    %min3A_2953 = arith.minimumf %min3A_2949, %max3A_2951 : vector<8x128xf32>
    %max3A_2954 = arith.maximumf %max3A_2886, %min3A_2950 : vector<8x128xf32>
    %max3A_2955 = arith.maximumf %max3A_2888, %min3A_2953 : vector<8x128xf32>
    %max3A_2956 = arith.maximumf %max3A_2890, %max3A_2952 : vector<8x128xf32>
    %max3A_2957 = arith.maximumf %max3A_2892, %max3A_2948 : vector<8x128xf32>
    %max3A_2958 = arith.maximumf %max3A_2954, %max3A_2956 : vector<8x128xf32>
    %min3A_2959 = arith.minimumf %max3A_2954, %max3A_2956 : vector<8x128xf32>
    %max3A_2960 = arith.maximumf %max3A_2955, %max3A_2957 : vector<8x128xf32>
    %min3A_2961 = arith.minimumf %max3A_2955, %max3A_2957 : vector<8x128xf32>
    %max3A_2962 = arith.maximumf %max3A_2958, %max3A_2960 : vector<8x128xf32>
    %min3A_2963 = arith.minimumf %max3A_2958, %max3A_2960 : vector<8x128xf32>
    %max3A_2964 = arith.maximumf %min3A_2959, %min3A_2961 : vector<8x128xf32>
    %min3A_2965 = arith.minimumf %min3A_2959, %min3A_2961 : vector<8x128xf32>
    %max3A_2966 = arith.maximumf %max3A_2927, %max3A_2929 : vector<8x128xf32>
    %min3A_2967 = arith.minimumf %max3A_2927, %max3A_2929 : vector<8x128xf32>
    %max3A_2968 = arith.maximumf %max3A_2930, %max3A_2931 : vector<8x128xf32>
    %min3A_2969 = arith.minimumf %max3A_2930, %max3A_2931 : vector<8x128xf32>
    %max3A_2970 = arith.maximumf %max3A_2966, %max3A_2968 : vector<8x128xf32>
    %min3A_2971 = arith.minimumf %max3A_2966, %max3A_2968 : vector<8x128xf32>
    %min3A_2972 = arith.minimumf %min3A_2967, %min3A_2969 : vector<8x128xf32>
    %max3A_2973 = arith.maximumf %min3A_2967, %min3A_2969 : vector<8x128xf32>
    %max3A_2974 = arith.maximumf %min3A_2971, %max3A_2973 : vector<8x128xf32>
    %min3A_2975 = arith.minimumf %min3A_2971, %max3A_2973 : vector<8x128xf32>
    %max3A_2976 = arith.maximumf %max3A_2920, %min3A_2972 : vector<8x128xf32>
    %max3A_2977 = arith.maximumf %max3A_2922, %min3A_2975 : vector<8x128xf32>
    %max3A_2978 = arith.maximumf %max3A_2924, %max3A_2974 : vector<8x128xf32>
    %max3A_2979 = arith.maximumf %max3A_2926, %max3A_2970 : vector<8x128xf32>
    %max3A_2980 = arith.maximumf %max3A_2976, %max3A_2978 : vector<8x128xf32>
    %min3A_2981 = arith.minimumf %max3A_2976, %max3A_2978 : vector<8x128xf32>
    %max3A_2982 = arith.maximumf %max3A_2977, %max3A_2979 : vector<8x128xf32>
    %min3A_2983 = arith.minimumf %max3A_2977, %max3A_2979 : vector<8x128xf32>
    %max3A_2984 = arith.maximumf %max3A_2980, %max3A_2982 : vector<8x128xf32>
    %min3A_2985 = arith.minimumf %max3A_2980, %max3A_2982 : vector<8x128xf32>
    %max3A_2986 = arith.maximumf %min3A_2981, %min3A_2983 : vector<8x128xf32>
    %min3A_2987 = arith.minimumf %min3A_2981, %min3A_2983 : vector<8x128xf32>
    %max3A_2988 = arith.maximumf %max3A_2962, %min3A_2987 : vector<8x128xf32>
    %max3A_2989 = arith.maximumf %min3A_2963, %max3A_2986 : vector<8x128xf32>
    %max3A_2990 = arith.maximumf %max3A_2964, %min3A_2985 : vector<8x128xf32>
    %max3A_2991 = arith.maximumf %min3A_2965, %max3A_2984 : vector<8x128xf32>
    %max3A_2992 = arith.maximumf %max3A_2988, %max3A_2990 : vector<8x128xf32>
    %min3A_2993 = arith.minimumf %max3A_2988, %max3A_2990 : vector<8x128xf32>
    %max3A_2994 = arith.maximumf %max3A_2989, %max3A_2991 : vector<8x128xf32>
    %min3A_2995 = arith.minimumf %max3A_2989, %max3A_2991 : vector<8x128xf32>
    %max3A_2996 = arith.maximumf %max3A_2992, %max3A_2994 : vector<8x128xf32>
    %min3A_2997 = arith.minimumf %max3A_2992, %max3A_2994 : vector<8x128xf32>
    %max3A_2998 = arith.maximumf %min3A_2993, %min3A_2995 : vector<8x128xf32>
    %min3A_2999 = arith.minimumf %min3A_2993, %min3A_2995 : vector<8x128xf32>
    %max3A_3000 = arith.maximumf %min3A_2905, %min3A_2907 : vector<8x128xf32>
    %min3A_3001 = arith.minimumf %min3A_2905, %min3A_2907 : vector<8x128xf32>
    %max3A_3002 = arith.maximumf %min3A_2908, %min3A_2909 : vector<8x128xf32>
    %min3A_3003 = arith.minimumf %min3A_2908, %min3A_2909 : vector<8x128xf32>
    %max3A_3004 = arith.maximumf %max3A_3000, %max3A_3002 : vector<8x128xf32>
    %min3A_3005 = arith.minimumf %max3A_3000, %max3A_3002 : vector<8x128xf32>
    %min3A_3006 = arith.minimumf %min3A_3001, %min3A_3003 : vector<8x128xf32>
    %max3A_3007 = arith.maximumf %min3A_3001, %min3A_3003 : vector<8x128xf32>
    %max3A_3008 = arith.maximumf %min3A_3005, %max3A_3007 : vector<8x128xf32>
    %min3A_3009 = arith.minimumf %min3A_3005, %max3A_3007 : vector<8x128xf32>
    %min3A_3010 = arith.minimumf %min3A_2898, %max3A_3004 : vector<8x128xf32>
    %min3A_3011 = arith.minimumf %min3A_2900, %max3A_3008 : vector<8x128xf32>
    %min3A_3012 = arith.minimumf %min3A_2902, %min3A_3009 : vector<8x128xf32>
    %min3A_3013 = arith.minimumf %min3A_2904, %min3A_3006 : vector<8x128xf32>
    %min3A_3014 = arith.minimumf %min3A_3010, %min3A_3012 : vector<8x128xf32>
    %max3A_3015 = arith.maximumf %min3A_3010, %min3A_3012 : vector<8x128xf32>
    %min3A_3016 = arith.minimumf %min3A_3011, %min3A_3013 : vector<8x128xf32>
    %max3A_3017 = arith.maximumf %min3A_3011, %min3A_3013 : vector<8x128xf32>
    %min3A_3018 = arith.minimumf %min3A_3014, %min3A_3016 : vector<8x128xf32>
    %max3A_3019 = arith.maximumf %min3A_3014, %min3A_3016 : vector<8x128xf32>
    %min3A_3020 = arith.minimumf %max3A_3015, %max3A_3017 : vector<8x128xf32>
    %max3A_3021 = arith.maximumf %max3A_3015, %max3A_3017 : vector<8x128xf32>
    %max3A_3022 = arith.maximumf %min3A_2939, %min3A_2941 : vector<8x128xf32>
    %min3A_3023 = arith.minimumf %min3A_2939, %min3A_2941 : vector<8x128xf32>
    %max3A_3024 = arith.maximumf %min3A_2942, %min3A_2943 : vector<8x128xf32>
    %min3A_3025 = arith.minimumf %min3A_2942, %min3A_2943 : vector<8x128xf32>
    %max3A_3026 = arith.maximumf %max3A_3022, %max3A_3024 : vector<8x128xf32>
    %min3A_3027 = arith.minimumf %max3A_3022, %max3A_3024 : vector<8x128xf32>
    %min3A_3028 = arith.minimumf %min3A_3023, %min3A_3025 : vector<8x128xf32>
    %max3A_3029 = arith.maximumf %min3A_3023, %min3A_3025 : vector<8x128xf32>
    %max3A_3030 = arith.maximumf %min3A_3027, %max3A_3029 : vector<8x128xf32>
    %min3A_3031 = arith.minimumf %min3A_3027, %max3A_3029 : vector<8x128xf32>
    %min3A_3032 = arith.minimumf %min3A_2932, %max3A_3026 : vector<8x128xf32>
    %min3A_3033 = arith.minimumf %min3A_2934, %max3A_3030 : vector<8x128xf32>
    %min3A_3034 = arith.minimumf %min3A_2936, %min3A_3031 : vector<8x128xf32>
    %min3A_3035 = arith.minimumf %min3A_2938, %min3A_3028 : vector<8x128xf32>
    %min3A_3036 = arith.minimumf %min3A_3032, %min3A_3034 : vector<8x128xf32>
    %max3A_3037 = arith.maximumf %min3A_3032, %min3A_3034 : vector<8x128xf32>
    %min3A_3038 = arith.minimumf %min3A_3033, %min3A_3035 : vector<8x128xf32>
    %max3A_3039 = arith.maximumf %min3A_3033, %min3A_3035 : vector<8x128xf32>
    %min3A_3040 = arith.minimumf %min3A_3036, %min3A_3038 : vector<8x128xf32>
    %max3A_3041 = arith.maximumf %min3A_3036, %min3A_3038 : vector<8x128xf32>
    %min3A_3042 = arith.minimumf %max3A_3037, %max3A_3039 : vector<8x128xf32>
    %max3A_3043 = arith.maximumf %max3A_3037, %max3A_3039 : vector<8x128xf32>
    %min3A_3044 = arith.minimumf %min3A_3018, %max3A_3043 : vector<8x128xf32>
    %min3A_3045 = arith.minimumf %max3A_3019, %min3A_3042 : vector<8x128xf32>
    %min3A_3046 = arith.minimumf %min3A_3020, %max3A_3041 : vector<8x128xf32>
    %min3A_3047 = arith.minimumf %max3A_3021, %min3A_3040 : vector<8x128xf32>
    %min3A_3048 = arith.minimumf %min3A_3044, %min3A_3046 : vector<8x128xf32>
    %max3A_3049 = arith.maximumf %min3A_3044, %min3A_3046 : vector<8x128xf32>
    %min3A_3050 = arith.minimumf %min3A_3045, %min3A_3047 : vector<8x128xf32>
    %max3A_3051 = arith.maximumf %min3A_3045, %min3A_3047 : vector<8x128xf32>
    %min3A_3052 = arith.minimumf %min3A_3048, %min3A_3050 : vector<8x128xf32>
    %max3A_3053 = arith.maximumf %min3A_3048, %min3A_3050 : vector<8x128xf32>
    %min3A_3054 = arith.minimumf %max3A_3049, %max3A_3051 : vector<8x128xf32>
    %max3A_3055 = arith.maximumf %max3A_3049, %max3A_3051 : vector<8x128xf32>
    %roll3A = arith.constant 64 : i32
    %roll3A_3056 = tpu.dynamic_rotate %max3A_2996 by %roll3A dim 1 : vector<8x128xf32>, i32 -> vector<8x128xf32>
    %roll3A_3057 = arith.constant 64 : i32
    %roll3A_3058 = tpu.dynamic_rotate %min3A_2997 by %roll3A_3057 dim 1 : vector<8x128xf32>, i32 -> vector<8x128xf32>
    %roll3A_3059 = arith.constant 64 : i32
    %roll3A_3060 = tpu.dynamic_rotate %max3A_2998 by %roll3A_3059 dim 1 : vector<8x128xf32>, i32 -> vector<8x128xf32>
    %roll3A_3061 = arith.constant 64 : i32
    %roll3A_3062 = tpu.dynamic_rotate %min3A_2999 by %roll3A_3061 dim 1 : vector<8x128xf32>, i32 -> vector<8x128xf32>
    %max3A_3063 = arith.maximumf %max3A_2996, %roll3A_3062 : vector<8x128xf32>
    %max3A_3064 = arith.maximumf %min3A_2997, %roll3A_3060 : vector<8x128xf32>
    %max3A_3065 = arith.maximumf %max3A_2998, %roll3A_3058 : vector<8x128xf32>
    %max3A_3066 = arith.maximumf %min3A_2999, %roll3A_3056 : vector<8x128xf32>
    %max3A_3067 = arith.maximumf %max3A_3063, %max3A_3065 : vector<8x128xf32>
    %min3A_3068 = arith.minimumf %max3A_3063, %max3A_3065 : vector<8x128xf32>
    %max3A_3069 = arith.maximumf %max3A_3064, %max3A_3066 : vector<8x128xf32>
    %min3A_3070 = arith.minimumf %max3A_3064, %max3A_3066 : vector<8x128xf32>
    %max3A_3071 = arith.maximumf %max3A_3067, %max3A_3069 : vector<8x128xf32>
    %min3A_3072 = arith.minimumf %max3A_3067, %max3A_3069 : vector<8x128xf32>
    %max3A_3073 = arith.maximumf %min3A_3068, %min3A_3070 : vector<8x128xf32>
    %min3A_3074 = arith.minimumf %min3A_3068, %min3A_3070 : vector<8x128xf32>
    %roll3A_3075 = arith.constant 64 : i32
    %roll3A_3076 = tpu.dynamic_rotate %min3A_3052 by %roll3A_3075 dim 1 : vector<8x128xf32>, i32 -> vector<8x128xf32>
    %roll3A_3077 = arith.constant 64 : i32
    %roll3A_3078 = tpu.dynamic_rotate %max3A_3053 by %roll3A_3077 dim 1 : vector<8x128xf32>, i32 -> vector<8x128xf32>
    %roll3A_3079 = arith.constant 64 : i32
    %roll3A_3080 = tpu.dynamic_rotate %min3A_3054 by %roll3A_3079 dim 1 : vector<8x128xf32>, i32 -> vector<8x128xf32>
    %roll3A_3081 = arith.constant 64 : i32
    %roll3A_3082 = tpu.dynamic_rotate %max3A_3055 by %roll3A_3081 dim 1 : vector<8x128xf32>, i32 -> vector<8x128xf32>
    %min3A_3083 = arith.minimumf %min3A_3052, %roll3A_3082 : vector<8x128xf32>
    %min3A_3084 = arith.minimumf %max3A_3053, %roll3A_3080 : vector<8x128xf32>
    %min3A_3085 = arith.minimumf %min3A_3054, %roll3A_3078 : vector<8x128xf32>
    %min3A_3086 = arith.minimumf %max3A_3055, %roll3A_3076 : vector<8x128xf32>
    %min3A_3087 = arith.minimumf %min3A_3083, %min3A_3085 : vector<8x128xf32>
    %max3A_3088 = arith.maximumf %min3A_3083, %min3A_3085 : vector<8x128xf32>
    %min3A_3089 = arith.minimumf %min3A_3084, %min3A_3086 : vector<8x128xf32>
    %max3A_3090 = arith.maximumf %min3A_3084, %min3A_3086 : vector<8x128xf32>
    %min3A_3091 = arith.minimumf %min3A_3087, %min3A_3089 : vector<8x128xf32>
    %max3A_3092 = arith.maximumf %min3A_3087, %min3A_3089 : vector<8x128xf32>
    %min3A_3093 = arith.minimumf %max3A_3088, %max3A_3090 : vector<8x128xf32>
    %max3A_3094 = arith.maximumf %max3A_3088, %max3A_3090 : vector<8x128xf32>
    %roll3A_3095 = arith.constant 32 : i32
    %roll3A_3096 = tpu.dynamic_rotate %max3A_3071 by %roll3A_3095 dim 1 : vector<8x128xf32>, i32 -> vector<8x128xf32>
    %roll3A_3097 = arith.constant 32 : i32
    %roll3A_3098 = tpu.dynamic_rotate %min3A_3072 by %roll3A_3097 dim 1 : vector<8x128xf32>, i32 -> vector<8x128xf32>
    %roll3A_3099 = arith.constant 32 : i32
    %roll3A_3100 = tpu.dynamic_rotate %max3A_3073 by %roll3A_3099 dim 1 : vector<8x128xf32>, i32 -> vector<8x128xf32>
    %roll3A_3101 = arith.constant 32 : i32
    %roll3A_3102 = tpu.dynamic_rotate %min3A_3074 by %roll3A_3101 dim 1 : vector<8x128xf32>, i32 -> vector<8x128xf32>
    %max3A_3103 = arith.maximumf %max3A_3071, %roll3A_3102 : vector<8x128xf32>
    %max3A_3104 = arith.maximumf %min3A_3072, %roll3A_3100 : vector<8x128xf32>
    %max3A_3105 = arith.maximumf %max3A_3073, %roll3A_3098 : vector<8x128xf32>
    %max3A_3106 = arith.maximumf %min3A_3074, %roll3A_3096 : vector<8x128xf32>
    %max3A_3107 = arith.maximumf %max3A_3103, %max3A_3105 : vector<8x128xf32>
    %min3A_3108 = arith.minimumf %max3A_3103, %max3A_3105 : vector<8x128xf32>
    %max3A_3109 = arith.maximumf %max3A_3104, %max3A_3106 : vector<8x128xf32>
    %min3A_3110 = arith.minimumf %max3A_3104, %max3A_3106 : vector<8x128xf32>
    %max3A_3111 = arith.maximumf %max3A_3107, %max3A_3109 : vector<8x128xf32>
    %min3A_3112 = arith.minimumf %max3A_3107, %max3A_3109 : vector<8x128xf32>
    %max3A_3113 = arith.maximumf %min3A_3108, %min3A_3110 : vector<8x128xf32>
    %min3A_3114 = arith.minimumf %min3A_3108, %min3A_3110 : vector<8x128xf32>
    %roll3A_3115 = arith.constant 32 : i32
    %roll3A_3116 = tpu.dynamic_rotate %min3A_3091 by %roll3A_3115 dim 1 : vector<8x128xf32>, i32 -> vector<8x128xf32>
    %roll3A_3117 = arith.constant 32 : i32
    %roll3A_3118 = tpu.dynamic_rotate %max3A_3092 by %roll3A_3117 dim 1 : vector<8x128xf32>, i32 -> vector<8x128xf32>
    %roll3A_3119 = arith.constant 32 : i32
    %roll3A_3120 = tpu.dynamic_rotate %min3A_3093 by %roll3A_3119 dim 1 : vector<8x128xf32>, i32 -> vector<8x128xf32>
    %roll3A_3121 = arith.constant 32 : i32
    %roll3A_3122 = tpu.dynamic_rotate %max3A_3094 by %roll3A_3121 dim 1 : vector<8x128xf32>, i32 -> vector<8x128xf32>
    %min3A_3123 = arith.minimumf %min3A_3091, %roll3A_3122 : vector<8x128xf32>
    %min3A_3124 = arith.minimumf %max3A_3092, %roll3A_3120 : vector<8x128xf32>
    %min3A_3125 = arith.minimumf %min3A_3093, %roll3A_3118 : vector<8x128xf32>
    %min3A_3126 = arith.minimumf %max3A_3094, %roll3A_3116 : vector<8x128xf32>
    %min3A_3127 = arith.minimumf %min3A_3123, %min3A_3125 : vector<8x128xf32>
    %max3A_3128 = arith.maximumf %min3A_3123, %min3A_3125 : vector<8x128xf32>
    %min3A_3129 = arith.minimumf %min3A_3124, %min3A_3126 : vector<8x128xf32>
    %max3A_3130 = arith.maximumf %min3A_3124, %min3A_3126 : vector<8x128xf32>
    %min3A_3131 = arith.minimumf %min3A_3127, %min3A_3129 : vector<8x128xf32>
    %max3A_3132 = arith.maximumf %min3A_3127, %min3A_3129 : vector<8x128xf32>
    %min3A_3133 = arith.minimumf %max3A_3128, %max3A_3130 : vector<8x128xf32>
    %max3A_3134 = arith.maximumf %max3A_3128, %max3A_3130 : vector<8x128xf32>
    %roll3A_3135 = arith.constant 16 : i32
    %roll3A_3136 = tpu.dynamic_rotate %max3A_3111 by %roll3A_3135 dim 1 : vector<8x128xf32>, i32 -> vector<8x128xf32>
    %roll3A_3137 = arith.constant 16 : i32
    %roll3A_3138 = tpu.dynamic_rotate %min3A_3112 by %roll3A_3137 dim 1 : vector<8x128xf32>, i32 -> vector<8x128xf32>
    %roll3A_3139 = arith.constant 16 : i32
    %roll3A_3140 = tpu.dynamic_rotate %max3A_3113 by %roll3A_3139 dim 1 : vector<8x128xf32>, i32 -> vector<8x128xf32>
    %roll3A_3141 = arith.constant 16 : i32
    %roll3A_3142 = tpu.dynamic_rotate %min3A_3114 by %roll3A_3141 dim 1 : vector<8x128xf32>, i32 -> vector<8x128xf32>
    %max3A_3143 = arith.maximumf %max3A_3111, %roll3A_3142 : vector<8x128xf32>
    %max3A_3144 = arith.maximumf %min3A_3112, %roll3A_3140 : vector<8x128xf32>
    %max3A_3145 = arith.maximumf %max3A_3113, %roll3A_3138 : vector<8x128xf32>
    %max3A_3146 = arith.maximumf %min3A_3114, %roll3A_3136 : vector<8x128xf32>
    %max3A_3147 = arith.maximumf %max3A_3143, %max3A_3145 : vector<8x128xf32>
    %min3A_3148 = arith.minimumf %max3A_3143, %max3A_3145 : vector<8x128xf32>
    %max3A_3149 = arith.maximumf %max3A_3144, %max3A_3146 : vector<8x128xf32>
    %min3A_3150 = arith.minimumf %max3A_3144, %max3A_3146 : vector<8x128xf32>
    %max3A_3151 = arith.maximumf %max3A_3147, %max3A_3149 : vector<8x128xf32>
    %min3A_3152 = arith.minimumf %max3A_3147, %max3A_3149 : vector<8x128xf32>
    %max3A_3153 = arith.maximumf %min3A_3148, %min3A_3150 : vector<8x128xf32>
    %min3A_3154 = arith.minimumf %min3A_3148, %min3A_3150 : vector<8x128xf32>
    %roll3A_3155 = arith.constant 16 : i32
    %roll3A_3156 = tpu.dynamic_rotate %min3A_3131 by %roll3A_3155 dim 1 : vector<8x128xf32>, i32 -> vector<8x128xf32>
    %roll3A_3157 = arith.constant 16 : i32
    %roll3A_3158 = tpu.dynamic_rotate %max3A_3132 by %roll3A_3157 dim 1 : vector<8x128xf32>, i32 -> vector<8x128xf32>
    %roll3A_3159 = arith.constant 16 : i32
    %roll3A_3160 = tpu.dynamic_rotate %min3A_3133 by %roll3A_3159 dim 1 : vector<8x128xf32>, i32 -> vector<8x128xf32>
    %roll3A_3161 = arith.constant 16 : i32
    %roll3A_3162 = tpu.dynamic_rotate %max3A_3134 by %roll3A_3161 dim 1 : vector<8x128xf32>, i32 -> vector<8x128xf32>
    %min3A_3163 = arith.minimumf %min3A_3131, %roll3A_3162 : vector<8x128xf32>
    %min3A_3164 = arith.minimumf %max3A_3132, %roll3A_3160 : vector<8x128xf32>
    %min3A_3165 = arith.minimumf %min3A_3133, %roll3A_3158 : vector<8x128xf32>
    %min3A_3166 = arith.minimumf %max3A_3134, %roll3A_3156 : vector<8x128xf32>
    %min3A_3167 = arith.minimumf %min3A_3163, %min3A_3165 : vector<8x128xf32>
    %max3A_3168 = arith.maximumf %min3A_3163, %min3A_3165 : vector<8x128xf32>
    %min3A_3169 = arith.minimumf %min3A_3164, %min3A_3166 : vector<8x128xf32>
    %max3A_3170 = arith.maximumf %min3A_3164, %min3A_3166 : vector<8x128xf32>
    %min3A_3171 = arith.minimumf %min3A_3167, %min3A_3169 : vector<8x128xf32>
    %max3A_3172 = arith.maximumf %min3A_3167, %min3A_3169 : vector<8x128xf32>
    %min3A_3173 = arith.minimumf %max3A_3168, %max3A_3170 : vector<8x128xf32>
    %max3A_3174 = arith.maximumf %max3A_3168, %max3A_3170 : vector<8x128xf32>
    %roll3A_3175 = arith.constant 8 : i32
    %roll3A_3176 = tpu.dynamic_rotate %max3A_3151 by %roll3A_3175 dim 1 : vector<8x128xf32>, i32 -> vector<8x128xf32>
    %roll3A_3177 = arith.constant 8 : i32
    %roll3A_3178 = tpu.dynamic_rotate %min3A_3152 by %roll3A_3177 dim 1 : vector<8x128xf32>, i32 -> vector<8x128xf32>
    %roll3A_3179 = arith.constant 8 : i32
    %roll3A_3180 = tpu.dynamic_rotate %max3A_3153 by %roll3A_3179 dim 1 : vector<8x128xf32>, i32 -> vector<8x128xf32>
    %roll3A_3181 = arith.constant 8 : i32
    %roll3A_3182 = tpu.dynamic_rotate %min3A_3154 by %roll3A_3181 dim 1 : vector<8x128xf32>, i32 -> vector<8x128xf32>
    %max3A_3183 = arith.maximumf %max3A_3151, %roll3A_3182 : vector<8x128xf32>
    %max3A_3184 = arith.maximumf %min3A_3152, %roll3A_3180 : vector<8x128xf32>
    %max3A_3185 = arith.maximumf %max3A_3153, %roll3A_3178 : vector<8x128xf32>
    %max3A_3186 = arith.maximumf %min3A_3154, %roll3A_3176 : vector<8x128xf32>
    %max3A_3187 = arith.maximumf %max3A_3183, %max3A_3185 : vector<8x128xf32>
    %min3A_3188 = arith.minimumf %max3A_3183, %max3A_3185 : vector<8x128xf32>
    %max3A_3189 = arith.maximumf %max3A_3184, %max3A_3186 : vector<8x128xf32>
    %min3A_3190 = arith.minimumf %max3A_3184, %max3A_3186 : vector<8x128xf32>
    %max3A_3191 = arith.maximumf %max3A_3187, %max3A_3189 : vector<8x128xf32>
    %min3A_3192 = arith.minimumf %max3A_3187, %max3A_3189 : vector<8x128xf32>
    %max3A_3193 = arith.maximumf %min3A_3188, %min3A_3190 : vector<8x128xf32>
    %min3A_3194 = arith.minimumf %min3A_3188, %min3A_3190 : vector<8x128xf32>
    %roll3A_3195 = arith.constant 8 : i32
    %roll3A_3196 = tpu.dynamic_rotate %min3A_3171 by %roll3A_3195 dim 1 : vector<8x128xf32>, i32 -> vector<8x128xf32>
    %roll3A_3197 = arith.constant 8 : i32
    %roll3A_3198 = tpu.dynamic_rotate %max3A_3172 by %roll3A_3197 dim 1 : vector<8x128xf32>, i32 -> vector<8x128xf32>
    %roll3A_3199 = arith.constant 8 : i32
    %roll3A_3200 = tpu.dynamic_rotate %min3A_3173 by %roll3A_3199 dim 1 : vector<8x128xf32>, i32 -> vector<8x128xf32>
    %roll3A_3201 = arith.constant 8 : i32
    %roll3A_3202 = tpu.dynamic_rotate %max3A_3174 by %roll3A_3201 dim 1 : vector<8x128xf32>, i32 -> vector<8x128xf32>
    %min3A_3203 = arith.minimumf %min3A_3171, %roll3A_3202 : vector<8x128xf32>
    %min3A_3204 = arith.minimumf %max3A_3172, %roll3A_3200 : vector<8x128xf32>
    %min3A_3205 = arith.minimumf %min3A_3173, %roll3A_3198 : vector<8x128xf32>
    %min3A_3206 = arith.minimumf %max3A_3174, %roll3A_3196 : vector<8x128xf32>
    %min3A_3207 = arith.minimumf %min3A_3203, %min3A_3205 : vector<8x128xf32>
    %max3A_3208 = arith.maximumf %min3A_3203, %min3A_3205 : vector<8x128xf32>
    %min3A_3209 = arith.minimumf %min3A_3204, %min3A_3206 : vector<8x128xf32>
    %max3A_3210 = arith.maximumf %min3A_3204, %min3A_3206 : vector<8x128xf32>
    %min3A_3211 = arith.minimumf %min3A_3207, %min3A_3209 : vector<8x128xf32>
    %max3A_3212 = arith.maximumf %min3A_3207, %min3A_3209 : vector<8x128xf32>
    %min3A_3213 = arith.minimumf %max3A_3208, %max3A_3210 : vector<8x128xf32>
    %max3A_3214 = arith.maximumf %max3A_3208, %max3A_3210 : vector<8x128xf32>
    %roll3A_3215 = arith.constant 4 : i32
    %roll3A_3216 = tpu.dynamic_rotate %max3A_3191 by %roll3A_3215 dim 1 : vector<8x128xf32>, i32 -> vector<8x128xf32>
    %roll3A_3217 = arith.constant 4 : i32
    %roll3A_3218 = tpu.dynamic_rotate %min3A_3192 by %roll3A_3217 dim 1 : vector<8x128xf32>, i32 -> vector<8x128xf32>
    %roll3A_3219 = arith.constant 4 : i32
    %roll3A_3220 = tpu.dynamic_rotate %max3A_3193 by %roll3A_3219 dim 1 : vector<8x128xf32>, i32 -> vector<8x128xf32>
    %roll3A_3221 = arith.constant 4 : i32
    %roll3A_3222 = tpu.dynamic_rotate %min3A_3194 by %roll3A_3221 dim 1 : vector<8x128xf32>, i32 -> vector<8x128xf32>
    %max3A_3223 = arith.maximumf %max3A_3191, %roll3A_3222 : vector<8x128xf32>
    %max3A_3224 = arith.maximumf %min3A_3192, %roll3A_3220 : vector<8x128xf32>
    %max3A_3225 = arith.maximumf %max3A_3193, %roll3A_3218 : vector<8x128xf32>
    %max3A_3226 = arith.maximumf %min3A_3194, %roll3A_3216 : vector<8x128xf32>
    %max3A_3227 = arith.maximumf %max3A_3223, %max3A_3225 : vector<8x128xf32>
    %min3A_3228 = arith.minimumf %max3A_3223, %max3A_3225 : vector<8x128xf32>
    %max3A_3229 = arith.maximumf %max3A_3224, %max3A_3226 : vector<8x128xf32>
    %min3A_3230 = arith.minimumf %max3A_3224, %max3A_3226 : vector<8x128xf32>
    %max3A_3231 = arith.maximumf %max3A_3227, %max3A_3229 : vector<8x128xf32>
    %min3A_3232 = arith.minimumf %max3A_3227, %max3A_3229 : vector<8x128xf32>
    %max3A_3233 = arith.maximumf %min3A_3228, %min3A_3230 : vector<8x128xf32>
    %min3A_3234 = arith.minimumf %min3A_3228, %min3A_3230 : vector<8x128xf32>
    %roll3A_3235 = arith.constant 4 : i32
    %roll3A_3236 = tpu.dynamic_rotate %min3A_3211 by %roll3A_3235 dim 1 : vector<8x128xf32>, i32 -> vector<8x128xf32>
    %roll3A_3237 = arith.constant 4 : i32
    %roll3A_3238 = tpu.dynamic_rotate %max3A_3212 by %roll3A_3237 dim 1 : vector<8x128xf32>, i32 -> vector<8x128xf32>
    %roll3A_3239 = arith.constant 4 : i32
    %roll3A_3240 = tpu.dynamic_rotate %min3A_3213 by %roll3A_3239 dim 1 : vector<8x128xf32>, i32 -> vector<8x128xf32>
    %roll3A_3241 = arith.constant 4 : i32
    %roll3A_3242 = tpu.dynamic_rotate %max3A_3214 by %roll3A_3241 dim 1 : vector<8x128xf32>, i32 -> vector<8x128xf32>
    %min3A_3243 = arith.minimumf %min3A_3211, %roll3A_3242 : vector<8x128xf32>
    %min3A_3244 = arith.minimumf %max3A_3212, %roll3A_3240 : vector<8x128xf32>
    %min3A_3245 = arith.minimumf %min3A_3213, %roll3A_3238 : vector<8x128xf32>
    %min3A_3246 = arith.minimumf %max3A_3214, %roll3A_3236 : vector<8x128xf32>
    %min3A_3247 = arith.minimumf %min3A_3243, %min3A_3245 : vector<8x128xf32>
    %max3A_3248 = arith.maximumf %min3A_3243, %min3A_3245 : vector<8x128xf32>
    %min3A_3249 = arith.minimumf %min3A_3244, %min3A_3246 : vector<8x128xf32>
    %max3A_3250 = arith.maximumf %min3A_3244, %min3A_3246 : vector<8x128xf32>
    %min3A_3251 = arith.minimumf %min3A_3247, %min3A_3249 : vector<8x128xf32>
    %max3A_3252 = arith.maximumf %min3A_3247, %min3A_3249 : vector<8x128xf32>
    %min3A_3253 = arith.minimumf %max3A_3248, %max3A_3250 : vector<8x128xf32>
    %max3A_3254 = arith.maximumf %max3A_3248, %max3A_3250 : vector<8x128xf32>
    %roll3A_3255 = arith.constant 2 : i32
    %roll3A_3256 = tpu.dynamic_rotate %max3A_3231 by %roll3A_3255 dim 1 : vector<8x128xf32>, i32 -> vector<8x128xf32>
    %roll3A_3257 = arith.constant 2 : i32
    %roll3A_3258 = tpu.dynamic_rotate %min3A_3232 by %roll3A_3257 dim 1 : vector<8x128xf32>, i32 -> vector<8x128xf32>
    %roll3A_3259 = arith.constant 2 : i32
    %roll3A_3260 = tpu.dynamic_rotate %max3A_3233 by %roll3A_3259 dim 1 : vector<8x128xf32>, i32 -> vector<8x128xf32>
    %roll3A_3261 = arith.constant 2 : i32
    %roll3A_3262 = tpu.dynamic_rotate %min3A_3234 by %roll3A_3261 dim 1 : vector<8x128xf32>, i32 -> vector<8x128xf32>
    %max3A_3263 = arith.maximumf %max3A_3231, %roll3A_3262 : vector<8x128xf32>
    %max3A_3264 = arith.maximumf %min3A_3232, %roll3A_3260 : vector<8x128xf32>
    %max3A_3265 = arith.maximumf %max3A_3233, %roll3A_3258 : vector<8x128xf32>
    %max3A_3266 = arith.maximumf %min3A_3234, %roll3A_3256 : vector<8x128xf32>
    %max3A_3267 = arith.maximumf %max3A_3263, %max3A_3265 : vector<8x128xf32>
    %min3A_3268 = arith.minimumf %max3A_3263, %max3A_3265 : vector<8x128xf32>
    %max3A_3269 = arith.maximumf %max3A_3264, %max3A_3266 : vector<8x128xf32>
    %min3A_3270 = arith.minimumf %max3A_3264, %max3A_3266 : vector<8x128xf32>
    %max3A_3271 = arith.maximumf %max3A_3267, %max3A_3269 : vector<8x128xf32>
    %min3A_3272 = arith.minimumf %max3A_3267, %max3A_3269 : vector<8x128xf32>
    %max3A_3273 = arith.maximumf %min3A_3268, %min3A_3270 : vector<8x128xf32>
    %min3A_3274 = arith.minimumf %min3A_3268, %min3A_3270 : vector<8x128xf32>
    %roll3A_3275 = arith.constant 2 : i32
    %roll3A_3276 = tpu.dynamic_rotate %min3A_3251 by %roll3A_3275 dim 1 : vector<8x128xf32>, i32 -> vector<8x128xf32>
    %roll3A_3277 = arith.constant 2 : i32
    %roll3A_3278 = tpu.dynamic_rotate %max3A_3252 by %roll3A_3277 dim 1 : vector<8x128xf32>, i32 -> vector<8x128xf32>
    %roll3A_3279 = arith.constant 2 : i32
    %roll3A_3280 = tpu.dynamic_rotate %min3A_3253 by %roll3A_3279 dim 1 : vector<8x128xf32>, i32 -> vector<8x128xf32>
    %roll3A_3281 = arith.constant 2 : i32
    %roll3A_3282 = tpu.dynamic_rotate %max3A_3254 by %roll3A_3281 dim 1 : vector<8x128xf32>, i32 -> vector<8x128xf32>
    %min3A_3283 = arith.minimumf %min3A_3251, %roll3A_3282 : vector<8x128xf32>
    %min3A_3284 = arith.minimumf %max3A_3252, %roll3A_3280 : vector<8x128xf32>
    %min3A_3285 = arith.minimumf %min3A_3253, %roll3A_3278 : vector<8x128xf32>
    %min3A_3286 = arith.minimumf %max3A_3254, %roll3A_3276 : vector<8x128xf32>
    %min3A_3287 = arith.minimumf %min3A_3283, %min3A_3285 : vector<8x128xf32>
    %max3A_3288 = arith.maximumf %min3A_3283, %min3A_3285 : vector<8x128xf32>
    %min3A_3289 = arith.minimumf %min3A_3284, %min3A_3286 : vector<8x128xf32>
    %max3A_3290 = arith.maximumf %min3A_3284, %min3A_3286 : vector<8x128xf32>
    %min3A_3291 = arith.minimumf %min3A_3287, %min3A_3289 : vector<8x128xf32>
    %max3A_3292 = arith.maximumf %min3A_3287, %min3A_3289 : vector<8x128xf32>
    %min3A_3293 = arith.minimumf %max3A_3288, %max3A_3290 : vector<8x128xf32>
    %max3A_3294 = arith.maximumf %max3A_3288, %max3A_3290 : vector<8x128xf32>
    %roll3A_3295 = arith.constant 1 : i32
    %roll3A_3296 = tpu.dynamic_rotate %max3A_3271 by %roll3A_3295 dim 1 : vector<8x128xf32>, i32 -> vector<8x128xf32>
    %roll3A_3297 = arith.constant 1 : i32
    %roll3A_3298 = tpu.dynamic_rotate %min3A_3272 by %roll3A_3297 dim 1 : vector<8x128xf32>, i32 -> vector<8x128xf32>
    %roll3A_3299 = arith.constant 1 : i32
    %roll3A_3300 = tpu.dynamic_rotate %max3A_3273 by %roll3A_3299 dim 1 : vector<8x128xf32>, i32 -> vector<8x128xf32>
    %roll3A_3301 = arith.constant 1 : i32
    %roll3A_3302 = tpu.dynamic_rotate %min3A_3274 by %roll3A_3301 dim 1 : vector<8x128xf32>, i32 -> vector<8x128xf32>
    %max3A_3303 = arith.maximumf %max3A_3271, %roll3A_3302 : vector<8x128xf32>
    %max3A_3304 = arith.maximumf %min3A_3272, %roll3A_3300 : vector<8x128xf32>
    %max3A_3305 = arith.maximumf %max3A_3273, %roll3A_3298 : vector<8x128xf32>
    %max3A_3306 = arith.maximumf %min3A_3274, %roll3A_3296 : vector<8x128xf32>
    %max3A_3307 = arith.maximumf %max3A_3303, %max3A_3305 : vector<8x128xf32>
    %min3A_3308 = arith.minimumf %max3A_3303, %max3A_3305 : vector<8x128xf32>
    %max3A_3309 = arith.maximumf %max3A_3304, %max3A_3306 : vector<8x128xf32>
    %min3A_3310 = arith.minimumf %max3A_3304, %max3A_3306 : vector<8x128xf32>
    %max3A_3311 = arith.maximumf %max3A_3307, %max3A_3309 : vector<8x128xf32>
    %min3A_3312 = arith.minimumf %max3A_3307, %max3A_3309 : vector<8x128xf32>
    %max3A_3313 = arith.maximumf %min3A_3308, %min3A_3310 : vector<8x128xf32>
    %min3A_3314 = arith.minimumf %min3A_3308, %min3A_3310 : vector<8x128xf32>
    %roll3A_3315 = arith.constant 1 : i32
    %roll3A_3316 = tpu.dynamic_rotate %min3A_3291 by %roll3A_3315 dim 1 : vector<8x128xf32>, i32 -> vector<8x128xf32>
    %roll3A_3317 = arith.constant 1 : i32
    %roll3A_3318 = tpu.dynamic_rotate %max3A_3292 by %roll3A_3317 dim 1 : vector<8x128xf32>, i32 -> vector<8x128xf32>
    %roll3A_3319 = arith.constant 1 : i32
    %roll3A_3320 = tpu.dynamic_rotate %min3A_3293 by %roll3A_3319 dim 1 : vector<8x128xf32>, i32 -> vector<8x128xf32>
    %roll3A_3321 = arith.constant 1 : i32
    %roll3A_3322 = tpu.dynamic_rotate %max3A_3294 by %roll3A_3321 dim 1 : vector<8x128xf32>, i32 -> vector<8x128xf32>
    %min3A_3323 = arith.minimumf %min3A_3291, %roll3A_3322 : vector<8x128xf32>
    %min3A_3324 = arith.minimumf %max3A_3292, %roll3A_3320 : vector<8x128xf32>
    %min3A_3325 = arith.minimumf %min3A_3293, %roll3A_3318 : vector<8x128xf32>
    %min3A_3326 = arith.minimumf %max3A_3294, %roll3A_3316 : vector<8x128xf32>
    %min3A_3327 = arith.minimumf %min3A_3323, %min3A_3325 : vector<8x128xf32>
    %max3A_3328 = arith.maximumf %min3A_3323, %min3A_3325 : vector<8x128xf32>
    %min3A_3329 = arith.minimumf %min3A_3324, %min3A_3326 : vector<8x128xf32>
    %max3A_3330 = arith.maximumf %min3A_3324, %min3A_3326 : vector<8x128xf32>
    %min3A_3331 = arith.minimumf %min3A_3327, %min3A_3329 : vector<8x128xf32>
    %max3A_3332 = arith.maximumf %min3A_3327, %min3A_3329 : vector<8x128xf32>
    %min3A_3333 = arith.minimumf %max3A_3328, %max3A_3330 : vector<8x128xf32>
    %max3A_3334 = arith.maximumf %max3A_3328, %max3A_3330 : vector<8x128xf32>
    %iota3A = tpu.iota {dimensions = array<i32: 1>} : vector<8x128xi32>
    %broadcast_in_dim3A_3335 = arith.constant 0.000000e+00 : f32
    %broadcast_in_dim3A_3336 = vector.broadcast %broadcast_in_dim3A_3335 : f32 to vector<8x128xf32>
    %eq3A = arith.constant 0 : i32
    %eq3A_3337 = vector.broadcast %eq3A : i32 to vector<8x128xi32>
    %eq3A_3338 = arith.cmpi eq, %iota3A, %eq3A_3337 : vector<8x128xi32>
    %select_n3A = arith.select %eq3A_3338, %max3A_3311, %broadcast_in_dim3A_3336 : vector<8x128xi1>, vector<8x128xf32>
    %eq3A_3339 = arith.constant 4 : i32
    %eq3A_3340 = vector.broadcast %eq3A_3339 : i32 to vector<8x128xi32>
    %eq3A_3341 = arith.cmpi eq, %iota3A, %eq3A_3340 : vector<8x128xi32>
    %select_n3A_3342 = arith.select %eq3A_3341, %min3A_3331, %select_n3A : vector<8x128xi1>, vector<8x128xf32>
    %eq3A_3343 = arith.constant 1 : i32
    %eq3A_3344 = vector.broadcast %eq3A_3343 : i32 to vector<8x128xi32>
    %eq3A_3345 = arith.cmpi eq, %iota3A, %eq3A_3344 : vector<8x128xi32>
    %select_n3A_3346 = arith.select %eq3A_3345, %min3A_3312, %select_n3A_3342 : vector<8x128xi1>, vector<8x128xf32>
    %eq3A_3347 = arith.constant 5 : i32
    %eq3A_3348 = vector.broadcast %eq3A_3347 : i32 to vector<8x128xi32>
    %eq3A_3349 = arith.cmpi eq, %iota3A, %eq3A_3348 : vector<8x128xi32>
    %select_n3A_3350 = arith.select %eq3A_3349, %max3A_3332, %select_n3A_3346 : vector<8x128xi1>, vector<8x128xf32>
    %eq3A_3351 = arith.constant 2 : i32
    %eq3A_3352 = vector.broadcast %eq3A_3351 : i32 to vector<8x128xi32>
    %eq3A_3353 = arith.cmpi eq, %iota3A, %eq3A_3352 : vector<8x128xi32>
    %select_n3A_3354 = arith.select %eq3A_3353, %max3A_3313, %select_n3A_3350 : vector<8x128xi1>, vector<8x128xf32>
    %eq3A_3355 = arith.constant 6 : i32
    %eq3A_3356 = vector.broadcast %eq3A_3355 : i32 to vector<8x128xi32>
    %eq3A_3357 = arith.cmpi eq, %iota3A, %eq3A_3356 : vector<8x128xi32>
    %select_n3A_3358 = arith.select %eq3A_3357, %min3A_3333, %select_n3A_3354 : vector<8x128xi1>, vector<8x128xf32>
    %eq3A_3359 = arith.constant 3 : i32
    %eq3A_3360 = vector.broadcast %eq3A_3359 : i32 to vector<8x128xi32>
    %eq3A_3361 = arith.cmpi eq, %iota3A, %eq3A_3360 : vector<8x128xi32>
    %select_n3A_3362 = arith.select %eq3A_3361, %min3A_3314, %select_n3A_3358 : vector<8x128xi1>, vector<8x128xf32>
    %eq3A_3363 = arith.constant 7 : i32
    %eq3A_3364 = vector.broadcast %eq3A_3363 : i32 to vector<8x128xi32>
    %eq3A_3365 = arith.cmpi eq, %iota3A, %eq3A_3364 : vector<8x128xi32>
    %select_n3A_3366 = arith.select %eq3A_3365, %max3A_3334, %select_n3A_3362 : vector<8x128xi1>, vector<8x128xf32>
    %swap3A = arith.constant 0 : index
    %swap3A_3367 = arith.constant 0 : index
    %swap3A_3368 = vector.load %arg2[%swap3A, %swap3A_3367] : memref<8x128xf32, #tpu.memory_space<vmem>>, vector<8x128xf32>
    tpu.vector_store %arg2[%swap3A, %swap3A_3367], %select_n3A_3366 {strides = array<i32>} : memref<8x128xf32, #tpu.memory_space<vmem>>, vector<8x128xf32>,
    return
  }
  func.func @transform_0(%arg0: i32) -> (i32, i32) {
    %add3A = arith.constant 4 : i32
    %add3A_0 = arith.addi %arg0, %add3A : i32
    %c0_i32 = arith.constant 0 : i32
    %c0_i32_1 = arith.constant 0 : i32
    return %add3A_0, %c0_i32 : i32, i32
  }
  func.func @transform_1(%arg0: i32) -> (i32, i32) {
    %c0_i32 = arith.constant 0 : i32
    %c0_i32_0 = arith.constant 0 : i32
    return %arg0, %c0_i32 : i32, i32
  }
}

</mosaic_0001>

<sc_bundles>
// kernel: kernel.4.cloned.1.call-start
scs
__scs_entry_jumppad:
0x0: {  	(pc) =	sbr.rel $0x88, $3  }
0x1: {  	(tag) =	ssettag $0x0;
	lr =	simm.s32 $0x1  }
0x2: {  	[smem:$0x3FA0] =	sst lr;
	_ =	strace $0xD0000000  }
0x3: {  	_ = 	snop  }
0x4: {  	_ = 	snop  }
0x5: {  	_ = 	snop  }
0x6: {  	_ = 	snop  }
0x7: {  	_ = 	snop  }
__scs_overlays_trampoline_lowered:
0x8: {  	[smem:$0x3FAF] =	sst s0  }
0x9: {  	[smem:$0x3FB0] =	sst s1  }
0xa: {  	[smem:$0x3FB1] =	sst s2  }
0xb: {  	[smem:$0x3FB2] =	sst s3  }
0xc: {  	[smem:$0x3FB3] =	sst s4  }
0xd: {  	[smem:$0x3FB4] =	sst s5  }
0xe: {  	[smem:$0x3FB5] =	sst s6  }
0xf: {  	[smem:$0x3FB6] =	sst s7  }
0x10: {  	[smem:$0x3FB7] =	sst s8  }
0x11: {  	[smem:$0x3FB8] =	sst s9;
	s0 =	simm.s32 @!p0 $0x0  }
0x12: {  	s1 =	sld [smem:$0x3F9E];
	s0 =	simm.s32 @p0 $0x1  }
0x13: {  	[smem:$0x3FB9] =	sst s0;
	s0 =	simm.s32 @!p1 $0x0  }
0x14: {  	s2 =	sld [smem:$0x3F9D];
	s0 =	simm.s32 @p1 $0x1  }
0x15: {  	[smem:$0x3FBA] =	sst s0;
	s0 =	simm.s32 @!p2 $0x0  }
0x16: {  	s3 =	sld [smem:$0x3FDB];
	s0 =	simm.s32 @p2 $0x1  }
0x17: {  	s4 =	simm.s32 $0x1BF5;
	[smem:$0x3FBC] =	sst s0  }
0x18: {  	s0 =	sld [smem:$0x3F9F];
	_ =	swait.ge [sflag:s4], $0x0  }
0x19: {  	s7 =	sld [smem:$0x3FA0]  }
0x1a: {  	s8 =	sadd.s32 $0xFFFFE003, lr  }
0x1b: {  	s9 =	sadd.s32 $0xFFFFFEF7, lr;
	s5 =	simm.s32 $0xFFFFFFFF;
	p2 =	slt.u32 s8, $0xFFFFF086  }
0x1c: {  	p1 =	slt.u32 s9, $0xF7A;
	s5 =	simm.s32 @!p2 $0x0  }
0x1d: {  	s5 =	simm.s32 @p1 $0x1;
	p0 =	seq.s32 s7, s2  }
0x1e: {  	s7 =	smul.u32 @!p0 $0xF7A, s2;
	p2 =	seq.s32 @!p0 s5, $0x0  }
0x1f: {  	s9 =	smul.u32 $0xF7A, s1;
	s8 =	simm.s32 @!p0 $0x1BF5;
	p2 =	por !p2, p0  }
0x20: {  	[sflag:s8] =	ssyncset.s32 @!p0 $0xFFFFF086;
	s6 =	sadd.s32 @!p0 s3, s7;
	s7 =	simm.s32 @!p0 $0x108  }
0x21: {  	s3 =	sadd.s32 s3, s9;
	s6 =	sadd.s32 @!p0 $0x88, s6;
	s7 =	simm.s32 @p2 $0x1082  }
0x22: {  	[simem:s7], [sflag:s8] =	dma.local @!p0 [hbm:s6], $0xF7A  }
0x23: {  	s9 =	sor.u32 $0xD0000000, s2;
	s6 =	simm.s32 $0x108;
	_ =	swait.ge @!p0 [sflag:s8], $0x0  }
0x24: {  	s3 =	sadd.s32 $0x88, s3;
	s6 =	simm.s32 @!p1 $0x1082;
	[sflag:s4] =	ssyncset.s32 $0xFFFFF086  }
0x25: {  	[simem:s6], [sflag:s4] =	dma.local [hbm:s3], $0xF7A  }
0x26: {  	[smem:$0x3FA0] =	sst s1;
	(tag) =	ssettag s2;
	_ =	strace s9  }
0x27: {  	s1 =	sld [smem:$0x3FB0]  }
0x28: {  	s2 =	sld [smem:$0x3FB1]  }
0x29: {  	s4 =	sld [smem:$0x3FB3]  }
0x2a: {  	p0 =	seq.s32 s5, $0x0;
	s5 =	sld [smem:$0x3FB4]  }
0x2b: {  	s6 =	sld [smem:$0x3FB5]  }
0x2c: {  	s7 =	sld [smem:$0x3FB6]  }
0x2d: {  	s3 =	simm.s32 $0x108;
	s8 =	sld [smem:$0x3FB7]  }
0x2e: {  	s3 =	simm.s32 @!p0 $0x1082;
	s9 =	sld [smem:$0x3FB8]  }
0x2f: {  	lr =	sadd.s32 s0, s3;
	s0 =	sld [smem:$0x3FAF]  }
0x30: {  	s3 =	sld [smem:$0x3FB2]  }
0x31: {  	[smem:$0x3FBB] =	sst s10  }
0x32: {  	s10 =	sld [smem:$0x3FB9];
	_ =	sdelay $0x3  }
0x33: {  	p0 =	seq.s32 s10, $0x1;
	s10 =	sld [smem:$0x3FBB];
	_ =	sdelay $0x3  }
0x34: {  	[smem:$0x3FBB] =	sst s10  }
0x35: {  	s10 =	sld [smem:$0x3FBA];
	_ =	sdelay $0x3  }
0x36: {  	p1 =	seq.s32 s10, $0x1;
	s10 =	sld [smem:$0x3FBB];
	_ =	sdelay $0x3  }
0x37: {  	[smem:$0x3FBB] =	sst s10  }
0x38: {  	s10 =	sld [smem:$0x3FBC]  }
0x39: {  	_ = 	snop;
	(pc) =	sbr.ind lr, $3  }
0x3a: {  	_ = 	snop  }
0x3b: {  	_ = 	snop  }
0x3c: {  	p2 =	seq.s32 s10, $0x1;
	s10 =	sld [smem:$0x3FBB]  }
0x3d: {  	_ =	shalt  }
0x3e: {  	_ =	shalt  }
0x3f: {  	_ =	shalt  }
0x40: {  	_ =	shalt  }
0x41: {  	_ =	shalt  }
0x42: {  	_ =	shalt  }
0x43: {  	_ =	shalt  }
0x44: {  	_ =	shalt  }
0x45: {  	_ =	shalt  }
0x46: {  	_ =	shalt  }
0x47: {  	_ =	shalt  }
0x48: {  	_ =	shalt  }
0x49: {  	_ =	shalt  }
0x4a: {  	_ =	shalt  }
0x4b: {  	_ =	shalt  }
0x4c: {  	_ =	shalt  }
0x4d: {  	_ =	shalt  }
0x4e: {  	_ =	shalt  }
0x4f: {  	_ =	shalt  }
0x50: {  	_ =	shalt  }
0x51: {  	_ =	shalt  }
0x52: {  	_ =	shalt  }
0x53: {  	_ =	shalt  }
0x54: {  	_ =	shalt  }
0x55: {  	_ =	shalt  }
0x56: {  	_ =	shalt  }
0x57: {  	_ =	shalt  }
0x58: {  	_ =	shalt  }
0x59: {  	_ =	shalt  }
0x5a: {  	_ =	shalt  }
0x5b: {  	_ =	shalt  }
0x5c: {  	_ =	shalt  }
0x5d: {  	_ =	shalt  }
0x5e: {  	_ =	shalt  }
0x5f: {  	_ =	shalt  }
0x60: {  	_ =	shalt  }
0x61: {  	_ =	shalt  }
0x62: {  	_ =	shalt  }
0x63: {  	_ =	shalt  }
0x64: {  	_ =	shalt  }
0x65: {  	_ =	shalt  }
0x66: {  	_ =	shalt  }
0x67: {  	_ =	shalt  }
0x68: {  	_ =	shalt  }
0x69: {  	_ =	shalt  }
0x6a: {  	_ =	shalt  }
0x6b: {  	_ =	shalt  }
0x6c: {  	_ =	shalt  }
0x6d: {  	_ =	shalt  }
0x6e: {  	_ =	shalt  }
0x6f: {  	_ =	shalt  }
0x70: {  	_ =	shalt  }
0x71: {  	_ =	shalt  }
0x72: {  	_ =	shalt  }
0x73: {  	_ =	shalt  }
0x74: {  	_ =	shalt  }
0x75: {  	_ =	shalt  }
0x76: {  	_ =	shalt  }
0x77: {  	_ =	shalt  }
0x78: {  	_ =	shalt  }
0x79: {  	_ =	shalt  }
0x7a: {  	_ =	shalt  }
0x7b: {  	_ =	shalt  }
0x7c: {  	_ =	shalt  }
0x7d: {  	_ =	shalt  }
0x7e: {  	_ =	shalt  }
0x7f: {  	_ =	shalt  }
0x80: {  	_ =	shalt  }
0x81: {  	_ =	shalt  }
0x82: {  	_ =	shalt  }
0x83: {  	_ =	shalt  }
0x84: {  	_ =	shalt  }
0x85: {  	_ =	shalt  }
0x86: {  	_ =	shalt  }
0x87: {  	_ =	shalt  }
.Lfunc_end0:
.L_simem_size_0:
called_computation_lowered:
.L_overlay_start_0:
0x88: {  	s2 =	sld [smem:$0x3FD9]  }
0x89: {  	s3 =	sld [smem:$0x3FFE];
	_ =	sdelay $0x1  }
0x8a: {  	s1 =	srdreg.scid  }
0x8b: {  	s0 =	sand.u32 $0x1, s1  }
0x8c: {  	s17 =	sshll.u32 s0, $0xA;
	s2 =	sadd.s32 s3, s2  }
0x8d: {  	s2 =	sadd.s32 s2, s17  }
0x8e: {  	[smem:$0x3FC7] =	sst s2  }
0x8f: {  	_ = 	snop  }
0x90: {  	s2 =	sld [smem:$0x3FC9];
	(tm) =	ssettm $0x1  }
0x91: {  	s18 =	sld [smem:$0x3FFB];
	_ =	sdelay $0x3  }
0x92: {  	_ =	strace s18  }
0x93: {  	s3 =	sld [smem:$0x3FFC];
	_ =	sdelay $0x3  }
0x94: {  	_ =	strace s3  }
0x95: {  	s3 =	sld [smem:$0x3FFD];
	_ =	sdelay $0x3  }
0x96: {  	_ =	strace s3  }
0x97: {  	_ =	strace $0x8FFFFFFF  }
0x98: {  	s19 =	sld [smem:$0x3FDB];
	_ =	sdelay $0x1  }
0x99: {  	s4 =	simm.s32 $_scs_section_size  }
0x9a: {  	s5 =	simm.s32 $_size__tile_overlayer_lowered;
	s6 =	simm.s32 $_tile_overlayer_lowered  }
0x9b: {  	s22 =	simm.s32 $0x1BFF;
	s21 =	sshll.u32 s6, $0x1;
	s3 =	sadd.s32 s4, s19  }
0x9c: {  	s7 =	simm.s32 $0x0;
	s20 =	sshll.u32 s5, $0x1;
	s5 =	sadd.s32 s21, s3  }
0x9d: {  	[timem:s7], [sflag:s22] =	dma.local [hbm:s5], s20  }
0x9e: {  	_ =	swait.ge [sflag:s22], s20  }
0x9f: {  	s4 =	ssub.s32 $0x0, s20;
	[sflag:s22] =	ssyncset.done $0x0  }
0xa0: {  	[sflag:s22] =	ssyncadd.s32 s4;
	_ =	sdelay $0x1  }
0xa1: {  	s23 =	simm.s32 $0x1B8B  }
0xa2: {  	_ =	swait.ge [sflag:s23], $0x1  }
0xa3: {  	[sflag:s23] =	ssyncset.done $0x0  }
0xa4: {  	s25 =	simm.s32 $0x1B8E;
	s24 =	sld [smem:$0x3FFE];
	[sflag:s23] =	ssyncadd.s32 $0xFFFFFFFF  }
0xa5: {  	s26 =	simm.s32 $execute0_lowered;
	[smem:$0x3FD2] =	sst s25  }
0xa6: {  	s5 =	sshll.u32 s26, $0x1;
	_ =	strace $0x80000046;
	[dreg:$0x1] =	wrdreg $0xFFFFFFFF  }
0xa7: {  	s28 =	simm.s32 $_size_execute0_lowered;
	s3 =	sadd.s32 s3, s5;
	[dreg:$0x0] =	wrdreg $0x0  }
0xa8: {  	s5 =	sshll.u32 s28, $0x1;
	[dreg:$0x2] =	wrdreg s3  }
0xa9: {  	[dreg:$0x3] =	wrdreg s5  }
0xaa: {  	[dreg:$0x4] =	wrdreg $0xC0  }
0xab: {  	_ =	task [dreg:s7], $0x5FFFF  }
0xac: {  	[dreg:$0x1] =	wrdreg $0xFFFFFFFF  }
0xad: {  	[dreg:$0x0] =	wrdreg $0x60  }
0xae: {  	[dreg:$0x2] =	wrdreg s2  }
0xaf: {  	[dreg:$0x3] =	wrdreg s24  }
0xb0: {  	[dreg:$0x4] =	wrdreg $0x9  }
0xb1: {  	_ =	task.clear_ibuf [dreg:s7], $0x5FFFF;
	_ =	strace $0x90000046  }
0xb2: {  	s29 =	simm.s32 $0x9;
	_ =	strace $0x80000048  }
0xb3: {  	_ =	swait.ge [sflag:s29], $0x1  }
0xb4: {  	[sflag:s29] =	ssyncadd.s32 $0xFFFFFFFF  }
0xb5: {  	_ =	strace $0x90000048  }
0xb6: {  	_ =	sfence  }
0xb7: {  	s30 =	sld [smem:$0x0];
	_ =	sdelay $0x2  }
0xb8: {  	s31 =	sshll.u32 s1, $0xD;
	s1 =	sshrl.u32 s1, $0x2  }
0xb9: {  	s3 =	sand.u32 $0x4000, s31;
	s1 =	sadd.s32 s1, s30  }
0xba: {  	s0 =	sor.u32 s3, s0;
	s1 =	sshll.u32 s1, $0x11  }
0xbb: {  	s0 =	sor.u32 s1, s0  }
0xbc: {  	s0 =	sadd.s32 $0x8F2B, s0  }
0xbd: {  	[sflag:s0] =	ssyncadd.remote.s32 $0x1  }
0xbe: {  	_ =	sfence.sel $0xFFFF  }
0xbf: {  	[dreg:$0x0] =	wrdreg $0xFFFFFFFF;
	(pc) =	sbr.abs _section_cstart, $3  }
0xc0: {  	[dreg:$0x1] =	wrdreg $0xFFFFFFFF  }
0xc1: {  	_ =	task.clear_ibuf [dreg:s7], $0x2FFFF;
	_ =	strace $0x9FFFFFFF  }
0xc2: {  	(tm) =	ssettm $0x7FFFFFFF  }
0xc3: {  	_ =	shalt  }
tec
execute0_lowered:
.L_overlay_start_1:
0x0: {  	(tag) =	ssettag $0x1  }
0x1: {  	s3 =	rddreg [dreg:$0x0]  }
0x2: {  	s4 =	rddreg [dreg:$0x1]  }
0x3: {  	s0 =	rddreg [dreg:$0x2]  }
0x4: {  	s5 =	srdreg.scid;
	s1 =	stileid.u32  }
0x5: {  	s2 =	simm.s32 $0x0;
	s9 =	simm.s32 $0x1;
	s10 =	simm.s32 $0x2  }
0x6: {  	s11 =	simm.s32 $0x8000;
	s12 =	simm.s32 $0x3;
	s13 =	simm.s32 $0x0  }
0x7: {  	s5 =	sand.u32 $0x1, s5;
	s6 =	sshll.u32 s1, $0x8;
	s7 =	sshrl.u32 s1, $0x2  }
0x8: {  	[smem:$0x7FF] =	sst s2;
	s8 =	sshll.u32 s5, $0x7;
	s6 =	sand.u32 $0x300, s6  }
0x9: {  	s28 =	sshll.u32 s7, $0x12;
	_ =	strace $0x80000047;
	s5 =	ssub.s32 $0x2, s5  }
0xa: {  	s7 =	sshll.u32 s7, $0xA;
	s6 =	sor.u32 s8, s6;
	s30 =	sshrl.u32 s5, $0x1  }
0xb: {  	s8 =	sor.u32 s28, s6;
	s6 =	sor.u32 s7, s6;
	s31 =	ssub.s32 s5, s30  }
0xc: {  	vm0 =	vcmask $0x320;
	vm1 =	vcmask $0x720;
	s7 =	simm.s32 $0x400;
	s29 =	sshrl.u32 s8, $0x3;
	s6 =	sshrl.u32 s6, $0x3  }
0xd: {  	vm2 =	vcmask $0xB20;
	vm3 =	vcmask $0xF20;
	vm4 =	vcmask $0x1320;
	s8 =	simm.s32 $0x4000;
	s3 =	sadd.s32 s3, s29;
	s6 =	sadd.s32 s6, s4  }
0xe: {  	vm5 =	vcmask $0x1720;
	vm6 =	vcmask $0x1B20;
	vm7 =	vmmov $0x1;
	s4 =	sadd.s32 $0x4000, s3;
	s5 =	sadd.s32 $0xA00, s6;
	s6 =	smax.u32 s31, $0x1  }
.LBB2_1:
0xf: {  	s14 =	simm.s32 $0x80  }
0x10: {  	[tilespmem:s2], [sflag:$0x1] =	stream.strided.gather [hbm4b:s3+s14], $0x4000, s7, s14, $0x38;
	[tilespmem:$0x8080] =	vst v63  }
0x11: {  	_ = 	snop  }
0x12: {  	[tilespmem:s8], [sflag:$0x2] =	stream.strided.gather [hbm4b:s4+s14], $0x4000, s7, s14, $0x38;
	[tilespmem:$0x8080] =	vst v63  }
0x13: {  	_ =	swait.ge [sflag:s9], $0x4000  }
0x14: {  	[sflag:s9] =	ssyncset.done $0x0  }
0x15: {  	[sflag:s9] =	ssyncadd.s32 $0xFFFFC000  }
0x16: {  	v0 =	vld [tilespmem:s14+$0x50]  }
0x17: {  	v3 =	vld [tilespmem:s14+$0x70]  }
0x18: {  	v5 =	vld [tilespmem:s14+$0x60]  }
0x19: {  	v6 =	vld [tilespmem:s14+$0x40]  }
0x1a: {  	v7 =	vld [tilespmem:s14+$0x30]  }
0x1b: {  	v8 =	vld [tilespmem:s14+$0x0]  }
0x1c: {  	v9 =	vld [tilespmem:s14+$0x20]  }
0x1d: {  	v10 =	vld [tilespmem:s14+$0x10]  }
0x1e: {  	v11 =	vld [tilespmem:s14+$0xFFFFFFB0]  }
0x1f: {  	v12 =	vld [tilespmem:s14+$0xFFFFFFF0]  }
0x20: {  	v13 =	vld [tilespmem:s14+$0xFFFFFFD0]  }
0x21: {  	v15 =	vld [tilespmem:s14+$0xFFFFFFC0]  }
0x22: {  	v4 =	vimm.f32 $-Inf;
	v1 =	vimm.f32 $+Inf;
	v19 =	vld [tilespmem:s14+$0xFFFFFFA0];
	v14 =	vmax.f32 v5, v3  }
0x23: {  	v20 =	vld [tilespmem:s14+$0xFFFFFFE0];
	v5 =	vmin.f32 v5, v3;
	v16 =	vmax.f32 v9, v7;
	v7 =	vmin.f32 v9, v7  }
0x24: {  	v17 =	vmin.f32 v8, v10;
	v18 =	vmin.f32 v6, v0;
	v6 =	vmax.f32 v6, v0  }
0x25: {  	v2 =	vld [tilespmem:s14+$0xFFFFFF90];
	v21 =	vmax.f32 v8, v10;
	v3 =	vmin.f32 v17, v7;
	v0 =	vmax.f32 v6, v14  }
0x26: {  	v9 =	vld [tilespmem:s14+$0xFFFFFF80];
	v24 =	vmax.f32 v17, v7;
	v14 =	vmin.f32 v6, v14;
	v23 =	vmax.f32 v18, v5  }
0x27: {  	v17 =	vmax.f32 v15, v13;
	v15 =	vmin.f32 v15, v13;
	v25 =	vmin.f32 v21, v16  }
0x28: {  	v6 =	vmax.f32 v19, v11;
	v19 =	vmin.f32 v19, v11;
	v11 =	vmax.f32 v20, v12  }
0x29: {  	v12 =	vmin.f32 v20, v12;
	v7 =	vmin.f32 v18, v5;
	v8 =	vmin.f32 v25, v24  }
0x2a: {  	v10 =	vmin.f32 v14, v23;
	v26 =	vmax.f32 v15, v12;
	v12 =	vmin.f32 v15, v12  }
0x2b: {  	v15 =	vmax.f32 v14, v23;
	v22 =	vmin.f32 v9, v2;
	v2 =	vmax.f32 v9, v2  }
0x2c: {  	v25 =	vmax.f32 v25, v24;
	v13 =	vmax.f32 v2, v6;
	v2 =	vmin.f32 v2, v6  }
0x2d: {  	v6 =	vmax.f32 v21, v16;
	v21 =	vmin.f32 v17, v11;
	v11 =	vmax.f32 v17, v11  }
0x2e: {  	v20 =	vmin.f32 v4, v13;
	v9 =	vmin.f32 v1, v13;
	v5 =	vmax.f32 v4, v13  }
0x2f: {  	v13 =	vmin.f32 v22, v19;
	v17 =	vmin.f32 v21, v26;
	v19 =	vmax.f32 v22, v19  }
0x30: {  	v30 =	vmax.f32 v21, v26;
	v16 =	vmin.f32 v4, v20;
	v18 =	vmax.f32 v4, v20  }
0x31: {  	v27 =	vmax.f32 v5, v11;
	v5 =	vmin.f32 v5, v11;
	v22 =	vmin.f32 v2, v19  }
0x32: {  	v31 =	vmin.f32 v1, v13;
	v2 =	vmax.f32 v2, v19;
	v28 =	vmax.f32 v4, v16  }
0x33: {  	v32 =	vmax.f32 v18, v5;
	v5 =	vmin.f32 v18, v5;
	v16 =	vmin.f32 v4, v16  }
0x34: {  	v18 =	vmax.f32 v1, v22;
	v29 =	vmax.f32 v4, v2;
	v26 =	vmin.f32 v31, v12  }
0x35: {  	v35 =	vmax.f32 v27, v6;
	v14 =	vmax.f32 v4, v16;
	v16 =	vmin.f32 v28, v5  }
0x36: {  	v20 =	vmin.f32 v1, v18;
	v5 =	vmax.f32 v28, v5;
	v23 =	vmax.f32 v29, v30  }
0x37: {  	v28 =	vmax.f32 v31, v12;
	v31 =	vmax.f32 v1, v13;
	v14 =	vmax.f32 v14, v16  }
0x38: {  	v16 =	vmin.f32 v27, v6;
	v19 =	vmax.f32 v23, v25;
	v33 =	vmin.f32 v1, v31  }
0x39: {  	v34 =	vmax.f32 v1, v31;
	v27 =	vmin.f32 v1, v2;
	v18 =	vmin.f32 v32, v16  }
0x3a: {  	v21 =	vmin.f32 v19, v15;
	v62 =	vmax.f32 v33, v28;
	v28 =	vmin.f32 v33, v28  }
0x3b: {  	v33 =	vmax.f32 v32, v16;
	v27 =	vmin.f32 v27, v30;
	v24 =	vmax.f32 v5, v18  }
0x3c: {  	v5 =	vmin.f32 v5, v18;
	v18 =	vmin.f32 v26, v3;
	v26 =	vmax.f32 v26, v3  }
0x3d: {  	v31 =	vmax.f32 v14, v5;
	v5 =	vmin.f32 v1, v34;
	v14 =	vmax.f32 v1, v34  }
0x3e: {  	v16 =	vmax.f32 v18, v7;
	v34 =	vmin.f32 v35, v0;
	v63 =	vmin.f32 v28, v26  }
0x3f: {  	v37 =	vmax.f32 v28, v26;
	v26 =	vmin.f32 v4, v2;
	v2 =	vmin.f32 v27, v25  }
0x40: {  	v14 =	vmin.f32 v1, v14;
	v36 =	vmin.f32 v5, v62;
	v5 =	vmax.f32 v5, v62  }
0x41: {  	v2 =	vmin.f32 v2, v15;
	v5 =	vmin.f32 v14, v5;
	v14 =	vmax.f32 v36, v37  }
0x42: {  	v32 =	vmax.f32 v63, v16;
	v28 =	vmin.f32 v36, v37;
	v27 =	vmin.f32 v5, v14  }
0x43: {  	s15 =	simm.s32 $0x180;
	s14 =	simm.s32 $0x0;
	v5 =	vmin.f32 v63, v16;
	v16 =	vimm.f32 $-Inf;
	v14 =	vimm.f32 $-Inf  }
.LBB2_2:
0x44: {  	v36 =	vld [tilespmem:s15+$0xFFFFFF90];
	s14 =	sadd.s32 $0x4, s14;
	v4 =	vmax.f32 v4, v22;
	v35 =	vmax.f32 v35, v0;
	v37 =	vmax.f32 v33, v34  }
0x45: {  	v29 =	vmin.f32 v29, v30;
	v30 =	vmin.f32 v33, v34;
	v38 =	vld [tilespmem:s15+$0x50];
	p0 =	slt.u32 s14, $0xFC;
	v4 =	vmax.f32 v4, v17  }
0x46: {  	v16 =	vmax.f32 v16, v26;
	v1 =	vmin.f32 v1, v22;
	v33 =	vld [tilespmem:s15+$0x70];
	v4 =	vmax.f32 v4, v8  }
0x47: {  	v26 =	vmin.f32 v1, v17;
	v1 =	vmax.f32 v1, v17;
	v22 =	vld [tilespmem:s15+$0x60];
	v4 =	vmax.f32 v4, v10  }
0x48: {  	v20 =	vmin.f32 v20, v1;
	v34 =	vmin.f32 v26, v8;
	v1 =	vmin.f32 v24, v30;
	v17 =	vld [tilespmem:s15+$0x40]  }
0x49: {  	v31 =	vmax.f32 v31, v1;
	v1 =	vmin.f32 v34, v10;
	v10 =	vmax.f32 v34, v10;
	v39 =	vld [tilespmem:s15+$0x30]  }
0x4a: {  	v23 =	vmin.f32 v23, v25;
	v16 =	vmax.f32 v16, v29;
	v24 =	vmax.f32 v24, v30;
	v34 =	vld [tilespmem:s15+$0x0]  }
0x4b: {  	v16 =	vmax.f32 v16, v23;
	v8 =	vmax.f32 v26, v8;
	v26 =	vmax.f32 v19, v15;
	v25 =	vld [tilespmem:s15+$0x20]  }
0x4c: {  	v16 =	vmax.f32 v16, v21;
	v15 =	vld [tilespmem:s15+$0x10];
	v19 =	vmax.f32 v22, v33;
	v22 =	vmin.f32 v22, v33  }
0x4d: {  	v13 =	vmax.f32 v14, v13;
	v18 =	vmin.f32 v18, v7;
	v8 =	vmin.f32 v20, v8;
	v21 =	vld [tilespmem:s15+$0xFFFFFFB0]  }
0x4e: {  	v9 =	vmin.f32 v9, v11;
	v12 =	vmax.f32 v13, v12;
	v23 =	vmin.f32 v8, v10;
	v20 =	vld [tilespmem:s15+$0xFFFFFFF0]  }
0x4f: {  	v3 =	vmax.f32 v12, v3;
	v10 =	vmax.f32 v28, v32;
	v33 =	vmin.f32 v28, v32;
	v8 =	vld [tilespmem:s15+$0xFFFFFFD0]  }
0x50: {  	v6 =	vmin.f32 v9, v6;
	v11 =	vld [tilespmem:s15+$0xFFFFFFC0];
	v12 =	vmax.f32 v25, v39;
	v13 =	vmin.f32 v25, v39  }
0x51: {  	v14 =	vmax.f32 v3, v7;
	v28 =	vmin.f32 v17, v38;
	v9 =	vld [tilespmem:s15+$0xFFFFFF80];
	v25 =	vmin.f32 v34, v15  }
0x52: {  	v27 =	vmin.f32 v27, v10;
	v17 =	vmax.f32 v17, v38;
	v7 =	vld [tilespmem:s15+$0xFFFFFFA0];
	v3 =	vmin.f32 v25, v13  }
0x53: {  	v30 =	vmin.f32 v6, v0;
	v0 =	vmax.f32 v17, v19;
	v15 =	vmax.f32 v34, v15;
	v29 =	vld [tilespmem:s15+$0xFFFFFFE0]  }
0x54: {  	v19 =	vmin.f32 v17, v19;
	v32 =	vmax.f32 v28, v22;
	v25 =	vmax.f32 v25, v13  }
0x55: {  	v38 =	vmin.f32 v15, v12;
	v17 =	vmax.f32 v11, v8;
	v34 =	vmin.f32 v11, v8  }
0x56: {  	v39 =	vmin.f32 v9, v36  }
0x57: {  	v10 =	vmin.f32 v19, v32;
	v8 =	vmin.f32 v38, v25;
	v6 =	vmax.f32 v9, v36  }
0x58: {  	v9 =	vmax.f32 v7, v21;
	v21 =	vmin.f32 v7, v21;
	v11 =	vmax.f32 v29, v20  }
0x59: {  	v13 =	vmax.f32 v6, v9;
	v36 =	vmin.f32 v6, v9;
	v20 =	vmin.f32 v29, v20  }
0x5a: {  	v6 =	vmax.f32 v15, v12;
	v29 =	vmin.f32 v35, v13;
	v40 =	vmax.f32 v34, v20  }
0x5b: {  	v7 =	vmin.f32 v28, v22;
	v9 =	vmin.f32 v30, v13;
	v15 =	vmin.f32 v37, v29  }
0x5c: {  	v22 =	vmax.f32 v35, v13;
	v30 =	vmin.f32 v17, v11;
	v28 =	vmax.f32 v37, v29  }
0x5d: {  	v13 =	vmin.f32 v39, v21;
	v11 =	vmax.f32 v17, v11;
	v12 =	vmin.f32 v34, v20  }
0x5e: {  	v17 =	vmin.f32 v30, v40;
	v34 =	vmax.f32 v22, v11;
	v20 =	vmin.f32 v22, v11  }
0x5f: {  	v21 =	vmax.f32 v39, v21;
	v35 =	vmax.f32 v24, v15;
	v37 =	vmax.f32 v28, v20  }
0x60: {  	v22 =	vmin.f32 v36, v21;
	v39 =	vmin.f32 v18, v13;
	v28 =	vmin.f32 v28, v20  }
0x61: {  	v20 =	vmin.f32 v24, v15;
	v24 =	vmax.f32 v1, v22;
	v15 =	vmax.f32 v19, v32  }
0x62: {  	v19 =	vmax.f32 v31, v20;
	v20 =	vmin.f32 v23, v24;
	v23 =	vmin.f32 v35, v28  }
0x63: {  	v32 =	vmax.f32 v36, v21;
	v36 =	vmin.f32 v34, v6;
	v31 =	vmax.f32 v19, v23  }
0x64: {  	v30 =	vmax.f32 v30, v40;
	v29 =	vmax.f32 v26, v32;
	v19 =	vmin.f32 v37, v36  }
0x65: {  	v25 =	vmax.f32 v38, v25;
	v21 =	vmax.f32 v35, v28;
	v23 =	vmax.f32 v29, v30  }
0x66: {  	v24 =	vmax.f32 v21, v19;
	v28 =	vmin.f32 v21, v19;
	v19 =	vmax.f32 v23, v25  }
0x67: {  	v38 =	vmax.f32 v39, v12;
	v35 =	vmin.f32 v39, v12;
	v21 =	vmin.f32 v19, v15  }
0x68: {  	v39 =	vmax.f32 v18, v13;
	v18 =	vmin.f32 v35, v3;
	v40 =	vmax.f32 v35, v3  }
0x69: {  	v35 =	vmin.f32 v5, v39;
	v5 =	vmax.f32 v5, v39;
	v31 =	vmax.f32 v31, v28  }
0x6a: {  	v39 =	vmax.f32 v35, v38;
	v28 =	vmin.f32 v33, v5;
	v5 =	vmax.f32 v33, v5  }
0x6b: {  	v5 =	vmin.f32 v27, v5;
	v27 =	vmin.f32 v35, v38;
	v38 =	vmin.f32 v28, v39  }
0x6c: {  	v33 =	vmax.f32 v37, v36;
	v36 =	vmax.f32 v18, v7;
	v35 =	vmax.f32 v34, v6  }
.Ltmp0:
0x6d: {  	v2 =	vmin.f32 v2, v32;
	v28 =	vmax.f32 v28, v39;
	v34 =	vmin.f32 v35, v0;
	(pc) =	sbr.rel @p0 .LBB2_2-.Ltmp0, $4  }
0x6e: {  	v2 =	vmin.f32 v2, v30;
	v37 =	vmin.f32 v27, v40;
	v27 =	vmax.f32 v27, v40  }
0x6f: {  	v26 =	vmin.f32 v26, v32;
	v2 =	vmin.f32 v2, v25;
	v5 =	vmin.f32 v5, v28  }
0x70: {  	v2 =	vmin.f32 v2, v15;
	v28 =	vmin.f32 v38, v27;
	v27 =	vmax.f32 v38, v27  }
0x71: {  	s15 =	sadd.s32 $0x100, s15;
	v32 =	vmax.f32 v37, v36;
	v27 =	vmin.f32 v5, v27;
	v5 =	vmin.f32 v37, v36  }
0x72: {  	_ =	swait.ge [sflag:s10], $0x4000  }
0x73: {  	[sflag:s10] =	ssyncset.done $0x0  }
0x74: {  	s14 =	simm.s32 $0x4080;
	[sflag:s10] =	ssyncadd.s32 $0xFFFFC000  }
0x75: {  	v4 =	vmax.f32 v4, v22;
	v36 =	vld [tilespmem:s14+$0xFFFFFF90]  }
0x76: {  	v35 =	vmax.f32 v35, v0;
	v37 =	vmax.f32 v33, v34;
	v29 =	vmin.f32 v29, v30;
	v30 =	vld [tilespmem:s14+$0x50]  }
0x77: {  	v47 =	vmin.f32 v33, v34;
	v1 =	vmin.f32 v1, v22;
	v16 =	vmax.f32 v16, v26;
	v22 =	vld [tilespmem:s14+$0x70]  }
0x78: {  	v23 =	vmin.f32 v23, v25;
	v15 =	vmax.f32 v19, v15;
	v4 =	vmax.f32 v4, v17;
	v48 =	vld [tilespmem:s14+$0x60]  }
0x79: {  	v26 =	vmin.f32 v1, v17;
	v1 =	vmax.f32 v1, v17;
	v17 =	vmin.f32 v24, v47;
	v38 =	vld [tilespmem:s14+$0x40]  }
0x7a: {  	v13 =	vmax.f32 v14, v13;
	v9 =	vmin.f32 v9, v11;
	v31 =	vmax.f32 v31, v17;
	v17 =	vld [tilespmem:s14+$0x30]  }
0x7b: {  	v49 =	vmin.f32 v28, v32;
	v16 =	vmax.f32 v16, v29;
	v24 =	vmax.f32 v24, v47;
	v25 =	vld [tilespmem:s14+$0x0]  }
0x7c: {  	v29 =	vmin.f32 v18, v7;
	v4 =	vmax.f32 v4, v8;
	v16 =	vmax.f32 v16, v23;
	v23 =	vld [tilespmem:s14+$0x20]  }
0x7d: {  	v39 =	vmin.f32 v26, v8;
	v26 =	vmax.f32 v26, v8;
	v8 =	vmax.f32 v16, v21;
	v16 =	vld [tilespmem:s14+$0x10]  }
0x7e: {  	v12 =	vmax.f32 v13, v12;
	v6 =	vmin.f32 v9, v6;
	v20 =	vmin.f32 v20, v1;
	v11 =	vld [tilespmem:s14+$0xFFFFFFD0]  }
0x7f: {  	v3 =	vmax.f32 v12, v3;
	v0 =	vmin.f32 v6, v0;
	v4 =	vmax.f32 v4, v10;
	v9 =	vld [tilespmem:s14+$0xFFFFFFC0]  }
0x80: {  	v1 =	vmin.f32 v39, v10;
	v10 =	vmax.f32 v39, v10;
	v14 =	vmin.f32 v20, v26;
	v12 =	vld [tilespmem:s14+$0xFFFFFF80]  }
0x81: {  	v7 =	vmax.f32 v3, v7;
	v20 =	vmin.f32 v14, v10;
	v10 =	vmax.f32 v28, v32  }
0x82: {  	v18 =	vld [tilespmem:s14+$0xFFFFFFB0];
	v50 =	vmin.f32 v27, v10;
	v10 =	vmax.f32 v48, v22;
	v14 =	vmin.f32 v48, v22  }
0x83: {  	v13 =	vld [tilespmem:s14+$0xFFFFFFF0];
	v19 =	vmax.f32 v23, v17;
	v17 =	vmin.f32 v23, v17;
	v21 =	vmin.f32 v25, v16  }
0x84: {  	v22 =	vld [tilespmem:s14+$0xFFFFFFA0];
	v23 =	vmin.f32 v38, v30;
	v26 =	vmax.f32 v38, v30;
	v16 =	vmax.f32 v25, v16  }
0x85: {  	v27 =	vld [tilespmem:s14+$0xFFFFFFE0];
	v28 =	vmax.f32 v9, v11;
	v30 =	vmin.f32 v9, v11;
	v52 =	vmin.f32 v12, v36  }
0x86: {  	v6 =	vmin.f32 v21, v17;
	v3 =	vmax.f32 v26, v10;
	v25 =	vmax.f32 v21, v17  }
0x87: {  	v21 =	vmin.f32 v26, v10;
	v26 =	vmax.f32 v23, v14;
	v51 =	vmin.f32 v16, v19  }
0x88: {  	v9 =	vmax.f32 v12, v36;
	v10 =	vmin.f32 v51, v25;
	v11 =	vmin.f32 v21, v26  }
0x89: {  	v21 =	vmax.f32 v21, v26;
	v12 =	vmax.f32 v22, v18;
	v22 =	vmin.f32 v22, v18  }
0x8a: {  	v18 =	vmax.f32 v27, v13;
	v27 =	vmin.f32 v27, v13;
	v13 =	vmin.f32 v23, v14  }
0x8b: {  	v17 =	vmax.f32 v9, v12;
	v36 =	vmin.f32 v9, v12;
	v40 =	vmax.f32 v30, v27  }
0x8c: {  	v9 =	vmax.f32 v16, v19;
	v54 =	vmin.f32 v28, v18;
	v14 =	vmax.f32 v28, v18  }
0x8d: {  	v16 =	vmin.f32 v30, v27;
	v53 =	vmin.f32 v35, v17;
	v12 =	vmin.f32 v0, v17  }
0x8e: {  	v0 =	vmax.f32 v35, v17;
	v17 =	vmin.f32 v52, v22;
	v18 =	vmin.f32 v54, v40  }
0x8f: {  	v22 =	vmax.f32 v52, v22;
	v32 =	vmax.f32 v54, v40;
	v41 =	vmin.f32 v37, v53  }
0x90: {  	v23 =	vmax.f32 v37, v53;
	v30 =	vmax.f32 v0, v14;
	v0 =	vmin.f32 v0, v14  }
0x91: {  	v19 =	vmin.f32 v36, v22;
	v55 =	vmin.f32 v29, v17;
	v36 =	vmax.f32 v36, v22  }
0x92: {  	v29 =	vmax.f32 v29, v17;
	v27 =	vmax.f32 v24, v41;
	v37 =	vmax.f32 v23, v0  }
0x93: {  	v0 =	vmin.f32 v23, v0;
	v23 =	vmin.f32 v24, v41;
	v24 =	vmax.f32 v1, v19  }
0x94: {  	v56 =	vmin.f32 v30, v9;
	v57 =	vmin.f32 v55, v16;
	v58 =	vmax.f32 v55, v16  }
0x95: {  	v60 =	vmin.f32 v5, v29;
	v29 =	vmax.f32 v5, v29;
	v34 =	vmax.f32 v30, v9  }
0x96: {  	v2 =	vmin.f32 v2, v36;
	v23 =	vmax.f32 v31, v23;
	v20 =	vmin.f32 v20, v24  }
0x97: {  	v24 =	vmin.f32 v27, v0;
	v31 =	vmax.f32 v15, v36;
	v22 =	vmin.f32 v37, v56  }
0x98: {  	v0 =	vmax.f32 v27, v0;
	v27 =	vmax.f32 v51, v25;
	v59 =	vmax.f32 v57, v6  }
0x99: {  	v61 =	vmin.f32 v60, v58;
	v33 =	vmax.f32 v37, v56;
	v35 =	vmin.f32 v34, v3  }
0x9a: {  	v24 =	vmax.f32 v23, v24;
	v26 =	vmax.f32 v31, v32;
	v28 =	vmax.f32 v0, v22  }
0x9b: {  	v0 =	vmin.f32 v0, v22;
	v22 =	vmin.f32 v57, v6;
	v63 =	vmin.f32 v61, v59  }
0x9c: {  	v38 =	vmax.f32 v61, v59;
	v25 =	vmax.f32 v26, v27;
	v5 =	vmax.f32 v24, v0  }
0x9d: {  	v0 =	vmin.f32 v49, v29;
	v24 =	vmax.f32 v49, v29;
	v29 =	vmax.f32 v60, v58  }
0x9e: {  	v30 =	vmax.f32 v22, v13;
	v23 =	vmin.f32 v25, v21;
	v24 =	vmin.f32 v50, v24  }
0x9f: {  	v62 =	vmin.f32 v0, v29;
	v0 =	vmax.f32 v0, v29;
	v29 =	vmin.f32 v2, v32  }
0xa0: {  	v2 =	vmin.f32 v15, v36;
	v15 =	vmin.f32 v24, v0;
	v0 =	vmin.f32 v29, v27  }
0xa1: {  	v29 =	vmin.f32 v62, v38;
	v24 =	vmax.f32 v62, v38;
	v0 =	vmin.f32 v0, v21  }
0xa2: {  	s15 =	simm.s32 $0x4180;
	s14 =	simm.s32 $0x0;
	v24 =	vmin.f32 v15, v24;
	v15 =	vmin.f32 v63, v30;
	v30 =	vmax.f32 v63, v30  }
.LBB2_4:
0xa3: {  	v36 =	vld [tilespmem:s15+$0xFFFFFF90];
	s14 =	sadd.s32 $0x4, s14;
	v4 =	vmax.f32 v4, v19;
	v34 =	vmax.f32 v34, v3;
	v37 =	vmax.f32 v33, v35  }
0xa4: {  	v31 =	vmin.f32 v31, v32;
	v32 =	vmin.f32 v33, v35;
	v38 =	vld [tilespmem:s15+$0x50];
	p0 =	slt.u32 s14, $0xFC;
	v4 =	vmax.f32 v4, v18  }
0xa5: {  	v2 =	vmax.f32 v8, v2;
	v1 =	vmin.f32 v1, v19;
	v33 =	vld [tilespmem:s15+$0x70];
	v4 =	vmax.f32 v4, v10  }
0xa6: {  	v19 =	vmin.f32 v1, v18;
	v1 =	vmax.f32 v1, v18;
	v8 =	vld [tilespmem:s15+$0x60];
	v4 =	vmax.f32 v4, v11  }
0xa7: {  	v20 =	vmin.f32 v20, v1;
	v35 =	vmin.f32 v19, v10;
	v1 =	vmin.f32 v28, v32;
	v18 =	vld [tilespmem:s15+$0x40]  }
0xa8: {  	v5 =	vmax.f32 v5, v1;
	v1 =	vmin.f32 v35, v11;
	v11 =	vmax.f32 v35, v11;
	v39 =	vld [tilespmem:s15+$0x30]  }
0xa9: {  	v26 =	vmin.f32 v26, v27;
	v2 =	vmax.f32 v2, v31;
	v27 =	vmax.f32 v28, v32;
	v35 =	vld [tilespmem:s15+$0x0]  }
0xaa: {  	v26 =	vmax.f32 v2, v26;
	v10 =	vmax.f32 v19, v10;
	v2 =	vmax.f32 v25, v21;
	v28 =	vld [tilespmem:s15+$0x20]  }
0xab: {  	v19 =	vld [tilespmem:s15+$0x10];
	v21 =	vmax.f32 v8, v33;
	v25 =	vmin.f32 v8, v33;
	v8 =	vmax.f32 v26, v23  }
0xac: {  	v7 =	vmax.f32 v7, v17;
	v22 =	vmin.f32 v22, v13;
	v10 =	vmin.f32 v20, v10;
	v23 =	vld [tilespmem:s15+$0xFFFFFFB0]  }
0xad: {  	v12 =	vmin.f32 v12, v14;
	v7 =	vmax.f32 v7, v16;
	v20 =	vmin.f32 v10, v11;
	v17 =	vld [tilespmem:s15+$0xFFFFFFF0]  }
0xae: {  	v6 =	vmax.f32 v7, v6;
	v11 =	vmax.f32 v29, v30;
	v33 =	vmin.f32 v29, v30;
	v10 =	vld [tilespmem:s15+$0xFFFFFFD0]  }
0xaf: {  	v9 =	vmin.f32 v12, v9;
	v14 =	vld [tilespmem:s15+$0xFFFFFFC0];
	v16 =	vmax.f32 v28, v39;
	v26 =	vmin.f32 v28, v39  }
0xb0: {  	v7 =	vmax.f32 v6, v13;
	v29 =	vmin.f32 v18, v38;
	v12 =	vld [tilespmem:s15+$0xFFFFFF80];
	v28 =	vmin.f32 v35, v19  }
0xb1: {  	v24 =	vmin.f32 v24, v11;
	v18 =	vmax.f32 v18, v38;
	v13 =	vld [tilespmem:s15+$0xFFFFFFA0];
	v6 =	vmin.f32 v28, v26  }
0xb2: {  	v31 =	vmin.f32 v9, v3;
	v3 =	vmax.f32 v18, v21;
	v19 =	vmax.f32 v35, v19;
	v30 =	vld [tilespmem:s15+$0xFFFFFFE0]  }
0xb3: {  	v21 =	vmin.f32 v18, v21;
	v28 =	vmax.f32 v28, v26;
	v26 =	vmax.f32 v29, v25  }
0xb4: {  	v35 =	vmin.f32 v19, v16;
	v18 =	vmax.f32 v14, v10;
	v32 =	vmin.f32 v14, v10  }
0xb5: {  	v38 =	vmin.f32 v12, v36  }
0xb6: {  	v11 =	vmin.f32 v21, v26;
	v10 =	vmin.f32 v35, v28;
	v9 =	vmax.f32 v12, v36  }
0xb7: {  	v12 =	vmax.f32 v13, v23;
	v23 =	vmin.f32 v13, v23;
	v14 =	vmax.f32 v30, v17  }
0xb8: {  	v36 =	vmax.f32 v9, v12;
	v39 =	vmin.f32 v9, v12;
	v30 =	vmin.f32 v30, v17  }
0xb9: {  	v9 =	vmax.f32 v19, v16;
	v17 =	vmin.f32 v34, v36;
	v40 =	vmax.f32 v32, v30  }
0xba: {  	v13 =	vmin.f32 v29, v25;
	v12 =	vmin.f32 v31, v36;
	v41 =	vmin.f32 v37, v17  }
0xbb: {  	v19 =	vmax.f32 v34, v36;
	v29 =	vmin.f32 v18, v14;
	v25 =	vmax.f32 v37, v17  }
0xbc: {  	v14 =	vmax.f32 v18, v14;
	v16 =	vmin.f32 v32, v30;
	v17 =	vmin.f32 v38, v23  }
0xbd: {  	v18 =	vmin.f32 v29, v40;
	v30 =	vmax.f32 v19, v14;
	v31 =	vmin.f32 v19, v14  }
0xbe: {  	v23 =	vmax.f32 v38, v23;
	v34 =	vmax.f32 v27, v41;
	v36 =	vmax.f32 v25, v31  }
0xbf: {  	v19 =	vmin.f32 v39, v23;
	v37 =	vmin.f32 v22, v17;
	v25 =	vmin.f32 v25, v31  }
0xc0: {  	v21 =	vmax.f32 v21, v26;
	v27 =	vmin.f32 v27, v41;
	v31 =	vmax.f32 v1, v19  }
0xc1: {  	v5 =	vmax.f32 v5, v27;
	v26 =	vmin.f32 v34, v25;
	v20 =	vmin.f32 v20, v31  }
0xc2: {  	v38 =	vmax.f32 v39, v23;
	v39 =	vmin.f32 v30, v9;
	v5 =	vmax.f32 v5, v26  }
0xc3: {  	v32 =	vmax.f32 v29, v40;
	v23 =	vmin.f32 v36, v39;
	v31 =	vmax.f32 v2, v38  }
0xc4: {  	v25 =	vmax.f32 v34, v25;
	v27 =	vmax.f32 v35, v28;
	v26 =	vmax.f32 v31, v32  }
0xc5: {  	v28 =	vmax.f32 v25, v23;
	v29 =	vmin.f32 v25, v23;
	v25 =	vmax.f32 v26, v27  }
0xc6: {  	v34 =	vmin.f32 v37, v16;
	v35 =	vmax.f32 v37, v16;
	v23 =	vmin.f32 v25, v21  }
0xc7: {  	v37 =	vmax.f32 v22, v17;
	v22 =	vmin.f32 v34, v6;
	v40 =	vmax.f32 v34, v6  }
0xc8: {  	v34 =	vmin.f32 v15, v37;
	v15 =	vmax.f32 v15, v37;
	v5 =	vmax.f32 v5, v29  }
0xc9: {  	v29 =	vmin.f32 v33, v15;
	v15 =	vmax.f32 v33, v15;
	v37 =	vmax.f32 v34, v35  }
0xca: {  	v15 =	vmin.f32 v24, v15;
	v24 =	vmin.f32 v34, v35;
	v41 =	vmin.f32 v29, v37  }
0xcb: {  	v33 =	vmax.f32 v36, v39;
	v34 =	vmax.f32 v30, v9;
	v30 =	vmax.f32 v22, v13  }
.Ltmp1:
0xcc: {  	v0 =	vmin.f32 v0, v38;
	v29 =	vmax.f32 v29, v37;
	v35 =	vmin.f32 v34, v3;
	(pc) =	sbr.rel @p0 .LBB2_4-.Ltmp1, $4  }
0xcd: {  	v0 =	vmin.f32 v0, v32;
	v36 =	vmin.f32 v24, v40;
	v24 =	vmax.f32 v24, v40  }
0xce: {  	v2 =	vmin.f32 v2, v38;
	v0 =	vmin.f32 v0, v27;
	v15 =	vmin.f32 v15, v29  }
0xcf: {  	v0 =	vmin.f32 v0, v21;
	v29 =	vmin.f32 v41, v24;
	v24 =	vmax.f32 v41, v24  }
0xd0: {  	s15 =	sadd.s32 $0x100, s15;
	v24 =	vmin.f32 v15, v24;
	v15 =	vmin.f32 v36, v30;
	v30 =	vmax.f32 v36, v30  }
0xd1: {  	v4 =	vmax.f32 v4, v19;
	v34 =	vmax.f32 v34, v3  }
0xd2: {  	v36 =	vmax.f32 v33, v35;
	v31 =	vmin.f32 v31, v32;
	v56 =	vmin.f32 v33, v35  }
0xd3: {  	v2 =	vmax.f32 v8, v2;
	v26 =	vmin.f32 v26, v27;
	(xrf1) =	vsort.ascd.msk.f32 $0xffff, v34, v34  }
0xd4: {  	v59 =	vmax.f32 v25, v21;
	v7 =	vmax.f32 v7, v17;
	v4 =	vmax.f32 v4, v18  }
0xd5: {  	v57 =	vmin.f32 v28, v56;
	v58 =	vmax.f32 v28, v56;
	(xrf1) =	vsort.ascd.msk.f32 $0xffff, v36, v36  }
0xd6: {  	v2 =	vmax.f32 v2, v31;
	v5 =	vmax.f32 v5, v57;
	(xrf1) =	vsort.ascd.msk.f32 $0xffff, v58, v58  }
0xd7: {  	v60 =	vmax.f32 v7, v16;
	v2 =	vmax.f32 v2, v26;
	(xrf1) =	vsort.ascd.msk.f32 $0xffff, v5, v5  }
0xd8: {  	v4 =	vmax.f32 v4, v10;
	v2 =	vmax.f32 v2, v23;
	(xrf1) =	vsort.ascd.msk.f32 $0xffff, v59, v59  }
0xd9: {  	v4 =	vmax.f32 v4, v11;
	v5 =	vmax.f32 v60, v6;
	(xrf1) =	vsort.ascd.msk.f32 $0xffff, v2, v2  }
0xda: {  	v61 =	vmax.f32 v5, v13;
	(xrf1) =	vsort.ascd.msk.f32 $0xffff, v4, v4  }
0xdb: {  	v62 =	vmin.f32 v22, v13;
	(xrf1) =	vsort.ascd.msk.f32 $0xffff, v61, v61  }
0xdc: {  	(xrf1) =	vsort.ascd.msk.f32 $0xffff, v62, v62  }
0xdd: {  	v1 =	vmin.f32 v1, v19  }
0xde: {  	v35 =	vmin.f32 v12, v14;
	v28 =	vmin.f32 v1, v18;
	v1 =	vmax.f32 v1, v18  }
0xdf: {  	v37 =	vmax.f32 v29, v30;
	v1 =	vmin.f32 v20, v1;
	v31 =	vmin.f32 v28, v10  }
0xe0: {  	v32 =	vmax.f32 v28, v10;
	v36 =	vmin.f32 v29, v30;
	v33 =	vmax.f32 v31, v11  }
0xe1: {  	v34 =	vmin.f32 v1, v32;
	v8 =	vmin.f32 v31, v11;
	v11 =	vmin.f32 v35, v9;
	v63, _, _ =	vpop (xrf1)  }
0xe2: {  	v9 =	vmin.f32 v24, v37;
	v39 =	vbroadcast v63, $0xF;
	v41 =	vbroadcast v63, $0xE  }
0xe3: {  	v6 =	vmin.f32 v34, v33;
	v17, _, _ =	vpop (xrf1);
	v48 =	vbroadcast v63, $0xD;
	v16 =	vbroadcast v63, $0xC  }
0xe4: {  	v3 =	vmin.f32 v11, v3;
	v13, _, _ =	vpop (xrf1);
	v60 =	vbroadcast v17, $0xF;
	v34 =	vbroadcast v17, $0xE  }
0xe5: {  	(xrf1) =	vsort.ascd.msk.f32 $0xffff, v15, v15;
	v7, _, _ =	vpop (xrf1);
	v42 =	vmin.f32 v39, $-Inf;
	v44 =	vmin.f32 v39, v41;
	v18 =	vmax.f32 v39, v41  }
0xe6: {  	v5, _, _ =	vpop (xrf1);
	v46 =	vmax.f32 v42, v44;
	v15 =	vmin.f32 v42, v44;
	v50 =	vmin.f32 v18, v48  }
0xe7: {  	v18 =	vmax.f32 v18, v48;
	v4, _, _ =	vpop (xrf1);
	v11 =	vmax.f32 v42, v15;
	v52 =	vmax.f32 v46, v50  }
0xe8: {  	v56 =	vmin.f32 v18, v16;
	v16 =	vmax.f32 v18, v16;
	v42 =	vbroadcast v17, $0xD;
	v2, _, _ =	vpop (xrf1)  }
0xe9: {  	v17 =	vbroadcast v17, $0xC;
	v28 =	vmin.f32 v16, v60;
	v16 =	vmax.f32 v16, v60;
	v1, _, _ =	vpop (xrf1)  }
0xea: {  	v57 =	vmin.f32 v52, v56;
	v22 =	vmax.f32 v52, v56;
	v37 =	vmin.f32 v16, v34;
	v38, _, _ =	vpop (xrf1)  }
0xeb: {  	v16 =	vmax.f32 v16, v34;
	v40 =	vbroadcast v38, $0x0;
	v45 =	vbroadcast v38, $0x1  }
0xec: {  	v29 =	vmin.f32 v22, v28;
	v44 =	vmin.f32 v16, v42;
	v16 =	vmax.f32 v16, v42  }
0xed: {  	v51 =	vbroadcast v38, $0x2;
	v43 =	vmax.f32 v40, $+Inf;
	v47 =	vmax.f32 v40, v45  }
0xee: {  	v14 =	vbroadcast v38, $0x3;
	v19 =	vmin.f32 v40, v45;
	v49 =	vmin.f32 v43, v47  }
0xef: {  	v15 =	vmax.f32 v43, v47;
	v53 =	vmax.f32 v19, v51;
	v19 =	vmin.f32 v19, v51  }
0xf0: {  	v12 =	vmin.f32 v43, v15;
	v15 =	vmin.f32 v46, v50;
	v54 =	vmax.f32 v49, v53  }
0xf1: {  	v21 =	vmin.f32 v49, v53;
	v59 =	vmax.f32 v19, v14;
	v14 =	vmin.f32 v19, v14  }
0xf2: {  	v50 =	vmin.f32 v16, v17;
	v16 =	vmax.f32 v16, v17;
	v20 =	vmax.f32 v11, v15  }
0xf3: {  	v15 =	vmin.f32 v11, v15;
	v55 =	vmax.f32 v12, v54;
	v61 =	vmin.f32 v21, v59  }
0xf4: {  	v62, _, _ =	vpop (xrf1);
	v11 =	vmax.f32 v11, v15;
	v15 =	vmin.f32 v12, v54;
	v12 =	vmin.f32 v12, v55  }
0xf5: {  	v58 =	vmax.f32 v20, v57;
	v30 =	vbroadcast v62, $0x0;
	v38 =	vbroadcast v62, $0x1  }
0xf6: {  	v18 =	vmin.f32 v20, v57;
	v46 =	vbroadcast v62, $0x2;
	v55 =	vbroadcast v13, $0xF  }
0xf7: {  	v11 =	vmax.f32 v11, v18;
	v18 =	vmax.f32 v21, v59;
	v31 =	vmin.f32 v58, v29  }
0xf8: {  	v21 =	vbroadcast v62, $0x3;
	v63 =	vmin.f32 v15, v18;
	v15 =	vmax.f32 v15, v18  }
0xf9: {  	v18 =	vmax.f32 v22, v28;
	v11 =	vmax.f32 v11, v31;
	v32 =	vmax.f32 v14, v30  }
0xfa: {  	v14 =	vmin.f32 v14, v30;
	v31 =	vbroadcast v13, $0xD;
	v12 =	vmin.f32 v12, v15  }
0xfb: {  	v15 =	vmax.f32 v58, v29;
	v33 =	vmax.f32 v61, v32;
	v19 =	vmin.f32 v61, v32  }
0xfc: {  	v39 =	vmax.f32 v18, v37;
	v40 =	vmax.f32 v14, v38;
	v14 =	vmin.f32 v14, v38  }
0xfd: {  	v58 =	vmin.f32 v16, v55;
	v16 =	vmax.f32 v16, v55;
	v35 =	vmin.f32 v63, v33  }
0xfe: {  	v22 =	vmax.f32 v63, v33;
	v41 =	vmax.f32 v19, v40;
	v45 =	vmin.f32 v39, v44  }
0xff: {  	v48 =	vmax.f32 v14, v46;
	v14 =	vmin.f32 v14, v46;
	v63 =	vbroadcast v13, $0xE  }
0x100: {  	(xrf1) =	vsort.ascd.msk.f32 $0xffff, v36, v36;
	v13 =	vbroadcast v13, $0xC;
	v36 =	vmin.f32 v12, v22;
	v12 =	vmin.f32 v18, v37  }
0x101: {  	v43 =	vmax.f32 v35, v41;
	v53 =	vmax.f32 v14, v21;
	v14 =	vmin.f32 v14, v21  }
0x102: {  	v18 =	vmax.f32 v15, v12;
	v12 =	vmin.f32 v15, v12;
	v15 =	vmin.f32 v19, v40  }
0x103: {  	v10 =	vmin.f32 v36, v43;
	v19 =	vmax.f32 v39, v44;
	v25 =	vmin.f32 v16, v63  }
0x104: {  	v26 =	vmax.f32 v16, v63;
	v11 =	vmax.f32 v11, v12;
	v12 =	vmin.f32 v35, v41  }
0x105: {  	v47 =	vmax.f32 v18, v45;
	v18 =	vmin.f32 v18, v45;
	v49 =	vmin.f32 v15, v48  }
0x106: {  	v15 =	vmax.f32 v15, v48;
	v51 =	vmin.f32 v19, v50;
	v33 =	vmin.f32 v26, v31  }
0x107: {  	v45 =	vbroadcast v7, $0xF;
	v11 =	vmax.f32 v11, v18;
	v18 =	vmin.f32 v12, v15  }
0x108: {  	v12 =	vmax.f32 v12, v15;
	v15 =	vmax.f32 v19, v50;
	v52 =	vmin.f32 v47, v51  }
0x109: {  	v54 =	vmax.f32 v49, v53;
	v17 =	vmin.f32 v49, v53;
	v10 =	vmin.f32 v10, v12  }
0x10a: {  	v12 =	vmax.f32 v47, v51;
	v11 =	vmax.f32 v11, v52;
	v57 =	vmin.f32 v18, v54  }
0x10b: {  	v18 =	vmax.f32 v18, v54;
	v60 =	vmax.f32 v15, v58;
	v15 =	vmin.f32 v15, v58  }
0x10c: {  	v10 =	vmin.f32 v10, v18;
	v18 =	vmax.f32 v12, v15;
	v12 =	vmin.f32 v12, v15  }
0x10d: {  	v53 =	vbroadcast v7, $0xE;
	v27 =	vmin.f32 v60, v25;
	v11 =	vmax.f32 v11, v12  }
0x10e: {  	v29 =	vmax.f32 v18, v27;
	v16 =	vmin.f32 v18, v27;
	v18 =	vbroadcast v2, $0xD;
	v56, _, _ =	vpop (xrf1)  }
0x10f: {  	(xrf1) =	vsort.ascd.msk.f32 $0xffff, v9, v9;
	v9 =	vmax.f32 v26, v31;
	v31 =	vbroadcast v5, $0xF;
	v59 =	vbroadcast v56, $0x0  }
0x110: {  	v11 =	vmax.f32 v11, v16;
	v28 =	vbroadcast v56, $0x1;
	v35 =	vbroadcast v56, $0x2  }
0x111: {  	v40 =	vmin.f32 v9, v13;
	v41 =	vbroadcast v56, $0x3;
	v9 =	vmax.f32 v9, v13  }
0x112: {  	v48 =	vmin.f32 v9, v45;
	v9 =	vmax.f32 v9, v45;
	v61 =	vmax.f32 v14, v59  }
0x113: {  	v14 =	vmin.f32 v14, v59;
	v55 =	vmin.f32 v9, v53;
	v9 =	vmax.f32 v9, v53  }
0x114: {  	v62 =	vmax.f32 v17, v61;
	v15 =	vmin.f32 v17, v61;
	v17 =	vmax.f32 v60, v25  }
0x115: {  	v30 =	vmax.f32 v14, v28;
	v14 =	vmin.f32 v14, v28;
	v24 =	vmax.f32 v57, v62  }
0x116: {  	v12 =	vmin.f32 v57, v62;
	v32 =	vmin.f32 v15, v30;
	v15 =	vmax.f32 v15, v30  }
0x117: {  	v34 =	vmin.f32 v17, v33;
	v37 =	vmax.f32 v14, v35;
	v14 =	vmin.f32 v14, v35  }
0x118: {  	v62 =	vbroadcast v7, $0xD;
	v7 =	vbroadcast v7, $0xC;
	v10 =	vmin.f32 v10, v24  }
0x119: {  	v16 =	vmin.f32 v12, v15;
	v12 =	vmax.f32 v12, v15;
	v15 =	vmax.f32 v17, v33  }
0x11a: {  	v36 =	vmin.f32 v29, v34;
	v38 =	vmax.f32 v32, v37;
	v17 =	vmin.f32 v32, v37  }
0x11b: {  	v43 =	vmax.f32 v14, v41;
	v14 =	vmin.f32 v14, v41;
	v41 =	vbroadcast v5, $0xE  }
0x11c: {  	v10 =	vmin.f32 v10, v12;
	v12 =	vmax.f32 v29, v34;
	v11 =	vmax.f32 v11, v36  }
0x11d: {  	v39 =	vmin.f32 v16, v38;
	v16 =	vmax.f32 v16, v38;
	v42 =	vmax.f32 v15, v40  }
0x11e: {  	v15 =	vmin.f32 v15, v40;
	v44 =	vmax.f32 v17, v43;
	v20 =	vmin.f32 v9, v62  }
0x11f: {  	v9 =	vmax.f32 v9, v62;
	v10 =	vmin.f32 v10, v16;
	v16 =	vmax.f32 v12, v15  }
0x120: {  	v12 =	vmin.f32 v12, v15;
	v15 =	vmin.f32 v17, v43;
	v46 =	vmax.f32 v39, v44  }
0x121: {  	v49 =	vmin.f32 v42, v48;
	v13 =	vmax.f32 v42, v48;
	v26 =	vmin.f32 v9, v7  }
0x122: {  	v7 =	vmax.f32 v9, v7;
	v11 =	vmax.f32 v11, v12;
	v12 =	vmin.f32 v39, v44  }
0x123: {  	v10 =	vmin.f32 v10, v46;
	v51 =	vmax.f32 v16, v49;
	v16 =	vmin.f32 v16, v49  }
0x124: {  	v57 =	vmin.f32 v13, v55;
	v13 =	vmax.f32 v13, v55;
	v35 =	vmin.f32 v7, v31  }
0x125: {  	v7 =	vmax.f32 v7, v31;
	v49 =	vbroadcast v5, $0xD;
	v5 =	vbroadcast v5, $0xC  }
0x126: {  	v11 =	vmax.f32 v11, v16;
	v59 =	vmin.f32 v51, v57;
	v22 =	vmax.f32 v13, v20;
	v47, _, _ =	vpop (xrf1)  }
0x127: {  	v13 =	vmin.f32 v13, v20;
	v44 =	vmin.f32 v7, v41;
	v50 =	vbroadcast v47, $0x0  }
0x128: {  	v7 =	vmax.f32 v7, v41;
	v11 =	vmax.f32 v11, v59;
	v27 =	vmin.f32 v22, v26  }
0x129: {  	v58 =	vbroadcast v47, $0x1;
	v21 =	vbroadcast v47, $0x2;
	v52 =	vmax.f32 v14, v50  }
0x12a: {  	v14 =	vmin.f32 v14, v50;
	v54 =	vmin.f32 v15, v52;
	v15 =	vmax.f32 v15, v52  }
0x12b: {  	(xrf1) =	vsort.ascd.msk.f32 $0xffff, v8, v8;
	v28 =	vbroadcast v47, $0x3;
	v60 =	vmax.f32 v14, v58;
	v16 =	vmin.f32 v12, v15  }
0x12c: {  	v12 =	vmax.f32 v12, v15;
	v61 =	vmax.f32 v54, v60;
	v15 =	vmin.f32 v54, v60  }
0x12d: {  	v56 =	vmin.f32 v10, v12;
	v10 =	vmax.f32 v51, v57;
	v12 =	vmin.f32 v14, v58  }
0x12e: {  	v63 =	vmin.f32 v16, v61;
	v14 =	vmax.f32 v16, v61;
	v51 =	vmin.f32 v7, v49  }
0x12f: {  	v7 =	vmax.f32 v7, v49;
	v8 =	vmin.f32 v56, v14;
	v14 =	vmax.f32 v10, v13  }
0x130: {  	v10 =	vmin.f32 v10, v13;
	v23 =	vmax.f32 v12, v21;
	v12 =	vmin.f32 v12, v21  }
0x131: {  	v57 =	vmin.f32 v7, v5;
	v5 =	vmax.f32 v7, v5;
	v10 =	vmax.f32 v11, v10  }
0x132: {  	v24 =	vmax.f32 v15, v23;
	v13 =	vmin.f32 v15, v23;
	v15 =	vmax.f32 v22, v26  }
0x133: {  	v29 =	vmax.f32 v14, v27;
	v9 =	vmin.f32 v14, v27;
	v30 =	vmax.f32 v12, v28  }
0x134: {  	v12 =	vmin.f32 v12, v28;
	v27 =	vbroadcast v4, $0xE;
	v25 =	vmax.f32 v63, v24  }
0x135: {  	v11 =	vmin.f32 v63, v24;
	v9 =	vmax.f32 v10, v9;
	v32 =	vmin.f32 v13, v30  }
0x136: {  	v10 =	vmax.f32 v13, v30;
	v36 =	vmin.f32 v15, v35;
	v63 =	vbroadcast v4, $0xF  }
0x137: {  	v8 =	vmin.f32 v8, v25;
	v34 =	vmin.f32 v11, v10;
	v10 =	vmax.f32 v11, v10  }
0x138: {  	v11 =	vmax.f32 v15, v35;
	v38 =	vmin.f32 v29, v36;
	v35 =	vbroadcast v4, $0xD  }
0x139: {  	v4 =	vbroadcast v4, $0xC;
	v8 =	vmin.f32 v8, v10;
	v10 =	vmax.f32 v29, v36  }
0x13a: {  	v9 =	vmax.f32 v9, v38;
	v46 =	vmax.f32 v11, v44;
	v22 =	vmin.f32 v5, v63;
	v33, _, _ =	vpop (xrf1)  }
0x13b: {  	v5 =	vmax.f32 v5, v63;
	v52 =	vmin.f32 v46, v51;
	v37 =	vbroadcast v33, $0x0  }
0x13c: {  	v29 =	vmin.f32 v5, v27;
	v30 =	vmax.f32 v5, v27;
	v45 =	vbroadcast v33, $0x1  }
0x13d: {  	(xrf1) =	vsort.ascd.msk.f32 $0xffff, v6, v6;
	v53 =	vbroadcast v33, $0x2;
	v13 =	vbroadcast v33, $0x3;
	v39 =	vmax.f32 v12, v37  }
0x13e: {  	v12 =	vmin.f32 v12, v37;
	v37 =	vmin.f32 v30, v35;
	v40 =	vmax.f32 v32, v39  }
0x13f: {  	v14 =	vmin.f32 v32, v39;
	v47 =	vmax.f32 v12, v45;
	v12 =	vmin.f32 v12, v45  }
0x140: {  	v42 =	vmin.f32 v34, v40;
	v15 =	vmax.f32 v34, v40;
	v48 =	vmax.f32 v14, v47  }
0x141: {  	v55 =	vmax.f32 v12, v53;
	v12 =	vmin.f32 v12, v53;
	v43 =	vmin.f32 v8, v15  }
0x142: {  	v8 =	vmin.f32 v11, v44;
	v50 =	vmax.f32 v42, v48;
	v61 =	vmax.f32 v12, v13  }
0x143: {  	v12 =	vmin.f32 v12, v13;
	v11 =	vmax.f32 v10, v8;
	v8 =	vmin.f32 v10, v8  }
0x144: {  	v10 =	vmin.f32 v14, v47;
	v6 =	vmin.f32 v43, v50;
	v14 =	vmax.f32 v46, v51  }
0x145: {  	v50 =	vbroadcast v2, $0xF;
	v8 =	vmax.f32 v9, v8;
	v9 =	vmin.f32 v42, v48  }
0x146: {  	v54 =	vmax.f32 v11, v52;
	v11 =	vmin.f32 v11, v52;
	v56 =	vmin.f32 v10, v55  }
0x147: {  	v10 =	vmax.f32 v10, v55;
	v58 =	vmin.f32 v14, v57;
	v59 =	vmax.f32 v14, v57  }
0x148: {  	v8 =	vmax.f32 v8, v11;
	v11 =	vmin.f32 v9, v10;
	v9 =	vmax.f32 v9, v10  }
0x149: {  	v60 =	vmin.f32 v54, v58;
	v62 =	vmax.f32 v56, v61;
	v10 =	vmin.f32 v56, v61  }
0x14a: {  	v24 =	vmax.f32 v59, v22;
	v7 =	vmin.f32 v59, v22;
	v6 =	vmin.f32 v6, v9  }
0x14b: {  	v9 =	vmax.f32 v54, v58;
	v8 =	vmax.f32 v8, v60;
	v21 =	vmin.f32 v11, v62  }
0x14c: {  	v11 =	vmax.f32 v11, v62;
	v31 =	vmin.f32 v24, v29;
	v58 =	vbroadcast v2, $0xE  }
0x14d: {  	v6 =	vmin.f32 v6, v11;
	v11 =	vmax.f32 v9, v7;
	v7 =	vmin.f32 v9, v7  }
0x14e: {  	v2 =	vbroadcast v2, $0xC;
	v7 =	vmax.f32 v8, v7;
	v5 =	vmin.f32 v11, v31  }
0x14f: {  	v33 =	vmax.f32 v11, v31;
	v31 =	vbroadcast v1, $0xF;
	v5 =	vmax.f32 v7, v5;
	v20, _, _ =	vpop (xrf1)  }
0x150: {  	(xrf1) =	vsort.ascd.msk.f32 $0xffff, v0, v0;
	v0 =	vmax.f32 v30, v35;
	v23 =	vbroadcast v20, $0x0;
	v32 =	vbroadcast v20, $0x1  }
0x151: {  	v39 =	vbroadcast v20, $0x2;
	v45 =	vmin.f32 v0, v4;
	v0 =	vmax.f32 v0, v4  }
0x152: {  	v46 =	vbroadcast v20, $0x3;
	v53 =	vmin.f32 v0, v50;
	v0 =	vmax.f32 v0, v50  }
0x153: {  	v25 =	vmax.f32 v12, v23;
	v12 =	vmin.f32 v12, v23;
	v60 =	vmin.f32 v0, v58  }
0x154: {  	v0 =	vmax.f32 v0, v58;
	v26 =	vmax.f32 v10, v25;
	v9 =	vmin.f32 v10, v25  }
0x155: {  	v10 =	vmax.f32 v24, v29;
	v34 =	vmax.f32 v12, v32;
	v12 =	vmin.f32 v12, v32  }
0x156: {  	v20 =	vmin.f32 v0, v18;
	v0 =	vmax.f32 v0, v18;
	v28 =	vmax.f32 v21, v26  }
0x157: {  	v8 =	vmin.f32 v21, v26;
	v36 =	vmin.f32 v9, v34;
	v7 =	vmax.f32 v9, v34  }
0x158: {  	v38 =	vmin.f32 v10, v37;
	v41 =	vmax.f32 v12, v39;
	v42 =	vmin.f32 v12, v39  }
0x159: {  	v26 =	vmin.f32 v0, v2;
	v0 =	vmax.f32 v0, v2;
	v6 =	vmin.f32 v6, v28  }
0x15a: {  	v9 =	vmin.f32 v8, v7;
	v7 =	vmax.f32 v8, v7;
	v8 =	vmax.f32 v10, v37  }
0x15b: {  	v40 =	vmin.f32 v33, v38;
	v43 =	vmax.f32 v36, v41;
	v10 =	vmin.f32 v36, v41  }
0x15c: {  	v48 =	vmax.f32 v42, v46;
	v11 =	vmin.f32 v42, v46;
	v35 =	vmin.f32 v0, v31  }
0x15d: {  	v0 =	vmax.f32 v0, v31;
	v41 =	vbroadcast v1, $0xE;
	v6 =	vmin.f32 v6, v7  }
0x15e: {  	v7 =	vmax.f32 v33, v38;
	v5 =	vmax.f32 v5, v40;
	v44 =	vmin.f32 v9, v43  }
0x15f: {  	v9 =	vmax.f32 v9, v43;
	v47 =	vmax.f32 v8, v45;
	v8 =	vmin.f32 v8, v45  }
0x160: {  	v49 =	vmax.f32 v10, v48;
	v6 =	vmin.f32 v6, v9;
	v9 =	vmax.f32 v7, v8  }
0x161: {  	v7 =	vmin.f32 v7, v8;
	v8 =	vmin.f32 v10, v48;
	v51 =	vmax.f32 v44, v49  }
0x162: {  	v54 =	vmin.f32 v47, v53;
	v4 =	vmax.f32 v47, v53;
	v43 =	vmin.f32 v0, v41  }
0x163: {  	v0 =	vmax.f32 v0, v41;
	v48 =	vbroadcast v1, $0xD;
	v1 =	vbroadcast v1, $0xC  }
0x164: {  	v5 =	vmax.f32 v5, v7;
	v7 =	vmin.f32 v44, v49;
	v6 =	vmin.f32 v6, v51  }
0x165: {  	v56 =	vmax.f32 v9, v54;
	v9 =	vmin.f32 v9, v54;
	v62 =	vmin.f32 v4, v60  }
0x166: {  	v4 =	vmax.f32 v4, v60;
	v5 =	vmax.f32 v5, v9;
	v15 =	vmin.f32 v56, v62  }
0x167: {  	v22 =	vmax.f32 v4, v20;
	v4 =	vmin.f32 v4, v20;
	v50 =	vmin.f32 v0, v48;
	v52, _, _ =	vpop (xrf1)  }
0x168: {  	v0 =	vmax.f32 v0, v48;
	v5 =	vmax.f32 v5, v15;
	v55 =	vbroadcast v52, $0x0  }
0x169: {  	v27 =	vmin.f32 v22, v26;
	v63 =	vbroadcast v52, $0x1;
	v21 =	vbroadcast v52, $0x2  }
0x16a: {  	(xrf1) =	vsort.ascd.msk.f32 $0xffff, v3, v3;
	v28 =	vbroadcast v52, $0x3;
	v57 =	vmax.f32 v11, v55;
	v11 =	vmin.f32 v11, v55  }
0x16b: {  	v59 =	vmin.f32 v8, v57;
	v8 =	vmax.f32 v8, v57;
	v16 =	vmax.f32 v11, v63  }
0x16c: {  	v9 =	vmin.f32 v7, v8;
	v7 =	vmax.f32 v7, v8;
	v17 =	vmax.f32 v59, v16  }
0x16d: {  	v8 =	vmin.f32 v59, v16;
	v61 =	vmin.f32 v6, v7;
	v6 =	vmax.f32 v56, v62  }
0x16e: {  	v7 =	vmin.f32 v11, v63;
	v19 =	vmin.f32 v9, v17;
	v9 =	vmax.f32 v9, v17  }
0x16f: {  	v56 =	vmin.f32 v0, v1;
	v0 =	vmax.f32 v0, v1;
	v3 =	vmin.f32 v61, v9  }
0x170: {  	v9 =	vmax.f32 v6, v4;
	v4 =	vmin.f32 v6, v4;
	v23 =	vmax.f32 v7, v21  }
0x171: {  	v7 =	vmin.f32 v7, v21;
	v0 =	vnsel vm7, $0x0, v0;
	v4 =	vmax.f32 v5, v4  }
0x172: {  	v24 =	vmax.f32 v8, v23;
	v6 =	vmin.f32 v8, v23;
	v8 =	vmax.f32 v22, v26  }
0x173: {  	v29 =	vmax.f32 v9, v27;
	v2 =	vmin.f32 v9, v27;
	v30 =	vmax.f32 v7, v28  }
0x174: {  	v7 =	vmin.f32 v7, v28;
	v25 =	vmax.f32 v19, v24;
	v5 =	vmin.f32 v19, v24  }
0x175: {  	v2 =	vmax.f32 v4, v2;
	v32 =	vmin.f32 v6, v30;
	v4 =	vmax.f32 v6, v30  }
0x176: {  	v36 =	vmin.f32 v8, v35;
	v3 =	vmin.f32 v3, v25;
	v34 =	vmin.f32 v5, v4  }
0x177: {  	v4 =	vmax.f32 v5, v4;
	v5 =	vmax.f32 v8, v35;
	v38 =	vmin.f32 v29, v36  }
0x178: {  	v3 =	vmin.f32 v3, v4;
	v4 =	vmax.f32 v29, v36;
	v2 =	vmax.f32 v2, v38;
	v33, _, _ =	vpop (xrf1)  }
0x179: {  	v45 =	vmax.f32 v5, v43;
	v5 =	vmin.f32 v5, v43;
	v37 =	vbroadcast v33, $0x0  }
0x17a: {  	v51 =	vmin.f32 v45, v50;
	v44 =	vbroadcast v33, $0x1;
	v52 =	vbroadcast v33, $0x2  }
0x17b: {  	v6 =	vbroadcast v33, $0x3;
	v39 =	vmax.f32 v7, v37;
	v7 =	vmin.f32 v7, v37  }
0x17c: {  	v40 =	vmax.f32 v32, v39;
	v8 =	vmin.f32 v32, v39;
	v46 =	vmax.f32 v7, v44  }
0x17d: {  	v7 =	vmin.f32 v7, v44;
	v42 =	vmin.f32 v34, v40;
	v9 =	vmax.f32 v34, v40  }
0x17e: {  	v47 =	vmax.f32 v8, v46;
	v54 =	vmax.f32 v7, v52;
	v7 =	vmin.f32 v7, v52  }
0x17f: {  	v3 =	vmin.f32 v3, v9;
	v9 =	vmax.f32 v4, v5;
	v4 =	vmin.f32 v4, v5  }
0x180: {  	v5 =	vmin.f32 v8, v46;
	v49 =	vmax.f32 v42, v47;
	v8 =	vmax.f32 v45, v50  }
0x181: {  	v59 =	vmin.f32 v7, v6;
	v2 =	vmax.f32 v2, v4;
	v4 =	vmin.f32 v42, v47  }
0x182: {  	v53 =	vmax.f32 v9, v51;
	v9 =	vmin.f32 v9, v51;
	v55 =	vmin.f32 v5, v54  }
0x183: {  	v5 =	vmax.f32 v5, v54;
	v57 =	vmin.f32 v8, v56;
	v2 =	vmax.f32 v2, v9  }
0x184: {  	v9 =	vmin.f32 v4, v5;
	v4 =	vmax.f32 v4, v5;
	v5 =	vmax.f32 v8, v56  }
0x185: {  	v58 =	vmax.f32 v53, v57;
	v1 =	vmin.f32 v53, v57;
	v0 =	vsel vm0, v0, v5  }
0x186: {  	v60 =	vmax.f32 v7, v6;
	v1 =	vmax.f32 v2, v1;
	v0 =	vsel vm1, v0, v58  }
0x187: {  	v3 =	vmin.f32 v3, v49;
	v61 =	vmin.f32 v55, v60;
	v0 =	vsel vm2, v0, v1  }
0x188: {  	v3 =	vmin.f32 v3, v4;
	v4 =	vmax.f32 v55, v60;
	v0 =	vsel vm3, v0, v59  }
0x189: {  	v62 =	vmin.f32 v9, v4;
	v4 =	vmax.f32 v9, v4;
	v0 =	vsel vm4, v0, v61  }
0x18a: {  	s13 =	sadd.s32 $0x1, s13;
	v63 =	vmin.f32 v3, v4;
	v0 =	vsel vm5, v0, v62  }
0x18b: {  	p0 =	sne.s32 s13, s6;
	v0 =	vsel vm6, v0, v63  }
.Ltmp2:
0x18c: {  	[tilespmem:$0x8000] =	vst v0;
	(pc) =	sbr.rel @p0 .LBB2_1-.Ltmp2, $4  }
0x18d: {  	[hbm4b:s5+s2] =	stream.linear.scatter [tilespmem:s11], [sflag:$0x3], $0x80, $0x38;
	[tilespmem:$0x8080] =	vst v63  }
0x18e: {  	_ =	swait.ge [sflag:s12], $0x80  }
0x18f: {  	[sflag:s12] =	ssyncset.done $0x0  }
0x190: {  	[sflag:s12] =	ssyncadd.s32 $0xFFFFFF80  }
0x191: {  	_ =	sfence.sel $0x180000  }
0x192: {  	[bflag:$0x0] =	sbarrier.arrive $0xFFFF  }
0x193: {  	p0 =	sne.s32 s1, $0x0;
	_ =	strace $0x90000047  }
0x194: {  	s0 =	sadd.s32 @!p0 $0x100000, s0;
	[bflag:$0x2] =	sbarrier.arrive $0xFFFF  }
0x195: {  	[sflag:s0] =	ssyncadd.tile.s32 @!p0 $0x1;
	_ =	shalt  }
.Lfunc_end2:
_tile_overlayer_lowered:
.L_overlay_start_2:
0x196: {  	(tag) =	ssettag $0x2  }
0x197: {  	s0 =	rddreg [dreg:$0x0];
	s2 =	stileid.u32  }
0x198: {  	s1 =	rddreg [dreg:$0x1];
	p0 =	sne.s32 s2, $0x0  }
0x199: {  	s3 =	rddreg [dreg:$0x2];
	[bflag:$0x3] =	sbarrier.arrive $0xFFFF;
	s2 =	simm.s32 @!p0 $0x1C03  }
0x19a: {  	[timem:s3], [sflag:s2] =	dma.local @!p0 [hbm:s0], s1  }
0x19b: {  	s0 =	simm.s32 @!p0 $0x3  }
0x19c: {  	_ =	swait.ge @!p0 [sflag:s0], s1  }
0x19d: {  	s1 =	ssub.s32 @!p0 $0x0, s1;
	[sflag:s0] =	ssyncset.done @!p0 $0x0  }
0x19e: {  	[sflag:s0] =	ssyncadd.s32 @!p0 s1  }
0x19f: {  	[bflag:$0x3] =	sbarrier.arrive $0xFFFF  }
0x1a0: {  	_ =	shalt  }

</sc_bundles>
